<compile_context>
chip_gen: v7x
topology: tpu7x:2x2x1
jax: 0.10.2.dev20260603
libtpu: 0.0.44.dev20260713+nightly
codegen_flags: <defaults>
</compile_context>

<pallas_src>
import random

import jax
import jax.numpy as jnp
import numpy as np
from jax import lax
from jax.experimental import pallas as pl
from jax.experimental.pallas import tpu as pltpu
from jax.experimental.pallas import tpu_sc as plsc

W = 690
SMAX = W + 2
T_LEN = SMAX + 2
ROWS = 16 * 1024
ROW_BLOCK = 512
PER = float(ROWS)
F32 = jnp.float32


def _build_perm_table() -> np.ndarray:
    rows = []
    for m in range(SMAX):
        order = list(range(m))
        rng = random.Random(42)
        rng.shuffle(order)
        rows.append(order + list(range(m, SMAX)))
    return np.array(rows, dtype=np.float32)


_PERM_TABLE = _build_perm_table()


def _colsum_kernel(x_ref, out_ref):
    out_ref[...] = jnp.sum(x_ref[...], axis=(0, 1), keepdims=False)[None, None, :]


def _iota(shape, dim):
    return jax.lax.broadcasted_iota(jnp.int32, shape, dim).astype(F32)


def _perm_kernel(colsum_ref, ptab_ref, p_ref):
    f = F32
    colsum = jnp.sum(colsum_ref[...], axis=(0, 1), keepdims=False)[None, :]
    ar = _iota((1, W), 1)

    p = jnp.sum(colsum) / (PER * W)
    iota_c = _iota((W, W), 0)
    iota_i = _iota((W, W), 1)
    band = ((iota_c >= iota_i) & (iota_c <= iota_i + 3)).astype(f)
    win = jnp.dot(colsum, band, preferred_element_type=f,
                  precision=jax.lax.Precision.HIGHEST)
    w = jnp.minimum(4.0, jnp.float32(W) - ar)
    mean_value = win / (PER * w)
    maskf = (mean_value >= p).astype(f)

    zero1 = jnp.zeros((1, 1), f)
    prev = jnp.concatenate([zero1, maskf[:, :-1]], axis=1)
    nxt = jnp.concatenate([maskf[:, 1:], zero1], axis=1)
    run_start = maskf * (1.0 - prev)
    run_end = maskf * (1.0 - nxt)
    G = jnp.sum(run_start)

    ltw = (iota_c <= iota_i).astype(f)
    cs_start = jnp.dot(run_start, ltw, preferred_element_type=f,
                  precision=jax.lax.Precision.HIGHEST)
    cs_end = jnp.dot(run_end, ltw, preferred_element_type=f,
                  precision=jax.lax.Precision.HIGHEST)
    iota_wk_w = _iota((W, SMAX), 0)
    iota_wk_k = _iota((W, SMAX), 1)
    o_s = (run_start.reshape(W, 1) * (cs_start.reshape(W, 1) - 1.0 == iota_wk_k))
    o_e = (run_end.reshape(W, 1) * (cs_end.reshape(W, 1) - 1.0 == iota_wk_k))
    del iota_wk_w
    k_ar = _iota((1, SMAX), 1)
    tail = jnp.float32(W) * (k_ar >= G).astype(f)
    firsts = jnp.dot(ar, o_s, preferred_element_type=f,
                  precision=jax.lax.Precision.HIGHEST) + tail
    lasts = jnp.dot(ar, o_e, preferred_element_type=f,
                  precision=jax.lax.Precision.HIGHEST) + tail

    iota_kt_k = _iota((SMAX, T_LEN), 0)
    iota_kt_t = _iota((SMAX, T_LEN), 1)
    ef = (iota_kt_t == 2.0 * iota_kt_k).astype(f)
    el = (iota_kt_t == 2.0 * iota_kt_k + 1.0).astype(f)
    part = (jnp.dot(firsts, ef, preferred_element_type=f,
                  precision=jax.lax.Precision.HIGHEST)
            + jnp.dot(lasts, el, preferred_element_type=f,
                  precision=jax.lax.Precision.HIGHEST))
    t_ar = _iota((1, T_LEN), 1)
    full = jnp.where(t_ar < 2.0 * G, part, jnp.float32(W))
    cond0 = (firsts[:, :1] == 0.0)
    full_sh = jnp.concatenate([zero1, full[:, :-1]], axis=1)
    bp = jnp.where(cond0, full, full_sh)
    n = 2.0 * G + 1.0 - jnp.sum(cond0.astype(f))
    starts = bp[:, :SMAX]
    ends_b = bp[:, 1:SMAX + 1]

    onehot_n = (k_ar == n).astype(f)
    perm = jnp.dot(onehot_n, ptab_ref[...], preferred_element_type=f,
                  precision=jax.lax.Precision.HIGHEST)
    iota_kk_a = _iota((SMAX, SMAX), 0)
    iota_kk_b = _iota((SMAX, SMAX), 1)
    p1 = (iota_kk_a == perm.reshape(1, SMAX)).astype(f)
    s_sh = jnp.dot(starts, p1, preferred_element_type=f,
                  precision=jax.lax.Precision.HIGHEST)
    e_sh = jnp.dot(ends_b, p1, preferred_element_type=f,
                  precision=jax.lax.Precision.HIGHEST)

    seg_l = jnp.where(k_ar < n, e_sh - s_sh, 0.0)
    lts = (iota_kk_a <= iota_kk_b).astype(f)
    ends_c = jnp.dot(seg_l, lts, preferred_element_type=f,
                  precision=jax.lax.Precision.HIGHEST)
    iota_kw_k = _iota((SMAX, W), 0)
    iota_kw_p = _iota((SMAX, W), 1)
    sid = jnp.sum((ends_c.reshape(SMAX, 1) <= iota_kw_p).astype(f),
                  axis=0, keepdims=True)
    bk = s_sh - ends_c + seg_l
    o2 = (sid.reshape(1, W) == iota_kw_k).astype(f)
    col = jnp.dot(bk, o2, preferred_element_type=f,
                  precision=jax.lax.Precision.HIGHEST) + ar

    col_pov = jnp.concatenate([col[:, :688], col[:, 674:W]], axis=1)
    p_ref[...] = col_pov.astype(jnp.int32)


SC_CH = 32
SC_HALF = 512
SC_NCH = SC_HALF // SC_CH
NVEC = 44


def _sc_gather_body(img_hbm, idx_hbm, out_hbm,
                    idx_v, in_v0, in_v1, out_v0, out_v1,
                    sem_i0, sem_i1, sem_o0, sem_o1):
    c = lax.axis_index("c")
    s = lax.axis_index("s")
    b = s
    h_base = c * SC_HALF
    pltpu.sync_copy(idx_hbm, idx_v)

    in_bufs = (in_v0, in_v1)
    out_bufs = (out_v0, out_v1)
    sem_is = (sem_i0, sem_i1)
    sem_os = (sem_o0, sem_o1)

    def in_copy(t, buf):
        h0 = h_base + t * SC_CH
        return pltpu.make_async_copy(
            img_hbm.at[b, pl.ds(h0, SC_CH), :], in_bufs[buf], sem_is[buf])

    def out_copy(t, buf):
        h0 = h_base + t * SC_CH
        return pltpu.make_async_copy(
            out_bufs[buf], out_hbm.at[b, pl.ds(h0, SC_CH), :], sem_os[buf])

    in_copy(0, 0).start()
    in_copy(1, 1).start()

    lane = lax.iota(jnp.int32, 16)
    zeros16 = jnp.zeros((16,), jnp.int32)
    off_tail = 674 + lane
    idx_vecs = [idx_v[pl.ds(16 * k, 16)] for k in range(NVEC)]

    def chunk_body(j, carry):
        for buf in (0, 1):
            t = 2 * j + buf
            in_copy(t, buf).wait()

            @pl.when(j > 0)
            def _():
                out_copy(t - 2, buf).wait()

            iv = in_bufs[buf]
            ov = out_bufs[buf]

            @plsc.parallel_loop(0, SC_CH)
            def _rows(r):
                rvec = zeros16 + r
                for k in range(NVEC - 1):
                    g = plsc.load_gather(iv, (rvec, idx_vecs[k]))
                    ov[r, pl.ds(16 * k, 16)] = g
                g = plsc.load_gather(iv, (rvec, idx_vecs[NVEC - 1]))
                plsc.store_scatter(ov, (rvec, off_tail), g)

            out_copy(t, buf).start()

            @pl.when(t + 2 < SC_NCH)
            def _():
                in_copy(t + 2, buf).start()
        return carry

    lax.fori_loop(0, SC_NCH // 2, chunk_body, jnp.int32(0))
    out_copy(SC_NCH - 2, 0).wait()
    out_copy(SC_NCH - 1, 1).wait()


@jax.jit
def kernel(img):
    nb, nh = img.shape[0], img.shape[1] // ROW_BLOCK

    ng = 8
    partial = pl.pallas_call(
        _colsum_kernel,
        grid=(ng,),
        in_specs=[pl.BlockSpec((img.shape[0] // ng, img.shape[1], W),
                               lambda i: (i, 0, 0))],
        out_specs=pl.BlockSpec((1, 1, W), lambda i: (i, 0, 0)),
        out_shape=jax.ShapeDtypeStruct((ng, 1, W), F32),
    )(img)

    ptab = jnp.asarray(_PERM_TABLE)
    p_mat = pl.pallas_call(
        _perm_kernel,
        out_shape=jax.ShapeDtypeStruct((1, NVEC * 16), jnp.int32),
    )(partial, ptab)

    col_pov = p_mat.reshape(NVEC * 16)

    sc_gather = pl.kernel(
        _sc_gather_body,
        out_type=jax.ShapeDtypeStruct(img.shape, F32),
        mesh=plsc.VectorSubcoreMesh(core_axis_name="c", subcore_axis_name="s"),
        compiler_params=pltpu.CompilerParams(needs_layout_passes=False),
        scratch_types=[
            pltpu.VMEM((NVEC * 16,), jnp.int32),
            pltpu.VMEM((SC_CH, W), F32),
            pltpu.VMEM((SC_CH, W), F32),
            pltpu.VMEM((SC_CH, W), F32),
            pltpu.VMEM((SC_CH, W), F32),
            pltpu.SemaphoreType.DMA,
            pltpu.SemaphoreType.DMA,
            pltpu.SemaphoreType.DMA,
            pltpu.SemaphoreType.DMA,
        ],
    )
    return sc_gather(img, col_pov)

# --- scband reference (transcript-rebuilt; emitter-appended) ---
"""Pipeline reference for scband-resort-16209206575145 (READ-ONLY COPY).

The authoritative reference and input builder live on the scoring server;
editing this copy changes nothing except your own understanding.
"""

import jax, jax.numpy as jnp
import numpy as np
import random


def _compute_segments(imgn):
    # Faithful port of Resort.get_regions / sort_index / forward segment construction.
    p = imgn.mean()
    W = imgn.shape[2]
    per = imgn.shape[0] * imgn.shape[1]
    colsum = imgn.sum(axis=(0, 1))  # [W]
    have = []
    for i in range(W):
        w = min(4, W - i)  # torch slicing clamps i:i+4 at the end
        mean_value = colsum[i:i + 4].sum() / (per * w)
        if mean_value >= p:
            have.append(i)
    # sort_index: group consecutive indices
    groups = []
    cur = []
    temp = None
    for n in have:
        if not cur:
            cur = [n]
        elif n - temp == 1:
            cur.append(n)
        else:
            groups.append(cur)
            cur = [n]
        temp = n
    groups.append(cur)
    # forward: build (start, end) segment list
    segs = []
    start = None
    for idx, region in enumerate(groups):
        if idx == 0:
            if region[0] == 0:
                start = region[-1]
                segs.append((0, region[-1]))
                continue
            segs.append((0, region[0]))
            start = region[-1]
            segs.append((region[0], region[-1]))
        else:
            segs.append((start, region[0]))
            start = region[-1]
            segs.append((region[0], region[-1]))
    if start != 690 and start is not None:
        segs.append((start, 690))
    # original uses unseeded random.shuffle; seed for determinism
    rng = random.Random(42)
    rng.shuffle(segs)
    return segs


def setup_inputs(seed: int = 0) -> dict:
    key = jax.random.key(seed)
    img = jax.random.normal(key, (16, 1024, 690), dtype=jnp.float32)
    return {"img": img}


def reference(img):
    W = img.shape[2]
    per = img.shape[0] * img.shape[1]
    p = img.mean()
    colsum = img.sum(axis=(0, 1))  # [W]

    # windowed means: colsum[i:i+4].sum() with clamped end-windows
    win_idx = jnp.arange(W)[:, None] + jnp.arange(4)[None, :]
    win = jnp.where(win_idx < W, colsum[jnp.clip(win_idx, 0, W - 1)], 0.0)
    w = jnp.minimum(4, W - jnp.arange(W))
    mean_value = win.sum(axis=1) / (per * w)
    mask = mean_value >= p

    # consecutive runs of selected columns (groups)
    prev = jnp.concatenate([jnp.zeros((1,), dtype=bool), mask[:-1]])
    nxt = jnp.concatenate([mask[1:], jnp.zeros((1,), dtype=bool)])
    run_start = mask & ~prev
    run_end = mask & ~nxt
    G = run_start.sum()
    ar = jnp.arange(W)
    firsts = jnp.sort(jnp.where(run_start, ar, W))
    lasts = jnp.sort(jnp.where(run_end, ar, W))

    # breakpoint list: [0, (first0 if first0 != 0), last0, first1, last1, ..., 690]
    inter = jnp.stack([firsts, lasts], axis=1).reshape(-1)  # length 2W
    idx2 = jnp.arange(2 * W)
    full = jnp.where(idx2 < 2 * G, inter, W)
    full = jnp.where(idx2 == 2 * G, W, full)
    full_ext = jnp.concatenate([full, jnp.full((1,), W, dtype=full.dtype)])
    shifted = jnp.concatenate([jnp.zeros((1,), dtype=full.dtype), full])
    cond0 = firsts[0] == 0
    bp = jnp.where(cond0, full_ext, shifted)
    n = 2 * G + 1 - cond0.astype(jnp.int32)

    Smax = W + 2  # segment count n is at most W + 1
    starts = bp[:Smax]
    ends_b = bp[1:Smax + 1]

    # random.Random(42).shuffle permutes purely by length; table for all lengths
    perm_rows = []
    for m in range(Smax):
        order = list(range(m))
        rng = random.Random(42)
        rng.shuffle(order)
        perm_rows.append(order + list(range(m, Smax)))
    perm_table = jnp.asarray(np.array(perm_rows, dtype=np.int32))
    perm = perm_table[n]

    seg_idx = jnp.arange(Smax)
    s_sh = starts[perm]
    e_sh = ends_b[perm]
    L = jnp.where(seg_idx < n, e_sh - s_sh, 0)
    ends_c = jnp.cumsum(L)
    pos = jnp.arange(W)
    sid = jnp.searchsorted(ends_c, pos, side='right')
    col = s_sh[sid] + pos - (ends_c[sid] - L[sid])
    return img[:, :, col]

if __name__ == "__main__":
    import jax
    _d = setup_inputs()
    print(jax.jit(kernel)(*tuple(_d.values())))

</pallas_src>

<mosaic_0001>
#map = affine_map<(d0, d1) -> (0, 0, 0)>
#map1 = affine_map<(d0, d1) -> (0)>
module attributes {stable_mosaic.version = 14 : i64} {
  func.func @_sc_gather_body(%arg0: i32, %arg1: i32, %arg2: memref<16x1024x690xf32, #tpu.memory_space<hbm>>, %arg3: memref<704xi32, #tpu.memory_space<hbm>>, %arg4: memref<16x1024x690xf32, #tpu.memory_space<hbm>>, %arg5: memref<704xi32, #tpu.memory_space<vmem>>, %arg6: memref<32x690xf32, #tpu.memory_space<vmem>>, %arg7: memref<32x690xf32, #tpu.memory_space<vmem>>, %arg8: memref<32x690xf32, #tpu.memory_space<vmem>>, %arg9: memref<32x690xf32, #tpu.memory_space<vmem>>, %arg10: memref<!tpu.dma_semaphore, #tpu.memory_space<semaphore_mem>>, %arg11: memref<!tpu.dma_semaphore, #tpu.memory_space<semaphore_mem>>, %arg12: memref<!tpu.dma_semaphore, #tpu.memory_space<semaphore_mem>>, %arg13: memref<!tpu.dma_semaphore, #tpu.memory_space<semaphore_mem>>) attributes {dimension_semantics = [#tpu.dimension_semantics<core_parallel>, #tpu.dimension_semantics<subcore_parallel>], iteration_bounds = array<i64: 2, 16>, scalar_prefetch = 0 : i64, scratch_operands = 9 : i64, tpu.core_type = #tpu.core_type<sc_vector_subcore>, window_params = [{transform_indices = #map}, {transform_indices = #map1}, {transform_indices = #map}]} {
    %mul3A = arith.constant 512 : i32
    %mul3A_0 = arith.muli %arg0, %mul3A : i32
    "tpu.region"() ({
      %run_scoped3A = tpu.sem_alloc : memref<!tpu.dma_semaphore, #tpu.memory_space<semaphore_mem>>
      tpu.enqueue_dma source(%arg3 : memref<704xi32, #tpu.memory_space<hbm>>) target(%arg5 : memref<704xi32, #tpu.memory_space<vmem>>) target_semaphore(%run_scoped3A : memref<!tpu.dma_semaphore, #tpu.memory_space<semaphore_mem>>)
      tpu.wait_dma2 semaphore(%run_scoped3A : memref<!tpu.dma_semaphore, #tpu.memory_space<semaphore_mem>>) src(%arg3 : memref<704xi32, #tpu.memory_space<hbm>>) dst(%arg5 : memref<704xi32, #tpu.memory_space<vmem>>)
      tpu.yield
    }) : () -> ()
    %add3A = arith.constant 0 : i32
    %add3A_1 = arith.addi %mul3A_0, %add3A : i32
    %dma_start3A = arith.constant 0 : i32
    %dma_start3A_2 = tpu.memref_slice %arg2[%arg1, %add3A_1, %dma_start3A] : memref<16x1024x690xf32, #tpu.memory_space<hbm>> -> memref<1x32x690xf32, #tpu.memory_space<hbm>>
    %dma_start3A_3 = tpu.memref_squeeze %dma_start3A_2 : memref<1x32x690xf32, #tpu.memory_space<hbm>> -> memref<32x690xf32, #tpu.memory_space<hbm>>
    %dma_start3A_4 = arith.constant 0 : i32
    %dma_start3A_5 = tpu.memref_slice %arg2[%arg1, %add3A_1, %dma_start3A_4] : memref<16x1024x690xf32, #tpu.memory_space<hbm>> -> memref<1x32x690xf32, #tpu.memory_space<hbm>>
    %dma_start3A_6 = tpu.memref_squeeze %dma_start3A_5 : memref<1x32x690xf32, #tpu.memory_space<hbm>> -> memref<32x690xf32, #tpu.memory_space<hbm>>
    tpu.enqueue_dma source(%dma_start3A_6 : memref<32x690xf32, #tpu.memory_space<hbm>>) target(%arg6 : memref<32x690xf32, #tpu.memory_space<vmem>>) target_semaphore(%arg10 : memref<!tpu.dma_semaphore, #tpu.memory_space<semaphore_mem>>)
    %add3A_7 = arith.constant 32 : i32
    %add3A_8 = arith.addi %mul3A_0, %add3A_7 : i32
    %dma_start3A_9 = arith.constant 0 : i32
    %dma_start3A_10 = tpu.memref_slice %arg2[%arg1, %add3A_8, %dma_start3A_9] : memref<16x1024x690xf32, #tpu.memory_space<hbm>> -> memref<1x32x690xf32, #tpu.memory_space<hbm>>
    %dma_start3A_11 = tpu.memref_squeeze %dma_start3A_10 : memref<1x32x690xf32, #tpu.memory_space<hbm>> -> memref<32x690xf32, #tpu.memory_space<hbm>>
    %dma_start3A_12 = arith.constant 0 : i32
    %dma_start3A_13 = tpu.memref_slice %arg2[%arg1, %add3A_8, %dma_start3A_12] : memref<16x1024x690xf32, #tpu.memory_space<hbm>> -> memref<1x32x690xf32, #tpu.memory_space<hbm>>
    %dma_start3A_14 = tpu.memref_squeeze %dma_start3A_13 : memref<1x32x690xf32, #tpu.memory_space<hbm>> -> memref<32x690xf32, #tpu.memory_space<hbm>>
    tpu.enqueue_dma source(%dma_start3A_14 : memref<32x690xf32, #tpu.memory_space<hbm>>) target(%arg7 : memref<32x690xf32, #tpu.memory_space<vmem>>) target_semaphore(%arg11 : memref<!tpu.dma_semaphore, #tpu.memory_space<semaphore_mem>>)
    %iota3A = tpu.iota {dimensions = array<i32: 0>} : vector<16xi32>
    %broadcast_in_dim3A = arith.constant 0 : i32
    %broadcast_in_dim3A_15 = vector.broadcast %broadcast_in_dim3A : i32 to vector<16xi32>
    %add3A_16 = arith.constant 674 : i32
    %add3A_17 = vector.broadcast %add3A_16 : i32 to vector<16xi32>
    %add3A_18 = arith.addi %add3A_17, %iota3A : vector<16xi32>
    %get3A = arith.constant 0 : index
    %get3A_19 = tpu.vector_load %arg5[%get3A] {strides = array<i32>} : memref<704xi32, #tpu.memory_space<vmem>>, vector<16xi32>,
    %get3A_20 = arith.constant 16 : index
    %get3A_21 = tpu.vector_load %arg5[%get3A_20] {strides = array<i32>} : memref<704xi32, #tpu.memory_space<vmem>>, vector<16xi32>,
    %get3A_22 = arith.constant 32 : index
    %get3A_23 = tpu.vector_load %arg5[%get3A_22] {strides = array<i32>} : memref<704xi32, #tpu.memory_space<vmem>>, vector<16xi32>,
    %get3A_24 = arith.constant 48 : index
    %get3A_25 = tpu.vector_load %arg5[%get3A_24] {strides = array<i32>} : memref<704xi32, #tpu.memory_space<vmem>>, vector<16xi32>,
    %get3A_26 = arith.constant 64 : index
    %get3A_27 = tpu.vector_load %arg5[%get3A_26] {strides = array<i32>} : memref<704xi32, #tpu.memory_space<vmem>>, vector<16xi32>,
    %get3A_28 = arith.constant 80 : index
    %get3A_29 = tpu.vector_load %arg5[%get3A_28] {strides = array<i32>} : memref<704xi32, #tpu.memory_space<vmem>>, vector<16xi32>,
    %get3A_30 = arith.constant 96 : index
    %get3A_31 = tpu.vector_load %arg5[%get3A_30] {strides = array<i32>} : memref<704xi32, #tpu.memory_space<vmem>>, vector<16xi32>,
    %get3A_32 = arith.constant 112 : index
    %get3A_33 = tpu.vector_load %arg5[%get3A_32] {strides = array<i32>} : memref<704xi32, #tpu.memory_space<vmem>>, vector<16xi32>,
    %get3A_34 = arith.constant 128 : index
    %get3A_35 = tpu.vector_load %arg5[%get3A_34] {strides = array<i32>} : memref<704xi32, #tpu.memory_space<vmem>>, vector<16xi32>,
    %get3A_36 = arith.constant 144 : index
    %get3A_37 = tpu.vector_load %arg5[%get3A_36] {strides = array<i32>} : memref<704xi32, #tpu.memory_space<vmem>>, vector<16xi32>,
    %get3A_38 = arith.constant 160 : index
    %get3A_39 = tpu.vector_load %arg5[%get3A_38] {strides = array<i32>} : memref<704xi32, #tpu.memory_space<vmem>>, vector<16xi32>,
    %get3A_40 = arith.constant 176 : index
    %get3A_41 = tpu.vector_load %arg5[%get3A_40] {strides = array<i32>} : memref<704xi32, #tpu.memory_space<vmem>>, vector<16xi32>,
    %get3A_42 = arith.constant 192 : index
    %get3A_43 = tpu.vector_load %arg5[%get3A_42] {strides = array<i32>} : memref<704xi32, #tpu.memory_space<vmem>>, vector<16xi32>,
    %get3A_44 = arith.constant 208 : index
    %get3A_45 = tpu.vector_load %arg5[%get3A_44] {strides = array<i32>} : memref<704xi32, #tpu.memory_space<vmem>>, vector<16xi32>,
    %get3A_46 = arith.constant 224 : index
    %get3A_47 = tpu.vector_load %arg5[%get3A_46] {strides = array<i32>} : memref<704xi32, #tpu.memory_space<vmem>>, vector<16xi32>,
    %get3A_48 = arith.constant 240 : index
    %get3A_49 = tpu.vector_load %arg5[%get3A_48] {strides = array<i32>} : memref<704xi32, #tpu.memory_space<vmem>>, vector<16xi32>,
    %get3A_50 = arith.constant 256 : index
    %get3A_51 = tpu.vector_load %arg5[%get3A_50] {strides = array<i32>} : memref<704xi32, #tpu.memory_space<vmem>>, vector<16xi32>,
    %get3A_52 = arith.constant 272 : index
    %get3A_53 = tpu.vector_load %arg5[%get3A_52] {strides = array<i32>} : memref<704xi32, #tpu.memory_space<vmem>>, vector<16xi32>,
    %get3A_54 = arith.constant 288 : index
    %get3A_55 = tpu.vector_load %arg5[%get3A_54] {strides = array<i32>} : memref<704xi32, #tpu.memory_space<vmem>>, vector<16xi32>,
    %get3A_56 = arith.constant 304 : index
    %get3A_57 = tpu.vector_load %arg5[%get3A_56] {strides = array<i32>} : memref<704xi32, #tpu.memory_space<vmem>>, vector<16xi32>,
    %get3A_58 = arith.constant 320 : index
    %get3A_59 = tpu.vector_load %arg5[%get3A_58] {strides = array<i32>} : memref<704xi32, #tpu.memory_space<vmem>>, vector<16xi32>,
    %get3A_60 = arith.constant 336 : index
    %get3A_61 = tpu.vector_load %arg5[%get3A_60] {strides = array<i32>} : memref<704xi32, #tpu.memory_space<vmem>>, vector<16xi32>,
    %get3A_62 = arith.constant 352 : index
    %get3A_63 = tpu.vector_load %arg5[%get3A_62] {strides = array<i32>} : memref<704xi32, #tpu.memory_space<vmem>>, vector<16xi32>,
    %get3A_64 = arith.constant 368 : index
    %get3A_65 = tpu.vector_load %arg5[%get3A_64] {strides = array<i32>} : memref<704xi32, #tpu.memory_space<vmem>>, vector<16xi32>,
    %get3A_66 = arith.constant 384 : index
    %get3A_67 = tpu.vector_load %arg5[%get3A_66] {strides = array<i32>} : memref<704xi32, #tpu.memory_space<vmem>>, vector<16xi32>,
    %get3A_68 = arith.constant 400 : index
    %get3A_69 = tpu.vector_load %arg5[%get3A_68] {strides = array<i32>} : memref<704xi32, #tpu.memory_space<vmem>>, vector<16xi32>,
    %get3A_70 = arith.constant 416 : index
    %get3A_71 = tpu.vector_load %arg5[%get3A_70] {strides = array<i32>} : memref<704xi32, #tpu.memory_space<vmem>>, vector<16xi32>,
    %get3A_72 = arith.constant 432 : index
    %get3A_73 = tpu.vector_load %arg5[%get3A_72] {strides = array<i32>} : memref<704xi32, #tpu.memory_space<vmem>>, vector<16xi32>,
    %get3A_74 = arith.constant 448 : index
    %get3A_75 = tpu.vector_load %arg5[%get3A_74] {strides = array<i32>} : memref<704xi32, #tpu.memory_space<vmem>>, vector<16xi32>,
    %get3A_76 = arith.constant 464 : index
    %get3A_77 = tpu.vector_load %arg5[%get3A_76] {strides = array<i32>} : memref<704xi32, #tpu.memory_space<vmem>>, vector<16xi32>,
    %get3A_78 = arith.constant 480 : index
    %get3A_79 = tpu.vector_load %arg5[%get3A_78] {strides = array<i32>} : memref<704xi32, #tpu.memory_space<vmem>>, vector<16xi32>,
    %get3A_80 = arith.constant 496 : index
    %get3A_81 = tpu.vector_load %arg5[%get3A_80] {strides = array<i32>} : memref<704xi32, #tpu.memory_space<vmem>>, vector<16xi32>,
    %get3A_82 = arith.constant 512 : index
    %get3A_83 = tpu.vector_load %arg5[%get3A_82] {strides = array<i32>} : memref<704xi32, #tpu.memory_space<vmem>>, vector<16xi32>,
    %get3A_84 = arith.constant 528 : index
    %get3A_85 = tpu.vector_load %arg5[%get3A_84] {strides = array<i32>} : memref<704xi32, #tpu.memory_space<vmem>>, vector<16xi32>,
    %get3A_86 = arith.constant 544 : index
    %get3A_87 = tpu.vector_load %arg5[%get3A_86] {strides = array<i32>} : memref<704xi32, #tpu.memory_space<vmem>>, vector<16xi32>,
    %get3A_88 = arith.constant 560 : index
    %get3A_89 = tpu.vector_load %arg5[%get3A_88] {strides = array<i32>} : memref<704xi32, #tpu.memory_space<vmem>>, vector<16xi32>,
    %get3A_90 = arith.constant 576 : index
    %get3A_91 = tpu.vector_load %arg5[%get3A_90] {strides = array<i32>} : memref<704xi32, #tpu.memory_space<vmem>>, vector<16xi32>,
    %get3A_92 = arith.constant 592 : index
    %get3A_93 = tpu.vector_load %arg5[%get3A_92] {strides = array<i32>} : memref<704xi32, #tpu.memory_space<vmem>>, vector<16xi32>,
    %get3A_94 = arith.constant 608 : index
    %get3A_95 = tpu.vector_load %arg5[%get3A_94] {strides = array<i32>} : memref<704xi32, #tpu.memory_space<vmem>>, vector<16xi32>,
    %get3A_96 = arith.constant 624 : index
    %get3A_97 = tpu.vector_load %arg5[%get3A_96] {strides = array<i32>} : memref<704xi32, #tpu.memory_space<vmem>>, vector<16xi32>,
    %get3A_98 = arith.constant 640 : index
    %get3A_99 = tpu.vector_load %arg5[%get3A_98] {strides = array<i32>} : memref<704xi32, #tpu.memory_space<vmem>>, vector<16xi32>,
    %get3A_100 = arith.constant 656 : index
    %get3A_101 = tpu.vector_load %arg5[%get3A_100] {strides = array<i32>} : memref<704xi32, #tpu.memory_space<vmem>>, vector<16xi32>,
    %get3A_102 = arith.constant 672 : index
    %get3A_103 = tpu.vector_load %arg5[%get3A_102] {strides = array<i32>} : memref<704xi32, #tpu.memory_space<vmem>>, vector<16xi32>,
    %get3A_104 = arith.constant 688 : index
    %get3A_105 = tpu.vector_load %arg5[%get3A_104] {strides = array<i32>} : memref<704xi32, #tpu.memory_space<vmem>>, vector<16xi32>,
    %scan3A = arith.constant 0 : i32
    %scan3A_106 = arith.constant 0 : i32
    %scan3A_107 = arith.constant 8 : i32
    %scan3A_108 = arith.addi %scan3A_106, %scan3A_107 : i32
    %scan3A_109 = arith.constant 1 : i32
    scf.for %scan3A_126 = %scan3A_106 to %scan3A_108 step %scan3A_109  : i32 {
      %mul3A_127 = arith.constant 2 : i32
      %mul3A_128 = arith.muli %mul3A_127, %scan3A_126 : i32
      %add3A_129 = arith.constant 0 : i32
      %add3A_130 = arith.addi %mul3A_128, %add3A_129 : i32
      %mul3A_131 = arith.constant 32 : i32
      %mul3A_132 = arith.muli %add3A_130, %mul3A_131 : i32
      %add3A_133 = arith.addi %mul3A_0, %mul3A_132 : i32
      %dma_wait3A_134 = arith.constant 0 : i32
      %dma_wait3A_135 = tpu.memref_slice %arg2[%arg1, %add3A_133, %dma_wait3A_134] : memref<16x1024x690xf32, #tpu.memory_space<hbm>> -> memref<1x32x690xf32, #tpu.memory_space<hbm>>
      %dma_wait3A_136 = tpu.memref_squeeze %dma_wait3A_135 : memref<1x32x690xf32, #tpu.memory_space<hbm>> -> memref<32x690xf32, #tpu.memory_space<hbm>>
      %dma_wait3A_137 = arith.constant 0 : i32
      %dma_wait3A_138 = tpu.memref_slice %arg2[%arg1, %add3A_133, %dma_wait3A_137] : memref<16x1024x690xf32, #tpu.memory_space<hbm>> -> memref<1x32x690xf32, #tpu.memory_space<hbm>>
      %dma_wait3A_139 = tpu.memref_squeeze %dma_wait3A_138 : memref<1x32x690xf32, #tpu.memory_space<hbm>> -> memref<32x690xf32, #tpu.memory_space<hbm>>
      tpu.wait_dma2 semaphore(%arg10 : memref<!tpu.dma_semaphore, #tpu.memory_space<semaphore_mem>>) src(%dma_wait3A_139 : memref<32x690xf32, #tpu.memory_space<hbm>>) dst(%arg6 : memref<32x690xf32, #tpu.memory_space<vmem>>)
      %gt3A = arith.constant 0 : i32
      %gt3A_140 = arith.cmpi sgt, %scan3A_126, %gt3A : i32
      %convert_element_type3A = arith.extui %gt3A_140 : i1 to i32
      %cond3A = arith.constant 0 : i32
      %cond3A_141 = arith.cmpi ne, %convert_element_type3A, %cond3A : i32
      scf.if %cond3A_141 {
        %sub3A = arith.constant 2 : i32
        %sub3A_196 = arith.subi %add3A_130, %sub3A : i32
        %mul3A_197 = arith.constant 32 : i32
        %mul3A_198 = arith.muli %sub3A_196, %mul3A_197 : i32
        %add3A_199 = arith.addi %mul3A_0, %mul3A_198 : i32
        %dma_wait3A_200 = arith.constant 0 : i32
        %dma_wait3A_201 = tpu.memref_slice %arg4[%arg1, %add3A_199, %dma_wait3A_200] : memref<16x1024x690xf32, #tpu.memory_space<hbm>> -> memref<1x32x690xf32, #tpu.memory_space<hbm>>
        %dma_wait3A_202 = tpu.memref_squeeze %dma_wait3A_201 : memref<1x32x690xf32, #tpu.memory_space<hbm>> -> memref<32x690xf32, #tpu.memory_space<hbm>>
        %dma_wait3A_203 = arith.constant 0 : i32
        %dma_wait3A_204 = tpu.memref_slice %arg4[%arg1, %add3A_199, %dma_wait3A_203] : memref<16x1024x690xf32, #tpu.memory_space<hbm>> -> memref<1x32x690xf32, #tpu.memory_space<hbm>>
        %dma_wait3A_205 = tpu.memref_squeeze %dma_wait3A_204 : memref<1x32x690xf32, #tpu.memory_space<hbm>> -> memref<32x690xf32, #tpu.memory_space<hbm>>
        tpu.wait_dma2 semaphore(%arg12 : memref<!tpu.dma_semaphore, #tpu.memory_space<semaphore_mem>>) src(%arg8 : memref<32x690xf32, #tpu.memory_space<vmem>>) dst(%dma_wait3A_205 : memref<32x690xf32, #tpu.memory_space<hbm>>)
      } else {
      }
      %parallel_loop3A = arith.constant 0 : i32
      %parallel_loop3A_142 = arith.constant 32 : i32
      %parallel_loop3A_143 = arith.constant 1 : i32
      scf.for %parallel_loop3A_196 = %parallel_loop3A to %parallel_loop3A_142 step %parallel_loop3A_143  : i32 {
        %parallel_loop3A_197 = vector.broadcast %parallel_loop3A_196 : i32 to vector<16xi32>
        %parallel_loop3A_198 = arith.addi %broadcast_in_dim3A_15, %parallel_loop3A_197 : vector<16xi32>
        %parallel_loop3A_199 = tpu.vector_load_idx %arg6[%parallel_loop3A_198, %get3A_19] : memref<32x690xf32, #tpu.memory_space<vmem>>[vector<16xi32>, vector<16xi32>], vector<16xf32>,
        %parallel_loop3A_200 = arith.index_cast %parallel_loop3A_196 : i32 to index
        %parallel_loop3A_201 = arith.constant 0 : index
        %parallel_loop3A_202 = tpu.vector_load %arg8[%parallel_loop3A_200, %parallel_loop3A_201] {strides = array<i32>} : memref<32x690xf32, #tpu.memory_space<vmem>>, vector<16xf32>,
        tpu.vector_store %arg8[%parallel_loop3A_200, %parallel_loop3A_201], %parallel_loop3A_199 {strides = array<i32>} : memref<32x690xf32, #tpu.memory_space<vmem>>, vector<16xf32>,
        %parallel_loop3A_203 = tpu.vector_load_idx %arg6[%parallel_loop3A_198, %get3A_21] : memref<32x690xf32, #tpu.memory_space<vmem>>[vector<16xi32>, vector<16xi32>], vector<16xf32>,
        %parallel_loop3A_204 = arith.index_cast %parallel_loop3A_196 : i32 to index
        %parallel_loop3A_205 = arith.constant 16 : index
        %parallel_loop3A_206 = tpu.vector_load %arg8[%parallel_loop3A_204, %parallel_loop3A_205] {strides = array<i32>} : memref<32x690xf32, #tpu.memory_space<vmem>>, vector<16xf32>,
        tpu.vector_store %arg8[%parallel_loop3A_204, %parallel_loop3A_205], %parallel_loop3A_203 {strides = array<i32>} : memref<32x690xf32, #tpu.memory_space<vmem>>, vector<16xf32>,
        %parallel_loop3A_207 = tpu.vector_load_idx %arg6[%parallel_loop3A_198, %get3A_23] : memref<32x690xf32, #tpu.memory_space<vmem>>[vector<16xi32>, vector<16xi32>], vector<16xf32>,
        %parallel_loop3A_208 = arith.index_cast %parallel_loop3A_196 : i32 to index
        %parallel_loop3A_209 = arith.constant 32 : index
        %parallel_loop3A_210 = tpu.vector_load %arg8[%parallel_loop3A_208, %parallel_loop3A_209] {strides = array<i32>} : memref<32x690xf32, #tpu.memory_space<vmem>>, vector<16xf32>,
        tpu.vector_store %arg8[%parallel_loop3A_208, %parallel_loop3A_209], %parallel_loop3A_207 {strides = array<i32>} : memref<32x690xf32, #tpu.memory_space<vmem>>, vector<16xf32>,
        %parallel_loop3A_211 = tpu.vector_load_idx %arg6[%parallel_loop3A_198, %get3A_25] : memref<32x690xf32, #tpu.memory_space<vmem>>[vector<16xi32>, vector<16xi32>], vector<16xf32>,
        %parallel_loop3A_212 = arith.index_cast %parallel_loop3A_196 : i32 to index
        %parallel_loop3A_213 = arith.constant 48 : index
        %parallel_loop3A_214 = tpu.vector_load %arg8[%parallel_loop3A_212, %parallel_loop3A_213] {strides = array<i32>} : memref<32x690xf32, #tpu.memory_space<vmem>>, vector<16xf32>,
        tpu.vector_store %arg8[%parallel_loop3A_212, %parallel_loop3A_213], %parallel_loop3A_211 {strides = array<i32>} : memref<32x690xf32, #tpu.memory_space<vmem>>, vector<16xf32>,
        %parallel_loop3A_215 = tpu.vector_load_idx %arg6[%parallel_loop3A_198, %get3A_27] : memref<32x690xf32, #tpu.memory_space<vmem>>[vector<16xi32>, vector<16xi32>], vector<16xf32>,
        %parallel_loop3A_216 = arith.index_cast %parallel_loop3A_196 : i32 to index
        %parallel_loop3A_217 = arith.constant 64 : index
        %parallel_loop3A_218 = tpu.vector_load %arg8[%parallel_loop3A_216, %parallel_loop3A_217] {strides = array<i32>} : memref<32x690xf32, #tpu.memory_space<vmem>>, vector<16xf32>,
        tpu.vector_store %arg8[%parallel_loop3A_216, %parallel_loop3A_217], %parallel_loop3A_215 {strides = array<i32>} : memref<32x690xf32, #tpu.memory_space<vmem>>, vector<16xf32>,
        %parallel_loop3A_219 = tpu.vector_load_idx %arg6[%parallel_loop3A_198, %get3A_29] : memref<32x690xf32, #tpu.memory_space<vmem>>[vector<16xi32>, vector<16xi32>], vector<16xf32>,
        %parallel_loop3A_220 = arith.index_cast %parallel_loop3A_196 : i32 to index
        %parallel_loop3A_221 = arith.constant 80 : index
        %parallel_loop3A_222 = tpu.vector_load %arg8[%parallel_loop3A_220, %parallel_loop3A_221] {strides = array<i32>} : memref<32x690xf32, #tpu.memory_space<vmem>>, vector<16xf32>,
        tpu.vector_store %arg8[%parallel_loop3A_220, %parallel_loop3A_221], %parallel_loop3A_219 {strides = array<i32>} : memref<32x690xf32, #tpu.memory_space<vmem>>, vector<16xf32>,
        %parallel_loop3A_223 = tpu.vector_load_idx %arg6[%parallel_loop3A_198, %get3A_31] : memref<32x690xf32, #tpu.memory_space<vmem>>[vector<16xi32>, vector<16xi32>], vector<16xf32>,
        %parallel_loop3A_224 = arith.index_cast %parallel_loop3A_196 : i32 to index
        %parallel_loop3A_225 = arith.constant 96 : index
        %parallel_loop3A_226 = tpu.vector_load %arg8[%parallel_loop3A_224, %parallel_loop3A_225] {strides = array<i32>} : memref<32x690xf32, #tpu.memory_space<vmem>>, vector<16xf32>,
        tpu.vector_store %arg8[%parallel_loop3A_224, %parallel_loop3A_225], %parallel_loop3A_223 {strides = array<i32>} : memref<32x690xf32, #tpu.memory_space<vmem>>, vector<16xf32>,
        %parallel_loop3A_227 = tpu.vector_load_idx %arg6[%parallel_loop3A_198, %get3A_33] : memref<32x690xf32, #tpu.memory_space<vmem>>[vector<16xi32>, vector<16xi32>], vector<16xf32>,
        %parallel_loop3A_228 = arith.index_cast %parallel_loop3A_196 : i32 to index
        %parallel_loop3A_229 = arith.constant 112 : index
        %parallel_loop3A_230 = tpu.vector_load %arg8[%parallel_loop3A_228, %parallel_loop3A_229] {strides = array<i32>} : memref<32x690xf32, #tpu.memory_space<vmem>>, vector<16xf32>,
        tpu.vector_store %arg8[%parallel_loop3A_228, %parallel_loop3A_229], %parallel_loop3A_227 {strides = array<i32>} : memref<32x690xf32, #tpu.memory_space<vmem>>, vector<16xf32>,
        %parallel_loop3A_231 = tpu.vector_load_idx %arg6[%parallel_loop3A_198, %get3A_35] : memref<32x690xf32, #tpu.memory_space<vmem>>[vector<16xi32>, vector<16xi32>], vector<16xf32>,
        %parallel_loop3A_232 = arith.index_cast %parallel_loop3A_196 : i32 to index
        %parallel_loop3A_233 = arith.constant 128 : index
        %parallel_loop3A_234 = tpu.vector_load %arg8[%parallel_loop3A_232, %parallel_loop3A_233] {strides = array<i32>} : memref<32x690xf32, #tpu.memory_space<vmem>>, vector<16xf32>,
        tpu.vector_store %arg8[%parallel_loop3A_232, %parallel_loop3A_233], %parallel_loop3A_231 {strides = array<i32>} : memref<32x690xf32, #tpu.memory_space<vmem>>, vector<16xf32>,
        %parallel_loop3A_235 = tpu.vector_load_idx %arg6[%parallel_loop3A_198, %get3A_37] : memref<32x690xf32, #tpu.memory_space<vmem>>[vector<16xi32>, vector<16xi32>], vector<16xf32>,
        %parallel_loop3A_236 = arith.index_cast %parallel_loop3A_196 : i32 to index
        %parallel_loop3A_237 = arith.constant 144 : index
        %parallel_loop3A_238 = tpu.vector_load %arg8[%parallel_loop3A_236, %parallel_loop3A_237] {strides = array<i32>} : memref<32x690xf32, #tpu.memory_space<vmem>>, vector<16xf32>,
        tpu.vector_store %arg8[%parallel_loop3A_236, %parallel_loop3A_237], %parallel_loop3A_235 {strides = array<i32>} : memref<32x690xf32, #tpu.memory_space<vmem>>, vector<16xf32>,
        %parallel_loop3A_239 = tpu.vector_load_idx %arg6[%parallel_loop3A_198, %get3A_39] : memref<32x690xf32, #tpu.memory_space<vmem>>[vector<16xi32>, vector<16xi32>], vector<16xf32>,
        %parallel_loop3A_240 = arith.index_cast %parallel_loop3A_196 : i32 to index
        %parallel_loop3A_241 = arith.constant 160 : index
        %parallel_loop3A_242 = tpu.vector_load %arg8[%parallel_loop3A_240, %parallel_loop3A_241] {strides = array<i32>} : memref<32x690xf32, #tpu.memory_space<vmem>>, vector<16xf32>,
        tpu.vector_store %arg8[%parallel_loop3A_240, %parallel_loop3A_241], %parallel_loop3A_239 {strides = array<i32>} : memref<32x690xf32, #tpu.memory_space<vmem>>, vector<16xf32>,
        %parallel_loop3A_243 = tpu.vector_load_idx %arg6[%parallel_loop3A_198, %get3A_41] : memref<32x690xf32, #tpu.memory_space<vmem>>[vector<16xi32>, vector<16xi32>], vector<16xf32>,
        %parallel_loop3A_244 = arith.index_cast %parallel_loop3A_196 : i32 to index
        %parallel_loop3A_245 = arith.constant 176 : index
        %parallel_loop3A_246 = tpu.vector_load %arg8[%parallel_loop3A_244, %parallel_loop3A_245] {strides = array<i32>} : memref<32x690xf32, #tpu.memory_space<vmem>>, vector<16xf32>,
        tpu.vector_store %arg8[%parallel_loop3A_244, %parallel_loop3A_245], %parallel_loop3A_243 {strides = array<i32>} : memref<32x690xf32, #tpu.memory_space<vmem>>, vector<16xf32>,
        %parallel_loop3A_247 = tpu.vector_load_idx %arg6[%parallel_loop3A_198, %get3A_43] : memref<32x690xf32, #tpu.memory_space<vmem>>[vector<16xi32>, vector<16xi32>], vector<16xf32>,
        %parallel_loop3A_248 = arith.index_cast %parallel_loop3A_196 : i32 to index
        %parallel_loop3A_249 = arith.constant 192 : index
        %parallel_loop3A_250 = tpu.vector_load %arg8[%parallel_loop3A_248, %parallel_loop3A_249] {strides = array<i32>} : memref<32x690xf32, #tpu.memory_space<vmem>>, vector<16xf32>,
        tpu.vector_store %arg8[%parallel_loop3A_248, %parallel_loop3A_249], %parallel_loop3A_247 {strides = array<i32>} : memref<32x690xf32, #tpu.memory_space<vmem>>, vector<16xf32>,
        %parallel_loop3A_251 = tpu.vector_load_idx %arg6[%parallel_loop3A_198, %get3A_45] : memref<32x690xf32, #tpu.memory_space<vmem>>[vector<16xi32>, vector<16xi32>], vector<16xf32>,
        %parallel_loop3A_252 = arith.index_cast %parallel_loop3A_196 : i32 to index
        %parallel_loop3A_253 = arith.constant 208 : index
        %parallel_loop3A_254 = tpu.vector_load %arg8[%parallel_loop3A_252, %parallel_loop3A_253] {strides = array<i32>} : memref<32x690xf32, #tpu.memory_space<vmem>>, vector<16xf32>,
        tpu.vector_store %arg8[%parallel_loop3A_252, %parallel_loop3A_253], %parallel_loop3A_251 {strides = array<i32>} : memref<32x690xf32, #tpu.memory_space<vmem>>, vector<16xf32>,
        %parallel_loop3A_255 = tpu.vector_load_idx %arg6[%parallel_loop3A_198, %get3A_47] : memref<32x690xf32, #tpu.memory_space<vmem>>[vector<16xi32>, vector<16xi32>], vector<16xf32>,
        %parallel_loop3A_256 = arith.index_cast %parallel_loop3A_196 : i32 to index
        %parallel_loop3A_257 = arith.constant 224 : index
        %parallel_loop3A_258 = tpu.vector_load %arg8[%parallel_loop3A_256, %parallel_loop3A_257] {strides = array<i32>} : memref<32x690xf32, #tpu.memory_space<vmem>>, vector<16xf32>,
        tpu.vector_store %arg8[%parallel_loop3A_256, %parallel_loop3A_257], %parallel_loop3A_255 {strides = array<i32>} : memref<32x690xf32, #tpu.memory_space<vmem>>, vector<16xf32>,
        %parallel_loop3A_259 = tpu.vector_load_idx %arg6[%parallel_loop3A_198, %get3A_49] : memref<32x690xf32, #tpu.memory_space<vmem>>[vector<16xi32>, vector<16xi32>], vector<16xf32>,
        %parallel_loop3A_260 = arith.index_cast %parallel_loop3A_196 : i32 to index
        %parallel_loop3A_261 = arith.constant 240 : index
        %parallel_loop3A_262 = tpu.vector_load %arg8[%parallel_loop3A_260, %parallel_loop3A_261] {strides = array<i32>} : memref<32x690xf32, #tpu.memory_space<vmem>>, vector<16xf32>,
        tpu.vector_store %arg8[%parallel_loop3A_260, %parallel_loop3A_261], %parallel_loop3A_259 {strides = array<i32>} : memref<32x690xf32, #tpu.memory_space<vmem>>, vector<16xf32>,
        %parallel_loop3A_263 = tpu.vector_load_idx %arg6[%parallel_loop3A_198, %get3A_51] : memref<32x690xf32, #tpu.memory_space<vmem>>[vector<16xi32>, vector<16xi32>], vector<16xf32>,
        %parallel_loop3A_264 = arith.index_cast %parallel_loop3A_196 : i32 to index
        %parallel_loop3A_265 = arith.constant 256 : index
        %parallel_loop3A_266 = tpu.vector_load %arg8[%parallel_loop3A_264, %parallel_loop3A_265] {strides = array<i32>} : memref<32x690xf32, #tpu.memory_space<vmem>>, vector<16xf32>,
        tpu.vector_store %arg8[%parallel_loop3A_264, %parallel_loop3A_265], %parallel_loop3A_263 {strides = array<i32>} : memref<32x690xf32, #tpu.memory_space<vmem>>, vector<16xf32>,
        %parallel_loop3A_267 = tpu.vector_load_idx %arg6[%parallel_loop3A_198, %get3A_53] : memref<32x690xf32, #tpu.memory_space<vmem>>[vector<16xi32>, vector<16xi32>], vector<16xf32>,
        %parallel_loop3A_268 = arith.index_cast %parallel_loop3A_196 : i32 to index
        %parallel_loop3A_269 = arith.constant 272 : index
        %parallel_loop3A_270 = tpu.vector_load %arg8[%parallel_loop3A_268, %parallel_loop3A_269] {strides = array<i32>} : memref<32x690xf32, #tpu.memory_space<vmem>>, vector<16xf32>,
        tpu.vector_store %arg8[%parallel_loop3A_268, %parallel_loop3A_269], %parallel_loop3A_267 {strides = array<i32>} : memref<32x690xf32, #tpu.memory_space<vmem>>, vector<16xf32>,
        %parallel_loop3A_271 = tpu.vector_load_idx %arg6[%parallel_loop3A_198, %get3A_55] : memref<32x690xf32, #tpu.memory_space<vmem>>[vector<16xi32>, vector<16xi32>], vector<16xf32>,
        %parallel_loop3A_272 = arith.index_cast %parallel_loop3A_196 : i32 to index
        %parallel_loop3A_273 = arith.constant 288 : index
        %parallel_loop3A_274 = tpu.vector_load %arg8[%parallel_loop3A_272, %parallel_loop3A_273] {strides = array<i32>} : memref<32x690xf32, #tpu.memory_space<vmem>>, vector<16xf32>,
        tpu.vector_store %arg8[%parallel_loop3A_272, %parallel_loop3A_273], %parallel_loop3A_271 {strides = array<i32>} : memref<32x690xf32, #tpu.memory_space<vmem>>, vector<16xf32>,
        %parallel_loop3A_275 = tpu.vector_load_idx %arg6[%parallel_loop3A_198, %get3A_57] : memref<32x690xf32, #tpu.memory_space<vmem>>[vector<16xi32>, vector<16xi32>], vector<16xf32>,
        %parallel_loop3A_276 = arith.index_cast %parallel_loop3A_196 : i32 to index
        %parallel_loop3A_277 = arith.constant 304 : index
        %parallel_loop3A_278 = tpu.vector_load %arg8[%parallel_loop3A_276, %parallel_loop3A_277] {strides = array<i32>} : memref<32x690xf32, #tpu.memory_space<vmem>>, vector<16xf32>,
        tpu.vector_store %arg8[%parallel_loop3A_276, %parallel_loop3A_277], %parallel_loop3A_275 {strides = array<i32>} : memref<32x690xf32, #tpu.memory_space<vmem>>, vector<16xf32>,
        %parallel_loop3A_279 = tpu.vector_load_idx %arg6[%parallel_loop3A_198, %get3A_59] : memref<32x690xf32, #tpu.memory_space<vmem>>[vector<16xi32>, vector<16xi32>], vector<16xf32>,
        %parallel_loop3A_280 = arith.index_cast %parallel_loop3A_196 : i32 to index
        %parallel_loop3A_281 = arith.constant 320 : index
        %parallel_loop3A_282 = tpu.vector_load %arg8[%parallel_loop3A_280, %parallel_loop3A_281] {strides = array<i32>} : memref<32x690xf32, #tpu.memory_space<vmem>>, vector<16xf32>,
        tpu.vector_store %arg8[%parallel_loop3A_280, %parallel_loop3A_281], %parallel_loop3A_279 {strides = array<i32>} : memref<32x690xf32, #tpu.memory_space<vmem>>, vector<16xf32>,
        %parallel_loop3A_283 = tpu.vector_load_idx %arg6[%parallel_loop3A_198, %get3A_61] : memref<32x690xf32, #tpu.memory_space<vmem>>[vector<16xi32>, vector<16xi32>], vector<16xf32>,
        %parallel_loop3A_284 = arith.index_cast %parallel_loop3A_196 : i32 to index
        %parallel_loop3A_285 = arith.constant 336 : index
        %parallel_loop3A_286 = tpu.vector_load %arg8[%parallel_loop3A_284, %parallel_loop3A_285] {strides = array<i32>} : memref<32x690xf32, #tpu.memory_space<vmem>>, vector<16xf32>,
        tpu.vector_store %arg8[%parallel_loop3A_284, %parallel_loop3A_285], %parallel_loop3A_283 {strides = array<i32>} : memref<32x690xf32, #tpu.memory_space<vmem>>, vector<16xf32>,
        %parallel_loop3A_287 = tpu.vector_load_idx %arg6[%parallel_loop3A_198, %get3A_63] : memref<32x690xf32, #tpu.memory_space<vmem>>[vector<16xi32>, vector<16xi32>], vector<16xf32>,
        %parallel_loop3A_288 = arith.index_cast %parallel_loop3A_196 : i32 to index
        %parallel_loop3A_289 = arith.constant 352 : index
        %parallel_loop3A_290 = tpu.vector_load %arg8[%parallel_loop3A_288, %parallel_loop3A_289] {strides = array<i32>} : memref<32x690xf32, #tpu.memory_space<vmem>>, vector<16xf32>,
        tpu.vector_store %arg8[%parallel_loop3A_288, %parallel_loop3A_289], %parallel_loop3A_287 {strides = array<i32>} : memref<32x690xf32, #tpu.memory_space<vmem>>, vector<16xf32>,
        %parallel_loop3A_291 = tpu.vector_load_idx %arg6[%parallel_loop3A_198, %get3A_65] : memref<32x690xf32, #tpu.memory_space<vmem>>[vector<16xi32>, vector<16xi32>], vector<16xf32>,
        %parallel_loop3A_292 = arith.index_cast %parallel_loop3A_196 : i32 to index
        %parallel_loop3A_293 = arith.constant 368 : index
        %parallel_loop3A_294 = tpu.vector_load %arg8[%parallel_loop3A_292, %parallel_loop3A_293] {strides = array<i32>} : memref<32x690xf32, #tpu.memory_space<vmem>>, vector<16xf32>,
        tpu.vector_store %arg8[%parallel_loop3A_292, %parallel_loop3A_293], %parallel_loop3A_291 {strides = array<i32>} : memref<32x690xf32, #tpu.memory_space<vmem>>, vector<16xf32>,
        %parallel_loop3A_295 = tpu.vector_load_idx %arg6[%parallel_loop3A_198, %get3A_67] : memref<32x690xf32, #tpu.memory_space<vmem>>[vector<16xi32>, vector<16xi32>], vector<16xf32>,
        %parallel_loop3A_296 = arith.index_cast %parallel_loop3A_196 : i32 to index
        %parallel_loop3A_297 = arith.constant 384 : index
        %parallel_loop3A_298 = tpu.vector_load %arg8[%parallel_loop3A_296, %parallel_loop3A_297] {strides = array<i32>} : memref<32x690xf32, #tpu.memory_space<vmem>>, vector<16xf32>,
        tpu.vector_store %arg8[%parallel_loop3A_296, %parallel_loop3A_297], %parallel_loop3A_295 {strides = array<i32>} : memref<32x690xf32, #tpu.memory_space<vmem>>, vector<16xf32>,
        %parallel_loop3A_299 = tpu.vector_load_idx %arg6[%parallel_loop3A_198, %get3A_69] : memref<32x690xf32, #tpu.memory_space<vmem>>[vector<16xi32>, vector<16xi32>], vector<16xf32>,
        %parallel_loop3A_300 = arith.index_cast %parallel_loop3A_196 : i32 to index
        %parallel_loop3A_301 = arith.constant 400 : index
        %parallel_loop3A_302 = tpu.vector_load %arg8[%parallel_loop3A_300, %parallel_loop3A_301] {strides = array<i32>} : memref<32x690xf32, #tpu.memory_space<vmem>>, vector<16xf32>,
        tpu.vector_store %arg8[%parallel_loop3A_300, %parallel_loop3A_301], %parallel_loop3A_299 {strides = array<i32>} : memref<32x690xf32, #tpu.memory_space<vmem>>, vector<16xf32>,
        %parallel_loop3A_303 = tpu.vector_load_idx %arg6[%parallel_loop3A_198, %get3A_71] : memref<32x690xf32, #tpu.memory_space<vmem>>[vector<16xi32>, vector<16xi32>], vector<16xf32>,
        %parallel_loop3A_304 = arith.index_cast %parallel_loop3A_196 : i32 to index
        %parallel_loop3A_305 = arith.constant 416 : index
        %parallel_loop3A_306 = tpu.vector_load %arg8[%parallel_loop3A_304, %parallel_loop3A_305] {strides = array<i32>} : memref<32x690xf32, #tpu.memory_space<vmem>>, vector<16xf32>,
        tpu.vector_store %arg8[%parallel_loop3A_304, %parallel_loop3A_305], %parallel_loop3A_303 {strides = array<i32>} : memref<32x690xf32, #tpu.memory_space<vmem>>, vector<16xf32>,
        %parallel_loop3A_307 = tpu.vector_load_idx %arg6[%parallel_loop3A_198, %get3A_73] : memref<32x690xf32, #tpu.memory_space<vmem>>[vector<16xi32>, vector<16xi32>], vector<16xf32>,
        %parallel_loop3A_308 = arith.index_cast %parallel_loop3A_196 : i32 to index
        %parallel_loop3A_309 = arith.constant 432 : index
        %parallel_loop3A_310 = tpu.vector_load %arg8[%parallel_loop3A_308, %parallel_loop3A_309] {strides = array<i32>} : memref<32x690xf32, #tpu.memory_space<vmem>>, vector<16xf32>,
        tpu.vector_store %arg8[%parallel_loop3A_308, %parallel_loop3A_309], %parallel_loop3A_307 {strides = array<i32>} : memref<32x690xf32, #tpu.memory_space<vmem>>, vector<16xf32>,
        %parallel_loop3A_311 = tpu.vector_load_idx %arg6[%parallel_loop3A_198, %get3A_75] : memref<32x690xf32, #tpu.memory_space<vmem>>[vector<16xi32>, vector<16xi32>], vector<16xf32>,
        %parallel_loop3A_312 = arith.index_cast %parallel_loop3A_196 : i32 to index
        %parallel_loop3A_313 = arith.constant 448 : index
        %parallel_loop3A_314 = tpu.vector_load %arg8[%parallel_loop3A_312, %parallel_loop3A_313] {strides = array<i32>} : memref<32x690xf32, #tpu.memory_space<vmem>>, vector<16xf32>,
        tpu.vector_store %arg8[%parallel_loop3A_312, %parallel_loop3A_313], %parallel_loop3A_311 {strides = array<i32>} : memref<32x690xf32, #tpu.memory_space<vmem>>, vector<16xf32>,
        %parallel_loop3A_315 = tpu.vector_load_idx %arg6[%parallel_loop3A_198, %get3A_77] : memref<32x690xf32, #tpu.memory_space<vmem>>[vector<16xi32>, vector<16xi32>], vector<16xf32>,
        %parallel_loop3A_316 = arith.index_cast %parallel_loop3A_196 : i32 to index
        %parallel_loop3A_317 = arith.constant 464 : index
        %parallel_loop3A_318 = tpu.vector_load %arg8[%parallel_loop3A_316, %parallel_loop3A_317] {strides = array<i32>} : memref<32x690xf32, #tpu.memory_space<vmem>>, vector<16xf32>,
        tpu.vector_store %arg8[%parallel_loop3A_316, %parallel_loop3A_317], %parallel_loop3A_315 {strides = array<i32>} : memref<32x690xf32, #tpu.memory_space<vmem>>, vector<16xf32>,
        %parallel_loop3A_319 = tpu.vector_load_idx %arg6[%parallel_loop3A_198, %get3A_79] : memref<32x690xf32, #tpu.memory_space<vmem>>[vector<16xi32>, vector<16xi32>], vector<16xf32>,
        %parallel_loop3A_320 = arith.index_cast %parallel_loop3A_196 : i32 to index
        %parallel_loop3A_321 = arith.constant 480 : index
        %parallel_loop3A_322 = tpu.vector_load %arg8[%parallel_loop3A_320, %parallel_loop3A_321] {strides = array<i32>} : memref<32x690xf32, #tpu.memory_space<vmem>>, vector<16xf32>,
        tpu.vector_store %arg8[%parallel_loop3A_320, %parallel_loop3A_321], %parallel_loop3A_319 {strides = array<i32>} : memref<32x690xf32, #tpu.memory_space<vmem>>, vector<16xf32>,
        %parallel_loop3A_323 = tpu.vector_load_idx %arg6[%parallel_loop3A_198, %get3A_81] : memref<32x690xf32, #tpu.memory_space<vmem>>[vector<16xi32>, vector<16xi32>], vector<16xf32>,
        %parallel_loop3A_324 = arith.index_cast %parallel_loop3A_196 : i32 to index
        %parallel_loop3A_325 = arith.constant 496 : index
        %parallel_loop3A_326 = tpu.vector_load %arg8[%parallel_loop3A_324, %parallel_loop3A_325] {strides = array<i32>} : memref<32x690xf32, #tpu.memory_space<vmem>>, vector<16xf32>,
        tpu.vector_store %arg8[%parallel_loop3A_324, %parallel_loop3A_325], %parallel_loop3A_323 {strides = array<i32>} : memref<32x690xf32, #tpu.memory_space<vmem>>, vector<16xf32>,
        %parallel_loop3A_327 = tpu.vector_load_idx %arg6[%parallel_loop3A_198, %get3A_83] : memref<32x690xf32, #tpu.memory_space<vmem>>[vector<16xi32>, vector<16xi32>], vector<16xf32>,
        %parallel_loop3A_328 = arith.index_cast %parallel_loop3A_196 : i32 to index
        %parallel_loop3A_329 = arith.constant 512 : index
        %parallel_loop3A_330 = tpu.vector_load %arg8[%parallel_loop3A_328, %parallel_loop3A_329] {strides = array<i32>} : memref<32x690xf32, #tpu.memory_space<vmem>>, vector<16xf32>,
        tpu.vector_store %arg8[%parallel_loop3A_328, %parallel_loop3A_329], %parallel_loop3A_327 {strides = array<i32>} : memref<32x690xf32, #tpu.memory_space<vmem>>, vector<16xf32>,
        %parallel_loop3A_331 = tpu.vector_load_idx %arg6[%parallel_loop3A_198, %get3A_85] : memref<32x690xf32, #tpu.memory_space<vmem>>[vector<16xi32>, vector<16xi32>], vector<16xf32>,
        %parallel_loop3A_332 = arith.index_cast %parallel_loop3A_196 : i32 to index
        %parallel_loop3A_333 = arith.constant 528 : index
        %parallel_loop3A_334 = tpu.vector_load %arg8[%parallel_loop3A_332, %parallel_loop3A_333] {strides = array<i32>} : memref<32x690xf32, #tpu.memory_space<vmem>>, vector<16xf32>,
        tpu.vector_store %arg8[%parallel_loop3A_332, %parallel_loop3A_333], %parallel_loop3A_331 {strides = array<i32>} : memref<32x690xf32, #tpu.memory_space<vmem>>, vector<16xf32>,
        %parallel_loop3A_335 = tpu.vector_load_idx %arg6[%parallel_loop3A_198, %get3A_87] : memref<32x690xf32, #tpu.memory_space<vmem>>[vector<16xi32>, vector<16xi32>], vector<16xf32>,
        %parallel_loop3A_336 = arith.index_cast %parallel_loop3A_196 : i32 to index
        %parallel_loop3A_337 = arith.constant 544 : index
        %parallel_loop3A_338 = tpu.vector_load %arg8[%parallel_loop3A_336, %parallel_loop3A_337] {strides = array<i32>} : memref<32x690xf32, #tpu.memory_space<vmem>>, vector<16xf32>,
        tpu.vector_store %arg8[%parallel_loop3A_336, %parallel_loop3A_337], %parallel_loop3A_335 {strides = array<i32>} : memref<32x690xf32, #tpu.memory_space<vmem>>, vector<16xf32>,
        %parallel_loop3A_339 = tpu.vector_load_idx %arg6[%parallel_loop3A_198, %get3A_89] : memref<32x690xf32, #tpu.memory_space<vmem>>[vector<16xi32>, vector<16xi32>], vector<16xf32>,
        %parallel_loop3A_340 = arith.index_cast %parallel_loop3A_196 : i32 to index
        %parallel_loop3A_341 = arith.constant 560 : index
        %parallel_loop3A_342 = tpu.vector_load %arg8[%parallel_loop3A_340, %parallel_loop3A_341] {strides = array<i32>} : memref<32x690xf32, #tpu.memory_space<vmem>>, vector<16xf32>,
        tpu.vector_store %arg8[%parallel_loop3A_340, %parallel_loop3A_341], %parallel_loop3A_339 {strides = array<i32>} : memref<32x690xf32, #tpu.memory_space<vmem>>, vector<16xf32>,
        %parallel_loop3A_343 = tpu.vector_load_idx %arg6[%parallel_loop3A_198, %get3A_91] : memref<32x690xf32, #tpu.memory_space<vmem>>[vector<16xi32>, vector<16xi32>], vector<16xf32>,
        %parallel_loop3A_344 = arith.index_cast %parallel_loop3A_196 : i32 to index
        %parallel_loop3A_345 = arith.constant 576 : index
        %parallel_loop3A_346 = tpu.vector_load %arg8[%parallel_loop3A_344, %parallel_loop3A_345] {strides = array<i32>} : memref<32x690xf32, #tpu.memory_space<vmem>>, vector<16xf32>,
        tpu.vector_store %arg8[%parallel_loop3A_344, %parallel_loop3A_345], %parallel_loop3A_343 {strides = array<i32>} : memref<32x690xf32, #tpu.memory_space<vmem>>, vector<16xf32>,
        %parallel_loop3A_347 = tpu.vector_load_idx %arg6[%parallel_loop3A_198, %get3A_93] : memref<32x690xf32, #tpu.memory_space<vmem>>[vector<16xi32>, vector<16xi32>], vector<16xf32>,
        %parallel_loop3A_348 = arith.index_cast %parallel_loop3A_196 : i32 to index
        %parallel_loop3A_349 = arith.constant 592 : index
        %parallel_loop3A_350 = tpu.vector_load %arg8[%parallel_loop3A_348, %parallel_loop3A_349] {strides = array<i32>} : memref<32x690xf32, #tpu.memory_space<vmem>>, vector<16xf32>,
        tpu.vector_store %arg8[%parallel_loop3A_348, %parallel_loop3A_349], %parallel_loop3A_347 {strides = array<i32>} : memref<32x690xf32, #tpu.memory_space<vmem>>, vector<16xf32>,
        %parallel_loop3A_351 = tpu.vector_load_idx %arg6[%parallel_loop3A_198, %get3A_95] : memref<32x690xf32, #tpu.memory_space<vmem>>[vector<16xi32>, vector<16xi32>], vector<16xf32>,
        %parallel_loop3A_352 = arith.index_cast %parallel_loop3A_196 : i32 to index
        %parallel_loop3A_353 = arith.constant 608 : index
        %parallel_loop3A_354 = tpu.vector_load %arg8[%parallel_loop3A_352, %parallel_loop3A_353] {strides = array<i32>} : memref<32x690xf32, #tpu.memory_space<vmem>>, vector<16xf32>,
        tpu.vector_store %arg8[%parallel_loop3A_352, %parallel_loop3A_353], %parallel_loop3A_351 {strides = array<i32>} : memref<32x690xf32, #tpu.memory_space<vmem>>, vector<16xf32>,
        %parallel_loop3A_355 = tpu.vector_load_idx %arg6[%parallel_loop3A_198, %get3A_97] : memref<32x690xf32, #tpu.memory_space<vmem>>[vector<16xi32>, vector<16xi32>], vector<16xf32>,
        %parallel_loop3A_356 = arith.index_cast %parallel_loop3A_196 : i32 to index
        %parallel_loop3A_357 = arith.constant 624 : index
        %parallel_loop3A_358 = tpu.vector_load %arg8[%parallel_loop3A_356, %parallel_loop3A_357] {strides = array<i32>} : memref<32x690xf32, #tpu.memory_space<vmem>>, vector<16xf32>,
        tpu.vector_store %arg8[%parallel_loop3A_356, %parallel_loop3A_357], %parallel_loop3A_355 {strides = array<i32>} : memref<32x690xf32, #tpu.memory_space<vmem>>, vector<16xf32>,
        %parallel_loop3A_359 = tpu.vector_load_idx %arg6[%parallel_loop3A_198, %get3A_99] : memref<32x690xf32, #tpu.memory_space<vmem>>[vector<16xi32>, vector<16xi32>], vector<16xf32>,
        %parallel_loop3A_360 = arith.index_cast %parallel_loop3A_196 : i32 to index
        %parallel_loop3A_361 = arith.constant 640 : index
        %parallel_loop3A_362 = tpu.vector_load %arg8[%parallel_loop3A_360, %parallel_loop3A_361] {strides = array<i32>} : memref<32x690xf32, #tpu.memory_space<vmem>>, vector<16xf32>,
        tpu.vector_store %arg8[%parallel_loop3A_360, %parallel_loop3A_361], %parallel_loop3A_359 {strides = array<i32>} : memref<32x690xf32, #tpu.memory_space<vmem>>, vector<16xf32>,
        %parallel_loop3A_363 = tpu.vector_load_idx %arg6[%parallel_loop3A_198, %get3A_101] : memref<32x690xf32, #tpu.memory_space<vmem>>[vector<16xi32>, vector<16xi32>], vector<16xf32>,
        %parallel_loop3A_364 = arith.index_cast %parallel_loop3A_196 : i32 to index
        %parallel_loop3A_365 = arith.constant 656 : index
        %parallel_loop3A_366 = tpu.vector_load %arg8[%parallel_loop3A_364, %parallel_loop3A_365] {strides = array<i32>} : memref<32x690xf32, #tpu.memory_space<vmem>>, vector<16xf32>,
        tpu.vector_store %arg8[%parallel_loop3A_364, %parallel_loop3A_365], %parallel_loop3A_363 {strides = array<i32>} : memref<32x690xf32, #tpu.memory_space<vmem>>, vector<16xf32>,
        %parallel_loop3A_367 = tpu.vector_load_idx %arg6[%parallel_loop3A_198, %get3A_103] : memref<32x690xf32, #tpu.memory_space<vmem>>[vector<16xi32>, vector<16xi32>], vector<16xf32>,
        %parallel_loop3A_368 = arith.index_cast %parallel_loop3A_196 : i32 to index
        %parallel_loop3A_369 = arith.constant 672 : index
        %parallel_loop3A_370 = tpu.vector_load %arg8[%parallel_loop3A_368, %parallel_loop3A_369] {strides = array<i32>} : memref<32x690xf32, #tpu.memory_space<vmem>>, vector<16xf32>,
        tpu.vector_store %arg8[%parallel_loop3A_368, %parallel_loop3A_369], %parallel_loop3A_367 {strides = array<i32>} : memref<32x690xf32, #tpu.memory_space<vmem>>, vector<16xf32>,
        %parallel_loop3A_371 = tpu.vector_load_idx %arg6[%parallel_loop3A_198, %get3A_105] : memref<32x690xf32, #tpu.memory_space<vmem>>[vector<16xi32>, vector<16xi32>], vector<16xf32>,
        tpu.vector_store_idx %arg8[%parallel_loop3A_198, %add3A_18], %parallel_loop3A_371 : memref<32x690xf32, #tpu.memory_space<vmem>>[vector<16xi32>, vector<16xi32>], vector<16xf32>,
      } {sc.loop_unroll_factor = 1 : i64, sc.parallel_access}
      %mul3A_144 = arith.constant 32 : i32
      %mul3A_145 = arith.muli %add3A_130, %mul3A_144 : i32
      %add3A_146 = arith.addi %mul3A_0, %mul3A_145 : i32
      %dma_start3A_147 = arith.constant 0 : i32
      %dma_start3A_148 = tpu.memref_slice %arg4[%arg1, %add3A_146, %dma_start3A_147] : memref<16x1024x690xf32, #tpu.memory_space<hbm>> -> memref<1x32x690xf32, #tpu.memory_space<hbm>>
      %dma_start3A_149 = tpu.memref_squeeze %dma_start3A_148 : memref<1x32x690xf32, #tpu.memory_space<hbm>> -> memref<32x690xf32, #tpu.memory_space<hbm>>
      %dma_start3A_150 = arith.constant 0 : i32
      %dma_start3A_151 = tpu.memref_slice %arg4[%arg1, %add3A_146, %dma_start3A_150] : memref<16x1024x690xf32, #tpu.memory_space<hbm>> -> memref<1x32x690xf32, #tpu.memory_space<hbm>>
      %dma_start3A_152 = tpu.memref_squeeze %dma_start3A_151 : memref<1x32x690xf32, #tpu.memory_space<hbm>> -> memref<32x690xf32, #tpu.memory_space<hbm>>
      tpu.enqueue_dma source(%arg8 : memref<32x690xf32, #tpu.memory_space<vmem>>) target(%dma_start3A_152 : memref<32x690xf32, #tpu.memory_space<hbm>>) target_semaphore(%arg12 : memref<!tpu.dma_semaphore, #tpu.memory_space<semaphore_mem>>)
      %add3A_153 = arith.constant 2 : i32
      %add3A_154 = arith.addi %add3A_130, %add3A_153 : i32
      %lt3A = arith.constant 16 : i32
      %lt3A_155 = arith.cmpi slt, %add3A_154, %lt3A : i32
      %convert_element_type3A_156 = arith.extui %lt3A_155 : i1 to i32
      %cond3A_157 = arith.constant 0 : i32
      %cond3A_158 = arith.cmpi ne, %convert_element_type3A_156, %cond3A_157 : i32
      scf.if %cond3A_158 {
        %add3A_196 = arith.constant 2 : i32
        %add3A_197 = arith.addi %add3A_130, %add3A_196 : i32
        %mul3A_198 = arith.constant 32 : i32
        %mul3A_199 = arith.muli %add3A_197, %mul3A_198 : i32
        %add3A_200 = arith.addi %mul3A_0, %mul3A_199 : i32
        %dma_start3A_201 = arith.constant 0 : i32
        %dma_start3A_202 = tpu.memref_slice %arg2[%arg1, %add3A_200, %dma_start3A_201] : memref<16x1024x690xf32, #tpu.memory_space<hbm>> -> memref<1x32x690xf32, #tpu.memory_space<hbm>>
        %dma_start3A_203 = tpu.memref_squeeze %dma_start3A_202 : memref<1x32x690xf32, #tpu.memory_space<hbm>> -> memref<32x690xf32, #tpu.memory_space<hbm>>
        %dma_start3A_204 = arith.constant 0 : i32
        %dma_start3A_205 = tpu.memref_slice %arg2[%arg1, %add3A_200, %dma_start3A_204] : memref<16x1024x690xf32, #tpu.memory_space<hbm>> -> memref<1x32x690xf32, #tpu.memory_space<hbm>>
        %dma_start3A_206 = tpu.memref_squeeze %dma_start3A_205 : memref<1x32x690xf32, #tpu.memory_space<hbm>> -> memref<32x690xf32, #tpu.memory_space<hbm>>
        tpu.enqueue_dma source(%dma_start3A_206 : memref<32x690xf32, #tpu.memory_space<hbm>>) target(%arg6 : memref<32x690xf32, #tpu.memory_space<vmem>>) target_semaphore(%arg10 : memref<!tpu.dma_semaphore, #tpu.memory_space<semaphore_mem>>)
      } else {
      }
      %mul3A_159 = arith.constant 2 : i32
      %mul3A_160 = arith.muli %mul3A_159, %scan3A_126 : i32
      %add3A_161 = arith.constant 1 : i32
      %add3A_162 = arith.addi %mul3A_160, %add3A_161 : i32
      %mul3A_163 = arith.constant 32 : i32
      %mul3A_164 = arith.muli %add3A_162, %mul3A_163 : i32
      %add3A_165 = arith.addi %mul3A_0, %mul3A_164 : i32
      %dma_wait3A_166 = arith.constant 0 : i32
      %dma_wait3A_167 = tpu.memref_slice %arg2[%arg1, %add3A_165, %dma_wait3A_166] : memref<16x1024x690xf32, #tpu.memory_space<hbm>> -> memref<1x32x690xf32, #tpu.memory_space<hbm>>
      %dma_wait3A_168 = tpu.memref_squeeze %dma_wait3A_167 : memref<1x32x690xf32, #tpu.memory_space<hbm>> -> memref<32x690xf32, #tpu.memory_space<hbm>>
      %dma_wait3A_169 = arith.constant 0 : i32
      %dma_wait3A_170 = tpu.memref_slice %arg2[%arg1, %add3A_165, %dma_wait3A_169] : memref<16x1024x690xf32, #tpu.memory_space<hbm>> -> memref<1x32x690xf32, #tpu.memory_space<hbm>>
      %dma_wait3A_171 = tpu.memref_squeeze %dma_wait3A_170 : memref<1x32x690xf32, #tpu.memory_space<hbm>> -> memref<32x690xf32, #tpu.memory_space<hbm>>
      tpu.wait_dma2 semaphore(%arg11 : memref<!tpu.dma_semaphore, #tpu.memory_space<semaphore_mem>>) src(%dma_wait3A_171 : memref<32x690xf32, #tpu.memory_space<hbm>>) dst(%arg7 : memref<32x690xf32, #tpu.memory_space<vmem>>)
      %gt3A_172 = arith.constant 0 : i32
      %gt3A_173 = arith.cmpi sgt, %scan3A_126, %gt3A_172 : i32
      %convert_element_type3A_174 = arith.extui %gt3A_173 : i1 to i32
      %cond3A_175 = arith.constant 0 : i32
      %cond3A_176 = arith.cmpi ne, %convert_element_type3A_174, %cond3A_175 : i32
      scf.if %cond3A_176 {
        %sub3A = arith.constant 2 : i32
        %sub3A_196 = arith.subi %add3A_162, %sub3A : i32
        %mul3A_197 = arith.constant 32 : i32
        %mul3A_198 = arith.muli %sub3A_196, %mul3A_197 : i32
        %add3A_199 = arith.addi %mul3A_0, %mul3A_198 : i32
        %dma_wait3A_200 = arith.constant 0 : i32
        %dma_wait3A_201 = tpu.memref_slice %arg4[%arg1, %add3A_199, %dma_wait3A_200] : memref<16x1024x690xf32, #tpu.memory_space<hbm>> -> memref<1x32x690xf32, #tpu.memory_space<hbm>>
        %dma_wait3A_202 = tpu.memref_squeeze %dma_wait3A_201 : memref<1x32x690xf32, #tpu.memory_space<hbm>> -> memref<32x690xf32, #tpu.memory_space<hbm>>
        %dma_wait3A_203 = arith.constant 0 : i32
        %dma_wait3A_204 = tpu.memref_slice %arg4[%arg1, %add3A_199, %dma_wait3A_203] : memref<16x1024x690xf32, #tpu.memory_space<hbm>> -> memref<1x32x690xf32, #tpu.memory_space<hbm>>
        %dma_wait3A_205 = tpu.memref_squeeze %dma_wait3A_204 : memref<1x32x690xf32, #tpu.memory_space<hbm>> -> memref<32x690xf32, #tpu.memory_space<hbm>>
        tpu.wait_dma2 semaphore(%arg13 : memref<!tpu.dma_semaphore, #tpu.memory_space<semaphore_mem>>) src(%arg9 : memref<32x690xf32, #tpu.memory_space<vmem>>) dst(%dma_wait3A_205 : memref<32x690xf32, #tpu.memory_space<hbm>>)
      } else {
      }
      %parallel_loop3A_177 = arith.constant 0 : i32
      %parallel_loop3A_178 = arith.constant 32 : i32
      %parallel_loop3A_179 = arith.constant 1 : i32
      scf.for %parallel_loop3A_196 = %parallel_loop3A_177 to %parallel_loop3A_178 step %parallel_loop3A_179  : i32 {
        %parallel_loop3A_197 = vector.broadcast %parallel_loop3A_196 : i32 to vector<16xi32>
        %parallel_loop3A_198 = arith.addi %broadcast_in_dim3A_15, %parallel_loop3A_197 : vector<16xi32>
        %parallel_loop3A_199 = tpu.vector_load_idx %arg7[%parallel_loop3A_198, %get3A_19] : memref<32x690xf32, #tpu.memory_space<vmem>>[vector<16xi32>, vector<16xi32>], vector<16xf32>,
        %parallel_loop3A_200 = arith.index_cast %parallel_loop3A_196 : i32 to index
        %parallel_loop3A_201 = arith.constant 0 : index
        %parallel_loop3A_202 = tpu.vector_load %arg9[%parallel_loop3A_200, %parallel_loop3A_201] {strides = array<i32>} : memref<32x690xf32, #tpu.memory_space<vmem>>, vector<16xf32>,
        tpu.vector_store %arg9[%parallel_loop3A_200, %parallel_loop3A_201], %parallel_loop3A_199 {strides = array<i32>} : memref<32x690xf32, #tpu.memory_space<vmem>>, vector<16xf32>,
        %parallel_loop3A_203 = tpu.vector_load_idx %arg7[%parallel_loop3A_198, %get3A_21] : memref<32x690xf32, #tpu.memory_space<vmem>>[vector<16xi32>, vector<16xi32>], vector<16xf32>,
        %parallel_loop3A_204 = arith.index_cast %parallel_loop3A_196 : i32 to index
        %parallel_loop3A_205 = arith.constant 16 : index
        %parallel_loop3A_206 = tpu.vector_load %arg9[%parallel_loop3A_204, %parallel_loop3A_205] {strides = array<i32>} : memref<32x690xf32, #tpu.memory_space<vmem>>, vector<16xf32>,
        tpu.vector_store %arg9[%parallel_loop3A_204, %parallel_loop3A_205], %parallel_loop3A_203 {strides = array<i32>} : memref<32x690xf32, #tpu.memory_space<vmem>>, vector<16xf32>,
        %parallel_loop3A_207 = tpu.vector_load_idx %arg7[%parallel_loop3A_198, %get3A_23] : memref<32x690xf32, #tpu.memory_space<vmem>>[vector<16xi32>, vector<16xi32>], vector<16xf32>,
        %parallel_loop3A_208 = arith.index_cast %parallel_loop3A_196 : i32 to index
        %parallel_loop3A_209 = arith.constant 32 : index
        %parallel_loop3A_210 = tpu.vector_load %arg9[%parallel_loop3A_208, %parallel_loop3A_209] {strides = array<i32>} : memref<32x690xf32, #tpu.memory_space<vmem>>, vector<16xf32>,
        tpu.vector_store %arg9[%parallel_loop3A_208, %parallel_loop3A_209], %parallel_loop3A_207 {strides = array<i32>} : memref<32x690xf32, #tpu.memory_space<vmem>>, vector<16xf32>,
        %parallel_loop3A_211 = tpu.vector_load_idx %arg7[%parallel_loop3A_198, %get3A_25] : memref<32x690xf32, #tpu.memory_space<vmem>>[vector<16xi32>, vector<16xi32>], vector<16xf32>,
        %parallel_loop3A_212 = arith.index_cast %parallel_loop3A_196 : i32 to index
        %parallel_loop3A_213 = arith.constant 48 : index
        %parallel_loop3A_214 = tpu.vector_load %arg9[%parallel_loop3A_212, %parallel_loop3A_213] {strides = array<i32>} : memref<32x690xf32, #tpu.memory_space<vmem>>, vector<16xf32>,
        tpu.vector_store %arg9[%parallel_loop3A_212, %parallel_loop3A_213], %parallel_loop3A_211 {strides = array<i32>} : memref<32x690xf32, #tpu.memory_space<vmem>>, vector<16xf32>,
        %parallel_loop3A_215 = tpu.vector_load_idx %arg7[%parallel_loop3A_198, %get3A_27] : memref<32x690xf32, #tpu.memory_space<vmem>>[vector<16xi32>, vector<16xi32>], vector<16xf32>,
        %parallel_loop3A_216 = arith.index_cast %parallel_loop3A_196 : i32 to index
        %parallel_loop3A_217 = arith.constant 64 : index
        %parallel_loop3A_218 = tpu.vector_load %arg9[%parallel_loop3A_216, %parallel_loop3A_217] {strides = array<i32>} : memref<32x690xf32, #tpu.memory_space<vmem>>, vector<16xf32>,
        tpu.vector_store %arg9[%parallel_loop3A_216, %parallel_loop3A_217], %parallel_loop3A_215 {strides = array<i32>} : memref<32x690xf32, #tpu.memory_space<vmem>>, vector<16xf32>,
        %parallel_loop3A_219 = tpu.vector_load_idx %arg7[%parallel_loop3A_198, %get3A_29] : memref<32x690xf32, #tpu.memory_space<vmem>>[vector<16xi32>, vector<16xi32>], vector<16xf32>,
        %parallel_loop3A_220 = arith.index_cast %parallel_loop3A_196 : i32 to index
        %parallel_loop3A_221 = arith.constant 80 : index
        %parallel_loop3A_222 = tpu.vector_load %arg9[%parallel_loop3A_220, %parallel_loop3A_221] {strides = array<i32>} : memref<32x690xf32, #tpu.memory_space<vmem>>, vector<16xf32>,
        tpu.vector_store %arg9[%parallel_loop3A_220, %parallel_loop3A_221], %parallel_loop3A_219 {strides = array<i32>} : memref<32x690xf32, #tpu.memory_space<vmem>>, vector<16xf32>,
        %parallel_loop3A_223 = tpu.vector_load_idx %arg7[%parallel_loop3A_198, %get3A_31] : memref<32x690xf32, #tpu.memory_space<vmem>>[vector<16xi32>, vector<16xi32>], vector<16xf32>,
        %parallel_loop3A_224 = arith.index_cast %parallel_loop3A_196 : i32 to index
        %parallel_loop3A_225 = arith.constant 96 : index
        %parallel_loop3A_226 = tpu.vector_load %arg9[%parallel_loop3A_224, %parallel_loop3A_225] {strides = array<i32>} : memref<32x690xf32, #tpu.memory_space<vmem>>, vector<16xf32>,
        tpu.vector_store %arg9[%parallel_loop3A_224, %parallel_loop3A_225], %parallel_loop3A_223 {strides = array<i32>} : memref<32x690xf32, #tpu.memory_space<vmem>>, vector<16xf32>,
        %parallel_loop3A_227 = tpu.vector_load_idx %arg7[%parallel_loop3A_198, %get3A_33] : memref<32x690xf32, #tpu.memory_space<vmem>>[vector<16xi32>, vector<16xi32>], vector<16xf32>,
        %parallel_loop3A_228 = arith.index_cast %parallel_loop3A_196 : i32 to index
        %parallel_loop3A_229 = arith.constant 112 : index
        %parallel_loop3A_230 = tpu.vector_load %arg9[%parallel_loop3A_228, %parallel_loop3A_229] {strides = array<i32>} : memref<32x690xf32, #tpu.memory_space<vmem>>, vector<16xf32>,
        tpu.vector_store %arg9[%parallel_loop3A_228, %parallel_loop3A_229], %parallel_loop3A_227 {strides = array<i32>} : memref<32x690xf32, #tpu.memory_space<vmem>>, vector<16xf32>,
        %parallel_loop3A_231 = tpu.vector_load_idx %arg7[%parallel_loop3A_198, %get3A_35] : memref<32x690xf32, #tpu.memory_space<vmem>>[vector<16xi32>, vector<16xi32>], vector<16xf32>,
        %parallel_loop3A_232 = arith.index_cast %parallel_loop3A_196 : i32 to index
        %parallel_loop3A_233 = arith.constant 128 : index
        %parallel_loop3A_234 = tpu.vector_load %arg9[%parallel_loop3A_232, %parallel_loop3A_233] {strides = array<i32>} : memref<32x690xf32, #tpu.memory_space<vmem>>, vector<16xf32>,
        tpu.vector_store %arg9[%parallel_loop3A_232, %parallel_loop3A_233], %parallel_loop3A_231 {strides = array<i32>} : memref<32x690xf32, #tpu.memory_space<vmem>>, vector<16xf32>,
        %parallel_loop3A_235 = tpu.vector_load_idx %arg7[%parallel_loop3A_198, %get3A_37] : memref<32x690xf32, #tpu.memory_space<vmem>>[vector<16xi32>, vector<16xi32>], vector<16xf32>,
        %parallel_loop3A_236 = arith.index_cast %parallel_loop3A_196 : i32 to index
        %parallel_loop3A_237 = arith.constant 144 : index
        %parallel_loop3A_238 = tpu.vector_load %arg9[%parallel_loop3A_236, %parallel_loop3A_237] {strides = array<i32>} : memref<32x690xf32, #tpu.memory_space<vmem>>, vector<16xf32>,
        tpu.vector_store %arg9[%parallel_loop3A_236, %parallel_loop3A_237], %parallel_loop3A_235 {strides = array<i32>} : memref<32x690xf32, #tpu.memory_space<vmem>>, vector<16xf32>,
        %parallel_loop3A_239 = tpu.vector_load_idx %arg7[%parallel_loop3A_198, %get3A_39] : memref<32x690xf32, #tpu.memory_space<vmem>>[vector<16xi32>, vector<16xi32>], vector<16xf32>,
        %parallel_loop3A_240 = arith.index_cast %parallel_loop3A_196 : i32 to index
        %parallel_loop3A_241 = arith.constant 160 : index
        %parallel_loop3A_242 = tpu.vector_load %arg9[%parallel_loop3A_240, %parallel_loop3A_241] {strides = array<i32>} : memref<32x690xf32, #tpu.memory_space<vmem>>, vector<16xf32>,
        tpu.vector_store %arg9[%parallel_loop3A_240, %parallel_loop3A_241], %parallel_loop3A_239 {strides = array<i32>} : memref<32x690xf32, #tpu.memory_space<vmem>>, vector<16xf32>,
        %parallel_loop3A_243 = tpu.vector_load_idx %arg7[%parallel_loop3A_198, %get3A_41] : memref<32x690xf32, #tpu.memory_space<vmem>>[vector<16xi32>, vector<16xi32>], vector<16xf32>,
        %parallel_loop3A_244 = arith.index_cast %parallel_loop3A_196 : i32 to index
        %parallel_loop3A_245 = arith.constant 176 : index
        %parallel_loop3A_246 = tpu.vector_load %arg9[%parallel_loop3A_244, %parallel_loop3A_245] {strides = array<i32>} : memref<32x690xf32, #tpu.memory_space<vmem>>, vector<16xf32>,
        tpu.vector_store %arg9[%parallel_loop3A_244, %parallel_loop3A_245], %parallel_loop3A_243 {strides = array<i32>} : memref<32x690xf32, #tpu.memory_space<vmem>>, vector<16xf32>,
        %parallel_loop3A_247 = tpu.vector_load_idx %arg7[%parallel_loop3A_198, %get3A_43] : memref<32x690xf32, #tpu.memory_space<vmem>>[vector<16xi32>, vector<16xi32>], vector<16xf32>,
        %parallel_loop3A_248 = arith.index_cast %parallel_loop3A_196 : i32 to index
        %parallel_loop3A_249 = arith.constant 192 : index
        %parallel_loop3A_250 = tpu.vector_load %arg9[%parallel_loop3A_248, %parallel_loop3A_249] {strides = array<i32>} : memref<32x690xf32, #tpu.memory_space<vmem>>, vector<16xf32>,
        tpu.vector_store %arg9[%parallel_loop3A_248, %parallel_loop3A_249], %parallel_loop3A_247 {strides = array<i32>} : memref<32x690xf32, #tpu.memory_space<vmem>>, vector<16xf32>,
        %parallel_loop3A_251 = tpu.vector_load_idx %arg7[%parallel_loop3A_198, %get3A_45] : memref<32x690xf32, #tpu.memory_space<vmem>>[vector<16xi32>, vector<16xi32>], vector<16xf32>,
        %parallel_loop3A_252 = arith.index_cast %parallel_loop3A_196 : i32 to index
        %parallel_loop3A_253 = arith.constant 208 : index
        %parallel_loop3A_254 = tpu.vector_load %arg9[%parallel_loop3A_252, %parallel_loop3A_253] {strides = array<i32>} : memref<32x690xf32, #tpu.memory_space<vmem>>, vector<16xf32>,
        tpu.vector_store %arg9[%parallel_loop3A_252, %parallel_loop3A_253], %parallel_loop3A_251 {strides = array<i32>} : memref<32x690xf32, #tpu.memory_space<vmem>>, vector<16xf32>,
        %parallel_loop3A_255 = tpu.vector_load_idx %arg7[%parallel_loop3A_198, %get3A_47] : memref<32x690xf32, #tpu.memory_space<vmem>>[vector<16xi32>, vector<16xi32>], vector<16xf32>,
        %parallel_loop3A_256 = arith.index_cast %parallel_loop3A_196 : i32 to index
        %parallel_loop3A_257 = arith.constant 224 : index
        %parallel_loop3A_258 = tpu.vector_load %arg9[%parallel_loop3A_256, %parallel_loop3A_257] {strides = array<i32>} : memref<32x690xf32, #tpu.memory_space<vmem>>, vector<16xf32>,
        tpu.vector_store %arg9[%parallel_loop3A_256, %parallel_loop3A_257], %parallel_loop3A_255 {strides = array<i32>} : memref<32x690xf32, #tpu.memory_space<vmem>>, vector<16xf32>,
        %parallel_loop3A_259 = tpu.vector_load_idx %arg7[%parallel_loop3A_198, %get3A_49] : memref<32x690xf32, #tpu.memory_space<vmem>>[vector<16xi32>, vector<16xi32>], vector<16xf32>,
        %parallel_loop3A_260 = arith.index_cast %parallel_loop3A_196 : i32 to index
        %parallel_loop3A_261 = arith.constant 240 : index
        %parallel_loop3A_262 = tpu.vector_load %arg9[%parallel_loop3A_260, %parallel_loop3A_261] {strides = array<i32>} : memref<32x690xf32, #tpu.memory_space<vmem>>, vector<16xf32>,
        tpu.vector_store %arg9[%parallel_loop3A_260, %parallel_loop3A_261], %parallel_loop3A_259 {strides = array<i32>} : memref<32x690xf32, #tpu.memory_space<vmem>>, vector<16xf32>,
        %parallel_loop3A_263 = tpu.vector_load_idx %arg7[%parallel_loop3A_198, %get3A_51] : memref<32x690xf32, #tpu.memory_space<vmem>>[vector<16xi32>, vector<16xi32>], vector<16xf32>,
        %parallel_loop3A_264 = arith.index_cast %parallel_loop3A_196 : i32 to index
        %parallel_loop3A_265 = arith.constant 256 : index
        %parallel_loop3A_266 = tpu.vector_load %arg9[%parallel_loop3A_264, %parallel_loop3A_265] {strides = array<i32>} : memref<32x690xf32, #tpu.memory_space<vmem>>, vector<16xf32>,
        tpu.vector_store %arg9[%parallel_loop3A_264, %parallel_loop3A_265], %parallel_loop3A_263 {strides = array<i32>} : memref<32x690xf32, #tpu.memory_space<vmem>>, vector<16xf32>,
        %parallel_loop3A_267 = tpu.vector_load_idx %arg7[%parallel_loop3A_198, %get3A_53] : memref<32x690xf32, #tpu.memory_space<vmem>>[vector<16xi32>, vector<16xi32>], vector<16xf32>,
        %parallel_loop3A_268 = arith.index_cast %parallel_loop3A_196 : i32 to index
        %parallel_loop3A_269 = arith.constant 272 : index
        %parallel_loop3A_270 = tpu.vector_load %arg9[%parallel_loop3A_268, %parallel_loop3A_269] {strides = array<i32>} : memref<32x690xf32, #tpu.memory_space<vmem>>, vector<16xf32>,
        tpu.vector_store %arg9[%parallel_loop3A_268, %parallel_loop3A_269], %parallel_loop3A_267 {strides = array<i32>} : memref<32x690xf32, #tpu.memory_space<vmem>>, vector<16xf32>,
        %parallel_loop3A_271 = tpu.vector_load_idx %arg7[%parallel_loop3A_198, %get3A_55] : memref<32x690xf32, #tpu.memory_space<vmem>>[vector<16xi32>, vector<16xi32>], vector<16xf32>,
        %parallel_loop3A_272 = arith.index_cast %parallel_loop3A_196 : i32 to index
        %parallel_loop3A_273 = arith.constant 288 : index
        %parallel_loop3A_274 = tpu.vector_load %arg9[%parallel_loop3A_272, %parallel_loop3A_273] {strides = array<i32>} : memref<32x690xf32, #tpu.memory_space<vmem>>, vector<16xf32>,
        tpu.vector_store %arg9[%parallel_loop3A_272, %parallel_loop3A_273], %parallel_loop3A_271 {strides = array<i32>} : memref<32x690xf32, #tpu.memory_space<vmem>>, vector<16xf32>,
        %parallel_loop3A_275 = tpu.vector_load_idx %arg7[%parallel_loop3A_198, %get3A_57] : memref<32x690xf32, #tpu.memory_space<vmem>>[vector<16xi32>, vector<16xi32>], vector<16xf32>,
        %parallel_loop3A_276 = arith.index_cast %parallel_loop3A_196 : i32 to index
        %parallel_loop3A_277 = arith.constant 304 : index
        %parallel_loop3A_278 = tpu.vector_load %arg9[%parallel_loop3A_276, %parallel_loop3A_277] {strides = array<i32>} : memref<32x690xf32, #tpu.memory_space<vmem>>, vector<16xf32>,
        tpu.vector_store %arg9[%parallel_loop3A_276, %parallel_loop3A_277], %parallel_loop3A_275 {strides = array<i32>} : memref<32x690xf32, #tpu.memory_space<vmem>>, vector<16xf32>,
        %parallel_loop3A_279 = tpu.vector_load_idx %arg7[%parallel_loop3A_198, %get3A_59] : memref<32x690xf32, #tpu.memory_space<vmem>>[vector<16xi32>, vector<16xi32>], vector<16xf32>,
        %parallel_loop3A_280 = arith.index_cast %parallel_loop3A_196 : i32 to index
        %parallel_loop3A_281 = arith.constant 320 : index
        %parallel_loop3A_282 = tpu.vector_load %arg9[%parallel_loop3A_280, %parallel_loop3A_281] {strides = array<i32>} : memref<32x690xf32, #tpu.memory_space<vmem>>, vector<16xf32>,
        tpu.vector_store %arg9[%parallel_loop3A_280, %parallel_loop3A_281], %parallel_loop3A_279 {strides = array<i32>} : memref<32x690xf32, #tpu.memory_space<vmem>>, vector<16xf32>,
        %parallel_loop3A_283 = tpu.vector_load_idx %arg7[%parallel_loop3A_198, %get3A_61] : memref<32x690xf32, #tpu.memory_space<vmem>>[vector<16xi32>, vector<16xi32>], vector<16xf32>,
        %parallel_loop3A_284 = arith.index_cast %parallel_loop3A_196 : i32 to index
        %parallel_loop3A_285 = arith.constant 336 : index
        %parallel_loop3A_286 = tpu.vector_load %arg9[%parallel_loop3A_284, %parallel_loop3A_285] {strides = array<i32>} : memref<32x690xf32, #tpu.memory_space<vmem>>, vector<16xf32>,
        tpu.vector_store %arg9[%parallel_loop3A_284, %parallel_loop3A_285], %parallel_loop3A_283 {strides = array<i32>} : memref<32x690xf32, #tpu.memory_space<vmem>>, vector<16xf32>,
        %parallel_loop3A_287 = tpu.vector_load_idx %arg7[%parallel_loop3A_198, %get3A_63] : memref<32x690xf32, #tpu.memory_space<vmem>>[vector<16xi32>, vector<16xi32>], vector<16xf32>,
        %parallel_loop3A_288 = arith.index_cast %parallel_loop3A_196 : i32 to index
        %parallel_loop3A_289 = arith.constant 352 : index
        %parallel_loop3A_290 = tpu.vector_load %arg9[%parallel_loop3A_288, %parallel_loop3A_289] {strides = array<i32>} : memref<32x690xf32, #tpu.memory_space<vmem>>, vector<16xf32>,
        tpu.vector_store %arg9[%parallel_loop3A_288, %parallel_loop3A_289], %parallel_loop3A_287 {strides = array<i32>} : memref<32x690xf32, #tpu.memory_space<vmem>>, vector<16xf32>,
        %parallel_loop3A_291 = tpu.vector_load_idx %arg7[%parallel_loop3A_198, %get3A_65] : memref<32x690xf32, #tpu.memory_space<vmem>>[vector<16xi32>, vector<16xi32>], vector<16xf32>,
        %parallel_loop3A_292 = arith.index_cast %parallel_loop3A_196 : i32 to index
        %parallel_loop3A_293 = arith.constant 368 : index
        %parallel_loop3A_294 = tpu.vector_load %arg9[%parallel_loop3A_292, %parallel_loop3A_293] {strides = array<i32>} : memref<32x690xf32, #tpu.memory_space<vmem>>, vector<16xf32>,
        tpu.vector_store %arg9[%parallel_loop3A_292, %parallel_loop3A_293], %parallel_loop3A_291 {strides = array<i32>} : memref<32x690xf32, #tpu.memory_space<vmem>>, vector<16xf32>,
        %parallel_loop3A_295 = tpu.vector_load_idx %arg7[%parallel_loop3A_198, %get3A_67] : memref<32x690xf32, #tpu.memory_space<vmem>>[vector<16xi32>, vector<16xi32>], vector<16xf32>,
        %parallel_loop3A_296 = arith.index_cast %parallel_loop3A_196 : i32 to index
        %parallel_loop3A_297 = arith.constant 384 : index
        %parallel_loop3A_298 = tpu.vector_load %arg9[%parallel_loop3A_296, %parallel_loop3A_297] {strides = array<i32>} : memref<32x690xf32, #tpu.memory_space<vmem>>, vector<16xf32>,
        tpu.vector_store %arg9[%parallel_loop3A_296, %parallel_loop3A_297], %parallel_loop3A_295 {strides = array<i32>} : memref<32x690xf32, #tpu.memory_space<vmem>>, vector<16xf32>,
        %parallel_loop3A_299 = tpu.vector_load_idx %arg7[%parallel_loop3A_198, %get3A_69] : memref<32x690xf32, #tpu.memory_space<vmem>>[vector<16xi32>, vector<16xi32>], vector<16xf32>,
        %parallel_loop3A_300 = arith.index_cast %parallel_loop3A_196 : i32 to index
        %parallel_loop3A_301 = arith.constant 400 : index
        %parallel_loop3A_302 = tpu.vector_load %arg9[%parallel_loop3A_300, %parallel_loop3A_301] {strides = array<i32>} : memref<32x690xf32, #tpu.memory_space<vmem>>, vector<16xf32>,
        tpu.vector_store %arg9[%parallel_loop3A_300, %parallel_loop3A_301], %parallel_loop3A_299 {strides = array<i32>} : memref<32x690xf32, #tpu.memory_space<vmem>>, vector<16xf32>,
        %parallel_loop3A_303 = tpu.vector_load_idx %arg7[%parallel_loop3A_198, %get3A_71] : memref<32x690xf32, #tpu.memory_space<vmem>>[vector<16xi32>, vector<16xi32>], vector<16xf32>,
        %parallel_loop3A_304 = arith.index_cast %parallel_loop3A_196 : i32 to index
        %parallel_loop3A_305 = arith.constant 416 : index
        %parallel_loop3A_306 = tpu.vector_load %arg9[%parallel_loop3A_304, %parallel_loop3A_305] {strides = array<i32>} : memref<32x690xf32, #tpu.memory_space<vmem>>, vector<16xf32>,
        tpu.vector_store %arg9[%parallel_loop3A_304, %parallel_loop3A_305], %parallel_loop3A_303 {strides = array<i32>} : memref<32x690xf32, #tpu.memory_space<vmem>>, vector<16xf32>,
        %parallel_loop3A_307 = tpu.vector_load_idx %arg7[%parallel_loop3A_198, %get3A_73] : memref<32x690xf32, #tpu.memory_space<vmem>>[vector<16xi32>, vector<16xi32>], vector<16xf32>,
        %parallel_loop3A_308 = arith.index_cast %parallel_loop3A_196 : i32 to index
        %parallel_loop3A_309 = arith.constant 432 : index
        %parallel_loop3A_310 = tpu.vector_load %arg9[%parallel_loop3A_308, %parallel_loop3A_309] {strides = array<i32>} : memref<32x690xf32, #tpu.memory_space<vmem>>, vector<16xf32>,
        tpu.vector_store %arg9[%parallel_loop3A_308, %parallel_loop3A_309], %parallel_loop3A_307 {strides = array<i32>} : memref<32x690xf32, #tpu.memory_space<vmem>>, vector<16xf32>,
        %parallel_loop3A_311 = tpu.vector_load_idx %arg7[%parallel_loop3A_198, %get3A_75] : memref<32x690xf32, #tpu.memory_space<vmem>>[vector<16xi32>, vector<16xi32>], vector<16xf32>,
        %parallel_loop3A_312 = arith.index_cast %parallel_loop3A_196 : i32 to index
        %parallel_loop3A_313 = arith.constant 448 : index
        %parallel_loop3A_314 = tpu.vector_load %arg9[%parallel_loop3A_312, %parallel_loop3A_313] {strides = array<i32>} : memref<32x690xf32, #tpu.memory_space<vmem>>, vector<16xf32>,
        tpu.vector_store %arg9[%parallel_loop3A_312, %parallel_loop3A_313], %parallel_loop3A_311 {strides = array<i32>} : memref<32x690xf32, #tpu.memory_space<vmem>>, vector<16xf32>,
        %parallel_loop3A_315 = tpu.vector_load_idx %arg7[%parallel_loop3A_198, %get3A_77] : memref<32x690xf32, #tpu.memory_space<vmem>>[vector<16xi32>, vector<16xi32>], vector<16xf32>,
        %parallel_loop3A_316 = arith.index_cast %parallel_loop3A_196 : i32 to index
        %parallel_loop3A_317 = arith.constant 464 : index
        %parallel_loop3A_318 = tpu.vector_load %arg9[%parallel_loop3A_316, %parallel_loop3A_317] {strides = array<i32>} : memref<32x690xf32, #tpu.memory_space<vmem>>, vector<16xf32>,
        tpu.vector_store %arg9[%parallel_loop3A_316, %parallel_loop3A_317], %parallel_loop3A_315 {strides = array<i32>} : memref<32x690xf32, #tpu.memory_space<vmem>>, vector<16xf32>,
        %parallel_loop3A_319 = tpu.vector_load_idx %arg7[%parallel_loop3A_198, %get3A_79] : memref<32x690xf32, #tpu.memory_space<vmem>>[vector<16xi32>, vector<16xi32>], vector<16xf32>,
        %parallel_loop3A_320 = arith.index_cast %parallel_loop3A_196 : i32 to index
        %parallel_loop3A_321 = arith.constant 480 : index
        %parallel_loop3A_322 = tpu.vector_load %arg9[%parallel_loop3A_320, %parallel_loop3A_321] {strides = array<i32>} : memref<32x690xf32, #tpu.memory_space<vmem>>, vector<16xf32>,
        tpu.vector_store %arg9[%parallel_loop3A_320, %parallel_loop3A_321], %parallel_loop3A_319 {strides = array<i32>} : memref<32x690xf32, #tpu.memory_space<vmem>>, vector<16xf32>,
        %parallel_loop3A_323 = tpu.vector_load_idx %arg7[%parallel_loop3A_198, %get3A_81] : memref<32x690xf32, #tpu.memory_space<vmem>>[vector<16xi32>, vector<16xi32>], vector<16xf32>,
        %parallel_loop3A_324 = arith.index_cast %parallel_loop3A_196 : i32 to index
        %parallel_loop3A_325 = arith.constant 496 : index
        %parallel_loop3A_326 = tpu.vector_load %arg9[%parallel_loop3A_324, %parallel_loop3A_325] {strides = array<i32>} : memref<32x690xf32, #tpu.memory_space<vmem>>, vector<16xf32>,
        tpu.vector_store %arg9[%parallel_loop3A_324, %parallel_loop3A_325], %parallel_loop3A_323 {strides = array<i32>} : memref<32x690xf32, #tpu.memory_space<vmem>>, vector<16xf32>,
        %parallel_loop3A_327 = tpu.vector_load_idx %arg7[%parallel_loop3A_198, %get3A_83] : memref<32x690xf32, #tpu.memory_space<vmem>>[vector<16xi32>, vector<16xi32>], vector<16xf32>,
        %parallel_loop3A_328 = arith.index_cast %parallel_loop3A_196 : i32 to index
        %parallel_loop3A_329 = arith.constant 512 : index
        %parallel_loop3A_330 = tpu.vector_load %arg9[%parallel_loop3A_328, %parallel_loop3A_329] {strides = array<i32>} : memref<32x690xf32, #tpu.memory_space<vmem>>, vector<16xf32>,
        tpu.vector_store %arg9[%parallel_loop3A_328, %parallel_loop3A_329], %parallel_loop3A_327 {strides = array<i32>} : memref<32x690xf32, #tpu.memory_space<vmem>>, vector<16xf32>,
        %parallel_loop3A_331 = tpu.vector_load_idx %arg7[%parallel_loop3A_198, %get3A_85] : memref<32x690xf32, #tpu.memory_space<vmem>>[vector<16xi32>, vector<16xi32>], vector<16xf32>,
        %parallel_loop3A_332 = arith.index_cast %parallel_loop3A_196 : i32 to index
        %parallel_loop3A_333 = arith.constant 528 : index
        %parallel_loop3A_334 = tpu.vector_load %arg9[%parallel_loop3A_332, %parallel_loop3A_333] {strides = array<i32>} : memref<32x690xf32, #tpu.memory_space<vmem>>, vector<16xf32>,
        tpu.vector_store %arg9[%parallel_loop3A_332, %parallel_loop3A_333], %parallel_loop3A_331 {strides = array<i32>} : memref<32x690xf32, #tpu.memory_space<vmem>>, vector<16xf32>,
        %parallel_loop3A_335 = tpu.vector_load_idx %arg7[%parallel_loop3A_198, %get3A_87] : memref<32x690xf32, #tpu.memory_space<vmem>>[vector<16xi32>, vector<16xi32>], vector<16xf32>,
        %parallel_loop3A_336 = arith.index_cast %parallel_loop3A_196 : i32 to index
        %parallel_loop3A_337 = arith.constant 544 : index
        %parallel_loop3A_338 = tpu.vector_load %arg9[%parallel_loop3A_336, %parallel_loop3A_337] {strides = array<i32>} : memref<32x690xf32, #tpu.memory_space<vmem>>, vector<16xf32>,
        tpu.vector_store %arg9[%parallel_loop3A_336, %parallel_loop3A_337], %parallel_loop3A_335 {strides = array<i32>} : memref<32x690xf32, #tpu.memory_space<vmem>>, vector<16xf32>,
        %parallel_loop3A_339 = tpu.vector_load_idx %arg7[%parallel_loop3A_198, %get3A_89] : memref<32x690xf32, #tpu.memory_space<vmem>>[vector<16xi32>, vector<16xi32>], vector<16xf32>,
        %parallel_loop3A_340 = arith.index_cast %parallel_loop3A_196 : i32 to index
        %parallel_loop3A_341 = arith.constant 560 : index
        %parallel_loop3A_342 = tpu.vector_load %arg9[%parallel_loop3A_340, %parallel_loop3A_341] {strides = array<i32>} : memref<32x690xf32, #tpu.memory_space<vmem>>, vector<16xf32>,
        tpu.vector_store %arg9[%parallel_loop3A_340, %parallel_loop3A_341], %parallel_loop3A_339 {strides = array<i32>} : memref<32x690xf32, #tpu.memory_space<vmem>>, vector<16xf32>,
        %parallel_loop3A_343 = tpu.vector_load_idx %arg7[%parallel_loop3A_198, %get3A_91] : memref<32x690xf32, #tpu.memory_space<vmem>>[vector<16xi32>, vector<16xi32>], vector<16xf32>,
        %parallel_loop3A_344 = arith.index_cast %parallel_loop3A_196 : i32 to index
        %parallel_loop3A_345 = arith.constant 576 : index
        %parallel_loop3A_346 = tpu.vector_load %arg9[%parallel_loop3A_344, %parallel_loop3A_345] {strides = array<i32>} : memref<32x690xf32, #tpu.memory_space<vmem>>, vector<16xf32>,
        tpu.vector_store %arg9[%parallel_loop3A_344, %parallel_loop3A_345], %parallel_loop3A_343 {strides = array<i32>} : memref<32x690xf32, #tpu.memory_space<vmem>>, vector<16xf32>,
        %parallel_loop3A_347 = tpu.vector_load_idx %arg7[%parallel_loop3A_198, %get3A_93] : memref<32x690xf32, #tpu.memory_space<vmem>>[vector<16xi32>, vector<16xi32>], vector<16xf32>,
        %parallel_loop3A_348 = arith.index_cast %parallel_loop3A_196 : i32 to index
        %parallel_loop3A_349 = arith.constant 592 : index
        %parallel_loop3A_350 = tpu.vector_load %arg9[%parallel_loop3A_348, %parallel_loop3A_349] {strides = array<i32>} : memref<32x690xf32, #tpu.memory_space<vmem>>, vector<16xf32>,
        tpu.vector_store %arg9[%parallel_loop3A_348, %parallel_loop3A_349], %parallel_loop3A_347 {strides = array<i32>} : memref<32x690xf32, #tpu.memory_space<vmem>>, vector<16xf32>,
        %parallel_loop3A_351 = tpu.vector_load_idx %arg7[%parallel_loop3A_198, %get3A_95] : memref<32x690xf32, #tpu.memory_space<vmem>>[vector<16xi32>, vector<16xi32>], vector<16xf32>,
        %parallel_loop3A_352 = arith.index_cast %parallel_loop3A_196 : i32 to index
        %parallel_loop3A_353 = arith.constant 608 : index
        %parallel_loop3A_354 = tpu.vector_load %arg9[%parallel_loop3A_352, %parallel_loop3A_353] {strides = array<i32>} : memref<32x690xf32, #tpu.memory_space<vmem>>, vector<16xf32>,
        tpu.vector_store %arg9[%parallel_loop3A_352, %parallel_loop3A_353], %parallel_loop3A_351 {strides = array<i32>} : memref<32x690xf32, #tpu.memory_space<vmem>>, vector<16xf32>,
        %parallel_loop3A_355 = tpu.vector_load_idx %arg7[%parallel_loop3A_198, %get3A_97] : memref<32x690xf32, #tpu.memory_space<vmem>>[vector<16xi32>, vector<16xi32>], vector<16xf32>,
        %parallel_loop3A_356 = arith.index_cast %parallel_loop3A_196 : i32 to index
        %parallel_loop3A_357 = arith.constant 624 : index
        %parallel_loop3A_358 = tpu.vector_load %arg9[%parallel_loop3A_356, %parallel_loop3A_357] {strides = array<i32>} : memref<32x690xf32, #tpu.memory_space<vmem>>, vector<16xf32>,
        tpu.vector_store %arg9[%parallel_loop3A_356, %parallel_loop3A_357], %parallel_loop3A_355 {strides = array<i32>} : memref<32x690xf32, #tpu.memory_space<vmem>>, vector<16xf32>,
        %parallel_loop3A_359 = tpu.vector_load_idx %arg7[%parallel_loop3A_198, %get3A_99] : memref<32x690xf32, #tpu.memory_space<vmem>>[vector<16xi32>, vector<16xi32>], vector<16xf32>,
        %parallel_loop3A_360 = arith.index_cast %parallel_loop3A_196 : i32 to index
        %parallel_loop3A_361 = arith.constant 640 : index
        %parallel_loop3A_362 = tpu.vector_load %arg9[%parallel_loop3A_360, %parallel_loop3A_361] {strides = array<i32>} : memref<32x690xf32, #tpu.memory_space<vmem>>, vector<16xf32>,
        tpu.vector_store %arg9[%parallel_loop3A_360, %parallel_loop3A_361], %parallel_loop3A_359 {strides = array<i32>} : memref<32x690xf32, #tpu.memory_space<vmem>>, vector<16xf32>,
        %parallel_loop3A_363 = tpu.vector_load_idx %arg7[%parallel_loop3A_198, %get3A_101] : memref<32x690xf32, #tpu.memory_space<vmem>>[vector<16xi32>, vector<16xi32>], vector<16xf32>,
        %parallel_loop3A_364 = arith.index_cast %parallel_loop3A_196 : i32 to index
        %parallel_loop3A_365 = arith.constant 656 : index
        %parallel_loop3A_366 = tpu.vector_load %arg9[%parallel_loop3A_364, %parallel_loop3A_365] {strides = array<i32>} : memref<32x690xf32, #tpu.memory_space<vmem>>, vector<16xf32>,
        tpu.vector_store %arg9[%parallel_loop3A_364, %parallel_loop3A_365], %parallel_loop3A_363 {strides = array<i32>} : memref<32x690xf32, #tpu.memory_space<vmem>>, vector<16xf32>,
        %parallel_loop3A_367 = tpu.vector_load_idx %arg7[%parallel_loop3A_198, %get3A_103] : memref<32x690xf32, #tpu.memory_space<vmem>>[vector<16xi32>, vector<16xi32>], vector<16xf32>,
        %parallel_loop3A_368 = arith.index_cast %parallel_loop3A_196 : i32 to index
        %parallel_loop3A_369 = arith.constant 672 : index
        %parallel_loop3A_370 = tpu.vector_load %arg9[%parallel_loop3A_368, %parallel_loop3A_369] {strides = array<i32>} : memref<32x690xf32, #tpu.memory_space<vmem>>, vector<16xf32>,
        tpu.vector_store %arg9[%parallel_loop3A_368, %parallel_loop3A_369], %parallel_loop3A_367 {strides = array<i32>} : memref<32x690xf32, #tpu.memory_space<vmem>>, vector<16xf32>,
        %parallel_loop3A_371 = tpu.vector_load_idx %arg7[%parallel_loop3A_198, %get3A_105] : memref<32x690xf32, #tpu.memory_space<vmem>>[vector<16xi32>, vector<16xi32>], vector<16xf32>,
        tpu.vector_store_idx %arg9[%parallel_loop3A_198, %add3A_18], %parallel_loop3A_371 : memref<32x690xf32, #tpu.memory_space<vmem>>[vector<16xi32>, vector<16xi32>], vector<16xf32>,
      } {sc.loop_unroll_factor = 1 : i64, sc.parallel_access}
      %mul3A_180 = arith.constant 32 : i32
      %mul3A_181 = arith.muli %add3A_162, %mul3A_180 : i32
      %add3A_182 = arith.addi %mul3A_0, %mul3A_181 : i32
      %dma_start3A_183 = arith.constant 0 : i32
      %dma_start3A_184 = tpu.memref_slice %arg4[%arg1, %add3A_182, %dma_start3A_183] : memref<16x1024x690xf32, #tpu.memory_space<hbm>> -> memref<1x32x690xf32, #tpu.memory_space<hbm>>
      %dma_start3A_185 = tpu.memref_squeeze %dma_start3A_184 : memref<1x32x690xf32, #tpu.memory_space<hbm>> -> memref<32x690xf32, #tpu.memory_space<hbm>>
      %dma_start3A_186 = arith.constant 0 : i32
      %dma_start3A_187 = tpu.memref_slice %arg4[%arg1, %add3A_182, %dma_start3A_186] : memref<16x1024x690xf32, #tpu.memory_space<hbm>> -> memref<1x32x690xf32, #tpu.memory_space<hbm>>
      %dma_start3A_188 = tpu.memref_squeeze %dma_start3A_187 : memref<1x32x690xf32, #tpu.memory_space<hbm>> -> memref<32x690xf32, #tpu.memory_space<hbm>>
      tpu.enqueue_dma source(%arg9 : memref<32x690xf32, #tpu.memory_space<vmem>>) target(%dma_start3A_188 : memref<32x690xf32, #tpu.memory_space<hbm>>) target_semaphore(%arg13 : memref<!tpu.dma_semaphore, #tpu.memory_space<semaphore_mem>>)
      %add3A_189 = arith.constant 2 : i32
      %add3A_190 = arith.addi %add3A_162, %add3A_189 : i32
      %lt3A_191 = arith.constant 16 : i32
      %lt3A_192 = arith.cmpi slt, %add3A_190, %lt3A_191 : i32
      %convert_element_type3A_193 = arith.extui %lt3A_192 : i1 to i32
      %cond3A_194 = arith.constant 0 : i32
      %cond3A_195 = arith.cmpi ne, %convert_element_type3A_193, %cond3A_194 : i32
      scf.if %cond3A_195 {
        %add3A_196 = arith.constant 2 : i32
        %add3A_197 = arith.addi %add3A_162, %add3A_196 : i32
        %mul3A_198 = arith.constant 32 : i32
        %mul3A_199 = arith.muli %add3A_197, %mul3A_198 : i32
        %add3A_200 = arith.addi %mul3A_0, %mul3A_199 : i32
        %dma_start3A_201 = arith.constant 0 : i32
        %dma_start3A_202 = tpu.memref_slice %arg2[%arg1, %add3A_200, %dma_start3A_201] : memref<16x1024x690xf32, #tpu.memory_space<hbm>> -> memref<1x32x690xf32, #tpu.memory_space<hbm>>
        %dma_start3A_203 = tpu.memref_squeeze %dma_start3A_202 : memref<1x32x690xf32, #tpu.memory_space<hbm>> -> memref<32x690xf32, #tpu.memory_space<hbm>>
        %dma_start3A_204 = arith.constant 0 : i32
        %dma_start3A_205 = tpu.memref_slice %arg2[%arg1, %add3A_200, %dma_start3A_204] : memref<16x1024x690xf32, #tpu.memory_space<hbm>> -> memref<1x32x690xf32, #tpu.memory_space<hbm>>
        %dma_start3A_206 = tpu.memref_squeeze %dma_start3A_205 : memref<1x32x690xf32, #tpu.memory_space<hbm>> -> memref<32x690xf32, #tpu.memory_space<hbm>>
        tpu.enqueue_dma source(%dma_start3A_206 : memref<32x690xf32, #tpu.memory_space<hbm>>) target(%arg7 : memref<32x690xf32, #tpu.memory_space<vmem>>) target_semaphore(%arg11 : memref<!tpu.dma_semaphore, #tpu.memory_space<semaphore_mem>>)
      } else {
      }
    }
    %scan3A_110 = arith.constant 8 : i32
    %add3A_111 = arith.constant 448 : i32
    %add3A_112 = arith.addi %mul3A_0, %add3A_111 : i32
    %dma_wait3A = arith.constant 0 : i32
    %dma_wait3A_113 = tpu.memref_slice %arg4[%arg1, %add3A_112, %dma_wait3A] : memref<16x1024x690xf32, #tpu.memory_space<hbm>> -> memref<1x32x690xf32, #tpu.memory_space<hbm>>
    %dma_wait3A_114 = tpu.memref_squeeze %dma_wait3A_113 : memref<1x32x690xf32, #tpu.memory_space<hbm>> -> memref<32x690xf32, #tpu.memory_space<hbm>>
    %dma_wait3A_115 = arith.constant 0 : i32
    %dma_wait3A_116 = tpu.memref_slice %arg4[%arg1, %add3A_112, %dma_wait3A_115] : memref<16x1024x690xf32, #tpu.memory_space<hbm>> -> memref<1x32x690xf32, #tpu.memory_space<hbm>>
    %dma_wait3A_117 = tpu.memref_squeeze %dma_wait3A_116 : memref<1x32x690xf32, #tpu.memory_space<hbm>> -> memref<32x690xf32, #tpu.memory_space<hbm>>
    tpu.wait_dma2 semaphore(%arg12 : memref<!tpu.dma_semaphore, #tpu.memory_space<semaphore_mem>>) src(%arg8 : memref<32x690xf32, #tpu.memory_space<vmem>>) dst(%dma_wait3A_117 : memref<32x690xf32, #tpu.memory_space<hbm>>)
    %add3A_118 = arith.constant 480 : i32
    %add3A_119 = arith.addi %mul3A_0, %add3A_118 : i32
    %dma_wait3A_120 = arith.constant 0 : i32
    %dma_wait3A_121 = tpu.memref_slice %arg4[%arg1, %add3A_119, %dma_wait3A_120] : memref<16x1024x690xf32, #tpu.memory_space<hbm>> -> memref<1x32x690xf32, #tpu.memory_space<hbm>>
    %dma_wait3A_122 = tpu.memref_squeeze %dma_wait3A_121 : memref<1x32x690xf32, #tpu.memory_space<hbm>> -> memref<32x690xf32, #tpu.memory_space<hbm>>
    %dma_wait3A_123 = arith.constant 0 : i32
    %dma_wait3A_124 = tpu.memref_slice %arg4[%arg1, %add3A_119, %dma_wait3A_123] : memref<16x1024x690xf32, #tpu.memory_space<hbm>> -> memref<1x32x690xf32, #tpu.memory_space<hbm>>
    %dma_wait3A_125 = tpu.memref_squeeze %dma_wait3A_124 : memref<1x32x690xf32, #tpu.memory_space<hbm>> -> memref<32x690xf32, #tpu.memory_space<hbm>>
    tpu.wait_dma2 semaphore(%arg13 : memref<!tpu.dma_semaphore, #tpu.memory_space<semaphore_mem>>) src(%arg9 : memref<32x690xf32, #tpu.memory_space<vmem>>) dst(%dma_wait3A_125 : memref<32x690xf32, #tpu.memory_space<hbm>>)
    return
  }
}

module attributes {stable_mosaic.version = 14 : i64} {
  func.func @_perm_kernel(%arg0: memref<8x1x690xf32, #tpu.memory_space<vmem>>, %arg1: memref<692x692xf32, #tpu.memory_space<vmem>>, %arg2: memref<1x704xi32, #tpu.memory_space<vmem>>) attributes {dimension_semantics = [], scalar_prefetch = 0 : i64, scratch_operands = 0 : i64, tpu.core_type = #tpu.core_type<tc>} {
    %get3A = arith.constant 0 : index
    %get3A_0 = arith.constant 0 : index
    %get3A_1 = arith.constant 0 : index
    %get3A_2 = vector.load %arg0[%get3A, %get3A_0, %get3A_1] : memref<8x1x690xf32, #tpu.memory_space<vmem>>, vector<8x1x690xf32>
    %reduce_sum3A = arith.constant dense<0.000000e+00> : vector<690xf32>
    %reduce_sum3A_3 = vector.multi_reduction <add>, %get3A_2, %reduce_sum3A [0, 1] : vector<8x1x690xf32> to vector<690xf32>
    %broadcast_in_dim3A = vector.shape_cast %reduce_sum3A_3 : vector<690xf32> to vector<1x690xf32>
    %iota3A = tpu.iota {dimensions = array<i32: 1>} : vector<1x690xi32>
    %convert_element_type3A = arith.sitofp %iota3A : vector<1x690xi32> to vector<1x690xf32>
    %reduce_sum3A_4 = vector.shape_cast %broadcast_in_dim3A : vector<1x690xf32> to vector<1x1x690xf32>
    %reduce_sum3A_5 = arith.constant dense<0.000000e+00> : vector<1xf32>
    %reduce_sum3A_6 = vector.multi_reduction <add>, %reduce_sum3A_4, %reduce_sum3A_5 [1, 2] : vector<1x1x690xf32> to vector<1xf32>
    %reduce_sum3A_7 = vector.shape_cast %reduce_sum3A_6 : vector<1xf32> to vector<1x1x1xf32>
    %reduce_sum3A_8 = vector.extract %reduce_sum3A_7[0, 0, 0] : f32 from vector<1x1x1xf32>
    %div3A = arith.constant 0x4B2C8000 : f32
    %div3A_9 = arith.divf %reduce_sum3A_8, %div3A : f32
    %iota3A_10 = tpu.iota {dimensions = array<i32: 0>} : vector<690x690xi32>
    %convert_element_type3A_11 = arith.sitofp %iota3A_10 : vector<690x690xi32> to vector<690x690xf32>
    %iota3A_12 = tpu.iota {dimensions = array<i32: 1>} : vector<690x690xi32>
    %convert_element_type3A_13 = arith.sitofp %iota3A_12 : vector<690x690xi32> to vector<690x690xf32>
    %ge3A = arith.cmpf oge, %convert_element_type3A_11, %convert_element_type3A_13 : vector<690x690xf32>
    %add3A = arith.constant 3.000000e+00 : f32
    %add3A_14 = vector.broadcast %add3A : f32 to vector<690x690xf32>
    %add3A_15 = arith.addf %convert_element_type3A_13, %add3A_14 : vector<690x690xf32>
    %le3A = arith.cmpf ole, %convert_element_type3A_11, %add3A_15 : vector<690x690xf32>
    %and3A = arith.andi %ge3A, %le3A : vector<690x690xi1>
    %convert_element_type3A_16 = arith.extui %and3A : vector<690x690xi1> to vector<690x690xi32>
    %convert_element_type3A_17 = arith.sitofp %convert_element_type3A_16 : vector<690x690xi32> to vector<690x690xf32>
    %dot_general3A = arith.constant dense<0.000000e+00> : vector<1x690xf32>
    %dot_general3A_18 = tpu.matmul %broadcast_in_dim3A, %convert_element_type3A_17, %dot_general3A {dimension_numbers = #tpu.dot_dimension_numbers<[1], [0], [0], [1], [0, 0, 1, 1], [], []>, precision = #tpu.contract_precision<fp32>, transpose_lhs_hint = false} : vector<1x690xf32>, vector<690x690xf32>, vector<1x690xf32> -> vector<1x690xf32>
    %sub3A = arith.constant 6.900000e+02 : f32
    %sub3A_19 = vector.broadcast %sub3A : f32 to vector<1x690xf32>
    %sub3A_20 = arith.subf %sub3A_19, %convert_element_type3A : vector<1x690xf32>
    %min3A = arith.constant 4.000000e+00 : f32
    %min3A_21 = vector.broadcast %min3A : f32 to vector<1x690xf32>
    %min3A_22 = arith.minimumf %min3A_21, %sub3A_20 : vector<1x690xf32>
    %mul3A = arith.constant 1.638400e+04 : f32
    %mul3A_23 = vector.broadcast %mul3A : f32 to vector<1x690xf32>
    %mul3A_24 = arith.mulf %mul3A_23, %min3A_22 : vector<1x690xf32>
    %div3A_25 = arith.divf %dot_general3A_18, %mul3A_24 : vector<1x690xf32>
    %ge3A_26 = vector.broadcast %div3A_9 : f32 to vector<1x690xf32>
    %ge3A_27 = arith.cmpf oge, %div3A_25, %ge3A_26 : vector<1x690xf32>
    %convert_element_type3A_28 = arith.extui %ge3A_27 : vector<1x690xi1> to vector<1x690xi32>
    %convert_element_type3A_29 = arith.sitofp %convert_element_type3A_28 : vector<1x690xi32> to vector<1x690xf32>
    %broadcast_in_dim3A_30 = arith.constant 0.000000e+00 : f32
    %broadcast_in_dim3A_31 = vector.broadcast %broadcast_in_dim3A_30 : f32 to vector<1x1xf32>
    %slice3A = vector.extract_strided_slice %convert_element_type3A_29 {offsets = [0, 0], sizes = [1, 689], strides = [1, 1]} : vector<1x690xf32> to vector<1x689xf32>
    %concatenate3A = tpu.concatenate %broadcast_in_dim3A_31, %slice3A in 1 : vector<1x1xf32>, vector<1x689xf32> -> vector<1x690xf32>
    %slice3A_32 = vector.extract_strided_slice %convert_element_type3A_29 {offsets = [0, 1], sizes = [1, 689], strides = [1, 1]} : vector<1x690xf32> to vector<1x689xf32>
    %concatenate3A_33 = tpu.concatenate %slice3A_32, %broadcast_in_dim3A_31 in 1 : vector<1x689xf32>, vector<1x1xf32> -> vector<1x690xf32>
    %sub3A_34 = arith.constant 1.000000e+00 : f32
    %sub3A_35 = vector.broadcast %sub3A_34 : f32 to vector<1x690xf32>
    %sub3A_36 = arith.subf %sub3A_35, %concatenate3A : vector<1x690xf32>
    %mul3A_37 = arith.mulf %convert_element_type3A_29, %sub3A_36 : vector<1x690xf32>
    %sub3A_38 = arith.constant 1.000000e+00 : f32
    %sub3A_39 = vector.broadcast %sub3A_38 : f32 to vector<1x690xf32>
    %sub3A_40 = arith.subf %sub3A_39, %concatenate3A_33 : vector<1x690xf32>
    %mul3A_41 = arith.mulf %convert_element_type3A_29, %sub3A_40 : vector<1x690xf32>
    %reduce_sum3A_42 = vector.shape_cast %mul3A_37 : vector<1x690xf32> to vector<1x1x690xf32>
    %reduce_sum3A_43 = arith.constant dense<0.000000e+00> : vector<1xf32>
    %reduce_sum3A_44 = vector.multi_reduction <add>, %reduce_sum3A_42, %reduce_sum3A_43 [1, 2] : vector<1x1x690xf32> to vector<1xf32>
    %reduce_sum3A_45 = vector.shape_cast %reduce_sum3A_44 : vector<1xf32> to vector<1x1x1xf32>
    %reduce_sum3A_46 = vector.extract %reduce_sum3A_45[0, 0, 0] : f32 from vector<1x1x1xf32>
    %le3A_47 = arith.cmpf ole, %convert_element_type3A_11, %convert_element_type3A_13 : vector<690x690xf32>
    %convert_element_type3A_48 = arith.extui %le3A_47 : vector<690x690xi1> to vector<690x690xi32>
    %convert_element_type3A_49 = arith.sitofp %convert_element_type3A_48 : vector<690x690xi32> to vector<690x690xf32>
    %dot_general3A_50 = arith.constant dense<0.000000e+00> : vector<1x690xf32>
    %dot_general3A_51 = tpu.matmul %mul3A_37, %convert_element_type3A_49, %dot_general3A_50 {dimension_numbers = #tpu.dot_dimension_numbers<[1], [0], [0], [1], [0, 0, 1, 1], [], []>, precision = #tpu.contract_precision<fp32>, transpose_lhs_hint = false} : vector<1x690xf32>, vector<690x690xf32>, vector<1x690xf32> -> vector<1x690xf32>
    %dot_general3A_52 = arith.constant dense<0.000000e+00> : vector<1x690xf32>
    %dot_general3A_53 = tpu.matmul %mul3A_41, %convert_element_type3A_49, %dot_general3A_52 {dimension_numbers = #tpu.dot_dimension_numbers<[1], [0], [0], [1], [0, 0, 1, 1], [], []>, precision = #tpu.contract_precision<fp32>, transpose_lhs_hint = false} : vector<1x690xf32>, vector<690x690xf32>, vector<1x690xf32> -> vector<1x690xf32>
    %iota3A_54 = tpu.iota {dimensions = array<i32: 1>} : vector<690x692xi32>
    %convert_element_type3A_55 = arith.sitofp %iota3A_54 : vector<690x692xi32> to vector<690x692xf32>
    %reshape3A = vector.shape_cast %mul3A_37 : vector<1x690xf32> to vector<690x1xf32>
    %reshape3A_56 = vector.shape_cast %dot_general3A_51 : vector<1x690xf32> to vector<690x1xf32>
    %sub3A_57 = arith.constant 1.000000e+00 : f32
    %sub3A_58 = vector.broadcast %sub3A_57 : f32 to vector<690x1xf32>
    %sub3A_59 = arith.subf %reshape3A_56, %sub3A_58 : vector<690x1xf32>
    %eq3A = vector.broadcast %sub3A_59 : vector<690x1xf32> to vector<690x692xf32>
    %eq3A_60 = arith.cmpf oeq, %eq3A, %convert_element_type3A_55 : vector<690x692xf32>
    %convert_element_type3A_61 = arith.extui %eq3A_60 : vector<690x692xi1> to vector<690x692xi32>
    %convert_element_type3A_62 = arith.sitofp %convert_element_type3A_61 : vector<690x692xi32> to vector<690x692xf32>
    %mul3A_63 = vector.broadcast %reshape3A : vector<690x1xf32> to vector<690x692xf32>
    %mul3A_64 = arith.mulf %mul3A_63, %convert_element_type3A_62 : vector<690x692xf32>
    %reshape3A_65 = vector.shape_cast %mul3A_41 : vector<1x690xf32> to vector<690x1xf32>
    %reshape3A_66 = vector.shape_cast %dot_general3A_53 : vector<1x690xf32> to vector<690x1xf32>
    %sub3A_67 = arith.constant 1.000000e+00 : f32
    %sub3A_68 = vector.broadcast %sub3A_67 : f32 to vector<690x1xf32>
    %sub3A_69 = arith.subf %reshape3A_66, %sub3A_68 : vector<690x1xf32>
    %eq3A_70 = vector.broadcast %sub3A_69 : vector<690x1xf32> to vector<690x692xf32>
    %eq3A_71 = arith.cmpf oeq, %eq3A_70, %convert_element_type3A_55 : vector<690x692xf32>
    %convert_element_type3A_72 = arith.extui %eq3A_71 : vector<690x692xi1> to vector<690x692xi32>
    %convert_element_type3A_73 = arith.sitofp %convert_element_type3A_72 : vector<690x692xi32> to vector<690x692xf32>
    %mul3A_74 = vector.broadcast %reshape3A_65 : vector<690x1xf32> to vector<690x692xf32>
    %mul3A_75 = arith.mulf %mul3A_74, %convert_element_type3A_73 : vector<690x692xf32>
    %iota3A_76 = tpu.iota {dimensions = array<i32: 1>} : vector<1x692xi32>
    %convert_element_type3A_77 = arith.sitofp %iota3A_76 : vector<1x692xi32> to vector<1x692xf32>
    %ge3A_78 = vector.broadcast %reduce_sum3A_46 : f32 to vector<1x692xf32>
    %ge3A_79 = arith.cmpf oge, %convert_element_type3A_77, %ge3A_78 : vector<1x692xf32>
    %convert_element_type3A_80 = arith.extui %ge3A_79 : vector<1x692xi1> to vector<1x692xi32>
    %convert_element_type3A_81 = arith.sitofp %convert_element_type3A_80 : vector<1x692xi32> to vector<1x692xf32>
    %mul3A_82 = arith.constant 6.900000e+02 : f32
    %mul3A_83 = vector.broadcast %mul3A_82 : f32 to vector<1x692xf32>
    %mul3A_84 = arith.mulf %mul3A_83, %convert_element_type3A_81 : vector<1x692xf32>
    %dot_general3A_85 = arith.constant dense<0.000000e+00> : vector<1x692xf32>
    %dot_general3A_86 = tpu.matmul %convert_element_type3A, %mul3A_64, %dot_general3A_85 {dimension_numbers = #tpu.dot_dimension_numbers<[1], [0], [0], [1], [0, 0, 1, 1], [], []>, precision = #tpu.contract_precision<fp32>, transpose_lhs_hint = false} : vector<1x690xf32>, vector<690x692xf32>, vector<1x692xf32> -> vector<1x692xf32>
    %add3A_87 = arith.addf %dot_general3A_86, %mul3A_84 : vector<1x692xf32>
    %dot_general3A_88 = arith.constant dense<0.000000e+00> : vector<1x692xf32>
    %dot_general3A_89 = tpu.matmul %convert_element_type3A, %mul3A_75, %dot_general3A_88 {dimension_numbers = #tpu.dot_dimension_numbers<[1], [0], [0], [1], [0, 0, 1, 1], [], []>, precision = #tpu.contract_precision<fp32>, transpose_lhs_hint = false} : vector<1x690xf32>, vector<690x692xf32>, vector<1x692xf32> -> vector<1x692xf32>
    %add3A_90 = arith.addf %dot_general3A_89, %mul3A_84 : vector<1x692xf32>
    %iota3A_91 = tpu.iota {dimensions = array<i32: 0>} : vector<692x694xi32>
    %convert_element_type3A_92 = arith.sitofp %iota3A_91 : vector<692x694xi32> to vector<692x694xf32>
    %iota3A_93 = tpu.iota {dimensions = array<i32: 1>} : vector<692x694xi32>
    %convert_element_type3A_94 = arith.sitofp %iota3A_93 : vector<692x694xi32> to vector<692x694xf32>
    %mul3A_95 = arith.constant 2.000000e+00 : f32
    %mul3A_96 = vector.broadcast %mul3A_95 : f32 to vector<692x694xf32>
    %mul3A_97 = arith.mulf %mul3A_96, %convert_element_type3A_92 : vector<692x694xf32>
    %eq3A_98 = arith.cmpf oeq, %convert_element_type3A_94, %mul3A_97 : vector<692x694xf32>
    %convert_element_type3A_99 = arith.extui %eq3A_98 : vector<692x694xi1> to vector<692x694xi32>
    %convert_element_type3A_100 = arith.sitofp %convert_element_type3A_99 : vector<692x694xi32> to vector<692x694xf32>
    %mul3A_101 = arith.constant 2.000000e+00 : f32
    %mul3A_102 = vector.broadcast %mul3A_101 : f32 to vector<692x694xf32>
    %mul3A_103 = arith.mulf %mul3A_102, %convert_element_type3A_92 : vector<692x694xf32>
    %add3A_104 = arith.constant 1.000000e+00 : f32
    %add3A_105 = vector.broadcast %add3A_104 : f32 to vector<692x694xf32>
    %add3A_106 = arith.addf %mul3A_103, %add3A_105 : vector<692x694xf32>
    %eq3A_107 = arith.cmpf oeq, %convert_element_type3A_94, %add3A_106 : vector<692x694xf32>
    %convert_element_type3A_108 = arith.extui %eq3A_107 : vector<692x694xi1> to vector<692x694xi32>
    %convert_element_type3A_109 = arith.sitofp %convert_element_type3A_108 : vector<692x694xi32> to vector<692x694xf32>
    %dot_general3A_110 = arith.constant dense<0.000000e+00> : vector<1x694xf32>
    %dot_general3A_111 = tpu.matmul %add3A_87, %convert_element_type3A_100, %dot_general3A_110 {dimension_numbers = #tpu.dot_dimension_numbers<[1], [0], [0], [1], [0, 0, 1, 1], [], []>, precision = #tpu.contract_precision<fp32>, transpose_lhs_hint = false} : vector<1x692xf32>, vector<692x694xf32>, vector<1x694xf32> -> vector<1x694xf32>
    %dot_general3A_112 = arith.constant dense<0.000000e+00> : vector<1x694xf32>
    %dot_general3A_113 = tpu.matmul %add3A_90, %convert_element_type3A_109, %dot_general3A_112 {dimension_numbers = #tpu.dot_dimension_numbers<[1], [0], [0], [1], [0, 0, 1, 1], [], []>, precision = #tpu.contract_precision<fp32>, transpose_lhs_hint = false} : vector<1x692xf32>, vector<692x694xf32>, vector<1x694xf32> -> vector<1x694xf32>
    %add3A_114 = arith.addf %dot_general3A_111, %dot_general3A_113 : vector<1x694xf32>
    %iota3A_115 = tpu.iota {dimensions = array<i32: 1>} : vector<1x694xi32>
    %convert_element_type3A_116 = arith.sitofp %iota3A_115 : vector<1x694xi32> to vector<1x694xf32>
    %mul3A_117 = arith.constant 2.000000e+00 : f32
    %mul3A_118 = arith.mulf %mul3A_117, %reduce_sum3A_46 : f32
    %lt3A = vector.broadcast %mul3A_118 : f32 to vector<1x694xf32>
    %lt3A_119 = arith.cmpf olt, %convert_element_type3A_116, %lt3A : vector<1x694xf32>
    %jit3A = arith.constant 6.900000e+02 : f32
    %broadcast_in_dim3A_120 = vector.broadcast %jit3A : f32 to vector<1x694xf32>
    %select_n3A = arith.select %lt3A_119, %add3A_114, %broadcast_in_dim3A_120 : vector<1x694xi1>, vector<1x694xf32>
    %slice3A_121 = vector.extract_strided_slice %add3A_87 {offsets = [0, 0], sizes = [1, 1], strides = [1, 1]} : vector<1x692xf32> to vector<1x1xf32>
    %eq3A_122 = arith.constant 0.000000e+00 : f32
    %eq3A_123 = vector.broadcast %eq3A_122 : f32 to vector<1x1xf32>
    %eq3A_124 = arith.cmpf oeq, %slice3A_121, %eq3A_123 : vector<1x1xf32>
    %slice3A_125 = vector.extract_strided_slice %select_n3A {offsets = [0, 0], sizes = [1, 693], strides = [1, 1]} : vector<1x694xf32> to vector<1x693xf32>
    %concatenate3A_126 = tpu.concatenate %broadcast_in_dim3A_31, %slice3A_125 in 1 : vector<1x1xf32>, vector<1x693xf32> -> vector<1x694xf32>
    %broadcast_in_dim3A_127 = vector.shape_cast %eq3A_124 : vector<1x1xi1> to vector<1x1xi1>
    %broadcast_in_dim3A_128 = vector.broadcast %broadcast_in_dim3A_127 : vector<1x1xi1> to vector<1x694xi1>
    %select_n3A_129 = arith.select %broadcast_in_dim3A_128, %select_n3A, %concatenate3A_126 : vector<1x694xi1>, vector<1x694xf32>
    %mul3A_130 = arith.constant 2.000000e+00 : f32
    %mul3A_131 = arith.mulf %mul3A_130, %reduce_sum3A_46 : f32
    %add3A_132 = arith.constant 1.000000e+00 : f32
    %add3A_133 = arith.addf %mul3A_131, %add3A_132 : f32
    %convert_element_type3A_134 = arith.extui %eq3A_124 : vector<1x1xi1> to vector<1x1xi32>
    %convert_element_type3A_135 = arith.sitofp %convert_element_type3A_134 : vector<1x1xi32> to vector<1x1xf32>
    %reduce_sum3A_136 = vector.shape_cast %convert_element_type3A_135 : vector<1x1xf32> to vector<1x1x1xf32>
    %reduce_sum3A_137 = arith.constant dense<0.000000e+00> : vector<1xf32>
    %reduce_sum3A_138 = vector.multi_reduction <add>, %reduce_sum3A_136, %reduce_sum3A_137 [1, 2] : vector<1x1x1xf32> to vector<1xf32>
    %reduce_sum3A_139 = vector.shape_cast %reduce_sum3A_138 : vector<1xf32> to vector<1x1x1xf32>
    %reduce_sum3A_140 = vector.extract %reduce_sum3A_139[0, 0, 0] : f32 from vector<1x1x1xf32>
    %sub3A_141 = arith.subf %add3A_133, %reduce_sum3A_140 : f32
    %slice3A_142 = vector.extract_strided_slice %select_n3A_129 {offsets = [0, 0], sizes = [1, 692], strides = [1, 1]} : vector<1x694xf32> to vector<1x692xf32>
    %slice3A_143 = vector.extract_strided_slice %select_n3A_129 {offsets = [0, 1], sizes = [1, 692], strides = [1, 1]} : vector<1x694xf32> to vector<1x692xf32>
    %eq3A_144 = vector.broadcast %sub3A_141 : f32 to vector<1x692xf32>
    %eq3A_145 = arith.cmpf oeq, %convert_element_type3A_77, %eq3A_144 : vector<1x692xf32>
    %convert_element_type3A_146 = arith.extui %eq3A_145 : vector<1x692xi1> to vector<1x692xi32>
    %convert_element_type3A_147 = arith.sitofp %convert_element_type3A_146 : vector<1x692xi32> to vector<1x692xf32>
    %get3A_148 = arith.constant 0 : index
    %get3A_149 = arith.constant 0 : index
    %get3A_150 = vector.load %arg1[%get3A_148, %get3A_149] : memref<692x692xf32, #tpu.memory_space<vmem>>, vector<692x692xf32>
    %dot_general3A_151 = arith.constant dense<0.000000e+00> : vector<1x692xf32>
    %dot_general3A_152 = tpu.matmul %convert_element_type3A_147, %get3A_150, %dot_general3A_151 {dimension_numbers = #tpu.dot_dimension_numbers<[1], [0], [0], [1], [0, 0, 1, 1], [], []>, precision = #tpu.contract_precision<fp32>, transpose_lhs_hint = false} : vector<1x692xf32>, vector<692x692xf32>, vector<1x692xf32> -> vector<1x692xf32>
    %iota3A_153 = tpu.iota {dimensions = array<i32: 0>} : vector<692x692xi32>
    %convert_element_type3A_154 = arith.sitofp %iota3A_153 : vector<692x692xi32> to vector<692x692xf32>
    %iota3A_155 = tpu.iota {dimensions = array<i32: 1>} : vector<692x692xi32>
    %convert_element_type3A_156 = arith.sitofp %iota3A_155 : vector<692x692xi32> to vector<692x692xf32>
    %eq3A_157 = vector.broadcast %dot_general3A_152 : vector<1x692xf32> to vector<692x692xf32>
    %eq3A_158 = arith.cmpf oeq, %convert_element_type3A_154, %eq3A_157 : vector<692x692xf32>
    %convert_element_type3A_159 = arith.extui %eq3A_158 : vector<692x692xi1> to vector<692x692xi32>
    %convert_element_type3A_160 = arith.sitofp %convert_element_type3A_159 : vector<692x692xi32> to vector<692x692xf32>
    %dot_general3A_161 = arith.constant dense<0.000000e+00> : vector<1x692xf32>
    %dot_general3A_162 = tpu.matmul %slice3A_142, %convert_element_type3A_160, %dot_general3A_161 {dimension_numbers = #tpu.dot_dimension_numbers<[1], [0], [0], [1], [0, 0, 1, 1], [], []>, precision = #tpu.contract_precision<fp32>, transpose_lhs_hint = false} : vector<1x692xf32>, vector<692x692xf32>, vector<1x692xf32> -> vector<1x692xf32>
    %dot_general3A_163 = arith.constant dense<0.000000e+00> : vector<1x692xf32>
    %dot_general3A_164 = tpu.matmul %slice3A_143, %convert_element_type3A_160, %dot_general3A_163 {dimension_numbers = #tpu.dot_dimension_numbers<[1], [0], [0], [1], [0, 0, 1, 1], [], []>, precision = #tpu.contract_precision<fp32>, transpose_lhs_hint = false} : vector<1x692xf32>, vector<692x692xf32>, vector<1x692xf32> -> vector<1x692xf32>
    %lt3A_165 = vector.broadcast %sub3A_141 : f32 to vector<1x692xf32>
    %lt3A_166 = arith.cmpf olt, %convert_element_type3A_77, %lt3A_165 : vector<1x692xf32>
    %sub3A_167 = arith.subf %dot_general3A_164, %dot_general3A_162 : vector<1x692xf32>
    %jit3A_168 = arith.constant 0.000000e+00 : f32
    %broadcast_in_dim3A_169 = vector.broadcast %jit3A_168 : f32 to vector<1x692xf32>
    %select_n3A_170 = arith.select %lt3A_166, %sub3A_167, %broadcast_in_dim3A_169 : vector<1x692xi1>, vector<1x692xf32>
    %le3A_171 = arith.cmpf ole, %convert_element_type3A_154, %convert_element_type3A_156 : vector<692x692xf32>
    %convert_element_type3A_172 = arith.extui %le3A_171 : vector<692x692xi1> to vector<692x692xi32>
    %convert_element_type3A_173 = arith.sitofp %convert_element_type3A_172 : vector<692x692xi32> to vector<692x692xf32>
    %dot_general3A_174 = arith.constant dense<0.000000e+00> : vector<1x692xf32>
    %dot_general3A_175 = tpu.matmul %select_n3A_170, %convert_element_type3A_173, %dot_general3A_174 {dimension_numbers = #tpu.dot_dimension_numbers<[1], [0], [0], [1], [0, 0, 1, 1], [], []>, precision = #tpu.contract_precision<fp32>, transpose_lhs_hint = false} : vector<1x692xf32>, vector<692x692xf32>, vector<1x692xf32> -> vector<1x692xf32>
    %iota3A_176 = tpu.iota {dimensions = array<i32: 0>} : vector<692x690xi32>
    %convert_element_type3A_177 = arith.sitofp %iota3A_176 : vector<692x690xi32> to vector<692x690xf32>
    %iota3A_178 = tpu.iota {dimensions = array<i32: 1>} : vector<692x690xi32>
    %convert_element_type3A_179 = arith.sitofp %iota3A_178 : vector<692x690xi32> to vector<692x690xf32>
    %reshape3A_180 = vector.shape_cast %dot_general3A_175 : vector<1x692xf32> to vector<692x1xf32>
    %le3A_181 = vector.broadcast %reshape3A_180 : vector<692x1xf32> to vector<692x690xf32>
    %le3A_182 = arith.cmpf ole, %le3A_181, %convert_element_type3A_179 : vector<692x690xf32>
    %convert_element_type3A_183 = arith.extui %le3A_182 : vector<692x690xi1> to vector<692x690xi32>
    %convert_element_type3A_184 = arith.sitofp %convert_element_type3A_183 : vector<692x690xi32> to vector<692x690xf32>
    %reduce_sum3A_185 = arith.constant dense<0.000000e+00> : vector<690xf32>
    %reduce_sum3A_186 = vector.multi_reduction <add>, %convert_element_type3A_184, %reduce_sum3A_185 [0] : vector<692x690xf32> to vector<690xf32>
    %broadcast_in_dim3A_187 = vector.shape_cast %reduce_sum3A_186 : vector<690xf32> to vector<1x690xf32>
    %sub3A_188 = arith.subf %dot_general3A_162, %dot_general3A_175 : vector<1x692xf32>
    %add3A_189 = arith.addf %sub3A_188, %select_n3A_170 : vector<1x692xf32>
    %eq3A_190 = vector.broadcast %broadcast_in_dim3A_187 : vector<1x690xf32> to vector<692x690xf32>
    %eq3A_191 = arith.cmpf oeq, %eq3A_190, %convert_element_type3A_177 : vector<692x690xf32>
    %convert_element_type3A_192 = arith.extui %eq3A_191 : vector<692x690xi1> to vector<692x690xi32>
    %convert_element_type3A_193 = arith.sitofp %convert_element_type3A_192 : vector<692x690xi32> to vector<692x690xf32>
    %dot_general3A_194 = arith.constant dense<0.000000e+00> : vector<1x690xf32>
    %dot_general3A_195 = tpu.matmul %add3A_189, %convert_element_type3A_193, %dot_general3A_194 {dimension_numbers = #tpu.dot_dimension_numbers<[1], [0], [0], [1], [0, 0, 1, 1], [], []>, precision = #tpu.contract_precision<fp32>, transpose_lhs_hint = false} : vector<1x692xf32>, vector<692x690xf32>, vector<1x690xf32> -> vector<1x690xf32>
    %add3A_196 = arith.addf %dot_general3A_195, %convert_element_type3A : vector<1x690xf32>
    %slice3A_197 = vector.extract_strided_slice %add3A_196 {offsets = [0, 0], sizes = [1, 688], strides = [1, 1]} : vector<1x690xf32> to vector<1x688xf32>
    %slice3A_198 = vector.extract_strided_slice %add3A_196 {offsets = [0, 674], sizes = [1, 16], strides = [1, 1]} : vector<1x690xf32> to vector<1x16xf32>
    %concatenate3A_199 = tpu.concatenate %slice3A_197, %slice3A_198 in 1 : vector<1x688xf32>, vector<1x16xf32> -> vector<1x704xf32>
    %convert_element_type3A_200 = arith.fptosi %concatenate3A_199 : vector<1x704xf32> to vector<1x704xi32>
    %swap3A = arith.constant 0 : index
    %swap3A_201 = arith.constant 0 : index
    %swap3A_202 = vector.load %arg2[%swap3A, %swap3A_201] : memref<1x704xi32, #tpu.memory_space<vmem>>, vector<1x704xi32>
    tpu.vector_store %arg2[%swap3A, %swap3A_201], %convert_element_type3A_200 {strides = array<i32>} : memref<1x704xi32, #tpu.memory_space<vmem>>, vector<1x704xi32>,
    return
  }
}

module attributes {stable_mosaic.version = 14 : i64} {
  func.func @_colsum_kernel(%arg0: i32, %arg1: memref<2x1024x690xf32, #tpu.memory_space<vmem>>, %arg2: memref<1x1x690xf32, #tpu.memory_space<vmem>>) attributes {dimension_semantics = [#tpu.dimension_semantics<arbitrary>], iteration_bounds = array<i64: 8>, scalar_prefetch = 0 : i64, scratch_operands = 0 : i64, tpu.core_type = #tpu.core_type<tc>, window_params = [{transform_indices = @transform_0, window_bounds = array<i64: 2, 1024, 690>}, {transform_indices = @transform_1, window_bounds = array<i64: 1, 1, 690>}]} {
    %get3A = arith.constant 0 : index
    %get3A_0 = arith.constant 0 : index
    %get3A_1 = arith.constant 0 : index
    %get3A_2 = vector.load %arg1[%get3A, %get3A_0, %get3A_1] : memref<2x1024x690xf32, #tpu.memory_space<vmem>>, vector<2x1024x690xf32>
    %reduce_sum3A = arith.constant dense<0.000000e+00> : vector<690xf32>
    %reduce_sum3A_3 = vector.multi_reduction <add>, %get3A_2, %reduce_sum3A [0, 1] : vector<2x1024x690xf32> to vector<690xf32>
    %broadcast_in_dim3A = vector.shape_cast %reduce_sum3A_3 : vector<690xf32> to vector<1x1x690xf32>
    %swap3A = arith.constant 0 : index
    %swap3A_4 = arith.constant 0 : index
    %swap3A_5 = arith.constant 0 : index
    %swap3A_6 = vector.load %arg2[%swap3A, %swap3A_4, %swap3A_5] : memref<1x1x690xf32, #tpu.memory_space<vmem>>, vector<1x1x690xf32>
    tpu.vector_store %arg2[%swap3A, %swap3A_4, %swap3A_5], %broadcast_in_dim3A {strides = array<i32>} : memref<1x1x690xf32, #tpu.memory_space<vmem>>, vector<1x1x690xf32>,
    return
  }
  func.func @transform_0(%arg0: i32) -> (i32, i32, i32) {
    %c0_i32 = arith.constant 0 : i32
    %c0_i32_0 = arith.constant 0 : i32
    %c0_i32_1 = arith.constant 0 : i32
    return %arg0, %c0_i32, %c0_i32_0 : i32, i32, i32
  }
  func.func @transform_1(%arg0: i32) -> (i32, i32, i32) {
    %c0_i32 = arith.constant 0 : i32
    %c0_i32_0 = arith.constant 0 : i32
    %c0_i32_1 = arith.constant 0 : i32
    return %arg0, %c0_i32, %c0_i32_0 : i32, i32, i32
  }
}

</mosaic_0001>

<sc_bundles>
// kernel: kernel.5.cloned.1.call-start
scs
__scs_entry_jumppad:
0x0: {  	(pc) =	sbr.rel $0x88, $3  }
0x1: {  	(tag) =	ssettag $0x0;
	lr =	simm.s32 $0x1  }
0x2: {  	[smem:$0x3FA0] =	sst lr;
	_ =	strace $0xD0000000  }
0x3: {  	_ = 	snop  }
0x4: {  	_ = 	snop  }
0x5: {  	_ = 	snop  }
0x6: {  	_ = 	snop  }
0x7: {  	_ = 	snop  }
__scs_overlays_trampoline_lowered:
0x8: {  	[smem:$0x3FAF] =	sst s0  }
0x9: {  	[smem:$0x3FB0] =	sst s1  }
0xa: {  	[smem:$0x3FB1] =	sst s2  }
0xb: {  	[smem:$0x3FB2] =	sst s3  }
0xc: {  	[smem:$0x3FB3] =	sst s4  }
0xd: {  	[smem:$0x3FB4] =	sst s5  }
0xe: {  	[smem:$0x3FB5] =	sst s6  }
0xf: {  	[smem:$0x3FB6] =	sst s7  }
0x10: {  	[smem:$0x3FB7] =	sst s8  }
0x11: {  	[smem:$0x3FB8] =	sst s9;
	s0 =	simm.s32 @!p0 $0x0  }
0x12: {  	s1 =	sld [smem:$0x3F9E];
	s0 =	simm.s32 @p0 $0x1  }
0x13: {  	[smem:$0x3FB9] =	sst s0;
	s0 =	simm.s32 @!p1 $0x0  }
0x14: {  	s2 =	sld [smem:$0x3F9D];
	s0 =	simm.s32 @p1 $0x1  }
0x15: {  	[smem:$0x3FBA] =	sst s0;
	s0 =	simm.s32 @!p2 $0x0  }
0x16: {  	s3 =	sld [smem:$0x3FDB];
	s0 =	simm.s32 @p2 $0x1  }
0x17: {  	s4 =	simm.s32 $0x1BF5;
	[smem:$0x3FBC] =	sst s0  }
0x18: {  	s0 =	sld [smem:$0x3F9F];
	_ =	swait.ge [sflag:s4], $0x0  }
0x19: {  	s7 =	sld [smem:$0x3FA0]  }
0x1a: {  	s8 =	sadd.s32 $0xFFFFE003, lr  }
0x1b: {  	s9 =	sadd.s32 $0xFFFFFEF7, lr;
	s5 =	simm.s32 $0xFFFFFFFF;
	p2 =	slt.u32 s8, $0xFFFFF086  }
0x1c: {  	p1 =	slt.u32 s9, $0xF7A;
	s5 =	simm.s32 @!p2 $0x0  }
0x1d: {  	s5 =	simm.s32 @p1 $0x1;
	p0 =	seq.s32 s7, s2  }
0x1e: {  	s7 =	smul.u32 @!p0 $0xF7A, s2;
	p2 =	seq.s32 @!p0 s5, $0x0  }
0x1f: {  	s9 =	smul.u32 $0xF7A, s1;
	s8 =	simm.s32 @!p0 $0x1BF5;
	p2 =	por !p2, p0  }
0x20: {  	[sflag:s8] =	ssyncset.s32 @!p0 $0xFFFFF086;
	s6 =	sadd.s32 @!p0 s3, s7;
	s7 =	simm.s32 @!p0 $0x108  }
0x21: {  	s3 =	sadd.s32 s3, s9;
	s6 =	sadd.s32 @!p0 $0x88, s6;
	s7 =	simm.s32 @p2 $0x1082  }
0x22: {  	[simem:s7], [sflag:s8] =	dma.local @!p0 [hbm:s6], $0xF7A  }
0x23: {  	s9 =	sor.u32 $0xD0000000, s2;
	s6 =	simm.s32 $0x108;
	_ =	swait.ge @!p0 [sflag:s8], $0x0  }
0x24: {  	s3 =	sadd.s32 $0x88, s3;
	s6 =	simm.s32 @!p1 $0x1082;
	[sflag:s4] =	ssyncset.s32 $0xFFFFF086  }
0x25: {  	[simem:s6], [sflag:s4] =	dma.local [hbm:s3], $0xF7A  }
0x26: {  	[smem:$0x3FA0] =	sst s1;
	(tag) =	ssettag s2;
	_ =	strace s9  }
0x27: {  	s1 =	sld [smem:$0x3FB0]  }
0x28: {  	s2 =	sld [smem:$0x3FB1]  }
0x29: {  	s4 =	sld [smem:$0x3FB3]  }
0x2a: {  	p0 =	seq.s32 s5, $0x0;
	s5 =	sld [smem:$0x3FB4]  }
0x2b: {  	s6 =	sld [smem:$0x3FB5]  }
0x2c: {  	s7 =	sld [smem:$0x3FB6]  }
0x2d: {  	s3 =	simm.s32 $0x108;
	s8 =	sld [smem:$0x3FB7]  }
0x2e: {  	s3 =	simm.s32 @!p0 $0x1082;
	s9 =	sld [smem:$0x3FB8]  }
0x2f: {  	lr =	sadd.s32 s0, s3;
	s0 =	sld [smem:$0x3FAF]  }
0x30: {  	s3 =	sld [smem:$0x3FB2]  }
0x31: {  	[smem:$0x3FBB] =	sst s10  }
0x32: {  	s10 =	sld [smem:$0x3FB9];
	_ =	sdelay $0x3  }
0x33: {  	p0 =	seq.s32 s10, $0x1;
	s10 =	sld [smem:$0x3FBB];
	_ =	sdelay $0x3  }
0x34: {  	[smem:$0x3FBB] =	sst s10  }
0x35: {  	s10 =	sld [smem:$0x3FBA];
	_ =	sdelay $0x3  }
0x36: {  	p1 =	seq.s32 s10, $0x1;
	s10 =	sld [smem:$0x3FBB];
	_ =	sdelay $0x3  }
0x37: {  	[smem:$0x3FBB] =	sst s10  }
0x38: {  	s10 =	sld [smem:$0x3FBC]  }
0x39: {  	_ = 	snop;
	(pc) =	sbr.ind lr, $3  }
0x3a: {  	_ = 	snop  }
0x3b: {  	_ = 	snop  }
0x3c: {  	p2 =	seq.s32 s10, $0x1;
	s10 =	sld [smem:$0x3FBB]  }
0x3d: {  	_ =	shalt  }
0x3e: {  	_ =	shalt  }
0x3f: {  	_ =	shalt  }
0x40: {  	_ =	shalt  }
0x41: {  	_ =	shalt  }
0x42: {  	_ =	shalt  }
0x43: {  	_ =	shalt  }
0x44: {  	_ =	shalt  }
0x45: {  	_ =	shalt  }
0x46: {  	_ =	shalt  }
0x47: {  	_ =	shalt  }
0x48: {  	_ =	shalt  }
0x49: {  	_ =	shalt  }
0x4a: {  	_ =	shalt  }
0x4b: {  	_ =	shalt  }
0x4c: {  	_ =	shalt  }
0x4d: {  	_ =	shalt  }
0x4e: {  	_ =	shalt  }
0x4f: {  	_ =	shalt  }
0x50: {  	_ =	shalt  }
0x51: {  	_ =	shalt  }
0x52: {  	_ =	shalt  }
0x53: {  	_ =	shalt  }
0x54: {  	_ =	shalt  }
0x55: {  	_ =	shalt  }
0x56: {  	_ =	shalt  }
0x57: {  	_ =	shalt  }
0x58: {  	_ =	shalt  }
0x59: {  	_ =	shalt  }
0x5a: {  	_ =	shalt  }
0x5b: {  	_ =	shalt  }
0x5c: {  	_ =	shalt  }
0x5d: {  	_ =	shalt  }
0x5e: {  	_ =	shalt  }
0x5f: {  	_ =	shalt  }
0x60: {  	_ =	shalt  }
0x61: {  	_ =	shalt  }
0x62: {  	_ =	shalt  }
0x63: {  	_ =	shalt  }
0x64: {  	_ =	shalt  }
0x65: {  	_ =	shalt  }
0x66: {  	_ =	shalt  }
0x67: {  	_ =	shalt  }
0x68: {  	_ =	shalt  }
0x69: {  	_ =	shalt  }
0x6a: {  	_ =	shalt  }
0x6b: {  	_ =	shalt  }
0x6c: {  	_ =	shalt  }
0x6d: {  	_ =	shalt  }
0x6e: {  	_ =	shalt  }
0x6f: {  	_ =	shalt  }
0x70: {  	_ =	shalt  }
0x71: {  	_ =	shalt  }
0x72: {  	_ =	shalt  }
0x73: {  	_ =	shalt  }
0x74: {  	_ =	shalt  }
0x75: {  	_ =	shalt  }
0x76: {  	_ =	shalt  }
0x77: {  	_ =	shalt  }
0x78: {  	_ =	shalt  }
0x79: {  	_ =	shalt  }
0x7a: {  	_ =	shalt  }
0x7b: {  	_ =	shalt  }
0x7c: {  	_ =	shalt  }
0x7d: {  	_ =	shalt  }
0x7e: {  	_ =	shalt  }
0x7f: {  	_ =	shalt  }
0x80: {  	_ =	shalt  }
0x81: {  	_ =	shalt  }
0x82: {  	_ =	shalt  }
0x83: {  	_ =	shalt  }
0x84: {  	_ =	shalt  }
0x85: {  	_ =	shalt  }
0x86: {  	_ =	shalt  }
0x87: {  	_ =	shalt  }
.Lfunc_end0:
.L_simem_size_0:
called_computation_lowered:
.L_overlay_start_0:
0x88: {  	s2 =	sld [smem:$0x3FD9]  }
0x89: {  	s3 =	sld [smem:$0x3FFE];
	_ =	sdelay $0x1  }
0x8a: {  	s1 =	srdreg.scid  }
0x8b: {  	s0 =	sand.u32 $0x1, s1  }
0x8c: {  	s17 =	sshll.u32 s0, $0xA;
	s2 =	sadd.s32 s3, s2  }
0x8d: {  	s2 =	sadd.s32 s2, s17  }
0x8e: {  	[smem:$0x3FC7] =	sst s2  }
0x8f: {  	_ = 	snop  }
0x90: {  	s2 =	sld [smem:$0x3FD0];
	(tm) =	ssettm $0x1  }
0x91: {  	s18 =	sld [smem:$0x3FFB];
	_ =	sdelay $0x3  }
0x92: {  	_ =	strace s18  }
0x93: {  	s3 =	sld [smem:$0x3FFC];
	_ =	sdelay $0x3  }
0x94: {  	_ =	strace s3  }
0x95: {  	s3 =	sld [smem:$0x3FFD];
	_ =	sdelay $0x3  }
0x96: {  	_ =	strace s3  }
0x97: {  	_ =	strace $0x8FFFFFFF  }
0x98: {  	s19 =	sld [smem:$0x3FDB];
	_ =	sdelay $0x1  }
0x99: {  	s4 =	simm.s32 $_scs_section_size  }
0x9a: {  	s5 =	simm.s32 $_size__tile_overlayer_lowered;
	s6 =	simm.s32 $_tile_overlayer_lowered  }
0x9b: {  	s22 =	simm.s32 $0x1BFF;
	s21 =	sshll.u32 s6, $0x1;
	s3 =	sadd.s32 s4, s19  }
0x9c: {  	s7 =	simm.s32 $0x0;
	s20 =	sshll.u32 s5, $0x1;
	s5 =	sadd.s32 s21, s3  }
0x9d: {  	[timem:s7], [sflag:s22] =	dma.local [hbm:s5], s20  }
0x9e: {  	_ =	swait.ge [sflag:s22], s20  }
0x9f: {  	s4 =	ssub.s32 $0x0, s20;
	[sflag:s22] =	ssyncset.done $0x0  }
0xa0: {  	[sflag:s22] =	ssyncadd.s32 s4;
	_ =	sdelay $0x1  }
0xa1: {  	s23 =	simm.s32 $0x1B8B  }
0xa2: {  	_ =	swait.ge [sflag:s23], $0x1  }
0xa3: {  	[sflag:s23] =	ssyncset.done $0x0  }
0xa4: {  	s25 =	simm.s32 $0x1B8E;
	s24 =	sld [smem:$0x3FFE];
	[sflag:s23] =	ssyncadd.s32 $0xFFFFFFFF  }
0xa5: {  	s26 =	simm.s32 $execute0_lowered;
	[smem:$0x3FD2] =	sst s25  }
0xa6: {  	s5 =	sshll.u32 s26, $0x1;
	_ =	strace $0x80000046;
	[dreg:$0x1] =	wrdreg $0xFFFFFFFF  }
0xa7: {  	s28 =	simm.s32 $_size_execute0_lowered;
	s3 =	sadd.s32 s3, s5;
	[dreg:$0x0] =	wrdreg $0x0  }
0xa8: {  	s5 =	sshll.u32 s28, $0x1;
	[dreg:$0x2] =	wrdreg s3  }
0xa9: {  	[dreg:$0x3] =	wrdreg s5  }
0xaa: {  	[dreg:$0x4] =	wrdreg $0xC0  }
0xab: {  	_ =	task [dreg:s7], $0x5FFFF  }
0xac: {  	[dreg:$0x1] =	wrdreg $0xFFFFFFFF  }
0xad: {  	[dreg:$0x0] =	wrdreg $0x60  }
0xae: {  	[dreg:$0x2] =	wrdreg s24  }
0xaf: {  	[dreg:$0x3] =	wrdreg s2  }
0xb0: {  	[dreg:$0x4] =	wrdreg $0x9  }
0xb1: {  	_ =	task.clear_ibuf [dreg:s7], $0x5FFFF;
	_ =	strace $0x90000046  }
0xb2: {  	s29 =	simm.s32 $0x9;
	_ =	strace $0x80000048  }
0xb3: {  	_ =	swait.ge [sflag:s29], $0x1  }
0xb4: {  	[sflag:s29] =	ssyncadd.s32 $0xFFFFFFFF  }
0xb5: {  	_ =	strace $0x90000048  }
0xb6: {  	_ =	sfence  }
0xb7: {  	s30 =	sld [smem:$0x0];
	_ =	sdelay $0x2  }
0xb8: {  	s31 =	sshll.u32 s1, $0xD;
	s1 =	sshrl.u32 s1, $0x2  }
0xb9: {  	s3 =	sand.u32 $0x4000, s31;
	s1 =	sadd.s32 s1, s30  }
0xba: {  	s0 =	sor.u32 s3, s0;
	s1 =	sshll.u32 s1, $0x11  }
0xbb: {  	s0 =	sor.u32 s1, s0  }
0xbc: {  	s0 =	sadd.s32 $0x8F2B, s0  }
0xbd: {  	[sflag:s0] =	ssyncadd.remote.s32 $0x1  }
0xbe: {  	_ =	sfence.sel $0xFFFF  }
0xbf: {  	[dreg:$0x0] =	wrdreg $0xFFFFFFFF;
	(pc) =	sbr.abs _section_cstart, $3  }
0xc0: {  	[dreg:$0x1] =	wrdreg $0xFFFFFFFF  }
0xc1: {  	_ =	task.clear_ibuf [dreg:s7], $0x2FFFF;
	_ =	strace $0x9FFFFFFF  }
0xc2: {  	(tm) =	ssettm $0x7FFFFFFF  }
0xc3: {  	_ =	shalt  }
tec
execute0_lowered:
.L_overlay_start_1:
0x0: {  	(tag) =	ssettag $0x1  }
0x1: {  	s0 =	rddreg [dreg:$0x0]  }
0x2: {  	s1 =	srdreg.scid;
	s2 =	stileid.u32;
	s3 =	simm.s32 $0x0  }
0x3: {  	s15 =	simm.s32 $0x300;
	s16 =	simm.s32 $0x6300;
	s17 =	simm.s32 $0x1  }
0x4: {  	s18 =	simm.s32 $0xC300;
	s19 =	simm.s32 $0x2;
	s1 =	sand.u32 $0x1, s1  }
0x5: {  	s4 =	smul.u32 $0xC0000, s2;
	[smem:$0x7FF] =	sst s3;
	s5 =	sadd.s32 $0x200, s0  }
0x6: {  	s6 =	sadd.s32 $0x180200, s0;
	s24 =	smul.u32 $0x60000, s1;
	s7 =	ssub.s32 $0x2, s1  }
0x7: {  	_ =	strace $0x80000047;
	s25 =	sshrl.u32 s7, $0x1;
	s31 =	sor.u32 $0x6000, s4  }
0x8: {  	s2 =	sadd.s32 s24, s4;
	s0 =	ssub.s32 s7, s25;
	s7 =	sshll.u32 s1, $0x9  }
0x9: {  	[dreg:$0x8] =	wrdreg s31;
	s8 =	sshrl.u32 s2, $0x3;
	s29 =	sor.u32 $0x40, s7  }
.Ltmp0:
0xa: {  	s30 =	sor.u32 $0x60, s7;
	[dreg:$0x5] =	wrdreg s29;
	(pc) =	sbr.rel .LBB2_1-.Ltmp0, $4  }
0xb: {  	s2 =	sor.u32 $0x6000, s2;
	s0 =	smax.u32 s0, $0x1;
	[dreg:$0x6] =	wrdreg s30  }
0xc: {  	v0 =	vlaneseq.u32;
	s26 =	sadd.s32 s5, s8;
	s28 =	sshrl.u32 s2, $0x3;
	[dreg:$0x7] =	wrdreg s0  }
0xd: {  	s20 =	simm.s32 $0x4;
	v0 =	vadd.s32 $0x22, v0;
	[dreg:$0x3] =	wrdreg s26;
	s1 =	sadd.s32 s5, s28  }
0xe: {  	s21 =	simm.s32 $0x12300;
	[tilespmem:$0x1FFF0] =	vst v0;
	[dreg:$0x4] =	wrdreg s1;
	s1 =	simm.s32 $0x0  }
.LBB2_12:
0xf: {  	s0 =	simm.s32 $0x3  }
0x10: {  	_ =	swait.ge [sflag:s0], $0x6000  }
0x11: {  	[sflag:s0] =	ssyncset.done $0x0  }
0x12: {  	[sflag:s0] =	ssyncadd.s32 $0xFFFFA000  }
0x13: {  	_ =	swait.ge [sflag:s20], $0x6000  }
0x14: {  	s1 =	rddreg [dreg:$0x9]  }
0x15: {  	s31 =	rddreg [dreg:$0x7];
	s1 =	sadd.s32 $0x1, s1  }
0x16: {  	p0 =	sne.s32 s1, s31  }
.Ltmp1:
0x17: {  	_ = 	snop;
	(pc) =	sbr.rel @!p0 .LBB2_13-.Ltmp1, $3  }
0x18: {  	_ =	sdelay $0x1  }
0x19: {  	[sflag:s20] =	ssyncset.done $0x0  }
0x1a: {  	[sflag:s20] =	ssyncadd.s32 $0xFFFFA000  }
.LBB2_1:
0x1b: {  	[dreg:$0x9] =	wrdreg s1  }
0x1c: {  	s0 =	rddreg [dreg:$0x1];
	s29 =	simm.s32 $0x5  }
0x1d: {  	[tilespmem:s3], [sflag:$0x5] =	stream.linear.gather [hbm4b:s0+s3], $0x300, $0x38;
	[tilespmem:$0x18300] =	vst v63  }
0x1e: {  	_ =	swait.ge [sflag:s29], $0x300  }
0x1f: {  	[sflag:s29] =	ssyncset.done $0x0  }
0x20: {  	s30 =	rddreg [dreg:$0x3];
	[sflag:s29] =	ssyncadd.s32 $0xFFFFFD00  }
0x21: {  	[tilespmem:s15], [sflag:$0x1] =	stream.linear.gather [hbm4b:s30+s3], $0x6000, $0x38;
	[tilespmem:$0x18300] =	vst v63  }
0x22: {  	s31 =	rddreg [dreg:$0x4]  }
0x23: {  	[tilespmem:s16], [sflag:$0x2] =	stream.linear.gather [hbm4b:s31+s3], $0x6000, $0x38;
	[tilespmem:$0x18300] =	vst v63  }
0x24: {  	v0 =	vld [tilespmem:$0x0]  }
0x25: {  	v1 =	vld [tilespmem:$0x10]  }
0x26: {  	v2 =	vld [tilespmem:$0x20]  }
0x27: {  	v3 =	vld [tilespmem:$0x30]  }
0x28: {  	v4 =	vld [tilespmem:$0x40]  }
0x29: {  	v7 =	vld [tilespmem:$0x50]  }
0x2a: {  	v8 =	vld [tilespmem:$0x60]  }
0x2b: {  	v52 =	vld [tilespmem:$0x70]  }
0x2c: {  	v56 =	vld [tilespmem:$0x90]  }
0x2d: {  	v61 =	vld [tilespmem:$0xA0]  }
0x2e: {  	v12 =	vld [tilespmem:$0xB0];
	v5 =	vand.u32 $0x7F, v0;
	v0 =	vshll.u32 v0, $0x3;
	v6 =	vshll.u32 v1, $0x3  }
0x2f: {  	v13 =	vld [tilespmem:$0xC0];
	v1 =	vand.u32 $0x7F, v1;
	v53 =	vand.u32 $0x7F, v2;
	v2 =	vshll.u32 v2, $0x3  }
0x30: {  	v63 =	vld [tilespmem:$0xD0];
	v54 =	vshll.u32 v3, $0x3;
	v3 =	vand.u32 $0x7F, v3;
	v55 =	vshll.u32 v4, $0x3  }
0x31: {  	v57 =	vand.u32 $0x7F, v4;
	v58 =	vshll.u32 v7, $0x3;
	v59 =	vand.u32 $0x7F, v7  }
0x32: {  	v62 =	vand.u32 $0x7F, v8;
	v7 =	vshll.u32 v8, $0x3;
	v8 =	vshll.u32 v52, $0x3  }
0x33: {  	v18 =	vld [tilespmem:$0x110];
	v35 =	vshll.u32 v56, $0x3;
	v36 =	vshll.u32 v61, $0x3;
	v38 =	vand.u32 $0x7F, v61  }
0x34: {  	v39 =	vshll.u32 v12, $0x3;
	v40 =	vand.u32 $0x7F, v12;
	v50 =	vand.u32 $0x7F, v13  }
0x35: {  	v12 =	vshll.u32 v13, $0x3;
	v13 =	vshll.u32 v63, $0x3;
	v0 =	vand.u32 $0xFFFFFC00, v0  }
0x36: {  	v37 =	vld [tilespmem:$0xF0];
	v6 =	vand.u32 $0xFFFFFC00, v6;
	v2 =	vand.u32 $0xFFFFFC00, v2;
	v60 =	vand.u32 $0xFFFFFC00, v58  }
0x37: {  	v19 =	vld [tilespmem:$0x120];
	v7 =	vand.u32 $0xFFFFFC00, v7;
	v8 =	vand.u32 $0xFFFFFC00, v8;
	v42 =	vand.u32 $0xFFFFFC00, v39  }
0x38: {  	v43 =	vld [tilespmem:$0x100];
	v14 =	vand.u32 $0xFFFFFC00, v12;
	v15 =	vand.u32 $0xFFFFFC00, v13;
	v58 =	vshll.u32 v18, $0x3  }
0x39: {  	v10 =	vor.u32 v5, v0;
	v41 =	vor.u32 v1, v6;
	v5 =	vand.u32 $0xFFFFFC00, v54  }
0x3a: {  	v1 =	vor.u32 v53, v2;
	v0 =	vand.u32 $0x7F, v52;
	v49 =	vor.u32 v62, v7  }
0x3b: {  	v51 =	vld [tilespmem:$0x130];
	v2 =	vand.u32 $0x7F, v56;
	v47 =	vor.u32 v50, v14;
	v54 =	vshll.u32 v37, $0x3  }
0x3c: {  	v24 =	vld [tilespmem:$0x170];
	v62 =	vand.u32 $0x7F, v19;
	[tilespmem:$0x1FD30] =	vst v1;
	v34 =	vor.u32 v3, v5;
	v1 =	vand.u32 $0xFFFFFC00, v55  }
0x3d: {  	v0 =	vor.u32 v0, v8;
	v5 =	vand.u32 $0xFFFFFC00, v35;
	v55 =	vshll.u32 v43, $0x3  }
0x3e: {  	v25 =	vld [tilespmem:$0x180];
	v44 =	vor.u32 v57, v1;
	v1 =	vor.u32 v59, v60;
	v46 =	vor.u32 v2, v5  }
0x3f: {  	v30 =	vld [tilespmem:$0x1D0];
	[tilespmem:$0x1FD50] =	vst v0;
	v0 =	vand.u32 $0x7F, v63;
	v2 =	vand.u32 $0x7F, v37;
	v5 =	vand.u32 $0xFFFFFC00, v54  }
0x40: {  	v61 =	vld [tilespmem:$0x160];
	[tilespmem:$0x1FE20] =	vst v41;
	v57 =	vand.u32 $0x7F, v43;
	v59 =	vand.u32 $0x7F, v18;
	v60 =	vand.u32 $0xFFFFFC00, v58  }
0x41: {  	v6 =	vld [tilespmem:$0x80];
	[tilespmem:$0x1FE50] =	vst v49;
	v18 =	vshll.u32 v19, $0x3;
	v19 =	vshll.u32 v51, $0x3;
	v43 =	vand.u32 $0x7F, v24  }
0x42: {  	v31 =	vld [tilespmem:$0x1E0];
	[tilespmem:$0x1FD40] =	vst v1;
	v1 =	vand.u32 $0xFFFFFC00, v36;
	v0 =	vor.u32 v0, v15;
	v35 =	vor.u32 v2, v5  }
0x43: {  	v56 =	vld [tilespmem:$0x150];
	[tilespmem:$0x1FE90] =	vst v47;
	v20 =	vand.u32 $0xFFFFFC00, v18;
	v21 =	vand.u32 $0xFFFFFC00, v19;
	v45 =	vor.u32 v38, v1  }
0x44: {  	v39 =	vld [tilespmem:$0x1B0];
	v1 =	vor.u32 v40, v42;
	[tilespmem:$0x1FD70] =	vst v0;
	v0 =	vand.u32 $0x7F, v51;
	v7 =	vor.u32 v62, v20  }
0x45: {  	[tilespmem:$0x1FFE0] =	vst v10;
	v38 =	vshll.u32 v61, $0x3;
	v40 =	vand.u32 $0x7F, v61;
	v42 =	vshll.u32 v24, $0x3  }
0x46: {  	[tilespmem:$0x1FE30] =	vst v34;
	v24 =	vshll.u32 v25, $0x3;
	v61 =	vand.u32 $0x7F, v30;
	v32 =	vand.u32 $0x7F, v6  }
0x47: {  	v33 =	vshll.u32 v6, $0x3;
	[tilespmem:$0x1FD60] =	vst v1;
	v1 =	vand.u32 $0xFFFFFC00, v55;
	v0 =	vor.u32 v0, v21  }
0x48: {  	v63 =	vld [tilespmem:$0x190];
	[tilespmem:$0x1FE40] =	vst v44;
	v37 =	vshll.u32 v56, $0x3;
	v2 =	vand.u32 $0x7F, v56;
	v50 =	vand.u32 $0xFFFFFC00, v42  }
0x49: {  	[tilespmem:$0x1FE70] =	vst v46;
	v26 =	vand.u32 $0xFFFFFC00, v24;
	v56 =	vshll.u32 v39, $0x3;
	v42 =	vand.u32 $0x7F, v31  }
0x4a: {  	v58 =	vld [tilespmem:$0x210];
	[tilespmem:$0x1FEB0] =	vst v35;
	v3 =	vand.u32 $0xFFFFFC00, v33;
	v11 =	vor.u32 v57, v1;
	v1 =	vor.u32 v59, v60  }
0x4b: {  	v6 =	vld [tilespmem:$0xE0];
	[tilespmem:$0x1FE80] =	vst v45;
	v5 =	vand.u32 $0xFFFFFC00, v37;
	v60 =	vshll.u32 v30, $0x3;
	v30 =	vshll.u32 v31, $0x3  }
0x4c: {  	v51 =	vld [tilespmem:$0x1C0];
	v48 =	vor.u32 v32, v3;
	[tilespmem:$0x1FD80] =	vst v1;
	v21 =	vor.u32 v2, v5;
	v1 =	vand.u32 $0xFFFFFC00, v38  }
0x4d: {  	[tilespmem:$0x1FD90] =	vst v0;
	v0 =	vand.u32 $0x7F, v63;
	v2 =	vand.u32 $0x7F, v39;
	v5 =	vand.u32 $0xFFFFFC00, v56  }
0x4e: {  	[tilespmem:$0x1FED0] =	vst v7;
	v37 =	vld [tilespmem:$0x240];
	v62 =	vand.u32 $0xFFFFFC00, v60;
	v32 =	vand.u32 $0xFFFFFC00, v30;
	v8 =	vor.u32 v40, v1  }
0x4f: {  	v19 =	vmovc v11;
	v1 =	vor.u32 v43, v50;
	v40 =	vor.u32 v2, v5;
	v11 =	vor.u32 v42, v32  }
0x50: {  	v2 =	vand.u32 $0x7F, v58;
	[tilespmem:$0x1FE60] =	vst v48;
	v52 =	vand.u32 $0x7F, v6;
	v53 =	vshll.u32 v6, $0x3;
	v6 =	vld [tilespmem:$0x140]  }
0x51: {  	[tilespmem:$0x1FEC0] =	vst v19;
	v57 =	vshll.u32 v51, $0x3;
	v59 =	vand.u32 $0x7F, v51;
	v51 =	vshll.u32 v58, $0x3  }
0x52: {  	[tilespmem:$0x1FDA0] =	vst v1;
	v1 =	vand.u32 $0xFFFFFC00, v57;
	v5 =	vand.u32 $0xFFFFFC00, v51;
	v3 =	vand.u32 $0xFFFFFC00, v53;
	v53 =	vld [tilespmem:$0x1F0]  }
0x53: {  	[tilespmem:$0x1FEF0] =	vst v21;
	v58 =	vld [tilespmem:$0x280];
	v29 =	vor.u32 v59, v1;
	v1 =	vor.u32 v61, v62;
	v59 =	vand.u32 $0x7F, v37  }
0x54: {  	[tilespmem:$0x1FF30] =	vst v40;
	v28 =	vor.u32 v52, v3;
	v52 =	vand.u32 $0x7F, v25;
	v25 =	vshll.u32 v63, $0x3;
	v63 =	vld [tilespmem:$0x220]  }
0x55: {  	[tilespmem:$0x1FF50] =	vst v11;
	v27 =	vand.u32 $0xFFFFFC00, v25;
	v33 =	vand.u32 $0x7F, v6;
	v36 =	vshll.u32 v6, $0x3;
	v6 =	vld [tilespmem:$0x1A0]  }
0x56: {  	v32 =	vshll.u32 v37, $0x3;
	[tilespmem:$0x1FDC0] =	vst v1;
	v0 =	vor.u32 v0, v27;
	v3 =	vand.u32 $0xFFFFFC00, v36;
	v36 =	vld [tilespmem:$0x230]  }
0x57: {  	v38 =	vand.u32 $0xFFFFFC00, v32;
	[tilespmem:$0x1FDB0] =	vst v0;
	v31 =	vshll.u32 v53, $0x3;
	v0 =	vand.u32 $0x7F, v53;
	v53 =	vld [tilespmem:$0x270]  }
0x58: {  	[tilespmem:$0x1FF40] =	vst v29;
	v12 =	vor.u32 v52, v26;
	v22 =	vor.u32 v33, v3;
	v33 =	vand.u32 $0xFFFFFC00, v31  }
0x59: {  	[tilespmem:$0x1FF10] =	vst v12;
	v27 =	vmovc v8;
	v8 =	vor.u32 v2, v5;
	v52 =	vshll.u32 v63, $0x3;
	v20 =	vor.u32 v0, v33;
	v0 =	vld [tilespmem:$0x250]  }
0x5a: {  	[tilespmem:$0x1FF00] =	vst v27;
	v1 =	vand.u32 $0xFFFFFC00, v52;
	v52 =	vshll.u32 v58, $0x3;
	v55 =	vshll.u32 v6, $0x3  }
0x5b: {  	[tilespmem:$0x1FFD0] =	vst v8;
	v54 =	vand.u32 $0x7F, v6;
	v6 =	vld [tilespmem:$0x200];
	v3 =	vand.u32 $0xFFFFFC00, v55;
	v55 =	vshll.u32 v36, $0x3  }
0x5c: {  	[tilespmem:$0x1FEE0] =	vst v22;
	v56 =	vand.u32 $0x7F, v36;
	v2 =	vand.u32 $0x7F, v53;
	v15 =	vor.u32 v54, v3  }
0x5d: {  	[tilespmem:$0x1FF60] =	vst v20;
	v54 =	vand.u32 $0x7F, v63;
	v57 =	vand.u32 $0xFFFFFC00, v55;
	v63 =	vor.u32 v59, v38  }
0x5e: {  	v42 =	vld [tilespmem:$0x290];
	v61 =	vor.u32 v54, v1;
	v33 =	vshll.u32 v0, $0x3;
	v0 =	vand.u32 $0x7F, v0;
	[tilespmem:$0x1FF20] =	vst v15  }
0x5f: {  	v36 =	vld [tilespmem:$0x2B0];
	v62 =	vor.u32 v56, v57;
	v1 =	vand.u32 $0xFFFFFC00, v52;
	[tilespmem:$0x1FF90] =	vst v63;
	v39 =	vand.u32 $0xFFFFFC00, v33  }
0x60: {  	[tilespmem:$0x1FFA0] =	vst v62;
	v43 =	vand.u32 $0x7F, v6;
	v50 =	vshll.u32 v6, $0x3;
	v17 =	vor.u32 v0, v39  }
0x61: {  	[tilespmem:$0x1FFB0] =	vst v61;
	v6 =	vld [tilespmem:$0x260];
	v3 =	vand.u32 $0xFFFFFC00, v50;
	v50 =	vshll.u32 v53, $0x3;
	v53 =	vand.u32 $0x7F, v58  }
0x62: {  	v24 =	vmov v28;
	[tilespmem:$0x1FF80] =	vst v17;
	v9 =	vor.u32 v43, v3;
	v43 =	vld [tilespmem:$0x2A0];
	v1 =	vor.u32 v53, v1  }
0x63: {  	v55 =	vand.u32 $0x7F, v42;
	v54 =	vshll.u32 v42, $0x3;
	v39 =	vmov v24;
	[tilespmem:$0x1FDE0] =	vst v1  }
0x64: {  	v56 =	vand.u32 $0xFFFFFC00, v54;
	v59 =	vshll.u32 v36, $0x3;
	v5 =	vand.u32 $0xFFFFFC00, v50;
	[tilespmem:$0x1FEA0] =	vst v39  }
0x65: {  	v0 =	vand.u32 $0x7F, v36;
	v51 =	vor.u32 v2, v5;
	v5 =	vand.u32 $0xFFFFFC00, v59;
	[tilespmem:$0x1FFC0] =	vst v9  }
0x66: {  	v1 =	vor.u32 v55, v56;
	[tilespmem:$0x1FDD0] =	vst v51;
	v0 =	vor.u32 v0, v5;
	v38 =	vshll.u32 v6, $0x3  }
0x67: {  	[tilespmem:$0x1FDF0] =	vst v1;
	v37 =	vand.u32 $0x7F, v6;
	v3 =	vand.u32 $0xFFFFFC00, v38;
	v58 =	vshll.u32 v43, $0x3  }
0x68: {  	[tilespmem:$0x1FE10] =	vst v0;
	v24 =	vor.u32 v37, v3;
	v57 =	vand.u32 $0x7F, v43;
	v4 =	vand.u32 $0xFFFFFC00, v58  }
0x69: {  	[tilespmem:$0x1FF70] =	vst v24;
	v60 =	vor.u32 v57, v4  }
0x6a: {  	s24 =	simm.s32 $0x0;
	v23 =	vmovc v7;
	v28 =	vmov v12;
	v13 =	vmov v15;
	v43 =	vmov v45;
	[tilespmem:$0x1FE00] =	vst v60  }
.LBB2_2:
0x6b: {  	s0 =	simm.s32 $0x0  }
0x6c: {  	v0 =	vmov s0  }
0x6d: {  	v1 =	vshrl.u32 v0, $0x3  }
0x6e: {  	v58 =	vmul.u32 $0x1800, v1  }
0x6f: {  	v0 =	vshll.u32 v0, $0x7  }
0x70: {  	_ =	swait.ge [sflag:s17], $0x6000;
	v57 =	vand.u32 $0x380, v0;
	v0 =	vadd.s32 v10, v58  }
0x71: {  	p0 =	seq.s32 s24, $0x0;
	[sflag:s17] =	ssyncset.done $0x0;
	v0 =	vor.u32 v57, v0  }
0x72: {  	s1 =	simm.s32 @!p0 $0x3;
	[sflag:s17] =	ssyncadd.s32 $0xFFFFA000  }
0x73: {  	_ =	swait.ge @!p0 [sflag:s1], $0x6000  }
0x74: {  	[sflag:s1] =	ssyncset.done @!p0 $0x0  }
0x75: {  	[sflag:s1] =	ssyncadd.s32 @!p0 $0xFFFFA000  }
0x76: {  	s12 =	simm.s32 $0x0;
	v0 =	vld.idx.msk [tilespmem:v0+s15+$0x0], $0xffff  }
0x77: {  	s1 =	smul.u32 $0x6000, s12;
	_ =	sdelay $0x1  }
0x78: {  	s0 =	sand.u32 $0x380, s0;
	s1 =	sshra.s32 s1, $0x2  }
0x79: {  	s2 =	sor.u32 s0, s1  }
0x7a: {  	v1 =	vadd.s32 v41, v58;
	[tilespmem:s2+$0xC300] =	vst v0  }
0x7b: {  	v1 =	vor.u32 v57, v1;
	v32 =	vld [tilespmem:$0x1FD30];
	_ =	sdelay $0x4  }
0x7c: {  	v0 =	vld.idx.msk [tilespmem:v1+s15+$0x0], $0xffff;
	v1 =	vadd.s32 v32, v58  }
0x7d: {  	v1 =	vor.u32 v57, v1;
	_ =	sdelay $0x3  }
0x7e: {  	[tilespmem:s2+$0xC310] =	vst v0  }
0x7f: {  	v0 =	vld.idx.msk [tilespmem:v1+s15+$0x0], $0xffff;
	v1 =	vadd.s32 v34, v58  }
0x80: {  	v1 =	vor.u32 v57, v1;
	_ =	sdelay $0x3  }
0x81: {  	[tilespmem:s2+$0xC320] =	vst v0  }
0x82: {  	v0 =	vld.idx.msk [tilespmem:v1+s15+$0x0], $0xffff;
	_ =	sdelay $0x4  }
0x83: {  	v1 =	vadd.s32 v44, v58;
	[tilespmem:s2+$0xC330] =	vst v0  }
0x84: {  	v1 =	vor.u32 v57, v1;
	v7 =	vld [tilespmem:$0x1FD40];
	_ =	sdelay $0x4  }
0x85: {  	v0 =	vld.idx.msk [tilespmem:v1+s15+$0x0], $0xffff;
	v1 =	vadd.s32 v7, v58  }
0x86: {  	v1 =	vor.u32 v57, v1;
	_ =	sdelay $0x3  }
0x87: {  	[tilespmem:s2+$0xC340] =	vst v0  }
0x88: {  	v1 =	vld.idx.msk [tilespmem:v1+s15+$0x0], $0xffff;
	_ =	sdelay $0x2  }
0x89: {  	s13 =	simm.s32 $0x1  }
0x8a: {  	v2 =	vmov s13  }
0x8b: {  	v3 =	vadd.s32 v49, v58;
	v0 =	vshrl.u32 v2, $0x3;
	[tilespmem:s2+$0xC350] =	vst v1  }
0x8c: {  	v52 =	vmul.u32 $0x1800, v0;
	v0 =	vor.u32 v57, v3;
	v12 =	vld [tilespmem:$0x1FD50];
	_ =	sdelay $0x2  }
0x8d: {  	v2 =	vshll.u32 v2, $0x7  }
0x8e: {  	v51 =	vand.u32 $0x380, v2;
	v2 =	vadd.s32 v10, v52  }
0x8f: {  	v2 =	vor.u32 v51, v2;
	v0 =	vld.idx.msk [tilespmem:v0+s15+$0x0], $0xffff;
	v1 =	vadd.s32 v12, v58  }
0x90: {  	v1 =	vor.u32 v57, v1;
	_ =	sdelay $0x3  }
0x91: {  	s14 =	simm.s32 $0x0;
	v3 =	vadd.s32 v41, v52;
	v2 =	vld.idx.msk [tilespmem:v2+s15+$0x0], $0xffff;
	[tilespmem:s2+$0xC360] =	vst v0  }
0x92: {  	s0 =	smul.u32 $0x6000, s14;
	v3 =	vor.u32 v51, v3;
	v0 =	vld.idx.msk [tilespmem:v1+s15+$0x0], $0xffff;
	v1 =	vadd.s32 v48, v58  }
0x93: {  	s22 =	simm.s32 $0x80;
	v1 =	vor.u32 v57, v1  }
0x94: {  	s1 =	sand.u32 $0x380, s22;
	s0 =	sshra.s32 s0, $0x2  }
0x95: {  	s30 =	sor.u32 s1, s0  }
0x96: {  	[tilespmem:s30+$0xC300] =	vst v2  }
0x97: {  	v2 =	vld.idx.msk [tilespmem:v3+s15+$0x0], $0xffff;
	v3 =	vadd.s32 v32, v52;
	[tilespmem:s2+$0xC370] =	vst v0  }
0x98: {  	v3 =	vor.u32 v51, v3;
	v0 =	vld.idx.msk [tilespmem:v1+s15+$0x0], $0xffff;
	v1 =	vadd.s32 v46, v58  }
0x99: {  	v1 =	vor.u32 v57, v1;
	_ =	sdelay $0x2  }
0x9a: {  	[tilespmem:s30+$0xC310] =	vst v2  }
0x9b: {  	v2 =	vld.idx.msk [tilespmem:v3+s15+$0x0], $0xffff;
	[tilespmem:s2+$0xC700] =	vst v0  }
0x9c: {  	v0 =	vld.idx.msk [tilespmem:v1+s15+$0x0], $0xffff;
	_ =	sdelay $0x3  }
0x9d: {  	v3 =	vadd.s32 v34, v52;
	[tilespmem:s30+$0xC320] =	vst v2  }
0x9e: {  	v3 =	vor.u32 v51, v3;
	v1 =	vadd.s32 v43, v58;
	[tilespmem:s2+$0xC710] =	vst v0  }
0x9f: {  	v1 =	vor.u32 v57, v1;
	v14 =	vld [tilespmem:$0x1FD60];
	_ =	sdelay $0x3  }
0xa0: {  	v2 =	vld.idx.msk [tilespmem:v3+s15+$0x0], $0xffff;
	v3 =	vadd.s32 v44, v52  }
0xa1: {  	v3 =	vor.u32 v51, v3;
	v0 =	vld.idx.msk [tilespmem:v1+s15+$0x0], $0xffff;
	v1 =	vadd.s32 v14, v58  }
0xa2: {  	v1 =	vor.u32 v57, v1;
	_ =	sdelay $0x2  }
0xa3: {  	[tilespmem:s30+$0xC330] =	vst v2  }
0xa4: {  	v2 =	vld.idx.msk [tilespmem:v3+s15+$0x0], $0xffff;
	[tilespmem:s2+$0xC720] =	vst v0  }
0xa5: {  	v0 =	vld.idx.msk [tilespmem:v1+s15+$0x0], $0xffff;
	_ =	sdelay $0x2  }
0xa6: {  	v3 =	vadd.s32 v7, v52  }
0xa7: {  	v3 =	vor.u32 v51, v3;
	[tilespmem:s30+$0xC340] =	vst v2  }
0xa8: {  	s23 =	simm.s32 $0x2;
	v1 =	vadd.s32 v47, v58;
	[tilespmem:s2+$0xC730] =	vst v0  }
0xa9: {  	v4 =	vmov s23;
	v1 =	vor.u32 v57, v1;
	v30 =	vld [tilespmem:$0x1FD70]  }
0xaa: {  	v2 =	vshrl.u32 v4, $0x3  }
0xab: {  	v25 =	vmov v40;
	v40 =	vmov v46;
	v46 =	vmul.u32 $0x1800, v2  }
0xac: {  	v4 =	vshll.u32 v4, $0x7;
	v3 =	vld.idx.msk [tilespmem:v3+s15+$0x0], $0xffff;
	v2 =	vadd.s32 v49, v52  }
0xad: {  	v45 =	vand.u32 $0x380, v4;
	v2 =	vor.u32 v51, v2;
	v0 =	vadd.s32 v10, v46  }
0xae: {  	v1 =	vld.idx.msk [tilespmem:v1+s15+$0x0], $0xffff;
	v0 =	vor.u32 v45, v0;
	v4 =	vadd.s32 v30, v58  }
0xaf: {  	v4 =	vor.u32 v57, v4;
	_ =	sdelay $0x1  }
0xb0: {  	[tilespmem:s30+$0xC350] =	vst v3  }
0xb1: {  	v3 =	vadd.s32 v12, v52;
	v2 =	vld.idx.msk [tilespmem:v2+s15+$0x0], $0xffff  }
0xb2: {  	s25 =	simm.s32 $0x0;
	v3 =	vor.u32 v51, v3;
	v0 =	vld.idx.msk [tilespmem:v0+s15+$0x0], $0xffff;
	[tilespmem:s2+$0xC740] =	vst v1;
	v1 =	vadd.s32 v41, v46  }
0xb3: {  	v5 =	vadd.s32 v39, v58;
	s0 =	smul.u32 $0x6000, s25;
	v1 =	vor.u32 v45, v1;
	v4 =	vld.idx.msk [tilespmem:v4+s15+$0x0], $0xffff  }
0xb4: {  	s26 =	simm.s32 $0x100;
	v5 =	vor.u32 v57, v5  }
0xb5: {  	s1 =	sand.u32 $0x380, s26;
	s0 =	sshra.s32 s0, $0x2  }
0xb6: {  	s26 =	sor.u32 s1, s0;
	[tilespmem:s30+$0xC360] =	vst v2  }
0xb7: {  	v2 =	vld.idx.msk [tilespmem:v3+s15+$0x0], $0xffff;
	v3 =	vadd.s32 v48, v52;
	[tilespmem:s26+$0xC300] =	vst v0  }
0xb8: {  	v0 =	vor.u32 v51, v3;
	v3 =	vadd.s32 v32, v46;
	v1 =	vld.idx.msk [tilespmem:v1+s15+$0x0], $0xffff;
	[tilespmem:s2+$0xC750] =	vst v4  }
0xb9: {  	v3 =	vor.u32 v45, v3;
	v4 =	vld.idx.msk [tilespmem:v5+s15+$0x0], $0xffff;
	v5 =	vadd.s32 v35, v58  }
0xba: {  	v5 =	vor.u32 v57, v5;
	_ =	sdelay $0x1  }
0xbb: {  	[tilespmem:s30+$0xC370] =	vst v2  }
0xbc: {  	v2 =	vadd.s32 v40, v52;
	v0 =	vld.idx.msk [tilespmem:v0+s15+$0x0], $0xffff;
	[tilespmem:s26+$0xC310] =	vst v1  }
0xbd: {  	v1 =	vor.u32 v51, v2;
	v2 =	vld.idx.msk [tilespmem:v3+s15+$0x0], $0xffff;
	[tilespmem:s2+$0xC760] =	vst v4  }
0xbe: {  	v4 =	vld.idx.msk [tilespmem:v5+s15+$0x0], $0xffff;
	_ =	sdelay $0x2  }
0xbf: {  	[tilespmem:s30+$0xC700] =	vst v0  }
0xc0: {  	v3 =	vadd.s32 v34, v46;
	[tilespmem:s26+$0xC320] =	vst v2  }
0xc1: {  	v3 =	vor.u32 v45, v3;
	v5 =	vadd.s32 v19, v58;
	[tilespmem:s2+$0xC770] =	vst v4  }
0xc2: {  	v5 =	vor.u32 v57, v5;
	v38 =	vld [tilespmem:$0x1FD80];
	_ =	sdelay $0x2  }
0xc3: {  	v0 =	vld.idx.msk [tilespmem:v1+s15+$0x0], $0xffff;
	v1 =	vadd.s32 v43, v52  }
0xc4: {  	v1 =	vor.u32 v51, v1;
	v2 =	vld.idx.msk [tilespmem:v3+s15+$0x0], $0xffff;
	v3 =	vadd.s32 v44, v46  }
0xc5: {  	v3 =	vor.u32 v45, v3;
	v4 =	vld.idx.msk [tilespmem:v5+s15+$0x0], $0xffff;
	v5 =	vadd.s32 v38, v58  }
0xc6: {  	v5 =	vor.u32 v57, v5;
	_ =	sdelay $0x1  }
0xc7: {  	[tilespmem:s30+$0xC710] =	vst v0  }
0xc8: {  	[tilespmem:s26+$0xC330] =	vst v2;
	v0 =	vld.idx.msk [tilespmem:v1+s15+$0x0], $0xffff  }
0xc9: {  	v2 =	vld.idx.msk [tilespmem:v3+s15+$0x0], $0xffff;
	[tilespmem:s2+$0xCB00] =	vst v4  }
0xca: {  	v4 =	vld.idx.msk [tilespmem:v5+s15+$0x0], $0xffff;
	_ =	sdelay $0x1  }
0xcb: {  	v1 =	vadd.s32 v14, v52  }
0xcc: {  	v1 =	vor.u32 v51, v1;
	[tilespmem:s30+$0xC720] =	vst v0  }
0xcd: {  	v3 =	vadd.s32 v7, v46;
	[tilespmem:s26+$0xC340] =	vst v2  }
0xce: {  	v3 =	vor.u32 v45, v3;
	v5 =	vadd.s32 v23, v58;
	[tilespmem:s2+$0xCB10] =	vst v4  }
0xcf: {  	v5 =	vor.u32 v57, v5;
	v18 =	vld [tilespmem:$0x1FD90];
	_ =	sdelay $0x1  }
0xd0: {  	s1 =	simm.s32 $0x3;
	v0 =	vld.idx.msk [tilespmem:v1+s15+$0x0], $0xffff  }
0xd1: {  	v6 =	vmov s1;
	v1 =	vadd.s32 v47, v52  }
0xd2: {  	v2 =	vshrl.u32 v6, $0x3;
	v3 =	vld.idx.msk [tilespmem:v3+s15+$0x0], $0xffff;
	v1 =	vor.u32 v51, v1;
	v4 =	vadd.s32 v49, v46  }
0xd3: {  	v16 =	vmovc v47;
	v47 =	vmul.u32 $0x1800, v2;
	v2 =	vld.idx.msk [tilespmem:v5+s15+$0x0], $0xffff;
	v4 =	vor.u32 v45, v4;
	v5 =	vadd.s32 v18, v58  }
0xd4: {  	v6 =	vshll.u32 v6, $0x7;
	v5 =	vor.u32 v57, v5  }
0xd5: {  	v26 =	vmov v48;
	v48 =	vand.u32 $0x380, v6;
	[tilespmem:s30+$0xC730] =	vst v0;
	v0 =	vadd.s32 v10, v47  }
0xd6: {  	v0 =	vor.u32 v48, v0  }
0xd7: {  	v6 =	vadd.s32 v30, v52;
	[tilespmem:s26+$0xC350] =	vst v3;
	v1 =	vld.idx.msk [tilespmem:v1+s15+$0x0], $0xffff  }
0xd8: {  	v3 =	vor.u32 v51, v6;
	v4 =	vld.idx.msk [tilespmem:v4+s15+$0x0], $0xffff;
	[tilespmem:s2+$0xCB20] =	vst v2;
	v2 =	vadd.s32 v12, v46  }
0xd9: {  	v6 =	vadd.s32 v22, v58;
	v2 =	vor.u32 v45, v2;
	v5 =	vld.idx.msk [tilespmem:v5+s15+$0x0], $0xffff  }
0xda: {  	v6 =	vor.u32 v57, v6  }
0xdb: {  	s8 =	simm.s32 $0x0;
	v0 =	vld.idx.msk [tilespmem:v0+s15+$0x0], $0xffff  }
0xdc: {  	s0 =	smul.u32 $0x6000, s8;
	[tilespmem:s30+$0xC740] =	vst v1;
	v1 =	vadd.s32 v41, v47  }
0xdd: {  	s9 =	simm.s32 $0x180;
	v59 =	vadd.s32 v39, v52;
	v3 =	vld.idx.msk [tilespmem:v3+s15+$0x0], $0xffff;
	v1 =	vor.u32 v48, v1;
	[tilespmem:s26+$0xC360] =	vst v4  }
0xde: {  	s1 =	sand.u32 $0x380, s9;
	s0 =	sshra.s32 s0, $0x2;
	v4 =	vor.u32 v51, v59;
	v2 =	vld.idx.msk [tilespmem:v2+s15+$0x0], $0xffff;
	[tilespmem:s2+$0xCB30] =	vst v5;
	v5 =	vadd.s32 v26, v46  }
0xdf: {  	v60 =	vadd.s32 v21, v58;
	s28 =	sor.u32 s1, s0;
	v6 =	vld.idx.msk [tilespmem:v6+s15+$0x0], $0xffff;
	v5 =	vor.u32 v45, v5  }
0xe0: {  	[tilespmem:s28+$0xC300] =	vst v0;
	v0 =	vor.u32 v57, v60;
	_ =	sdelay $0x1  }
0xe1: {  	v1 =	vld.idx.msk [tilespmem:v1+s15+$0x0], $0xffff;
	[tilespmem:s30+$0xC750] =	vst v3  }
0xe2: {  	v4 =	vld.idx.msk [tilespmem:v4+s15+$0x0], $0xffff;
	[tilespmem:s26+$0xC370] =	vst v2  }
0xe3: {  	v5 =	vld.idx.msk [tilespmem:v5+s15+$0x0], $0xffff;
	[tilespmem:s2+$0xCB40] =	vst v6  }
0xe4: {  	v0 =	vld.idx.msk [tilespmem:v0+s15+$0x0], $0xffff  }
0xe5: {  	v3 =	vadd.s32 v32, v47  }
0xe6: {  	v3 =	vor.u32 v48, v3;
	[tilespmem:s28+$0xC310] =	vst v1  }
0xe7: {  	v33 =	vadd.s32 v35, v52;
	[tilespmem:s30+$0xC760] =	vst v4  }
0xe8: {  	v2 =	vor.u32 v51, v33;
	v6 =	vadd.s32 v40, v46;
	[tilespmem:s26+$0xC700] =	vst v5  }
0xe9: {  	v37 =	vadd.s32 v27, v58;
	v6 =	vor.u32 v45, v6;
	[tilespmem:s2+$0xCB50] =	vst v0  }
0xea: {  	v1 =	vor.u32 v57, v37;
	v37 =	vld [tilespmem:$0x1FDA0]  }
0xeb: {  	v3 =	vld.idx.msk [tilespmem:v3+s15+$0x0], $0xffff  }
0xec: {  	v4 =	vadd.s32 v34, v47  }
0xed: {  	v42 =	vadd.s32 v19, v52;
	v2 =	vld.idx.msk [tilespmem:v2+s15+$0x0], $0xffff;
	v4 =	vor.u32 v48, v4  }
0xee: {  	v5 =	vor.u32 v51, v42;
	v6 =	vld.idx.msk [tilespmem:v6+s15+$0x0], $0xffff;
	v0 =	vadd.s32 v43, v46  }
0xef: {  	v1 =	vld.idx.msk [tilespmem:v1+s15+$0x0], $0xffff;
	v0 =	vor.u32 v45, v0;
	v53 =	vadd.s32 v37, v58  }
0xf0: {  	[tilespmem:s28+$0xC320] =	vst v3;
	v3 =	vor.u32 v57, v53;
	_ =	sdelay $0x1  }
0xf1: {  	[tilespmem:s30+$0xC770] =	vst v2;
	v4 =	vld.idx.msk [tilespmem:v4+s15+$0x0], $0xffff  }
0xf2: {  	v5 =	vld.idx.msk [tilespmem:v5+s15+$0x0], $0xffff;
	[tilespmem:s26+$0xC710] =	vst v6  }
0xf3: {  	v0 =	vld.idx.msk [tilespmem:v0+s15+$0x0], $0xffff;
	[tilespmem:s2+$0xCB60] =	vst v1  }
0xf4: {  	v3 =	vld.idx.msk [tilespmem:v3+s15+$0x0], $0xffff  }
0xf5: {  	v2 =	vadd.s32 v44, v47  }
0xf6: {  	v54 =	vadd.s32 v38, v52;
	v2 =	vor.u32 v48, v2;
	[tilespmem:s28+$0xC330] =	vst v4  }
0xf7: {  	v6 =	vor.u32 v51, v54;
	[tilespmem:s30+$0xCB00] =	vst v5  }
0xf8: {  	v1 =	vadd.s32 v14, v46;
	[tilespmem:s26+$0xC720] =	vst v0  }
0xf9: {  	v55 =	vadd.s32 v28, v58;
	v1 =	vor.u32 v45, v1;
	[tilespmem:s2+$0xCB70] =	vst v3  }
0xfa: {  	v20 =	vmov v21;
	v4 =	vor.u32 v57, v55;
	v21 =	vld [tilespmem:$0x1FDB0]  }
0xfb: {  	v2 =	vld.idx.msk [tilespmem:v2+s15+$0x0], $0xffff;
	v5 =	vadd.s32 v7, v47  }
0xfc: {  	v56 =	vadd.s32 v23, v52;
	v6 =	vld.idx.msk [tilespmem:v6+s15+$0x0], $0xffff;
	v5 =	vor.u32 v48, v5  }
0xfd: {  	v0 =	vor.u32 v51, v56  }
0xfe: {  	s10 =	simm.s32 $0x4;
	v1 =	vld.idx.msk [tilespmem:v1+s15+$0x0], $0xffff;
	v3 =	vadd.s32 v16, v46  }
0xff: {  	v50 =	vmov s10;
	v4 =	vld.idx.msk [tilespmem:v4+s15+$0x0], $0xffff;
	v3 =	vor.u32 v45, v3;
	v59 =	vadd.s32 v21, v58  }
0x100: {  	v15 =	vmov v49;
	[tilespmem:s28+$0xC340] =	vst v2;
	v2 =	vshrl.u32 v50, $0x3;
	v53 =	vor.u32 v57, v59  }
0x101: {  	[tilespmem:s30+$0xCB10] =	vst v6;
	v5 =	vld.idx.msk [tilespmem:v5+s15+$0x0], $0xffff;
	v49 =	vmul.u32 $0x1800, v2;
	v2 =	vadd.s32 v15, v47  }
0x102: {  	v60 =	vadd.s32 v18, v52;
	v6 =	vshll.u32 v50, $0x7;
	v0 =	vld.idx.msk [tilespmem:v0+s15+$0x0], $0xffff;
	v2 =	vor.u32 v48, v2  }
0x103: {  	[tilespmem:s26+$0xC730] =	vst v1;
	v1 =	vor.u32 v51, v60;
	v50 =	vand.u32 $0x380, v6;
	v6 =	vadd.s32 v10, v49  }
0x104: {  	v3 =	vld.idx.msk [tilespmem:v3+s15+$0x0], $0xffff;
	[tilespmem:s2+$0xCF00] =	vst v4;
	v4 =	vor.u32 v50, v6;
	v6 =	vadd.s32 v30, v46  }
0x105: {  	v54 =	vadd.s32 v13, v58;
	v6 =	vor.u32 v45, v6;
	v53 =	vld.idx.msk [tilespmem:v53+s15+$0x0], $0xffff  }
0x106: {  	[tilespmem:s28+$0xC350] =	vst v5;
	v5 =	vor.u32 v57, v54  }
0x107: {  	[tilespmem:s30+$0xCB20] =	vst v0;
	v0 =	vadd.s32 v12, v47;
	v2 =	vld.idx.msk [tilespmem:v2+s15+$0x0], $0xffff  }
0x108: {  	v33 =	vadd.s32 v22, v52;
	v1 =	vld.idx.msk [tilespmem:v1+s15+$0x0], $0xffff;
	v0 =	vor.u32 v48, v0  }
0x109: {  	v36 =	vmov v41;
	s11 =	simm.s32 $0x0;
	v41 =	vadd.s32 v41, v49;
	v4 =	vld.idx.msk [tilespmem:v4+s15+$0x0], $0xffff;
	[tilespmem:s26+$0xC740] =	vst v3;
	v3 =	vor.u32 v51, v33  }
0x10a: {  	s0 =	smul.u32 $0x6000, s11;
	v42 =	vor.u32 v50, v41;
	v59 =	vadd.s32 v39, v46;
	v6 =	vld.idx.msk [tilespmem:v6+s15+$0x0], $0xffff;
	[tilespmem:s2+$0xCF10] =	vst v53  }
0x10b: {  	s12 =	simm.s32 $0x200;
	v55 =	vadd.s32 v25, v58;
	v54 =	vor.u32 v45, v59;
	v5 =	vld.idx.msk [tilespmem:v5+s15+$0x0], $0xffff  }
0x10c: {  	s1 =	sand.u32 $0x380, s12;
	s0 =	sshra.s32 s0, $0x2;
	[tilespmem:s28+$0xC360] =	vst v2;
	v2 =	vor.u32 v57, v55  }
0x10d: {  	s29 =	sor.u32 s1, s0;
	[tilespmem:s30+$0xCB30] =	vst v1;
	v0 =	vld.idx.msk [tilespmem:v0+s15+$0x0], $0xffff  }
0x10e: {  	v3 =	vld.idx.msk [tilespmem:v3+s15+$0x0], $0xffff;
	[tilespmem:s29+$0xC300] =	vst v4  }
0x10f: {  	v53 =	vld.idx.msk [tilespmem:v42+s15+$0x0], $0xffff;
	[tilespmem:s26+$0xC750] =	vst v6  }
0x110: {  	v54 =	vld.idx.msk [tilespmem:v54+s15+$0x0], $0xffff;
	[tilespmem:s2+$0xCF20] =	vst v5  }
0x111: {  	v2 =	vld.idx.msk [tilespmem:v2+s15+$0x0], $0xffff  }
0x112: {  	v1 =	vadd.s32 v26, v47;
	[tilespmem:s28+$0xC370] =	vst v0  }
0x113: {  	v1 =	vor.u32 v48, v1;
	v4 =	vadd.s32 v20, v52;
	[tilespmem:s30+$0xCB40] =	vst v3  }
0x114: {  	v4 =	vor.u32 v51, v4;
	v6 =	vadd.s32 v32, v49;
	[tilespmem:s29+$0xC310] =	vst v53  }
0x115: {  	v5 =	vor.u32 v50, v6;
	v6 =	vadd.s32 v35, v46;
	[tilespmem:s26+$0xC760] =	vst v54  }
0x116: {  	v60 =	vadd.s32 v29, v58;
	v6 =	vor.u32 v45, v6;
	[tilespmem:s2+$0xCF30] =	vst v2  }
0x117: {  	v0 =	vor.u32 v57, v60;
	v31 =	vld [tilespmem:$0x1FDC0]  }
0x118: {  	v1 =	vld.idx.msk [tilespmem:v1+s15+$0x0], $0xffff;
	v3 =	vadd.s32 v40, v47  }
0x119: {  	v41 =	vadd.s32 v27, v52;
	v4 =	vld.idx.msk [tilespmem:v4+s15+$0x0], $0xffff;
	v3 =	vor.u32 v48, v3  }
0x11a: {  	v42 =	vadd.s32 v34, v49;
	v53 =	vor.u32 v51, v41;
	v5 =	vld.idx.msk [tilespmem:v5+s15+$0x0], $0xffff  }
0x11b: {  	v59 =	vadd.s32 v19, v46;
	v6 =	vld.idx.msk [tilespmem:v6+s15+$0x0], $0xffff;
	v2 =	vor.u32 v50, v42  }
0x11c: {  	v54 =	vor.u32 v45, v59;
	v0 =	vld.idx.msk [tilespmem:v0+s15+$0x0], $0xffff;
	v60 =	vadd.s32 v31, v58  }
0x11d: {  	[tilespmem:s28+$0xC700] =	vst v1;
	v1 =	vor.u32 v57, v60  }
0x11e: {  	[tilespmem:s30+$0xCB50] =	vst v4;
	v3 =	vld.idx.msk [tilespmem:v3+s15+$0x0], $0xffff  }
0x11f: {  	v53 =	vld.idx.msk [tilespmem:v53+s15+$0x0], $0xffff;
	[tilespmem:s29+$0xC320] =	vst v5  }
0x120: {  	v2 =	vld.idx.msk [tilespmem:v2+s15+$0x0], $0xffff;
	[tilespmem:s26+$0xC770] =	vst v6  }
0x121: {  	v54 =	vld.idx.msk [tilespmem:v54+s15+$0x0], $0xffff;
	[tilespmem:s2+$0xCF40] =	vst v0  }
0x122: {  	v1 =	vld.idx.msk [tilespmem:v1+s15+$0x0], $0xffff  }
0x123: {  	v4 =	vadd.s32 v43, v47;
	[tilespmem:s28+$0xC710] =	vst v3  }
0x124: {  	v4 =	vor.u32 v48, v4;
	v5 =	vadd.s32 v37, v52;
	[tilespmem:s30+$0xCB60] =	vst v53  }
0x125: {  	v5 =	vor.u32 v51, v5;
	v6 =	vadd.s32 v44, v49;
	[tilespmem:s29+$0xC330] =	vst v2  }
0x126: {  	v0 =	vor.u32 v50, v6;
	v6 =	vadd.s32 v38, v46;
	[tilespmem:s26+$0xCB00] =	vst v54  }
0x127: {  	v41 =	vadd.s32 v11, v58;
	v6 =	vor.u32 v45, v6;
	[tilespmem:s2+$0xCF50] =	vst v1  }
0x128: {  	v33 =	vmov v25;
	v25 =	vmov v20;
	v3 =	vor.u32 v57, v41;
	v20 =	vld [tilespmem:$0x1FF60]  }
0x129: {  	v42 =	vadd.s32 v14, v47;
	v4 =	vld.idx.msk [tilespmem:v4+s15+$0x0], $0xffff  }
0x12a: {  	v56 =	vadd.s32 v28, v52;
	v5 =	vld.idx.msk [tilespmem:v5+s15+$0x0], $0xffff;
	v2 =	vor.u32 v48, v42  }
0x12b: {  	v59 =	vadd.s32 v7, v49;
	v53 =	vor.u32 v51, v56;
	v0 =	vld.idx.msk [tilespmem:v0+s15+$0x0], $0xffff  }
0x12c: {  	v60 =	vadd.s32 v23, v46;
	v6 =	vld.idx.msk [tilespmem:v6+s15+$0x0], $0xffff;
	v1 =	vor.u32 v50, v59  }
0x12d: {  	v54 =	vor.u32 v45, v60;
	v3 =	vld.idx.msk [tilespmem:v3+s15+$0x0], $0xffff;
	v41 =	vadd.s32 v20, v58  }
0x12e: {  	[tilespmem:s28+$0xC720] =	vst v4;
	v4 =	vor.u32 v57, v41  }
0x12f: {  	s13 =	simm.s32 $0x5;
	[tilespmem:s30+$0xCB70] =	vst v5;
	v5 =	vadd.s32 v16, v47;
	v2 =	vld.idx.msk [tilespmem:v2+s15+$0x0], $0xffff  }
0x130: {  	v42 =	vmov s13;
	[tilespmem:s29+$0xC340] =	vst v0;
	v56 =	vld.idx.msk [tilespmem:v53+s15+$0x0], $0xffff;
	v0 =	vor.u32 v48, v5;
	v5 =	vadd.s32 v21, v52  }
0x131: {  	v60 =	vshrl.u32 v42, $0x3;
	[tilespmem:s26+$0xCB10] =	vst v6;
	v6 =	vadd.s32 v15, v49;
	v5 =	vor.u32 v51, v5;
	v1 =	vld.idx.msk [tilespmem:v1+s15+$0x0], $0xffff  }
0x132: {  	v53 =	vmul.u32 $0x1800, v60;
	v59 =	vld.idx.msk [tilespmem:v54+s15+$0x0], $0xffff;
	[tilespmem:s2+$0xCF60] =	vst v3;
	v3 =	vor.u32 v50, v6;
	v6 =	vadd.s32 v18, v46  }
0x133: {  	v41 =	vshll.u32 v42, $0x7;
	v6 =	vor.u32 v45, v6;
	v42 =	vadd.s32 v9, v58;
	v4 =	vld.idx.msk [tilespmem:v4+s15+$0x0], $0xffff  }
0x134: {  	[tilespmem:s28+$0xC730] =	vst v2;
	v2 =	vadd.s32 v10, v53;
	v54 =	vand.u32 $0x380, v41;
	v55 =	vor.u32 v57, v42  }
0x135: {  	v60 =	vadd.s32 v30, v47;
	[tilespmem:s30+$0xCF00] =	vst v56;
	v0 =	vld.idx.msk [tilespmem:v0+s15+$0x0], $0xffff;
	v2 =	vor.u32 v54, v2  }
0x136: {  	v5 =	vld.idx.msk [tilespmem:v5+s15+$0x0], $0xffff;
	v41 =	vadd.s32 v13, v52;
	[tilespmem:s29+$0xC350] =	vst v1;
	v1 =	vor.u32 v48, v60  }
0x137: {  	[tilespmem:s26+$0xCB20] =	vst v59;
	v42 =	vadd.s32 v12, v49;
	v56 =	vor.u32 v51, v41;
	v3 =	vld.idx.msk [tilespmem:v3+s15+$0x0], $0xffff  }
0x138: {  	v60 =	vadd.s32 v22, v46;
	v6 =	vld.idx.msk [tilespmem:v6+s15+$0x0], $0xffff;
	[tilespmem:s2+$0xCF70] =	vst v4;
	v4 =	vor.u32 v50, v42  }
0x139: {  	v59 =	vor.u32 v45, v60;
	v60 =	vadd.s32 v8, v58;
	v55 =	vld.idx.msk [tilespmem:v55+s15+$0x0], $0xffff  }
0x13a: {  	s14 =	simm.s32 $0x0;
	v60 =	vor.u32 v57, v60;
	[tilespmem:s28+$0xC740] =	vst v0;
	v0 =	vadd.s32 v36, v53;
	v2 =	vld.idx.msk [tilespmem:v2+s15+$0x0], $0xffff  }
0x13b: {  	s0 =	smul.u32 $0x6000, s14;
	[tilespmem:s30+$0xCF10] =	vst v5;
	v5 =	vadd.s32 v39, v47;
	v0 =	vor.u32 v54, v0;
	v1 =	vld.idx.msk [tilespmem:v1+s15+$0x0], $0xffff  }
0x13c: {  	s22 =	simm.s32 $0x280;
	v56 =	vld.idx.msk [tilespmem:v56+s15+$0x0], $0xffff;
	[tilespmem:s29+$0xC360] =	vst v3;
	v3 =	vor.u32 v48, v5;
	v5 =	vadd.s32 v33, v52  }
0x13d: {  	s1 =	sand.u32 $0x380, s22;
	s0 =	sshra.s32 s0, $0x2;
	[tilespmem:s26+$0xCB30] =	vst v6;
	v5 =	vor.u32 v51, v5;
	v6 =	vadd.s32 v26, v49;
	v4 =	vld.idx.msk [tilespmem:v4+s15+$0x0], $0xffff  }
0x13e: {  	s0 =	sor.u32 s1, s0;
	v33 =	vadd.s32 v25, v46;
	v59 =	vld.idx.msk [tilespmem:v59+s15+$0x0], $0xffff;
	v6 =	vor.u32 v50, v6;
	[tilespmem:s2+$0xD300] =	vst v55  }
0x13f: {  	v42 =	vadd.s32 v61, v58;
	[tilespmem:s0+$0xC300] =	vst v2;
	v55 =	vor.u32 v45, v33;
	v2 =	vld.idx.msk [tilespmem:v60+s15+$0x0], $0xffff  }
0x140: {  	v0 =	vld.idx.msk [tilespmem:v0+s15+$0x0], $0xffff;
	[tilespmem:s28+$0xC750] =	vst v1;
	v1 =	vadd.s32 v32, v53;
	v60 =	vor.u32 v57, v42  }
0x141: {  	[tilespmem:s30+$0xCF20] =	vst v56;
	v3 =	vld.idx.msk [tilespmem:v3+s15+$0x0], $0xffff;
	v1 =	vor.u32 v54, v1;
	v33 =	vadd.s32 v35, v47  }
0x142: {  	v5 =	vld.idx.msk [tilespmem:v5+s15+$0x0], $0xffff;
	v42 =	vadd.s32 v29, v52;
	[tilespmem:s29+$0xC370] =	vst v4;
	v4 =	vor.u32 v48, v33  }
0x143: {  	[tilespmem:s26+$0xCB40] =	vst v59;
	v56 =	vor.u32 v51, v42;
	v33 =	vadd.s32 v40, v49;
	v6 =	vld.idx.msk [tilespmem:v6+s15+$0x0], $0xffff  }
0x144: {  	v42 =	vadd.s32 v27, v46;
	v55 =	vld.idx.msk [tilespmem:v55+s15+$0x0], $0xffff;
	[tilespmem:s2+$0xD310] =	vst v2;
	v2 =	vor.u32 v50, v33  }
0x145: {  	[tilespmem:s0+$0xC310] =	vst v0;
	v59 =	vor.u32 v45, v42;
	v33 =	vadd.s32 v62, v58;
	v0 =	vld.idx.msk [tilespmem:v60+s15+$0x0], $0xffff  }
0x146: {  	v1 =	vld.idx.msk [tilespmem:v1+s15+$0x0], $0xffff;
	[tilespmem:s28+$0xC760] =	vst v3;
	v3 =	vadd.s32 v34, v53;
	v60 =	vor.u32 v57, v33  }
0x147: {  	[tilespmem:s30+$0xCF30] =	vst v5;
	v3 =	vor.u32 v54, v3;
	v5 =	vadd.s32 v19, v47;
	v4 =	vld.idx.msk [tilespmem:v4+s15+$0x0], $0xffff  }
0x148: {  	v5 =	vor.u32 v48, v5;
	v56 =	vld.idx.msk [tilespmem:v56+s15+$0x0], $0xffff;
	[tilespmem:s29+$0xC700] =	vst v6;
	v6 =	vadd.s32 v31, v52  }
0x149: {  	v42 =	vadd.s32 v43, v49;
	[tilespmem:s26+$0xCB50] =	vst v55;
	v2 =	vld.idx.msk [tilespmem:v2+s15+$0x0], $0xffff;
	v6 =	vor.u32 v51, v6  }
0x14a: {  	v33 =	vadd.s32 v37, v46;
	v59 =	vld.idx.msk [tilespmem:v59+s15+$0x0], $0xffff;
	[tilespmem:s2+$0xD320] =	vst v0;
	v0 =	vor.u32 v50, v42  }
0x14b: {  	[tilespmem:s0+$0xC320] =	vst v1;
	v55 =	vor.u32 v45, v33;
	v42 =	vadd.s32 v63, v58;
	v1 =	vld.idx.msk [tilespmem:v60+s15+$0x0], $0xffff  }
0x14c: {  	v3 =	vld.idx.msk [tilespmem:v3+s15+$0x0], $0xffff;
	v60 =	vor.u32 v57, v42;
	[tilespmem:s28+$0xC770] =	vst v4;
	v4 =	vadd.s32 v44, v53  }
0x14d: {  	v33 =	vadd.s32 v38, v47;
	[tilespmem:s30+$0xCF40] =	vst v56;
	v5 =	vld.idx.msk [tilespmem:v5+s15+$0x0], $0xffff;
	v4 =	vor.u32 v54, v4  }
0x14e: {  	v42 =	vadd.s32 v11, v52;
	v6 =	vld.idx.msk [tilespmem:v6+s15+$0x0], $0xffff;
	[tilespmem:s29+$0xC710] =	vst v2;
	v2 =	vor.u32 v48, v33  }
0x14f: {  	v56 =	vor.u32 v51, v42;
	[tilespmem:s26+$0xCB60] =	vst v59;
	v33 =	vadd.s32 v14, v49;
	v0 =	vld.idx.msk [tilespmem:v0+s15+$0x0], $0xffff  }
0x150: {  	v42 =	vadd.s32 v28, v46;
	v55 =	vld.idx.msk [tilespmem:v55+s15+$0x0], $0xffff;
	[tilespmem:s2+$0xD330] =	vst v1;
	v1 =	vor.u32 v50, v33  }
0x151: {  	[tilespmem:s0+$0xC330] =	vst v3;
	v59 =	vor.u32 v45, v42;
	v33 =	vadd.s32 v17, v58;
	v3 =	vld.idx.msk [tilespmem:v60+s15+$0x0], $0xffff  }
0x152: {  	v60 =	vor.u32 v57, v33;
	v4 =	vld.idx.msk [tilespmem:v4+s15+$0x0], $0xffff;
	[tilespmem:s28+$0xCB00] =	vst v5;
	v5 =	vadd.s32 v7, v53  }
0x153: {  	v41 =	vmov v13;
	v2 =	vld.idx.msk [tilespmem:v2+s15+$0x0], $0xffff;
	[tilespmem:s30+$0xCF50] =	vst v6;
	v5 =	vor.u32 v54, v5;
	v6 =	vadd.s32 v23, v47  }
0x154: {  	v13 =	vmov v9;
	v42 =	vadd.s32 v20, v52;
	v56 =	vld.idx.msk [tilespmem:v56+s15+$0x0], $0xffff;
	[tilespmem:s29+$0xC720] =	vst v0;
	v0 =	vor.u32 v48, v6  }
0x155: {  	v9 =	vmov v61;
	v61 =	vadd.s32 v16, v49;
	[tilespmem:s26+$0xCB70] =	vst v55;
	v6 =	vor.u32 v51, v42;
	v1 =	vld.idx.msk [tilespmem:v1+s15+$0x0], $0xffff  }
0x156: {  	v33 =	vadd.s32 v21, v46;
	v59 =	vld.idx.msk [tilespmem:v59+s15+$0x0], $0xffff;
	[tilespmem:s2+$0xD340] =	vst v3;
	v3 =	vor.u32 v50, v61  }
0x157: {  	v55 =	vadd.s32 v24, v58;
	[tilespmem:s0+$0xC340] =	vst v4;
	v4 =	vld.idx.msk [tilespmem:v60+s15+$0x0], $0xffff;
	v60 =	vor.u32 v45, v33  }
0x158: {  	s23 =	simm.s32 $0x6;
	v16 =	vmov v63;
	v63 =	vor.u32 v57, v55;
	v5 =	vld.idx.msk [tilespmem:v5+s15+$0x0], $0xffff;
	[tilespmem:s28+$0xCB10] =	vst v2;
	v2 =	vadd.s32 v15, v53  }
0x159: {  	v61 =	vmov s23;
	v0 =	vld.idx.msk [tilespmem:v0+s15+$0x0], $0xffff;
	[tilespmem:s30+$0xCF60] =	vst v56;
	v2 =	vor.u32 v54, v2  }
0x15a: {  	v42 =	vmov v62;
	v62 =	vshrl.u32 v61, $0x3;
	v56 =	vadd.s32 v18, v47;
	v6 =	vld.idx.msk [tilespmem:v6+s15+$0x0], $0xffff;
	[tilespmem:s29+$0xC730] =	vst v1  }
0x15b: {  	v55 =	vmul.u32 $0x1800, v62;
	v62 =	vadd.s32 v13, v52;
	v1 =	vor.u32 v48, v56;
	[tilespmem:s26+$0xCF00] =	vst v59;
	v3 =	vld.idx.msk [tilespmem:v3+s15+$0x0], $0xffff  }
0x15c: {  	v61 =	vshll.u32 v61, $0x7;
	v59 =	vor.u32 v51, v62;
	v62 =	vadd.s32 v30, v49;
	v60 =	vld.idx.msk [tilespmem:v60+s15+$0x0], $0xffff;
	[tilespmem:s2+$0xD350] =	vst v4  }
0x15d: {  	v56 =	vand.u32 $0x380, v61;
	v61 =	vadd.s32 v10, v55;
	v4 =	vor.u32 v50, v62;
	[tilespmem:s0+$0xC350] =	vst v5;
	v62 =	vld.idx.msk [tilespmem:v63+s15+$0x0], $0xffff  }
0x15e: {  	v61 =	vor.u32 v56, v61;
	v5 =	vadd.s32 v41, v46;
	v2 =	vld.idx.msk [tilespmem:v2+s15+$0x0], $0xffff;
	[tilespmem:s28+$0xCB20] =	vst v0  }
0x15f: {  	v0 =	vor.u32 v45, v5;
	v5 =	vld [tilespmem:$0x1FDD0];
	[tilespmem:s30+$0xCF70] =	vst v6  }
0x160: {  	[tilespmem:s29+$0xC740] =	vst v3  }
0x161: {  	[tilespmem:s26+$0xCF10] =	vst v60  }
0x162: {  	v63 =	vadd.s32 v12, v53;
	v1 =	vld.idx.msk [tilespmem:v1+s15+$0x0], $0xffff;
	[tilespmem:s2+$0xD360] =	vst v62  }
0x163: {  	v6 =	vor.u32 v54, v63;
	v63 =	vadd.s32 v22, v47;
	v3 =	vld.idx.msk [tilespmem:v61+s15+$0x0], $0xffff;
	[tilespmem:s0+$0xC360] =	vst v2  }
0x164: {  	v61 =	vor.u32 v48, v63;
	v63 =	vadd.s32 v8, v52;
	v8 =	vld [tilespmem:$0x1FF30]  }
0x165: {  	v59 =	vld.idx.msk [tilespmem:v59+s15+$0x0], $0xffff;
	v5 =	vadd.s32 v5, v58  }
0x166: {  	s25 =	simm.s32 $0x0;
	v4 =	vld.idx.msk [tilespmem:v4+s15+$0x0], $0xffff;
	v5 =	vor.u32 v57, v5  }
0x167: {  	s1 =	smul.u32 $0x6000, s25;
	v33 =	vmovc v17;
	v17 =	vmov v36;
	v36 =	vadd.s32 v36, v55;
	v63 =	vor.u32 v51, v63;
	v0 =	vld.idx.msk [tilespmem:v0+s15+$0x0], $0xffff  }
0x168: {  	s8 =	simm.s32 $0x300;
	v60 =	vor.u32 v56, v36;
	v36 =	vadd.s32 v39, v49;
	[tilespmem:s28+$0xCB30] =	vst v1;
	v1 =	vld.idx.msk [tilespmem:v6+s15+$0x0], $0xffff  }
0x169: {  	s9 =	sand.u32 $0x380, s8;
	s1 =	sshra.s32 s1, $0x2;
	v2 =	vor.u32 v50, v36;
	v36 =	vadd.s32 v8, v46;
	v8 =	vld [tilespmem:$0x1FDE0]  }
0x16a: {  	s1 =	sor.u32 s9, s1;
	v61 =	vld.idx.msk [tilespmem:v61+s15+$0x0], $0xffff;
	[tilespmem:s30+$0xD300] =	vst v59  }
0x16b: {  	[tilespmem:s1+$0xC300] =	vst v3;
	v5 =	vld.idx.msk [tilespmem:v5+s15+$0x0], $0xffff;
	v6 =	vor.u32 v45, v36  }
0x16c: {  	[tilespmem:s29+$0xC750] =	vst v4;
	v36 =	vadd.s32 v26, v53  }
0x16d: {  	[tilespmem:s26+$0xCF20] =	vst v0;
	v63 =	vld.idx.msk [tilespmem:v63+s15+$0x0], $0xffff;
	v3 =	vor.u32 v54, v36;
	v36 =	vadd.s32 v25, v47  }
0x16e: {  	[tilespmem:s0+$0xC370] =	vst v1;
	v4 =	vld.idx.msk [tilespmem:v60+s15+$0x0], $0xffff;
	v59 =	vor.u32 v48, v36;
	v62 =	vadd.s32 v8, v58  }
0x16f: {  	v0 =	vadd.s32 v32, v55;
	v2 =	vld.idx.msk [tilespmem:v2+s15+$0x0], $0xffff;
	[tilespmem:s28+$0xCB40] =	vst v61;
	v62 =	vor.u32 v57, v62  }
0x170: {  	v0 =	vor.u32 v56, v0;
	v36 =	vadd.s32 v9, v52;
	[tilespmem:s2+$0xD370] =	vst v5;
	v6 =	vld.idx.msk [tilespmem:v6+s15+$0x0], $0xffff  }
0x171: {  	v20 =	vmovc v15;
	v15 =	vmovc v30;
	v60 =	vor.u32 v51, v36;
	v30 =	vmov v8;
	v5 =	vadd.s32 v35, v49;
	v8 =	vld [tilespmem:$0x1FDF0]  }
0x172: {  	v1 =	vor.u32 v50, v5;
	v5 =	vadd.s32 v29, v46;
	v3 =	vld.idx.msk [tilespmem:v3+s15+$0x0], $0xffff  }
0x173: {  	v36 =	vmov v40;
	v40 =	vadd.s32 v40, v53;
	[tilespmem:s30+$0xD310] =	vst v63;
	v5 =	vor.u32 v45, v5;
	v59 =	vld.idx.msk [tilespmem:v59+s15+$0x0], $0xffff  }
0x174: {  	v14 =	vmovc v11;
	v11 =	vmov v23;
	v23 =	vmov v27;
	[tilespmem:s1+$0xC310] =	vst v4;
	v4 =	vor.u32 v54, v40;
	v62 =	vld.idx.msk [tilespmem:v62+s15+$0x0], $0xffff  }
0x175: {  	v40 =	vadd.s32 v23, v47;
	[tilespmem:s29+$0xC760] =	vst v2;
	v0 =	vld.idx.msk [tilespmem:v0+s15+$0x0], $0xffff  }
0x176: {  	v2 =	vor.u32 v48, v40;
	v60 =	vld.idx.msk [tilespmem:v60+s15+$0x0], $0xffff;
	[tilespmem:s26+$0xCF30] =	vst v6;
	v61 =	vadd.s32 v8, v58  }
0x177: {  	v1 =	vld.idx.msk [tilespmem:v1+s15+$0x0], $0xffff;
	[tilespmem:s0+$0xC700] =	vst v3;
	v61 =	vor.u32 v57, v61  }
0x178: {  	v5 =	vld.idx.msk [tilespmem:v5+s15+$0x0], $0xffff;
	[tilespmem:s28+$0xCB50] =	vst v59  }
0x179: {  	v4 =	vld.idx.msk [tilespmem:v4+s15+$0x0], $0xffff;
	[tilespmem:s2+$0xD700] =	vst v62  }
0x17a: {  	v13 =	vmovc v26;
	v26 =	vmov v32;
	v40 =	vadd.s32 v42, v52;
	v32 =	vmov v8;
	v8 =	vld [tilespmem:$0x1FE00]  }
0x17b: {  	v63 =	vor.u32 v51, v40;
	v6 =	vadd.s32 v34, v55;
	v2 =	vld.idx.msk [tilespmem:v2+s15+$0x0], $0xffff;
	[tilespmem:s30+$0xD320] =	vst v60  }
0x17c: {  	v42 =	vadd.s32 v19, v49;
	v6 =	vor.u32 v56, v6;
	[tilespmem:s1+$0xC320] =	vst v0;
	v61 =	vld.idx.msk [tilespmem:v61+s15+$0x0], $0xffff  }
0x17d: {  	v3 =	vor.u32 v50, v42;
	v42 =	vadd.s32 v43, v53;
	[tilespmem:s29+$0xC770] =	vst v1  }
0x17e: {  	v40 =	vadd.s32 v31, v46;
	[tilespmem:s26+$0xCF40] =	vst v5  }
0x17f: {  	v59 =	vor.u32 v45, v40;
	v0 =	vor.u32 v54, v42;
	[tilespmem:s0+$0xC710] =	vst v4;
	v62 =	vadd.s32 v8, v58  }
0x180: {  	v42 =	vmov v37;
	v37 =	vadd.s32 v37, v47;
	v63 =	vld.idx.msk [tilespmem:v63+s15+$0x0], $0xffff;
	[tilespmem:s28+$0xCB60] =	vst v2;
	v62 =	vor.u32 v57, v62  }
0x181: {  	v1 =	vld.idx.msk [tilespmem:v6+s15+$0x0], $0xffff;
	v6 =	vor.u32 v48, v37;
	v37 =	vadd.s32 v16, v52;
	[tilespmem:s2+$0xD710] =	vst v61  }
0x182: {  	v2 =	vld [tilespmem:$0x1FE10]  }
0x183: {  	v3 =	vld.idx.msk [tilespmem:v3+s15+$0x0], $0xffff  }
0x184: {  	v60 =	vor.u32 v51, v37;
	v59 =	vld.idx.msk [tilespmem:v59+s15+$0x0], $0xffff;
	v37 =	vmov v38;
	v38 =	vadd.s32 v38, v49  }
0x185: {  	v4 =	vor.u32 v50, v38;
	v62 =	vld.idx.msk [tilespmem:v62+s15+$0x0], $0xffff  }
0x186: {  	v27 =	vmov v24;
	v24 =	vmov v18;
	v5 =	vadd.s32 v44, v55;
	[tilespmem:s30+$0xD330] =	vst v63  }
0x187: {  	v18 =	vmovc v25;
	v16 =	vor.u32 v57, v58;
	v25 =	vmov v2;
	v58 =	vadd.s32 v2, v58;
	v2 =	vld [tilespmem:$0x1FD60];
	[tilespmem:s1+$0xC330] =	vst v1  }
0x188: {  	v5 =	vor.u32 v56, v5;
	v0 =	vld.idx.msk [tilespmem:v0+s15+$0x0], $0xffff;
	[tilespmem:s29+$0xCB00] =	vst v3  }
0x189: {  	v38 =	vadd.s32 v14, v46;
	v6 =	vld.idx.msk [tilespmem:v6+s15+$0x0], $0xffff;
	[tilespmem:s26+$0xCF50] =	vst v59  }
0x18a: {  	v61 =	vor.u32 v45, v38;
	v9 =	vld.idx.msk [tilespmem:v4+s15+$0x0], $0xffff;
	[tilespmem:s2+$0xD720] =	vst v62  }
0x18b: {  	v33 =	vadd.s32 v33, v52;
	v57 =	vor.u32 v57, v58;
	v4 =	vld [tilespmem:$0x1FF60]  }
0x18c: {  	v40 =	vmovc v8;
	v8 =	vmov v14;
	v14 =	vmov v44;
	v63 =	vld.idx.msk [tilespmem:v60+s15+$0x0], $0xffff;
	v44 =	vadd.s32 v2, v53  }
0x18d: {  	v5 =	vld.idx.msk [tilespmem:v5+s15+$0x0], $0xffff;
	[tilespmem:s0+$0xC720] =	vst v0;
	v1 =	vor.u32 v54, v44;
	v44 =	vadd.s32 v28, v47  }
0x18e: {  	v38 =	vmov v2;
	v2 =	vor.u32 v51, v33;
	v33 =	vld [tilespmem:$0x1FFF0];
	v58 =	vor.u32 v48, v44  }
0x18f: {  	v3 =	vadd.s32 v7, v55;
	v59 =	vld.idx.msk [tilespmem:v61+s15+$0x0], $0xffff  }
0x190: {  	v31 =	vor.u32 v56, v3;
	v62 =	vld.idx.msk [tilespmem:v57+s15+$0x0], $0xffff;
	[tilespmem:s28+$0xCB70] =	vst v6;
	v4 =	vadd.s32 v4, v46  }
0x191: {  	v3 =	vadd.s32 v11, v49;
	v60 =	vor.u32 v45, v4;
	v4 =	vld [tilespmem:$0x1FE90]  }
0x192: {  	v0 =	vor.u32 v50, v3;
	v3 =	vld.idx.msk [tilespmem:v1+s15+$0x0], $0xffff  }
0x193: {  	s2 =	simm.s32 $0x7;
	v44 =	vor.u32 v33, v16;
	[tilespmem:s30+$0xD340] =	vst v63;
	v61 =	vld.idx.msk [tilespmem:v58+s15+$0x0], $0xffff  }
0x194: {  	v41 =	vmovc v12;
	v12 =	vmovc v7;
	v1 =	vmov s2;
	[tilespmem:s1+$0xC340] =	vst v5;
	v16 =	vmov v21;
	v63 =	vadd.s32 v21, v47;
	v58 =	vld.idx.msk [tilespmem:v2+s15+$0x0], $0xffff  }
0x195: {  	[tilespmem:s29+$0xCB10] =	vst v9;
	v21 =	vmovc v18;
	v18 =	vmovc v8;
	v57 =	vadd.s32 $0x1400, v44;
	v6 =	vshll.u32 v1, $0x7;
	v2 =	vshrl.u32 v1, $0x3;
	v5 =	vld.idx.msk [tilespmem:v31+s15+$0x0], $0xffff  }
0x196: {  	s25 =	sshll.u32 s24, $0x6;
	v63 =	vor.u32 v48, v63;
	v1 =	vadd.s32 v27, v52;
	v44 =	vmovc v4;
	v4 =	vadd.s32 v4, v53  }
0x197: {  	s31 =	sor.u32 s7, s25;
	s9 =	simm.s32 $0x8;
	v31 =	vmovc v29;
	v27 =	vld [tilespmem:$0x1FF20];
	v29 =	vmovc v28;
	v28 =	vmov v23;
	v23 =	vmov v11;
	v4 =	vor.u32 v54, v4  }
.LBB2_3:
0x198: {  	_ =	sdelay $0x2  }
0x199: {  	v0 =	vld.idx.msk [tilespmem:v0+s15+$0x0], $0xffff;
	[tilespmem:s26+$0xCF60] =	vst v59  }
0x19a: {  	v59 =	vor.u32 v51, v1;
	v1 =	vadd.s32 v24, v49;
	v60 =	vld.idx.msk [tilespmem:v60+s15+$0x0], $0xffff;
	[tilespmem:v57+s18+$0x0] =	vst.idx.msk $0xffff, v62  }
0x19b: {  	v7 =	vadd.s32 v20, v55;
	[tilespmem:s0+$0xC730] =	vst v3;
	v3 =	vor.u32 v50, v1;
	v1 =	vld [tilespmem:$0x1FFC0]  }
0x19c: {  	v7 =	vor.u32 v56, v7  }
0x19d: {  	v2 =	vmul.u32 $0x1800, v2;
	v4 =	vld.idx.msk [tilespmem:v4+s15+$0x0], $0xffff;
	[tilespmem:s28+$0xCF00] =	vst v61  }
0x19e: {  	v63 =	vld.idx.msk [tilespmem:v63+s15+$0x0], $0xffff;
	[tilespmem:s30+$0xD350] =	vst v58  }
0x19f: {  	v57 =	vand.u32 $0x380, v6;
	v6 =	vadd.s32 v10, v2;
	[tilespmem:s1+$0xC350] =	vst v5  }
0x1a0: {  	v6 =	vor.u32 v57, v6;
	v59 =	vld.idx.msk [tilespmem:v59+s15+$0x0], $0xffff;
	v62 =	vadd.s32 v1, v46  }
0x1a1: {  	v7 =	vld.idx.msk [tilespmem:v7+s15+$0x0], $0xffff;
	v61 =	vor.u32 v45, v62  }
0x1a2: {  	[tilespmem:s29+$0xCB20] =	vst v0;
	v0 =	vld [tilespmem:$0x1FDD0];
	_ =	sdelay $0x1  }
0x1a3: {  	v3 =	vld.idx.msk [tilespmem:v3+s15+$0x0], $0xffff;
	[tilespmem:s26+$0xCF70] =	vst v60;
	v62 =	vadd.s32 v15, v53  }
0x1a4: {  	v5 =	vor.u32 v54, v62;
	v62 =	vadd.s32 v27, v47;
	v6 =	vld.idx.msk [tilespmem:v6+s15+$0x0], $0xffff  }
0x1a5: {  	v8 =	vadd.s32 v22, v49;
	v58 =	vor.u32 v48, v62;
	v61 =	vld.idx.msk [tilespmem:v61+s15+$0x0], $0xffff  }
0x1a6: {  	v0 =	vadd.s32 v0, v52;
	[tilespmem:s0+$0xC740] =	vst v4;
	v4 =	vor.u32 v50, v8;
	v8 =	vld [tilespmem:$0x1FFD0]  }
0x1a7: {  	v62 =	vadd.s32 v41, v55;
	v60 =	vor.u32 v51, v0  }
0x1a8: {  	v10 =	vld [tilespmem:$0x1FF30];
	v62 =	vor.u32 v56, v62  }
0x1a9: {  	v5 =	vld.idx.msk [tilespmem:v5+s15+$0x0], $0xffff;
	[tilespmem:s28+$0xCF10] =	vst v63  }
0x1aa: {  	s10 =	sshrl.u32 s2, $0x3;
	v9 =	vadd.s32 v17, v2;
	v58 =	vld.idx.msk [tilespmem:v58+s15+$0x0], $0xffff;
	[tilespmem:s30+$0xD360] =	vst v59  }
0x1ab: {  	v11 =	vld [tilespmem:$0x1FFB0];
	s10 =	smul.u32 $0x6000, s10;
	v9 =	vor.u32 v57, v9;
	[tilespmem:s1+$0xC360] =	vst v7;
	v8 =	vadd.s32 v8, v46  }
0x1ac: {  	s8 =	sadd.s32 $0x80, s8;
	v63 =	vadd.s32 v39, v53;
	v60 =	vld.idx.msk [tilespmem:v60+s15+$0x0], $0xffff;
	v8 =	vor.u32 v45, v8  }
0x1ad: {  	s11 =	sand.u32 $0x380, s8;
	s10 =	sshra.s32 s10, $0x2;
	v59 =	vadd.s32 v10, v47;
	v7 =	vor.u32 v54, v63;
	v62 =	vld.idx.msk [tilespmem:v62+s15+$0x0], $0xffff;
	[tilespmem:s29+$0xCB30] =	vst v3  }
0x1ae: {  	s10 =	sor.u32 s11, s10;
	v3 =	vor.u32 v48, v59;
	v4 =	vld.idx.msk [tilespmem:v4+s15+$0x0], $0xffff;
	[tilespmem:s26+$0xD300] =	vst v61  }
0x1af: {  	v59 =	vadd.s32 v30, v52;
	[tilespmem:s10+$0xC300] =	vst v6  }
0x1b0: {  	v63 =	vadd.s32 v13, v55;
	v59 =	vor.u32 v51, v59;
	v9 =	vld.idx.msk [tilespmem:v9+s15+$0x0], $0xffff  }
0x1b1: {  	v61 =	vadd.s32 v21, v49;
	v6 =	vor.u32 v56, v63;
	v8 =	vld.idx.msk [tilespmem:v8+s15+$0x0], $0xffff;
	[tilespmem:s0+$0xC750] =	vst v5  }
0x1b2: {  	v5 =	vor.u32 v50, v61;
	v7 =	vld.idx.msk [tilespmem:v7+s15+$0x0], $0xffff;
	[tilespmem:s28+$0xCF20] =	vst v58  }
0x1b3: {  	v61 =	vadd.s32 v11, v46;
	v3 =	vld.idx.msk [tilespmem:v3+s15+$0x0], $0xffff;
	[tilespmem:s30+$0xD370] =	vst v60  }
0x1b4: {  	v63 =	vadd.s32 v26, v2;
	v11 =	vld [tilespmem:$0x1FFA0];
	v58 =	vor.u32 v45, v61;
	[tilespmem:s1+$0xC370] =	vst v62  }
0x1b5: {  	v61 =	vor.u32 v57, v63;
	v59 =	vld.idx.msk [tilespmem:v59+s15+$0x0], $0xffff  }
0x1b6: {  	v63 =	vadd.s32 v35, v53;
	v6 =	vld.idx.msk [tilespmem:v6+s15+$0x0], $0xffff;
	[tilespmem:s29+$0xCB40] =	vst v4  }
0x1b7: {  	v60 =	vor.u32 v54, v63;
	v62 =	vadd.s32 v31, v47;
	v5 =	vld.idx.msk [tilespmem:v5+s15+$0x0], $0xffff;
	[tilespmem:s26+$0xD310] =	vst v8  }
0x1b8: {  	v4 =	vor.u32 v48, v62;
	[tilespmem:s10+$0xC310] =	vst v9  }
0x1b9: {  	v62 =	vadd.s32 v32, v52;
	v58 =	vld.idx.msk [tilespmem:v58+s15+$0x0], $0xffff  }
0x1ba: {  	v63 =	vadd.s32 v36, v55;
	v8 =	vor.u32 v51, v62;
	v62 =	vadd.s32 v28, v49;
	v61 =	vld.idx.msk [tilespmem:v61+s15+$0x0], $0xffff  }
0x1bb: {  	v9 =	vor.u32 v56, v63;
	[tilespmem:s0+$0xC760] =	vst v7;
	v7 =	vor.u32 v50, v62;
	v62 =	vadd.s32 v11, v46;
	v11 =	vld [tilespmem:$0x1FDC0]  }
0x1bc: {  	v60 =	vld.idx.msk [tilespmem:v60+s15+$0x0], $0xffff;
	[tilespmem:s28+$0xCF30] =	vst v3  }
0x1bd: {  	v4 =	vld.idx.msk [tilespmem:v4+s15+$0x0], $0xffff;
	[tilespmem:s30+$0xD700] =	vst v59  }
0x1be: {  	[tilespmem:s1+$0xC700] =	vst v6  }
0x1bf: {  	v63 =	vadd.s32 v34, v2;
	v3 =	vor.u32 v45, v62;
	v8 =	vld.idx.msk [tilespmem:v8+s15+$0x0], $0xffff  }
0x1c0: {  	v62 =	vor.u32 v57, v63;
	v63 =	vadd.s32 v19, v53;
	v9 =	vld.idx.msk [tilespmem:v9+s15+$0x0], $0xffff;
	[tilespmem:s29+$0xCB50] =	vst v5  }
0x1c1: {  	v6 =	vor.u32 v54, v63;
	v63 =	vadd.s32 v11, v47;
	v7 =	vld.idx.msk [tilespmem:v7+s15+$0x0], $0xffff  }
0x1c2: {  	[tilespmem:s26+$0xD320] =	vst v58;
	v11 =	vld [tilespmem:$0x1FF90];
	v5 =	vor.u32 v48, v63  }
0x1c3: {  	v59 =	vadd.s32 v40, v52;
	[tilespmem:s10+$0xC320] =	vst v61  }
0x1c4: {  	v1 =	vor.u32 v51, v52;
	v58 =	vor.u32 v51, v59;
	v63 =	vadd.s32 v43, v55;
	v3 =	vld.idx.msk [tilespmem:v3+s15+$0x0], $0xffff  }
0x1c5: {  	v61 =	vadd.s32 v42, v49;
	v59 =	vor.u32 v56, v63;
	v62 =	vld.idx.msk [tilespmem:v62+s15+$0x0], $0xffff;
	[tilespmem:s0+$0xC770] =	vst v60  }
0x1c6: {  	v0 =	vadd.s32 v25, v52;
	v52 =	vmov v46;
	v60 =	vor.u32 v50, v61;
	v6 =	vld.idx.msk [tilespmem:v6+s15+$0x0], $0xffff;
	[tilespmem:s28+$0xCF40] =	vst v4  }
0x1c7: {  	v61 =	vadd.s32 v11, v52;
	v5 =	vld.idx.msk [tilespmem:v5+s15+$0x0], $0xffff;
	[tilespmem:s30+$0xD710] =	vst v8  }
0x1c8: {  	v63 =	vadd.s32 v14, v2;
	v4 =	vor.u32 v45, v61;
	[tilespmem:s1+$0xC710] =	vst v9  }
0x1c9: {  	v46 =	vmovc v47;
	v47 =	vmov v49;
	v49 =	vmov v53;
	v61 =	vor.u32 v57, v63;
	v9 =	vld.idx.msk [tilespmem:v58+s15+$0x0], $0xffff  }
0x1ca: {  	v53 =	vmov v55;
	v63 =	vadd.s32 v37, v49;
	v58 =	vld.idx.msk [tilespmem:v59+s15+$0x0], $0xffff;
	[tilespmem:s29+$0xCB60] =	vst v7  }
0x1cb: {  	v55 =	vmov v2;
	v8 =	vadd.s32 v18, v46;
	v2 =	vor.u32 v54, v63;
	v60 =	vld.idx.msk [tilespmem:v60+s15+$0x0], $0xffff;
	[tilespmem:s26+$0xD330] =	vst v3  }
0x1cc: {  	v7 =	vor.u32 v48, v8;
	v8 =	vld [tilespmem:$0x1FF80];
	[tilespmem:s10+$0xC330] =	vst v62  }
0x1cd: {  	v4 =	vld.idx.msk [tilespmem:v4+s15+$0x0], $0xffff  }
0x1ce: {  	v59 =	vadd.s32 v38, v53;
	v3 =	vor.u32 v51, v0;
	v0 =	vadd.s32 v29, v47;
	v10 =	vld.idx.msk [tilespmem:v61+s15+$0x0], $0xffff  }
0x1cf: {  	v63 =	vor.u32 v56, v59;
	[tilespmem:s0+$0xCB00] =	vst v6;
	v6 =	vor.u32 v50, v0;
	v0 =	vld [tilespmem:$0x1FF60]  }
0x1d0: {  	v11 =	vld.idx.msk [tilespmem:v2+s15+$0x0], $0xffff;
	[tilespmem:s28+$0xCF50] =	vst v5  }
0x1d1: {  	v51 =	vmov v45;
	v8 =	vadd.s32 v8, v52;
	v59 =	vld.idx.msk [tilespmem:v7+s15+$0x0], $0xffff;
	[tilespmem:s30+$0xD720] =	vst v9  }
0x1d2: {  	v2 =	vor.u32 v51, v8;
	[tilespmem:s1+$0xC720] =	vst v58  }
0x1d3: {  	s30 =	smov.u32 s26;
	s26 =	smov.u32 s28;
	s28 =	smov.u32 s29;
	v62 =	vld.idx.msk [tilespmem:v3+s15+$0x0], $0xffff  }
0x1d4: {  	v45 =	vmov v48;
	v3 =	vld.idx.msk [tilespmem:v63+s15+$0x0], $0xffff;
	[tilespmem:s28+$0xCB70] =	vst v60;
	v61 =	vadd.s32 v0, v46  }
0x1d5: {  	s29 =	smov.u32 s0;
	s0 =	smov.u32 s1;
	s1 =	smov.u32 s10;
	v60 =	vor.u32 v45, v61;
	v61 =	vld.idx.msk [tilespmem:v6+s15+$0x0], $0xffff;
	[tilespmem:s30+$0xD340] =	vst v4  }
0x1d6: {  	v1 =	vor.u32 v33, v1;
	v48 =	vmovc v50;
	v50 =	vmov v54;
	v0 =	vadd.s32 v12, v55;
	[tilespmem:s1+$0xC340] =	vst v10  }
0x1d7: {  	v54 =	vmovc v56;
	v56 =	vmovc v57;
	v5 =	vor.u32 v57, v0;
	v57 =	vadd.s32 $0x1400, v1;
	v1 =	vmov s9;
	v58 =	vld.idx.msk [tilespmem:v2+s15+$0x0], $0xffff  }
0x1d8: {  	p1 =	sne.s32 s9, $0x1F;
	v6 =	vshll.u32 v1, $0x7;
	v2 =	vshrl.u32 v1, $0x3;
	v1 =	vld [tilespmem:$0x1FF70]  }
.Ltmp2:
0x1d9: {  	_ = 	snop;
	(pc) =	sbr.rel @p1 .LBB2_3-.Ltmp2, $4  }
0x1da: {  	_ = 	snop  }
0x1db: {  	v7 =	vadd.s32 v44, v53;
	v0 =	vadd.s32 v23, v49  }
0x1dc: {  	v4 =	vor.u32 v54, v7;
	v7 =	vadd.s32 v16, v47;
	v0 =	vor.u32 v50, v0;
	v10 =	vld [tilespmem:$0x1FFE0]  }
0x1dd: {  	s2 =	smov.u32 s9;
	s9 =	sadd.s32 $0x1, s9;
	v63 =	vor.u32 v48, v7;
	v5 =	vld.idx.msk [tilespmem:v5+s15+$0x0], $0xffff;
	[tilespmem:s29+$0xCB10] =	vst v11;
	v1 =	vadd.s32 v1, v52  }
0x1de: {  	_ = 	snop  }
0x1df: {  	v7 =	vmul.u32 $0x1800, v2;
	_ =	sdelay $0x1  }
0x1e0: {  	v8 =	vand.u32 $0x380, v6;
	v2 =	vadd.s32 v10, v7  }
0x1e1: {  	v2 =	vor.u32 v8, v2;
	_ =	sdelay $0x4  }
0x1e2: {  	s2 =	sshrl.u32 s2, $0x3;
	v6 =	vadd.s32 v17, v7;
	v2 =	vld.idx.msk [tilespmem:v2+s15+$0x0], $0xffff  }
0x1e3: {  	s2 =	smul.u32 $0x6000, s2;
	v6 =	vor.u32 v8, v6  }
0x1e4: {  	s8 =	sadd.s32 $0x80, s8  }
0x1e5: {  	s8 =	sand.u32 $0x380, s8;
	s2 =	sshra.s32 s2, $0x2  }
0x1e6: {  	s2 =	sor.u32 s8, s2  }
0x1e7: {  	[tilespmem:s2+$0xC300] =	vst v2  }
0x1e8: {  	v2 =	vld.idx.msk [tilespmem:v6+s15+$0x0], $0xffff;
	v6 =	vadd.s32 v26, v7  }
0x1e9: {  	v6 =	vor.u32 v8, v6;
	_ =	sdelay $0x3  }
0x1ea: {  	[tilespmem:s2+$0xC310] =	vst v2  }
0x1eb: {  	v34 =	vadd.s32 v34, v7;
	v2 =	vld.idx.msk [tilespmem:v6+s15+$0x0], $0xffff  }
0x1ec: {  	v6 =	vor.u32 v8, v34;
	_ =	sdelay $0x3  }
0x1ed: {  	[tilespmem:s2+$0xC320] =	vst v2  }
0x1ee: {  	v34 =	vadd.s32 v14, v7;
	v2 =	vld.idx.msk [tilespmem:v6+s15+$0x0], $0xffff  }
0x1ef: {  	v6 =	vor.u32 v8, v34;
	_ =	sdelay $0x3  }
0x1f0: {  	[tilespmem:s2+$0xC330] =	vst v2  }
0x1f1: {  	v34 =	vadd.s32 v12, v7;
	v2 =	vld.idx.msk [tilespmem:v6+s15+$0x0], $0xffff  }
0x1f2: {  	v6 =	vor.u32 v8, v34;
	_ =	sdelay $0x3  }
0x1f3: {  	v17 =	vmov v7;
	v34 =	vadd.s32 v20, v55;
	[tilespmem:s2+$0xC340] =	vst v2  }
0x1f4: {  	v2 =	vor.u32 v56, v34;
	v34 =	vadd.s32 v20, v17;
	v6 =	vld.idx.msk [tilespmem:v6+s15+$0x0], $0xffff  }
0x1f5: {  	v7 =	vor.u32 v8, v34;
	_ =	sdelay $0x2  }
0x1f6: {  	[tilespmem:s1+$0xC350] =	vst v5  }
0x1f7: {  	v34 =	vadd.s32 v41, v55;
	v2 =	vld.idx.msk [tilespmem:v2+s15+$0x0], $0xffff;
	[tilespmem:s2+$0xC350] =	vst v6  }
0x1f8: {  	v41 =	vadd.s32 v41, v17;
	v5 =	vor.u32 v56, v34;
	v6 =	vld.idx.msk [tilespmem:v7+s15+$0x0], $0xffff  }
0x1f9: {  	v7 =	vor.u32 v8, v41;
	_ =	sdelay $0x2  }
0x1fa: {  	[tilespmem:s1+$0xC360] =	vst v2  }
0x1fb: {  	v34 =	vadd.s32 v13, v55;
	v2 =	vld.idx.msk [tilespmem:v5+s15+$0x0], $0xffff;
	[tilespmem:s2+$0xC360] =	vst v6  }
0x1fc: {  	v41 =	vadd.s32 v13, v17;
	v5 =	vor.u32 v56, v34;
	v6 =	vld.idx.msk [tilespmem:v7+s15+$0x0], $0xffff  }
0x1fd: {  	v7 =	vor.u32 v8, v41;
	_ =	sdelay $0x2  }
0x1fe: {  	[tilespmem:s1+$0xC370] =	vst v2  }
0x1ff: {  	v34 =	vadd.s32 v36, v55;
	v2 =	vld.idx.msk [tilespmem:v5+s15+$0x0], $0xffff;
	[tilespmem:s2+$0xC370] =	vst v6  }
0x200: {  	v36 =	vadd.s32 v36, v17;
	v5 =	vor.u32 v56, v34;
	v6 =	vld.idx.msk [tilespmem:v7+s15+$0x0], $0xffff  }
0x201: {  	v7 =	vor.u32 v8, v36;
	_ =	sdelay $0x2  }
0x202: {  	[tilespmem:s1+$0xC700] =	vst v2  }
0x203: {  	v41 =	vadd.s32 v43, v55;
	v2 =	vld.idx.msk [tilespmem:v5+s15+$0x0], $0xffff;
	[tilespmem:s2+$0xC700] =	vst v6  }
0x204: {  	v34 =	vadd.s32 v43, v17;
	v5 =	vor.u32 v56, v41;
	v6 =	vld.idx.msk [tilespmem:v7+s15+$0x0], $0xffff  }
0x205: {  	v7 =	vor.u32 v8, v34;
	_ =	sdelay $0x2  }
0x206: {  	[tilespmem:s1+$0xC710] =	vst v2  }
0x207: {  	v36 =	vadd.s32 v38, v55;
	v2 =	vld.idx.msk [tilespmem:v5+s15+$0x0], $0xffff;
	[tilespmem:s2+$0xC710] =	vst v6  }
0x208: {  	v41 =	vadd.s32 v38, v17;
	v5 =	vor.u32 v56, v36;
	v6 =	vld.idx.msk [tilespmem:v7+s15+$0x0], $0xffff  }
0x209: {  	v7 =	vor.u32 v8, v41;
	_ =	sdelay $0x2  }
0x20a: {  	[tilespmem:s1+$0xC720] =	vst v2  }
0x20b: {  	v43 =	vadd.s32 v44, v55;
	v2 =	vld.idx.msk [tilespmem:v5+s15+$0x0], $0xffff;
	[tilespmem:s2+$0xC720] =	vst v6  }
0x20c: {  	v34 =	vadd.s32 v44, v17;
	v5 =	vor.u32 v56, v43;
	v6 =	vld.idx.msk [tilespmem:v7+s15+$0x0], $0xffff  }
0x20d: {  	v7 =	vor.u32 v8, v34;
	_ =	sdelay $0x1  }
0x20e: {  	[tilespmem:s0+$0xC730] =	vst v3  }
0x20f: {  	v3 =	vld.idx.msk [tilespmem:v4+s15+$0x0], $0xffff;
	v36 =	vadd.s32 v15, v53;
	[tilespmem:s1+$0xC730] =	vst v2  }
0x210: {  	v38 =	vor.u32 v54, v36;
	v43 =	vadd.s32 v15, v55;
	v41 =	vld.idx.msk [tilespmem:v5+s15+$0x0], $0xffff;
	[tilespmem:s2+$0xC730] =	vst v6  }
0x211: {  	v44 =	vadd.s32 v15, v17;
	v5 =	vor.u32 v56, v43;
	v6 =	vld.idx.msk [tilespmem:v7+s15+$0x0], $0xffff  }
0x212: {  	v7 =	vor.u32 v8, v44;
	_ =	sdelay $0x1  }
0x213: {  	[tilespmem:s0+$0xC740] =	vst v3  }
0x214: {  	v34 =	vadd.s32 v39, v53;
	v2 =	vld.idx.msk [tilespmem:v38+s15+$0x0], $0xffff;
	[tilespmem:s1+$0xC740] =	vst v41  }
0x215: {  	v36 =	vadd.s32 v39, v55;
	v3 =	vor.u32 v54, v34;
	v4 =	vld.idx.msk [tilespmem:v5+s15+$0x0], $0xffff;
	[tilespmem:s2+$0xC740] =	vst v6  }
0x216: {  	v38 =	vadd.s32 v39, v17;
	v5 =	vor.u32 v56, v36;
	v6 =	vld.idx.msk [tilespmem:v7+s15+$0x0], $0xffff  }
0x217: {  	v7 =	vor.u32 v8, v38;
	_ =	sdelay $0x1  }
0x218: {  	[tilespmem:s0+$0xC750] =	vst v2  }
0x219: {  	v39 =	vadd.s32 v35, v53;
	v2 =	vld.idx.msk [tilespmem:v3+s15+$0x0], $0xffff;
	[tilespmem:s1+$0xC750] =	vst v4  }
0x21a: {  	v3 =	vor.u32 v54, v39;
	v41 =	vadd.s32 v35, v55;
	v4 =	vld.idx.msk [tilespmem:v5+s15+$0x0], $0xffff;
	[tilespmem:s2+$0xC750] =	vst v6  }
0x21b: {  	v43 =	vadd.s32 v35, v17;
	v5 =	vor.u32 v56, v41;
	v6 =	vld.idx.msk [tilespmem:v7+s15+$0x0], $0xffff  }
0x21c: {  	v7 =	vor.u32 v8, v43;
	_ =	sdelay $0x1  }
0x21d: {  	[tilespmem:s0+$0xC760] =	vst v2  }
0x21e: {  	v44 =	vadd.s32 v19, v53;
	v2 =	vld.idx.msk [tilespmem:v3+s15+$0x0], $0xffff;
	[tilespmem:s1+$0xC760] =	vst v4  }
0x21f: {  	v34 =	vadd.s32 v19, v55;
	v3 =	vor.u32 v54, v44;
	v4 =	vld.idx.msk [tilespmem:v5+s15+$0x0], $0xffff;
	[tilespmem:s2+$0xC760] =	vst v6  }
0x220: {  	v35 =	vadd.s32 v19, v17;
	v5 =	vor.u32 v56, v34;
	v6 =	vld.idx.msk [tilespmem:v7+s15+$0x0], $0xffff  }
0x221: {  	v7 =	vor.u32 v8, v35;
	_ =	sdelay $0x1  }
0x222: {  	[tilespmem:s0+$0xC770] =	vst v2  }
0x223: {  	v36 =	vadd.s32 v37, v53;
	v2 =	vld.idx.msk [tilespmem:v3+s15+$0x0], $0xffff;
	[tilespmem:s1+$0xC770] =	vst v4  }
0x224: {  	v38 =	vadd.s32 v37, v55;
	v3 =	vor.u32 v54, v36;
	v4 =	vld.idx.msk [tilespmem:v5+s15+$0x0], $0xffff;
	[tilespmem:s2+$0xC770] =	vst v6  }
0x225: {  	v39 =	vadd.s32 v37, v17;
	v5 =	vor.u32 v56, v38;
	v6 =	vld.idx.msk [tilespmem:v7+s15+$0x0], $0xffff  }
0x226: {  	v7 =	vor.u32 v8, v39;
	_ =	sdelay $0x1  }
0x227: {  	[tilespmem:s0+$0xCB00] =	vst v2  }
0x228: {  	v41 =	vadd.s32 v23, v53;
	v2 =	vld.idx.msk [tilespmem:v3+s15+$0x0], $0xffff;
	[tilespmem:s1+$0xCB00] =	vst v4  }
0x229: {  	v43 =	vadd.s32 v23, v55;
	v3 =	vor.u32 v54, v41;
	v4 =	vld.idx.msk [tilespmem:v5+s15+$0x0], $0xffff;
	[tilespmem:s2+$0xCB00] =	vst v6  }
0x22a: {  	v44 =	vadd.s32 v23, v17;
	v5 =	vor.u32 v56, v43;
	v6 =	vld.idx.msk [tilespmem:v7+s15+$0x0], $0xffff  }
0x22b: {  	v7 =	vor.u32 v8, v44;
	_ =	sdelay $0x1  }
0x22c: {  	v0 =	vld.idx.msk [tilespmem:v0+s15+$0x0], $0xffff;
	v26 =	vmov v8;
	[tilespmem:s0+$0xCB10] =	vst v2;
	v8 =	vadd.s32 v24, v49  }
0x22d: {  	v3 =	vld.idx.msk [tilespmem:v3+s15+$0x0], $0xffff;
	v34 =	vor.u32 v50, v8;
	v8 =	vadd.s32 v24, v53;
	[tilespmem:s1+$0xCB10] =	vst v4  }
0x22e: {  	v35 =	vor.u32 v54, v8;
	v8 =	vadd.s32 v24, v55;
	v5 =	vld.idx.msk [tilespmem:v5+s15+$0x0], $0xffff;
	[tilespmem:s2+$0xCB10] =	vst v6  }
0x22f: {  	v36 =	vor.u32 v56, v8;
	v8 =	vadd.s32 v24, v17;
	v7 =	vld.idx.msk [tilespmem:v7+s15+$0x0], $0xffff  }
0x230: {  	v8 =	vor.u32 v26, v8  }
0x231: {  	[tilespmem:s29+$0xCB20] =	vst v0  }
0x232: {  	v37 =	vadd.s32 v22, v49;
	[tilespmem:s0+$0xCB20] =	vst v3;
	v0 =	vld.idx.msk [tilespmem:v34+s15+$0x0], $0xffff  }
0x233: {  	v38 =	vadd.s32 v22, v53;
	v2 =	vor.u32 v50, v37;
	v3 =	vld.idx.msk [tilespmem:v35+s15+$0x0], $0xffff;
	[tilespmem:s1+$0xCB20] =	vst v5  }
0x234: {  	v39 =	vadd.s32 v22, v55;
	v4 =	vor.u32 v54, v38;
	v5 =	vld.idx.msk [tilespmem:v36+s15+$0x0], $0xffff;
	[tilespmem:s2+$0xCB20] =	vst v7  }
0x235: {  	v6 =	vor.u32 v56, v39;
	v7 =	vld.idx.msk [tilespmem:v8+s15+$0x0], $0xffff;
	v8 =	vadd.s32 v22, v17  }
0x236: {  	v8 =	vor.u32 v26, v8  }
0x237: {  	[tilespmem:s29+$0xCB30] =	vst v0  }
0x238: {  	v0 =	vld.idx.msk [tilespmem:v2+s15+$0x0], $0xffff;
	[tilespmem:s0+$0xCB30] =	vst v3  }
0x239: {  	v3 =	vld.idx.msk [tilespmem:v4+s15+$0x0], $0xffff;
	[tilespmem:s1+$0xCB30] =	vst v5  }
0x23a: {  	v41 =	vadd.s32 v21, v49;
	v5 =	vld.idx.msk [tilespmem:v6+s15+$0x0], $0xffff;
	[tilespmem:s2+$0xCB30] =	vst v7  }
0x23b: {  	v2 =	vor.u32 v50, v41;
	v7 =	vld.idx.msk [tilespmem:v8+s15+$0x0], $0xffff  }
0x23c: {  	[tilespmem:s30+$0xD350] =	vst v58  }
0x23d: {  	v43 =	vadd.s32 v21, v53;
	[tilespmem:s29+$0xCB40] =	vst v0  }
0x23e: {  	v44 =	vadd.s32 v21, v55;
	v4 =	vor.u32 v54, v43;
	[tilespmem:s0+$0xCB40] =	vst v3  }
0x23f: {  	v6 =	vor.u32 v56, v44;
	v8 =	vadd.s32 v21, v17;
	[tilespmem:s1+$0xCB40] =	vst v5  }
0x240: {  	v35 =	vld.idx.msk [tilespmem:v2+s15+$0x0], $0xffff;
	v8 =	vor.u32 v26, v8;
	[tilespmem:s2+$0xCB40] =	vst v7  }
0x241: {  	v34 =	vor.u32 v51, v1;
	v36 =	vadd.s32 v28, v49;
	v14 =	vld [tilespmem:$0x1FDD0]  }
0x242: {  	v2 =	vor.u32 v50, v36  }
0x243: {  	v37 =	vadd.s32 v28, v53;
	v3 =	vld.idx.msk [tilespmem:v4+s15+$0x0], $0xffff  }
0x244: {  	v38 =	vadd.s32 v28, v55;
	v4 =	vor.u32 v54, v37;
	v5 =	vld.idx.msk [tilespmem:v6+s15+$0x0], $0xffff  }
0x245: {  	v6 =	vor.u32 v56, v38;
	v7 =	vld.idx.msk [tilespmem:v8+s15+$0x0], $0xffff;
	v8 =	vadd.s32 v28, v17  }
0x246: {  	v0 =	vld.idx.msk [tilespmem:v34+s15+$0x0], $0xffff;
	[tilespmem:s29+$0xCB50] =	vst v35;
	v8 =	vor.u32 v26, v8;
	v9 =	vadd.s32 v14, v52  }
0x247: {  	v2 =	vld.idx.msk [tilespmem:v2+s15+$0x0], $0xffff;
	v39 =	vor.u32 v51, v9;
	v9 =	vadd.s32 v42, v49  }
0x248: {  	[tilespmem:s0+$0xCB50] =	vst v3;
	v41 =	vor.u32 v50, v9  }
0x249: {  	v4 =	vld.idx.msk [tilespmem:v4+s15+$0x0], $0xffff;
	[tilespmem:s1+$0xCB50] =	vst v5;
	v9 =	vadd.s32 v42, v53  }
0x24a: {  	v6 =	vld.idx.msk [tilespmem:v6+s15+$0x0], $0xffff;
	[tilespmem:s2+$0xCB50] =	vst v7;
	v43 =	vor.u32 v54, v9;
	v9 =	vadd.s32 v42, v55  }
0x24b: {  	[tilespmem:s30+$0xD360] =	vst v0;
	v8 =	vld.idx.msk [tilespmem:v8+s15+$0x0], $0xffff;
	v44 =	vor.u32 v56, v9;
	v9 =	vadd.s32 v42, v17  }
0x24c: {  	v28 =	vadd.s32 v30, v52;
	[tilespmem:s29+$0xCB60] =	vst v2;
	v58 =	vor.u32 v26, v9;
	v1 =	vld.idx.msk [tilespmem:v39+s15+$0x0], $0xffff  }
0x24d: {  	v34 =	vadd.s32 v29, v49;
	[tilespmem:v57+s18+$0x0] =	vst.idx.msk $0xffff, v62;
	v2 =	vor.u32 v51, v28;
	v3 =	vld.idx.msk [tilespmem:v41+s15+$0x0], $0xffff  }
0x24e: {  	[tilespmem:s0+$0xCB60] =	vst v4;
	v4 =	vor.u32 v50, v34  }
0x24f: {  	v35 =	vadd.s32 v29, v53;
	[tilespmem:s1+$0xCB60] =	vst v6;
	v5 =	vld.idx.msk [tilespmem:v43+s15+$0x0], $0xffff  }
0x250: {  	v6 =	vor.u32 v54, v35;
	[tilespmem:s2+$0xCB60] =	vst v8;
	v8 =	vadd.s32 v29, v55;
	v7 =	vld.idx.msk [tilespmem:v44+s15+$0x0], $0xffff  }
0x251: {  	v9 =	vadd.s32 v29, v17;
	v8 =	vor.u32 v56, v8;
	v0 =	vld.idx.msk [tilespmem:v58+s15+$0x0], $0xffff;
	[tilespmem:s30+$0xD370] =	vst v1  }
0x252: {  	v37 =	vadd.s32 v32, v52;
	v36 =	vor.u32 v26, v9;
	v2 =	vld.idx.msk [tilespmem:v2+s15+$0x0], $0xffff;
	[tilespmem:s29+$0xCB70] =	vst v3  }
0x253: {  	v38 =	vadd.s32 v16, v49;
	[tilespmem:s28+$0xCF00] =	vst v61;
	v3 =	vor.u32 v51, v37;
	v4 =	vld.idx.msk [tilespmem:v4+s15+$0x0], $0xffff  }
0x254: {  	v10 =	vld.idx.msk [tilespmem:v63+s15+$0x0], $0xffff;
	[tilespmem:s0+$0xCB70] =	vst v5;
	v5 =	vor.u32 v50, v38  }
0x255: {  	v6 =	vld.idx.msk [tilespmem:v6+s15+$0x0], $0xffff;
	[tilespmem:s1+$0xCB70] =	vst v7  }
0x256: {  	v8 =	vld.idx.msk [tilespmem:v8+s15+$0x0], $0xffff;
	[tilespmem:s2+$0xCB70] =	vst v0  }
0x257: {  	v1 =	vld.idx.msk [tilespmem:v36+s15+$0x0], $0xffff;
	[tilespmem:s30+$0xD700] =	vst v2  }
0x258: {  	v3 =	vld.idx.msk [tilespmem:v3+s15+$0x0], $0xffff;
	[tilespmem:s29+$0xCF00] =	vst v4  }
0x259: {  	[tilespmem:s28+$0xCF10] =	vst v10;
	v5 =	vld.idx.msk [tilespmem:v5+s15+$0x0], $0xffff  }
0x25a: {  	[tilespmem:s0+$0xCF00] =	vst v6  }
0x25b: {  	v39 =	vadd.s32 v16, v53;
	[tilespmem:s1+$0xCF00] =	vst v8  }
0x25c: {  	v41 =	vadd.s32 v16, v55;
	v7 =	vor.u32 v54, v39;
	[tilespmem:s2+$0xCF00] =	vst v1  }
0x25d: {  	v9 =	vadd.s32 v16, v17;
	v0 =	vor.u32 v56, v41;
	[tilespmem:s30+$0xD710] =	vst v3  }
0x25e: {  	v10 =	vadd.s32 v27, v17;
	v42 =	vadd.s32 v27, v47;
	v9 =	vor.u32 v26, v9;
	[tilespmem:s29+$0xCF10] =	vst v5  }
0x25f: {  	v44 =	vadd.s32 v27, v49;
	v58 =	vor.u32 v26, v10;
	v2 =	vor.u32 v48, v42;
	v10 =	vld [tilespmem:$0x1FF30]  }
0x260: {  	v43 =	vadd.s32 v40, v52;
	v6 =	vor.u32 v50, v44  }
0x261: {  	v4 =	vor.u32 v51, v43;
	v7 =	vld.idx.msk [tilespmem:v7+s15+$0x0], $0xffff;
	v8 =	vadd.s32 v27, v53  }
0x262: {  	v57 =	vadd.s32 v27, v55;
	v8 =	vor.u32 v54, v8;
	v0 =	vld.idx.msk [tilespmem:v0+s15+$0x0], $0xffff  }
0x263: {  	v1 =	vor.u32 v56, v57;
	v9 =	vld.idx.msk [tilespmem:v9+s15+$0x0], $0xffff  }
0x264: {  	v2 =	vld.idx.msk [tilespmem:v2+s15+$0x0], $0xffff;
	v61 =	vadd.s32 v10, v47  }
0x265: {  	v6 =	vld.idx.msk [tilespmem:v6+s15+$0x0], $0xffff;
	v62 =	vadd.s32 v10, v49;
	v5 =	vor.u32 v48, v61  }
0x266: {  	v4 =	vld.idx.msk [tilespmem:v4+s15+$0x0], $0xffff;
	[tilespmem:s0+$0xCF10] =	vst v7;
	v7 =	vor.u32 v50, v62  }
0x267: {  	v8 =	vld.idx.msk [tilespmem:v8+s15+$0x0], $0xffff;
	[tilespmem:s1+$0xCF10] =	vst v0  }
0x268: {  	v1 =	vld.idx.msk [tilespmem:v1+s15+$0x0], $0xffff;
	[tilespmem:s2+$0xCF10] =	vst v9  }
0x269: {  	[tilespmem:s28+$0xCF20] =	vst v2;
	v3 =	vld.idx.msk [tilespmem:v58+s15+$0x0], $0xffff  }
0x26a: {  	[tilespmem:s29+$0xCF20] =	vst v6;
	v5 =	vld.idx.msk [tilespmem:v5+s15+$0x0], $0xffff  }
0x26b: {  	[tilespmem:s30+$0xD720] =	vst v4;
	v7 =	vld.idx.msk [tilespmem:v7+s15+$0x0], $0xffff  }
0x26c: {  	v63 =	vadd.s32 v10, v53;
	[tilespmem:s0+$0xCF20] =	vst v8  }
0x26d: {  	v9 =	vadd.s32 v10, v55;
	v0 =	vor.u32 v54, v63;
	[tilespmem:s1+$0xCF20] =	vst v1  }
0x26e: {  	v28 =	vor.u32 v56, v9;
	v9 =	vadd.s32 v10, v17;
	[tilespmem:s2+$0xCF20] =	vst v3  }
0x26f: {  	v10 =	vadd.s32 v25, v52;
	v9 =	vor.u32 v26, v9;
	[tilespmem:s28+$0xCF30] =	vst v5  }
0x270: {  	v11 =	vadd.s32 v31, v47;
	v10 =	vor.u32 v51, v10;
	[tilespmem:s29+$0xCF30] =	vst v7  }
0x271: {  	v34 =	vor.u32 v48, v11;
	v11 =	vadd.s32 v31, v49;
	v15 =	vld [tilespmem:$0x1FDC0]  }
0x272: {  	v8 =	vor.u32 v50, v11;
	v0 =	vld.idx.msk [tilespmem:v0+s15+$0x0], $0xffff  }
0x273: {  	v29 =	vor.u32 v51, v52;
	v11 =	vadd.s32 v31, v53;
	v2 =	vld.idx.msk [tilespmem:v28+s15+$0x0], $0xffff  }
0x274: {  	v36 =	vor.u32 v33, v29;
	v35 =	vor.u32 v54, v11;
	v11 =	vadd.s32 v31, v55;
	v9 =	vld.idx.msk [tilespmem:v9+s15+$0x0], $0xffff  }
0x275: {  	v37 =	vor.u32 v56, v11;
	v11 =	vadd.s32 v31, v17;
	v3 =	vadd.s32 $0x1400, v36;
	v38 =	vld.idx.msk [tilespmem:v10+s15+$0x0], $0xffff  }
0x276: {  	v10 =	vor.u32 v26, v11;
	v6 =	vld.idx.msk [tilespmem:v34+s15+$0x0], $0xffff;
	v39 =	vadd.s32 v15, v47  }
0x277: {  	v8 =	vld.idx.msk [tilespmem:v8+s15+$0x0], $0xffff;
	[tilespmem:s0+$0xCF30] =	vst v0;
	v41 =	vadd.s32 v15, v49;
	v7 =	vor.u32 v48, v39  }
0x278: {  	[tilespmem:s1+$0xCF30] =	vst v2;
	v0 =	vor.u32 v50, v41  }
0x279: {  	[tilespmem:s2+$0xCF30] =	vst v9;
	v1 =	vld.idx.msk [tilespmem:v35+s15+$0x0], $0xffff;
	v42 =	vadd.s32 v15, v53  }
0x27a: {  	[tilespmem:v3+s18+$0x0] =	vst.idx.msk $0xffff, v38;
	v4 =	vld.idx.msk [tilespmem:v37+s15+$0x0], $0xffff;
	v9 =	vadd.s32 v15, v55;
	v2 =	vor.u32 v54, v42  }
0x27b: {  	v44 =	vld.idx.msk [tilespmem:v10+s15+$0x0], $0xffff;
	[tilespmem:s28+$0xCF40] =	vst v6;
	v43 =	vor.u32 v56, v9;
	v9 =	vadd.s32 v15, v17  }
0x27c: {  	[tilespmem:s29+$0xCF40] =	vst v8;
	v51 =	vor.u32 v26, v9;
	v7 =	vld.idx.msk [tilespmem:v7+s15+$0x0], $0xffff  }
0x27d: {  	[tilespmem:s26+$0xCF60] =	vst v59;
	v0 =	vld.idx.msk [tilespmem:v0+s15+$0x0], $0xffff  }
0x27e: {  	[tilespmem:s0+$0xCF40] =	vst v1  }
0x27f: {  	v8 =	vadd.s32 v18, v47;
	[tilespmem:s1+$0xCF40] =	vst v4;
	v2 =	vld.idx.msk [tilespmem:v2+s15+$0x0], $0xffff  }
0x280: {  	v8 =	vor.u32 v48, v8;
	[tilespmem:s2+$0xCF40] =	vst v44;
	v3 =	vld.idx.msk [tilespmem:v43+s15+$0x0], $0xffff  }
0x281: {  	v57 =	vadd.s32 v18, v53;
	v6 =	vld.idx.msk [tilespmem:v51+s15+$0x0], $0xffff;
	[tilespmem:s28+$0xCF50] =	vst v7  }
0x282: {  	v58 =	vadd.s32 v18, v55;
	v52 =	vadd.s32 v18, v49;
	v9 =	vadd.s32 v18, v17;
	v18 =	vld [tilespmem:$0x1FFC0];
	[tilespmem:s29+$0xCF50] =	vst v0  }
0x283: {  	v1 =	vor.u32 v50, v52;
	v11 =	vld [tilespmem:$0x1FF60]  }
0x284: {  	v10 =	vld.idx.msk [tilespmem:v60+s15+$0x0], $0xffff;
	v4 =	vor.u32 v54, v57  }
0x285: {  	v5 =	vor.u32 v56, v58;
	v8 =	vld.idx.msk [tilespmem:v8+s15+$0x0], $0xffff  }
0x286: {  	[tilespmem:s0+$0xCF50] =	vst v2  }
0x287: {  	v9 =	vor.u32 v26, v9;
	[tilespmem:s1+$0xCF50] =	vst v3;
	v60 =	vadd.s32 v18, v46  }
0x288: {  	v1 =	vld.idx.msk [tilespmem:v1+s15+$0x0], $0xffff;
	[tilespmem:s2+$0xCF50] =	vst v6;
	v7 =	vor.u32 v45, v60;
	v61 =	vadd.s32 v11, v47  }
0x289: {  	[tilespmem:s26+$0xCF70] =	vst v10;
	v4 =	vld.idx.msk [tilespmem:v4+s15+$0x0], $0xffff;
	v0 =	vor.u32 v48, v61  }
0x28a: {  	v5 =	vld.idx.msk [tilespmem:v5+s15+$0x0], $0xffff;
	[tilespmem:s28+$0xCF60] =	vst v8  }
0x28b: {  	v62 =	vadd.s32 v11, v49;
	v37 =	vld [tilespmem:$0x1FFD0]  }
0x28c: {  	v9 =	vld.idx.msk [tilespmem:v9+s15+$0x0], $0xffff;
	v63 =	vadd.s32 v11, v53;
	v2 =	vor.u32 v50, v62  }
0x28d: {  	v28 =	vadd.s32 v11, v55;
	v3 =	vor.u32 v54, v63;
	v7 =	vld.idx.msk [tilespmem:v7+s15+$0x0], $0xffff  }
0x28e: {  	[tilespmem:s29+$0xCF60] =	vst v1;
	v6 =	vor.u32 v56, v28;
	v0 =	vld.idx.msk [tilespmem:v0+s15+$0x0], $0xffff  }
0x28f: {  	v10 =	vadd.s32 v11, v17;
	[tilespmem:s0+$0xCF60] =	vst v4  }
0x290: {  	v10 =	vor.u32 v26, v10;
	[tilespmem:s1+$0xCF60] =	vst v5;
	v8 =	vadd.s32 v37, v46  }
0x291: {  	v29 =	vadd.s32 v18, v47;
	[tilespmem:s2+$0xCF60] =	vst v9;
	v8 =	vor.u32 v45, v8;
	v2 =	vld.idx.msk [tilespmem:v2+s15+$0x0], $0xffff  }
0x292: {  	v1 =	vor.u32 v48, v29;
	v3 =	vld.idx.msk [tilespmem:v3+s15+$0x0], $0xffff;
	[tilespmem:s26+$0xD300] =	vst v7  }
0x293: {  	v12 =	vmov v33;
	v31 =	vadd.s32 v18, v49;
	v6 =	vld.idx.msk [tilespmem:v6+s15+$0x0], $0xffff;
	[tilespmem:s28+$0xCF70] =	vst v0  }
0x294: {  	v13 =	vmovc v25;
	v33 =	vadd.s32 v18, v53;
	v4 =	vor.u32 v50, v31;
	v9 =	vadd.s32 v18, v55;
	v25 =	vld [tilespmem:$0x1FFB0]  }
0x295: {  	v5 =	vor.u32 v54, v33;
	v34 =	vor.u32 v56, v9;
	v9 =	vld.idx.msk [tilespmem:v10+s15+$0x0], $0xffff  }
0x296: {  	v10 =	vadd.s32 v18, v17;
	v8 =	vld.idx.msk [tilespmem:v8+s15+$0x0], $0xffff  }
0x297: {  	v10 =	vor.u32 v26, v10;
	v1 =	vld.idx.msk [tilespmem:v1+s15+$0x0], $0xffff;
	[tilespmem:s29+$0xCF70] =	vst v2  }
0x298: {  	v36 =	vadd.s32 v37, v47;
	[tilespmem:s0+$0xCF70] =	vst v3  }
0x299: {  	v2 =	vor.u32 v48, v36;
	[tilespmem:s1+$0xCF70] =	vst v6;
	v4 =	vld.idx.msk [tilespmem:v4+s15+$0x0], $0xffff;
	v35 =	vadd.s32 v25, v46  }
0x29a: {  	[tilespmem:s2+$0xCF70] =	vst v9;
	v5 =	vld.idx.msk [tilespmem:v5+s15+$0x0], $0xffff;
	v0 =	vor.u32 v45, v35  }
0x29b: {  	v9 =	vadd.s32 v37, v55;
	v7 =	vld.idx.msk [tilespmem:v34+s15+$0x0], $0xffff;
	[tilespmem:s26+$0xD310] =	vst v8  }
0x29c: {  	v38 =	vadd.s32 v37, v49;
	v8 =	vor.u32 v56, v9;
	v9 =	vld.idx.msk [tilespmem:v10+s15+$0x0], $0xffff;
	[tilespmem:s28+$0xD300] =	vst v1  }
0x29d: {  	v39 =	vadd.s32 v37, v53;
	v3 =	vor.u32 v50, v38;
	v19 =	vld [tilespmem:$0x1FFA0]  }
0x29e: {  	v6 =	vor.u32 v54, v39;
	v2 =	vld.idx.msk [tilespmem:v2+s15+$0x0], $0xffff  }
0x29f: {  	[tilespmem:s29+$0xD300] =	vst v4;
	v0 =	vld.idx.msk [tilespmem:v0+s15+$0x0], $0xffff  }
0x2a0: {  	v10 =	vadd.s32 v37, v17;
	[tilespmem:s0+$0xD300] =	vst v5  }
0x2a1: {  	v10 =	vor.u32 v26, v10;
	v42 =	vadd.s32 v25, v47;
	[tilespmem:s1+$0xD300] =	vst v7  }
0x2a2: {  	v4 =	vor.u32 v48, v42;
	v3 =	vld.idx.msk [tilespmem:v3+s15+$0x0], $0xffff;
	[tilespmem:s2+$0xD300] =	vst v9;
	v41 =	vadd.s32 v19, v46  }
0x2a3: {  	v6 =	vld.idx.msk [tilespmem:v6+s15+$0x0], $0xffff;
	[tilespmem:s28+$0xD310] =	vst v2;
	v1 =	vor.u32 v45, v41  }
0x2a4: {  	v43 =	vadd.s32 v25, v49;
	v8 =	vld.idx.msk [tilespmem:v8+s15+$0x0], $0xffff;
	[tilespmem:s26+$0xD320] =	vst v0  }
0x2a5: {  	v44 =	vadd.s32 v25, v53;
	v5 =	vor.u32 v50, v43;
	v9 =	vadd.s32 v25, v55;
	v23 =	vld [tilespmem:$0x1FF90]  }
0x2a6: {  	v7 =	vor.u32 v54, v44;
	v51 =	vor.u32 v56, v9;
	v9 =	vld.idx.msk [tilespmem:v10+s15+$0x0], $0xffff  }
0x2a7: {  	v10 =	vadd.s32 v25, v17;
	v4 =	vld.idx.msk [tilespmem:v4+s15+$0x0], $0xffff  }
0x2a8: {  	v10 =	vor.u32 v26, v10;
	v1 =	vld.idx.msk [tilespmem:v1+s15+$0x0], $0xffff;
	[tilespmem:s29+$0xD310] =	vst v3  }
0x2a9: {  	v57 =	vadd.s32 v19, v47;
	[tilespmem:s0+$0xD310] =	vst v6  }
0x2aa: {  	v3 =	vor.u32 v48, v57;
	[tilespmem:s1+$0xD310] =	vst v8;
	v5 =	vld.idx.msk [tilespmem:v5+s15+$0x0], $0xffff;
	v52 =	vadd.s32 v23, v46  }
0x2ab: {  	[tilespmem:s2+$0xD310] =	vst v9;
	v7 =	vld.idx.msk [tilespmem:v7+s15+$0x0], $0xffff;
	v2 =	vor.u32 v45, v52  }
0x2ac: {  	v9 =	vadd.s32 v19, v55;
	[tilespmem:s28+$0xD320] =	vst v4;
	v0 =	vld.idx.msk [tilespmem:v51+s15+$0x0], $0xffff  }
0x2ad: {  	v58 =	vadd.s32 v19, v49;
	v59 =	vor.u32 v56, v9;
	v9 =	vld.idx.msk [tilespmem:v10+s15+$0x0], $0xffff;
	[tilespmem:s26+$0xD330] =	vst v1  }
0x2ae: {  	v6 =	vor.u32 v50, v58;
	v8 =	vadd.s32 v19, v53;
	v62 =	vld [tilespmem:$0x1FF80]  }
0x2af: {  	v8 =	vor.u32 v54, v8;
	v3 =	vld.idx.msk [tilespmem:v3+s15+$0x0], $0xffff  }
0x2b0: {  	[tilespmem:s29+$0xD320] =	vst v5;
	v2 =	vld.idx.msk [tilespmem:v2+s15+$0x0], $0xffff  }
0x2b1: {  	v10 =	vadd.s32 v19, v17;
	[tilespmem:s0+$0xD320] =	vst v7  }
0x2b2: {  	v10 =	vor.u32 v26, v10;
	v63 =	vadd.s32 v23, v47;
	[tilespmem:s1+$0xD320] =	vst v0  }
0x2b3: {  	v5 =	vor.u32 v48, v63;
	[tilespmem:s2+$0xD320] =	vst v9;
	v6 =	vld.idx.msk [tilespmem:v6+s15+$0x0], $0xffff;
	v61 =	vadd.s32 v62, v46  }
0x2b4: {  	v28 =	vadd.s32 v23, v49;
	v8 =	vld.idx.msk [tilespmem:v8+s15+$0x0], $0xffff;
	[tilespmem:s28+$0xD330] =	vst v3;
	v4 =	vor.u32 v45, v61  }
0x2b5: {  	v29 =	vadd.s32 v23, v53;
	v7 =	vor.u32 v50, v28;
	v1 =	vld.idx.msk [tilespmem:v59+s15+$0x0], $0xffff;
	[tilespmem:s26+$0xD340] =	vst v2  }
0x2b6: {  	v0 =	vor.u32 v54, v29;
	v9 =	vadd.s32 v23, v55;
	v33 =	vld [tilespmem:$0x1FF70]  }
0x2b7: {  	v31 =	vor.u32 v56, v9;
	v9 =	vld.idx.msk [tilespmem:v10+s15+$0x0], $0xffff;
	v10 =	vadd.s32 v23, v17  }
0x2b8: {  	v10 =	vor.u32 v26, v10;
	v5 =	vld.idx.msk [tilespmem:v5+s15+$0x0], $0xffff;
	[tilespmem:s29+$0xD330] =	vst v6  }
0x2b9: {  	v36 =	vadd.s32 v62, v47;
	v38 =	vadd.s32 v62, v53;
	v4 =	vld.idx.msk [tilespmem:v4+s15+$0x0], $0xffff;
	[tilespmem:s0+$0xD330] =	vst v8  }
0x2ba: {  	v6 =	vor.u32 v48, v36;
	v8 =	vadd.s32 v62, v49;
	[tilespmem:s1+$0xD330] =	vst v1;
	v7 =	vld.idx.msk [tilespmem:v7+s15+$0x0], $0xffff  }
0x2bb: {  	v1 =	vor.u32 v54, v38;
	v8 =	vor.u32 v50, v8;
	v0 =	vld.idx.msk [tilespmem:v0+s15+$0x0], $0xffff;
	v35 =	vadd.s32 v33, v46  }
0x2bc: {  	[tilespmem:s2+$0xD330] =	vst v9;
	v9 =	vadd.s32 v62, v55;
	v2 =	vld.idx.msk [tilespmem:v31+s15+$0x0], $0xffff;
	v3 =	vor.u32 v45, v35  }
0x2bd: {  	[tilespmem:s28+$0xD340] =	vst v5;
	v39 =	vor.u32 v56, v9;
	v9 =	vadd.s32 v62, v17;
	v10 =	vld.idx.msk [tilespmem:v10+s15+$0x0], $0xffff  }
0x2be: {  	v9 =	vor.u32 v26, v9;
	[tilespmem:s26+$0xD350] =	vst v4  }
0x2bf: {  	v41 =	vadd.s32 v14, v46;
	v6 =	vld.idx.msk [tilespmem:v6+s15+$0x0], $0xffff;
	v42 =	vadd.s32 v33, v47;
	[tilespmem:s29+$0xD340] =	vst v7  }
0x2c0: {  	v43 =	vadd.s32 v33, v49;
	v7 =	vor.u32 v48, v42;
	[tilespmem:s0+$0xD340] =	vst v0;
	v8 =	vld.idx.msk [tilespmem:v8+s15+$0x0], $0xffff  }
0x2c1: {  	v5 =	vor.u32 v45, v41;
	v0 =	vor.u32 v50, v43;
	[tilespmem:s1+$0xD340] =	vst v2;
	v3 =	vld.idx.msk [tilespmem:v3+s15+$0x0], $0xffff  }
0x2c2: {  	v44 =	vadd.s32 v33, v53;
	[tilespmem:s2+$0xD340] =	vst v10;
	v10 =	vadd.s32 v33, v55;
	v1 =	vld.idx.msk [tilespmem:v1+s15+$0x0], $0xffff  }
0x2c3: {  	v2 =	vor.u32 v54, v44;
	v51 =	vor.u32 v56, v10;
	v9 =	vld.idx.msk [tilespmem:v9+s15+$0x0], $0xffff;
	v10 =	vadd.s32 v33, v17  }
0x2c4: {  	v4 =	vld.idx.msk [tilespmem:v39+s15+$0x0], $0xffff;
	v10 =	vor.u32 v26, v10;
	[tilespmem:s28+$0xD350] =	vst v6  }
0x2c5: {  	v57 =	vadd.s32 v14, v49;
	v7 =	vld.idx.msk [tilespmem:v7+s15+$0x0], $0xffff;
	[tilespmem:s29+$0xD350] =	vst v8  }
0x2c6: {  	v58 =	vadd.s32 v14, v53;
	v8 =	vadd.s32 v14, v47;
	v0 =	vld.idx.msk [tilespmem:v0+s15+$0x0], $0xffff;
	[tilespmem:s26+$0xD360] =	vst v3  }
0x2c7: {  	v52 =	vadd.s32 v30, v46;
	[tilespmem:s0+$0xD350] =	vst v1;
	v8 =	vor.u32 v48, v8;
	v5 =	vld.idx.msk [tilespmem:v5+s15+$0x0], $0xffff  }
0x2c8: {  	v6 =	vor.u32 v45, v52;
	[tilespmem:s2+$0xD350] =	vst v9;
	v9 =	vadd.s32 v14, v55;
	v2 =	vld.idx.msk [tilespmem:v2+s15+$0x0], $0xffff  }
0x2c9: {  	v1 =	vor.u32 v50, v57;
	[tilespmem:s1+$0xD350] =	vst v4;
	v59 =	vor.u32 v56, v9;
	v9 =	vld.idx.msk [tilespmem:v10+s15+$0x0], $0xffff  }
0x2ca: {  	v4 =	vor.u32 v54, v58;
	v10 =	vadd.s32 v14, v17;
	[tilespmem:s28+$0xD360] =	vst v7  }
0x2cb: {  	v10 =	vor.u32 v26, v10;
	v3 =	vld.idx.msk [tilespmem:v51+s15+$0x0], $0xffff;
	[tilespmem:s29+$0xD360] =	vst v0  }
0x2cc: {  	v60 =	vadd.s32 v32, v46;
	v61 =	vadd.s32 v30, v47;
	v8 =	vld.idx.msk [tilespmem:v8+s15+$0x0], $0xffff;
	[tilespmem:s26+$0xD370] =	vst v5  }
0x2cd: {  	v63 =	vadd.s32 v30, v49;
	v0 =	vor.u32 v48, v61;
	[tilespmem:s0+$0xD360] =	vst v2;
	v6 =	vld.idx.msk [tilespmem:v6+s15+$0x0], $0xffff  }
0x2ce: {  	v7 =	vor.u32 v45, v60;
	[tilespmem:s2+$0xD360] =	vst v9;
	v9 =	vadd.s32 v30, v55;
	v1 =	vld.idx.msk [tilespmem:v1+s15+$0x0], $0xffff  }
0x2cf: {  	v28 =	vadd.s32 v30, v53;
	v2 =	vor.u32 v50, v63;
	v4 =	vld.idx.msk [tilespmem:v4+s15+$0x0], $0xffff;
	v29 =	vor.u32 v56, v9  }
0x2d0: {  	v9 =	vld.idx.msk [tilespmem:v10+s15+$0x0], $0xffff;
	v10 =	vadd.s32 v30, v17;
	[tilespmem:s1+$0xD360] =	vst v3;
	v3 =	vor.u32 v54, v28  }
0x2d1: {  	v10 =	vor.u32 v26, v10;
	v5 =	vld.idx.msk [tilespmem:v59+s15+$0x0], $0xffff;
	[tilespmem:s28+$0xD370] =	vst v8  }
0x2d2: {  	v34 =	vadd.s32 v32, v53;
	v30 =	vadd.s32 v32, v47;
	v0 =	vld.idx.msk [tilespmem:v0+s15+$0x0], $0xffff;
	[tilespmem:s26+$0xD700] =	vst v6  }
0x2d3: {  	v8 =	vadd.s32 v40, v46;
	[tilespmem:s29+$0xD370] =	vst v1;
	v1 =	vor.u32 v48, v30;
	v7 =	vld.idx.msk [tilespmem:v7+s15+$0x0], $0xffff  }
0x2d4: {  	v31 =	vadd.s32 v32, v49;
	v8 =	vor.u32 v45, v8;
	[tilespmem:s0+$0xD370] =	vst v4;
	v2 =	vld.idx.msk [tilespmem:v2+s15+$0x0], $0xffff  }
0x2d5: {  	v4 =	vor.u32 v50, v31;
	[tilespmem:s2+$0xD370] =	vst v9;
	v9 =	vadd.s32 v32, v55;
	v3 =	vld.idx.msk [tilespmem:v3+s15+$0x0], $0xffff  }
0x2d6: {  	v35 =	vor.u32 v56, v9;
	v9 =	vld.idx.msk [tilespmem:v10+s15+$0x0], $0xffff;
	[tilespmem:s1+$0xD370] =	vst v5;
	v5 =	vor.u32 v54, v34  }
0x2d7: {  	v6 =	vld.idx.msk [tilespmem:v29+s15+$0x0], $0xffff;
	[tilespmem:s28+$0xD700] =	vst v0  }
0x2d8: {  	v10 =	vadd.s32 v32, v17;
	v1 =	vld.idx.msk [tilespmem:v1+s15+$0x0], $0xffff;
	[tilespmem:s26+$0xD710] =	vst v7  }
0x2d9: {  	v38 =	vadd.s32 v40, v47;
	v10 =	vor.u32 v26, v10;
	[tilespmem:s29+$0xD700] =	vst v2;
	v8 =	vld.idx.msk [tilespmem:v8+s15+$0x0], $0xffff  }
0x2da: {  	v39 =	vadd.s32 v40, v49;
	v2 =	vor.u32 v48, v38;
	v4 =	vld.idx.msk [tilespmem:v4+s15+$0x0], $0xffff;
	[tilespmem:s0+$0xD700] =	vst v3  }
0x2db: {  	v41 =	vadd.s32 v40, v53;
	[tilespmem:s2+$0xD700] =	vst v9;
	v3 =	vor.u32 v50, v39;
	v5 =	vld.idx.msk [tilespmem:v5+s15+$0x0], $0xffff  }
0x2dc: {  	v11 =	vadd.s32 v13, v46;
	[tilespmem:s1+$0xD700] =	vst v6;
	v6 =	vor.u32 v54, v41  }
0x2dd: {  	v11 =	vor.u32 v45, v11;
	v9 =	vadd.s32 v40, v55;
	v7 =	vld.idx.msk [tilespmem:v35+s15+$0x0], $0xffff;
	[tilespmem:s28+$0xD710] =	vst v1  }
0x2de: {  	[tilespmem:s26+$0xD720] =	vst v8;
	v8 =	vor.u32 v56, v9;
	v9 =	vld.idx.msk [tilespmem:v10+s15+$0x0], $0xffff;
	v10 =	vadd.s32 v40, v17  }
0x2df: {  	v36 =	vor.u32 v45, v46;
	[tilespmem:s29+$0xD710] =	vst v4;
	v2 =	vld.idx.msk [tilespmem:v2+s15+$0x0], $0xffff;
	v10 =	vor.u32 v26, v10  }
0x2e0: {  	v42 =	vadd.s32 v13, v47;
	v43 =	vor.u32 v48, v47;
	[tilespmem:s0+$0xD710] =	vst v5;
	v3 =	vld.idx.msk [tilespmem:v3+s15+$0x0], $0xffff  }
0x2e1: {  	v52 =	vadd.s32 v13, v17;
	v1 =	vor.u32 v48, v42;
	v48 =	vadd.s32 v13, v53;
	v6 =	vld.idx.msk [tilespmem:v6+s15+$0x0], $0xffff  }
0x2e2: {  	v58 =	vor.u32 v26, v52;
	v47 =	vadd.s32 v13, v49;
	v5 =	vor.u32 v54, v48;
	[tilespmem:s1+$0xD710] =	vst v7  }
0x2e3: {  	v51 =	vadd.s32 v13, v55;
	v4 =	vor.u32 v50, v47;
	[tilespmem:s2+$0xD710] =	vst v9;
	v8 =	vld.idx.msk [tilespmem:v8+s15+$0x0], $0xffff  }
0x2e4: {  	v0 =	vor.u32 v12, v36;
	v7 =	vor.u32 v56, v51;
	[tilespmem:s28+$0xD720] =	vst v2;
	v10 =	vld.idx.msk [tilespmem:v10+s15+$0x0], $0xffff  }
0x2e5: {  	v59 =	vor.u32 v54, v53;
	v0 =	vadd.s32 $0x1400, v0;
	v57 =	vld.idx.msk [tilespmem:v11+s15+$0x0], $0xffff;
	v11 =	vor.u32 v12, v43;
	[tilespmem:s29+$0xD720] =	vst v3  }
0x2e6: {  	v1 =	vld.idx.msk [tilespmem:v1+s15+$0x0], $0xffff;
	v11 =	vadd.s32 $0x1400, v11;
	v3 =	vor.u32 v12, v59;
	[tilespmem:s0+$0xD720] =	vst v6;
	v9 =	vor.u32 v50, v49  }
0x2e7: {  	v60 =	vor.u32 v56, v55;
	v3 =	vadd.s32 $0x1400, v3;
	v5 =	vld.idx.msk [tilespmem:v5+s15+$0x0], $0xffff;
	v9 =	vor.u32 v12, v9  }
0x2e8: {  	v4 =	vld.idx.msk [tilespmem:v4+s15+$0x0], $0xffff;
	v6 =	vor.u32 v12, v60;
	v9 =	vadd.s32 $0x1400, v9;
	[tilespmem:s1+$0xD720] =	vst v8;
	v8 =	vor.u32 v26, v17  }
0x2e9: {  	v6 =	vadd.s32 $0x1400, v6;
	[tilespmem:s2+$0xD720] =	vst v10;
	v7 =	vld.idx.msk [tilespmem:v7+s15+$0x0], $0xffff;
	v8 =	vor.u32 v12, v8  }
0x2ea: {  	s31 =	sshrl.u32 s31, $0x3;
	[tilespmem:v0+s18+$0x0] =	vst.idx.msk $0xffff, v57;
	v61 =	vld.idx.msk [tilespmem:v58+s15+$0x0], $0xffff;
	v63 =	vadd.s32 $0x1400, v8  }
0x2eb: {  	p1 =	sne.s32 s24, $0x7;
	s26 =	smul.u32 $0x1800, s31;
	[tilespmem:v11+s18+$0x0] =	vst.idx.msk $0xffff, v1  }
.Ltmp3:
0x2ec: {  	[tilespmem:v3+s18+$0x0] =	vst.idx.msk $0xffff, v5;
	(pc) =	sbr.rel @p1 .LBB2_6-.Ltmp3, $4  }
0x2ed: {  	s0 =	sadd.s32 s4, s26;
	[tilespmem:v9+s18+$0x0] =	vst.idx.msk $0xffff, v4  }
0x2ee: {  	s0 =	sshrl.u32 s0, $0x3;
	[tilespmem:v6+s18+$0x0] =	vst.idx.msk $0xffff, v7  }
0x2ef: {  	s0 =	sadd.s32 s6, s0;
	[tilespmem:v63+s18+$0x0] =	vst.idx.msk $0xffff, v61  }
0x2f0: {  	v11 =	vmovc v18;
	v18 =	vmovc v23;
	v23 =	vmov v62;
	v12 =	vmov v33;
	v33 =	vmov v14;
	[hbm4b:s0+s3] =	stream.linear.scatter [tilespmem:s18], [sflag:$0x3], $0x6000, $0x38;
	[tilespmem:$0x18300] =	vst v63  }
.Ltmp4:
0x2f1: {  	(pc) =	sbr.rel .LBB2_7-.Ltmp4, $4  }
0x2f2: {  	_ = 	snop  }
0x2f3: {  	_ =	swait.ge [sflag:s19], $0x6000  }
0x2f4: {  	[sflag:s19] =	ssyncset.done $0x0  }
0x2f5: {  	[sflag:s19] =	ssyncadd.s32 $0xFFFFA000  }
.LBB2_6:
0x2f6: {  	s0 =	rddreg [dreg:$0x5]  }
0x2f7: {  	s0 =	sadd.s32 s25, s0  }
0x2f8: {  	s0 =	sshrl.u32 s0, $0x3  }
0x2f9: {  	s0 =	smul.u32 $0x1800, s0;
	_ =	sdelay $0x1  }
0x2fa: {  	s0 =	sadd.s32 s4, s0  }
0x2fb: {  	s0 =	sshrl.u32 s0, $0x3  }
.Ltmp5:
0x2fc: {  	s0 =	sadd.s32 s5, s0;
	(pc) =	sbr.rel @p0 .LBB2_8-.Ltmp5, $4  }
0x2fd: {  	[tilespmem:s15], [sflag:$0x1] =	stream.linear.gather [hbm4b:s0+s3], $0x6000, $0x38;
	[tilespmem:$0x18300] =	vst v63  }
0x2fe: {  	_ =	swait.ge [sflag:s19], $0x6000  }
0x2ff: {  	[sflag:s19] =	ssyncset.done $0x0  }
0x300: {  	[sflag:s19] =	ssyncadd.s32 $0xFFFFA000  }
.LBB2_7:
0x301: {  	_ =	swait.ge [sflag:s20], $0x6000  }
0x302: {  	[sflag:s20] =	ssyncset.done $0x0  }
0x303: {  	[sflag:s20] =	ssyncadd.s32 $0xFFFFA000  }
.LBB2_8:
0x304: {  	s0 =	simm.s32 $0x0;
	v36 =	vld [tilespmem:$0x1FFE0]  }
0x305: {  	v0 =	vmov s0  }
0x306: {  	v1 =	vshrl.u32 v0, $0x3  }
0x307: {  	v58 =	vmul.u32 $0x1800, v1  }
0x308: {  	v0 =	vshll.u32 v0, $0x7  }
0x309: {  	v57 =	vand.u32 $0x380, v0;
	v0 =	vadd.s32 v36, v58  }
0x30a: {  	v34 =	vld [tilespmem:$0x1FE20];
	v0 =	vor.u32 v57, v0;
	_ =	sdelay $0x4  }
0x30b: {  	s1 =	simm.s32 $0x0;
	v1 =	vadd.s32 v34, v58;
	v0 =	vld.idx.msk [tilespmem:v0+s16+$0x0], $0xffff  }
0x30c: {  	s1 =	smul.u32 $0x6000, s1;
	v1 =	vor.u32 v57, v1;
	_ =	sdelay $0x1  }
0x30d: {  	s0 =	sand.u32 $0x380, s0;
	s1 =	sshra.s32 s1, $0x2  }
0x30e: {  	s8 =	sor.u32 s0, s1  }
0x30f: {  	[tilespmem:s8+$0x12300] =	vst v0  }
0x310: {  	v0 =	vld.idx.msk [tilespmem:v1+s16+$0x0], $0xffff  }
0x311: {  	v43 =	vld [tilespmem:$0x1FD30];
	_ =	sdelay $0x3  }
0x312: {  	s1 =	sadd.s32 $0x12300, s8  }
0x313: {  	v1 =	vadd.s32 v43, v58;
	[tilespmem:s1+$0x10] =	vst v0  }
0x314: {  	v1 =	vor.u32 v57, v1;
	v40 =	vld [tilespmem:$0x1FE30];
	_ =	sdelay $0x4  }
0x315: {  	v0 =	vld.idx.msk [tilespmem:v1+s16+$0x0], $0xffff;
	v1 =	vadd.s32 v40, v58  }
0x316: {  	v1 =	vor.u32 v57, v1;
	_ =	sdelay $0x3  }
0x317: {  	[tilespmem:s1+$0x20] =	vst v0  }
0x318: {  	v0 =	vld.idx.msk [tilespmem:v1+s16+$0x0], $0xffff  }
0x319: {  	v59 =	vld [tilespmem:$0x1FE40];
	_ =	sdelay $0x4  }
0x31a: {  	v1 =	vadd.s32 v59, v58;
	[tilespmem:s1+$0x30] =	vst v0  }
0x31b: {  	v1 =	vor.u32 v57, v1;
	v62 =	vld [tilespmem:$0x1FD40];
	_ =	sdelay $0x4  }
0x31c: {  	v0 =	vld.idx.msk [tilespmem:v1+s16+$0x0], $0xffff;
	v1 =	vadd.s32 v62, v58  }
0x31d: {  	v1 =	vor.u32 v57, v1;
	_ =	sdelay $0x3  }
0x31e: {  	[tilespmem:s1+$0x40] =	vst v0  }
0x31f: {  	v1 =	vld.idx.msk [tilespmem:v1+s16+$0x0], $0xffff  }
0x320: {  	v17 =	vld [tilespmem:$0x1FE50];
	_ =	sdelay $0x2  }
0x321: {  	s11 =	simm.s32 $0x1  }
0x322: {  	v2 =	vmov s11  }
0x323: {  	v0 =	vshrl.u32 v2, $0x3;
	v3 =	vadd.s32 v17, v58;
	[tilespmem:s1+$0x50] =	vst v1  }
0x324: {  	v52 =	vmul.u32 $0x1800, v0;
	v0 =	vor.u32 v57, v3;
	v42 =	vld [tilespmem:$0x1FD50];
	_ =	sdelay $0x2  }
0x325: {  	v2 =	vshll.u32 v2, $0x7  }
0x326: {  	v51 =	vand.u32 $0x380, v2;
	v2 =	vadd.s32 v36, v52  }
0x327: {  	v2 =	vor.u32 v51, v2;
	v0 =	vld.idx.msk [tilespmem:v0+s16+$0x0], $0xffff;
	v1 =	vadd.s32 v42, v58  }
0x328: {  	v1 =	vor.u32 v57, v1;
	_ =	sdelay $0x3  }
0x329: {  	v2 =	vld.idx.msk [tilespmem:v2+s16+$0x0], $0xffff;
	[tilespmem:s1+$0x60] =	vst v0  }
0x32a: {  	s12 =	simm.s32 $0x0;
	v0 =	vld.idx.msk [tilespmem:v1+s16+$0x0], $0xffff  }
0x32b: {  	s0 =	smul.u32 $0x6000, s12;
	v28 =	vld [tilespmem:$0x1FE60]  }
0x32c: {  	s2 =	simm.s32 $0x80  }
0x32d: {  	s2 =	sand.u32 $0x380, s2;
	s0 =	sshra.s32 s0, $0x2  }
0x32e: {  	s31 =	sor.u32 s2, s0  }
0x32f: {  	v3 =	vadd.s32 v34, v52;
	[tilespmem:s31+$0x12300] =	vst v2  }
0x330: {  	v3 =	vor.u32 v51, v3;
	v1 =	vadd.s32 v28, v58;
	[tilespmem:s1+$0x70] =	vst v0  }
0x331: {  	v1 =	vor.u32 v57, v1;
	v29 =	vld [tilespmem:$0x1FE70];
	_ =	sdelay $0x3  }
0x332: {  	v2 =	vld.idx.msk [tilespmem:v3+s16+$0x0], $0xffff;
	v3 =	vadd.s32 v43, v52  }
0x333: {  	v3 =	vor.u32 v51, v3;
	v0 =	vld.idx.msk [tilespmem:v1+s16+$0x0], $0xffff;
	v1 =	vadd.s32 v29, v58  }
0x334: {  	v1 =	vor.u32 v57, v1;
	_ =	sdelay $0x1  }
0x335: {  	s2 =	sadd.s32 $0x12300, s31  }
0x336: {  	[tilespmem:s2+$0x10] =	vst v2  }
0x337: {  	v2 =	vld.idx.msk [tilespmem:v3+s16+$0x0], $0xffff;
	[tilespmem:s1+$0x400] =	vst v0  }
0x338: {  	v0 =	vld.idx.msk [tilespmem:v1+s16+$0x0], $0xffff  }
0x339: {  	v61 =	vld [tilespmem:$0x1FE80];
	_ =	sdelay $0x3  }
0x33a: {  	v3 =	vadd.s32 v40, v52;
	[tilespmem:s2+$0x20] =	vst v2  }
0x33b: {  	v3 =	vor.u32 v51, v3;
	v1 =	vadd.s32 v61, v58;
	[tilespmem:s1+$0x410] =	vst v0  }
0x33c: {  	v1 =	vor.u32 v57, v1;
	v31 =	vld [tilespmem:$0x1FD60];
	_ =	sdelay $0x3  }
0x33d: {  	v2 =	vld.idx.msk [tilespmem:v3+s16+$0x0], $0xffff;
	v3 =	vadd.s32 v59, v52  }
0x33e: {  	v3 =	vor.u32 v51, v3;
	v0 =	vld.idx.msk [tilespmem:v1+s16+$0x0], $0xffff;
	v1 =	vadd.s32 v31, v58  }
0x33f: {  	v1 =	vor.u32 v57, v1;
	_ =	sdelay $0x2  }
0x340: {  	[tilespmem:s2+$0x30] =	vst v2  }
0x341: {  	v2 =	vld.idx.msk [tilespmem:v3+s16+$0x0], $0xffff;
	[tilespmem:s1+$0x420] =	vst v0  }
0x342: {  	v0 =	vld.idx.msk [tilespmem:v1+s16+$0x0], $0xffff  }
0x343: {  	v8 =	vld [tilespmem:$0x1FE90];
	_ =	sdelay $0x2  }
0x344: {  	v3 =	vadd.s32 v62, v52  }
0x345: {  	v3 =	vor.u32 v51, v3;
	[tilespmem:s2+$0x40] =	vst v2  }
0x346: {  	s13 =	simm.s32 $0x2;
	v1 =	vadd.s32 v8, v58;
	[tilespmem:s1+$0x430] =	vst v0  }
0x347: {  	v4 =	vmov s13;
	v1 =	vor.u32 v57, v1;
	v20 =	vld [tilespmem:$0x1FD70]  }
0x348: {  	v2 =	vshrl.u32 v4, $0x3  }
0x349: {  	v46 =	vmul.u32 $0x1800, v2  }
0x34a: {  	v4 =	vshll.u32 v4, $0x7;
	v3 =	vld.idx.msk [tilespmem:v3+s16+$0x0], $0xffff;
	v2 =	vadd.s32 v17, v52  }
0x34b: {  	v45 =	vand.u32 $0x380, v4;
	v2 =	vor.u32 v51, v2;
	v0 =	vadd.s32 v36, v46  }
0x34c: {  	v0 =	vor.u32 v45, v0;
	v1 =	vld.idx.msk [tilespmem:v1+s16+$0x0], $0xffff;
	v4 =	vadd.s32 v20, v58  }
0x34d: {  	v4 =	vor.u32 v57, v4;
	_ =	sdelay $0x1  }
0x34e: {  	[tilespmem:s2+$0x50] =	vst v3  }
0x34f: {  	v2 =	vld.idx.msk [tilespmem:v2+s16+$0x0], $0xffff  }
0x350: {  	v0 =	vld.idx.msk [tilespmem:v0+s16+$0x0], $0xffff;
	[tilespmem:s1+$0x440] =	vst v1  }
0x351: {  	s14 =	simm.s32 $0x0;
	v4 =	vld.idx.msk [tilespmem:v4+s16+$0x0], $0xffff  }
0x352: {  	s0 =	smul.u32 $0x6000, s14;
	v21 =	vld [tilespmem:$0x1FEA0]  }
0x353: {  	s9 =	simm.s32 $0x100  }
0x354: {  	s9 =	sand.u32 $0x380, s9;
	s0 =	sshra.s32 s0, $0x2  }
0x355: {  	s28 =	sor.u32 s9, s0;
	v3 =	vadd.s32 v42, v52;
	[tilespmem:s2+$0x60] =	vst v2  }
0x356: {  	v3 =	vor.u32 v51, v3;
	v1 =	vadd.s32 v34, v46;
	[tilespmem:s28+$0x12300] =	vst v0  }
0x357: {  	v1 =	vor.u32 v45, v1;
	v5 =	vadd.s32 v21, v58;
	[tilespmem:s1+$0x450] =	vst v4  }
0x358: {  	v5 =	vor.u32 v57, v5;
	v26 =	vld [tilespmem:$0x1FEB0];
	_ =	sdelay $0x2  }
0x359: {  	v2 =	vld.idx.msk [tilespmem:v3+s16+$0x0], $0xffff;
	v3 =	vadd.s32 v28, v52  }
0x35a: {  	v0 =	vor.u32 v51, v3;
	v3 =	vadd.s32 v43, v46;
	v1 =	vld.idx.msk [tilespmem:v1+s16+$0x0], $0xffff  }
0x35b: {  	v3 =	vor.u32 v45, v3;
	v4 =	vld.idx.msk [tilespmem:v5+s16+$0x0], $0xffff;
	v5 =	vadd.s32 v26, v58  }
0x35c: {  	v5 =	vor.u32 v57, v5;
	_ =	sdelay $0x1  }
0x35d: {  	s0 =	sadd.s32 $0x12300, s28;
	[tilespmem:s2+$0x70] =	vst v2  }
0x35e: {  	v2 =	vadd.s32 v29, v52;
	v0 =	vld.idx.msk [tilespmem:v0+s16+$0x0], $0xffff;
	[tilespmem:s0+$0x10] =	vst v1  }
0x35f: {  	v1 =	vor.u32 v51, v2;
	v2 =	vld.idx.msk [tilespmem:v3+s16+$0x0], $0xffff;
	[tilespmem:s1+$0x460] =	vst v4  }
0x360: {  	v4 =	vld.idx.msk [tilespmem:v5+s16+$0x0], $0xffff  }
0x361: {  	v38 =	vld [tilespmem:$0x1FEC0];
	_ =	sdelay $0x2  }
0x362: {  	[tilespmem:s2+$0x400] =	vst v0  }
0x363: {  	v3 =	vadd.s32 v40, v46;
	[tilespmem:s0+$0x20] =	vst v2  }
0x364: {  	v3 =	vor.u32 v45, v3;
	v5 =	vadd.s32 v38, v58;
	[tilespmem:s1+$0x470] =	vst v4  }
0x365: {  	v5 =	vor.u32 v57, v5;
	v41 =	vld [tilespmem:$0x1FD80];
	_ =	sdelay $0x2  }
0x366: {  	v0 =	vld.idx.msk [tilespmem:v1+s16+$0x0], $0xffff;
	v1 =	vadd.s32 v61, v52  }
0x367: {  	v2 =	vld.idx.msk [tilespmem:v3+s16+$0x0], $0xffff;
	v3 =	vadd.s32 v59, v46;
	v1 =	vor.u32 v51, v1  }
0x368: {  	v3 =	vor.u32 v45, v3;
	v4 =	vld.idx.msk [tilespmem:v5+s16+$0x0], $0xffff;
	v5 =	vadd.s32 v41, v58  }
0x369: {  	v5 =	vor.u32 v57, v5;
	_ =	sdelay $0x1  }
0x36a: {  	[tilespmem:s2+$0x410] =	vst v0  }
0x36b: {  	[tilespmem:s0+$0x30] =	vst v2;
	v0 =	vld.idx.msk [tilespmem:v1+s16+$0x0], $0xffff  }
0x36c: {  	v2 =	vld.idx.msk [tilespmem:v3+s16+$0x0], $0xffff;
	[tilespmem:s8+$0x12B00] =	vst v4  }
0x36d: {  	v4 =	vld.idx.msk [tilespmem:v5+s16+$0x0], $0xffff  }
0x36e: {  	v53 =	vld [tilespmem:$0x1FED0];
	_ =	sdelay $0x2  }
0x36f: {  	v1 =	vadd.s32 v31, v52;
	[tilespmem:s2+$0x420] =	vst v0  }
0x370: {  	s23 =	sadd.s32 $0x12B00, s8;
	v3 =	vadd.s32 v62, v46;
	v1 =	vor.u32 v51, v1;
	[tilespmem:s0+$0x40] =	vst v2  }
0x371: {  	v3 =	vor.u32 v45, v3;
	v5 =	vadd.s32 v53, v58;
	[tilespmem:s23+$0x10] =	vst v4  }
0x372: {  	v5 =	vor.u32 v57, v5;
	v22 =	vld [tilespmem:$0x1FD90];
	_ =	sdelay $0x1  }
0x373: {  	s22 =	simm.s32 $0x3  }
0x374: {  	v6 =	vmov s22;
	v0 =	vld.idx.msk [tilespmem:v1+s16+$0x0], $0xffff;
	v1 =	vadd.s32 v8, v52  }
0x375: {  	v2 =	vshrl.u32 v6, $0x3;
	v3 =	vld.idx.msk [tilespmem:v3+s16+$0x0], $0xffff;
	v1 =	vor.u32 v51, v1;
	v4 =	vadd.s32 v17, v46  }
0x376: {  	v47 =	vmul.u32 $0x1800, v2;
	v4 =	vor.u32 v45, v4;
	v2 =	vld.idx.msk [tilespmem:v5+s16+$0x0], $0xffff;
	v5 =	vadd.s32 v22, v58  }
0x377: {  	v5 =	vor.u32 v57, v5;
	_ =	sdelay $0x1  }
0x378: {  	[tilespmem:s2+$0x430] =	vst v0  }
0x379: {  	[tilespmem:s0+$0x50] =	vst v3;
	v1 =	vld.idx.msk [tilespmem:v1+s16+$0x0], $0xffff  }
0x37a: {  	v4 =	vld.idx.msk [tilespmem:v4+s16+$0x0], $0xffff;
	[tilespmem:s23+$0x20] =	vst v2  }
0x37b: {  	v5 =	vld.idx.msk [tilespmem:v5+s16+$0x0], $0xffff  }
0x37c: {  	v6 =	vshll.u32 v6, $0x7;
	v15 =	vld [tilespmem:$0x1FEE0]  }
0x37d: {  	v48 =	vand.u32 $0x380, v6;
	v0 =	vadd.s32 v36, v47  }
0x37e: {  	v0 =	vor.u32 v48, v0  }
0x37f: {  	v6 =	vadd.s32 v20, v52;
	[tilespmem:s2+$0x440] =	vst v1  }
0x380: {  	v3 =	vor.u32 v51, v6;
	v2 =	vadd.s32 v42, v46;
	[tilespmem:s0+$0x60] =	vst v4  }
0x381: {  	v2 =	vor.u32 v45, v2;
	v6 =	vadd.s32 v15, v58;
	[tilespmem:s23+$0x30] =	vst v5  }
0x382: {  	v6 =	vor.u32 v57, v6;
	v16 =	vld [tilespmem:$0x1FEF0]  }
0x383: {  	s11 =	simm.s32 $0x0;
	v0 =	vld.idx.msk [tilespmem:v0+s16+$0x0], $0xffff  }
0x384: {  	s1 =	smul.u32 $0x6000, s11;
	v1 =	vadd.s32 v34, v47  }
0x385: {  	s10 =	simm.s32 $0x180;
	v7 =	vadd.s32 v21, v52;
	v3 =	vld.idx.msk [tilespmem:v3+s16+$0x0], $0xffff;
	v1 =	vor.u32 v48, v1  }
0x386: {  	s10 =	sand.u32 $0x380, s10;
	s1 =	sshra.s32 s1, $0x2;
	v4 =	vor.u32 v51, v7;
	v2 =	vld.idx.msk [tilespmem:v2+s16+$0x0], $0xffff;
	v5 =	vadd.s32 v28, v46  }
0x387: {  	s29 =	sor.u32 s10, s1;
	v5 =	vor.u32 v45, v5;
	v6 =	vld.idx.msk [tilespmem:v6+s16+$0x0], $0xffff;
	v7 =	vadd.s32 v16, v58  }
0x388: {  	[tilespmem:s29+$0x12300] =	vst v0;
	v0 =	vor.u32 v57, v7;
	_ =	sdelay $0x1  }
0x389: {  	[tilespmem:s2+$0x450] =	vst v3;
	v1 =	vld.idx.msk [tilespmem:v1+s16+$0x0], $0xffff  }
0x38a: {  	v4 =	vld.idx.msk [tilespmem:v4+s16+$0x0], $0xffff;
	[tilespmem:s0+$0x70] =	vst v2  }
0x38b: {  	v5 =	vld.idx.msk [tilespmem:v5+s16+$0x0], $0xffff;
	[tilespmem:s23+$0x40] =	vst v6  }
0x38c: {  	v0 =	vld.idx.msk [tilespmem:v0+s16+$0x0], $0xffff  }
0x38d: {  	v27 =	vld [tilespmem:$0x1FF00]  }
0x38e: {  	s1 =	sadd.s32 $0x12300, s29;
	v3 =	vadd.s32 v43, v47  }
0x38f: {  	v3 =	vor.u32 v48, v3;
	[tilespmem:s1+$0x10] =	vst v1  }
0x390: {  	v6 =	vadd.s32 v29, v46;
	[tilespmem:s2+$0x460] =	vst v4  }
0x391: {  	v7 =	vadd.s32 v26, v52;
	v6 =	vor.u32 v45, v6;
	[tilespmem:s0+$0x400] =	vst v5  }
0x392: {  	v2 =	vor.u32 v51, v7;
	v7 =	vadd.s32 v27, v58;
	[tilespmem:s23+$0x50] =	vst v0  }
0x393: {  	v1 =	vor.u32 v57, v7;
	v39 =	vld [tilespmem:$0x1FDA0]  }
0x394: {  	v3 =	vld.idx.msk [tilespmem:v3+s16+$0x0], $0xffff  }
0x395: {  	v4 =	vadd.s32 v40, v47  }
0x396: {  	v4 =	vor.u32 v48, v4;
	v6 =	vld.idx.msk [tilespmem:v6+s16+$0x0], $0xffff;
	v0 =	vadd.s32 v61, v46  }
0x397: {  	v2 =	vld.idx.msk [tilespmem:v2+s16+$0x0], $0xffff;
	v7 =	vadd.s32 v38, v52;
	v0 =	vor.u32 v45, v0  }
0x398: {  	v5 =	vor.u32 v51, v7;
	v1 =	vld.idx.msk [tilespmem:v1+s16+$0x0], $0xffff;
	v7 =	vadd.s32 v39, v58  }
0x399: {  	[tilespmem:s1+$0x20] =	vst v3;
	v3 =	vor.u32 v57, v7;
	_ =	sdelay $0x1  }
0x39a: {  	v4 =	vld.idx.msk [tilespmem:v4+s16+$0x0], $0xffff;
	[tilespmem:s0+$0x410] =	vst v6  }
0x39b: {  	[tilespmem:s2+$0x470] =	vst v2;
	v0 =	vld.idx.msk [tilespmem:v0+s16+$0x0], $0xffff  }
0x39c: {  	v5 =	vld.idx.msk [tilespmem:v5+s16+$0x0], $0xffff;
	[tilespmem:s23+$0x60] =	vst v1  }
0x39d: {  	v3 =	vld.idx.msk [tilespmem:v3+s16+$0x0], $0xffff  }
0x39e: {  	v44 =	vld [tilespmem:$0x1FF10];
	_ =	sdelay $0x1  }
0x39f: {  	v2 =	vadd.s32 v59, v47;
	[tilespmem:s1+$0x30] =	vst v4  }
0x3a0: {  	v2 =	vor.u32 v48, v2;
	v1 =	vadd.s32 v31, v46;
	[tilespmem:s31+$0x12B00] =	vst v5  }
0x3a1: {  	v7 =	vadd.s32 v41, v52;
	v1 =	vor.u32 v45, v1;
	[tilespmem:s0+$0x420] =	vst v0  }
0x3a2: {  	v6 =	vor.u32 v51, v7;
	v7 =	vadd.s32 v44, v58;
	[tilespmem:s23+$0x70] =	vst v3  }
0x3a3: {  	v4 =	vor.u32 v57, v7;
	v10 =	vld [tilespmem:$0x1FDB0];
	_ =	sdelay $0x1  }
0x3a4: {  	v5 =	vadd.s32 v62, v47;
	v2 =	vld.idx.msk [tilespmem:v2+s16+$0x0], $0xffff  }
0x3a5: {  	v5 =	vor.u32 v48, v5;
	v1 =	vld.idx.msk [tilespmem:v1+s16+$0x0], $0xffff;
	v3 =	vadd.s32 v8, v46  }
0x3a6: {  	v6 =	vld.idx.msk [tilespmem:v6+s16+$0x0], $0xffff;
	v7 =	vadd.s32 v53, v52;
	v3 =	vor.u32 v45, v3  }
0x3a7: {  	v35 =	vmov v8;
	v0 =	vor.u32 v51, v7;
	v4 =	vld.idx.msk [tilespmem:v4+s16+$0x0], $0xffff;
	v8 =	vadd.s32 v10, v58  }
0x3a8: {  	v8 =	vor.u32 v57, v8  }
0x3a9: {  	[tilespmem:s1+$0x40] =	vst v2  }
0x3aa: {  	s12 =	simm.s32 $0x4;
	s13 =	sadd.s32 $0x12B00, s31;
	v5 =	vld.idx.msk [tilespmem:v5+s16+$0x0], $0xffff;
	[tilespmem:s0+$0x430] =	vst v1  }
0x3ab: {  	[tilespmem:s13+$0x10] =	vst v6;
	v7 =	vmov s12;
	v3 =	vld.idx.msk [tilespmem:v3+s16+$0x0], $0xffff  }
0x3ac: {  	v2 =	vshrl.u32 v7, $0x3;
	v6 =	vshll.u32 v7, $0x7;
	v7 =	vadd.s32 v22, v52;
	v0 =	vld.idx.msk [tilespmem:v0+s16+$0x0], $0xffff;
	[tilespmem:s8+$0x12F00] =	vst v4  }
0x3ad: {  	v1 =	vor.u32 v51, v7;
	v7 =	vld.idx.msk [tilespmem:v8+s16+$0x0], $0xffff  }
0x3ae: {  	v14 =	vld [tilespmem:$0x1FF20]  }
0x3af: {  	v49 =	vmul.u32 $0x1800, v2;
	v2 =	vadd.s32 v17, v47  }
0x3b0: {  	v2 =	vor.u32 v48, v2;
	[tilespmem:s1+$0x50] =	vst v5  }
0x3b1: {  	v50 =	vand.u32 $0x380, v6;
	v6 =	vadd.s32 v36, v49;
	[tilespmem:s13+$0x20] =	vst v0  }
0x3b2: {  	s22 =	sadd.s32 $0x12F00, s8;
	v4 =	vor.u32 v50, v6;
	v6 =	vadd.s32 v20, v46;
	[tilespmem:s0+$0x440] =	vst v3  }
0x3b3: {  	v6 =	vor.u32 v45, v6;
	v8 =	vadd.s32 v14, v58;
	[tilespmem:s22+$0x10] =	vst v7  }
0x3b4: {  	v5 =	vor.u32 v57, v8;
	v30 =	vld [tilespmem:$0x1FF30]  }
0x3b5: {  	v0 =	vadd.s32 v42, v47;
	v2 =	vld.idx.msk [tilespmem:v2+s16+$0x0], $0xffff  }
0x3b6: {  	v1 =	vld.idx.msk [tilespmem:v1+s16+$0x0], $0xffff;
	v0 =	vor.u32 v48, v0;
	v8 =	vadd.s32 v15, v52  }
0x3b7: {  	s23 =	simm.s32 $0x0;
	v4 =	vld.idx.msk [tilespmem:v4+s16+$0x0], $0xffff;
	v3 =	vor.u32 v51, v8;
	v8 =	vadd.s32 v34, v49  }
0x3b8: {  	s10 =	smul.u32 $0x6000, s23;
	v6 =	vld.idx.msk [tilespmem:v6+s16+$0x0], $0xffff;
	v7 =	vor.u32 v50, v8;
	v8 =	vadd.s32 v21, v46  }
0x3b9: {  	s11 =	simm.s32 $0x200;
	v8 =	vor.u32 v45, v8;
	v5 =	vld.idx.msk [tilespmem:v5+s16+$0x0], $0xffff;
	v9 =	vadd.s32 v30, v58  }
0x3ba: {  	s11 =	sand.u32 $0x380, s11;
	s10 =	sshra.s32 s10, $0x2;
	[tilespmem:s1+$0x60] =	vst v2;
	v2 =	vor.u32 v57, v9  }
0x3bb: {  	s30 =	sor.u32 s11, s10;
	[tilespmem:s13+$0x30] =	vst v1;
	v0 =	vld.idx.msk [tilespmem:v0+s16+$0x0], $0xffff  }
0x3bc: {  	[tilespmem:s30+$0x12300] =	vst v4;
	v3 =	vld.idx.msk [tilespmem:v3+s16+$0x0], $0xffff  }
0x3bd: {  	[tilespmem:s0+$0x450] =	vst v6;
	v7 =	vld.idx.msk [tilespmem:v7+s16+$0x0], $0xffff  }
0x3be: {  	v8 =	vld.idx.msk [tilespmem:v8+s16+$0x0], $0xffff;
	[tilespmem:s22+$0x20] =	vst v5  }
0x3bf: {  	v2 =	vld.idx.msk [tilespmem:v2+s16+$0x0], $0xffff  }
0x3c0: {  	v32 =	vld [tilespmem:$0x1FF40]  }
0x3c1: {  	v1 =	vadd.s32 v28, v47;
	[tilespmem:s1+$0x70] =	vst v0  }
0x3c2: {  	s14 =	sadd.s32 $0x12300, s30;
	v1 =	vor.u32 v48, v1;
	v4 =	vadd.s32 v16, v52;
	[tilespmem:s13+$0x40] =	vst v3  }
0x3c3: {  	v4 =	vor.u32 v51, v4;
	v6 =	vadd.s32 v43, v49;
	[tilespmem:s14+$0x10] =	vst v7  }
0x3c4: {  	v5 =	vor.u32 v50, v6;
	v6 =	vadd.s32 v26, v46;
	[tilespmem:s0+$0x460] =	vst v8  }
0x3c5: {  	v6 =	vor.u32 v45, v6;
	v55 =	vadd.s32 v32, v58;
	[tilespmem:s22+$0x30] =	vst v2  }
0x3c6: {  	v0 =	vor.u32 v57, v55;
	v13 =	vld [tilespmem:$0x1FDC0]  }
0x3c7: {  	v3 =	vadd.s32 v29, v47;
	v1 =	vld.idx.msk [tilespmem:v1+s16+$0x0], $0xffff  }
0x3c8: {  	v4 =	vld.idx.msk [tilespmem:v4+s16+$0x0], $0xffff;
	v3 =	vor.u32 v48, v3;
	v7 =	vadd.s32 v27, v52  }
0x3c9: {  	v7 =	vor.u32 v51, v7;
	v8 =	vadd.s32 v40, v49;
	v5 =	vld.idx.msk [tilespmem:v5+s16+$0x0], $0xffff  }
0x3ca: {  	v6 =	vld.idx.msk [tilespmem:v6+s16+$0x0], $0xffff;
	v2 =	vor.u32 v50, v8;
	v8 =	vadd.s32 v38, v46  }
0x3cb: {  	v8 =	vor.u32 v45, v8;
	v0 =	vld.idx.msk [tilespmem:v0+s16+$0x0], $0xffff;
	v56 =	vadd.s32 v13, v58  }
0x3cc: {  	[tilespmem:s1+$0x400] =	vst v1;
	v1 =	vor.u32 v57, v56  }
0x3cd: {  	[tilespmem:s13+$0x50] =	vst v4;
	v3 =	vld.idx.msk [tilespmem:v3+s16+$0x0], $0xffff  }
0x3ce: {  	v7 =	vld.idx.msk [tilespmem:v7+s16+$0x0], $0xffff;
	[tilespmem:s14+$0x20] =	vst v5  }
0x3cf: {  	v2 =	vld.idx.msk [tilespmem:v2+s16+$0x0], $0xffff;
	[tilespmem:s0+$0x470] =	vst v6  }
0x3d0: {  	v8 =	vld.idx.msk [tilespmem:v8+s16+$0x0], $0xffff;
	[tilespmem:s22+$0x40] =	vst v0  }
0x3d1: {  	v1 =	vld.idx.msk [tilespmem:v1+s16+$0x0], $0xffff  }
0x3d2: {  	v63 =	vld [tilespmem:$0x1FF50]  }
0x3d3: {  	v4 =	vadd.s32 v61, v47;
	[tilespmem:s1+$0x410] =	vst v3  }
0x3d4: {  	v4 =	vor.u32 v48, v4;
	v5 =	vadd.s32 v39, v52;
	[tilespmem:s13+$0x60] =	vst v7  }
0x3d5: {  	v5 =	vor.u32 v51, v5;
	v6 =	vadd.s32 v59, v49;
	[tilespmem:s14+$0x30] =	vst v2  }
0x3d6: {  	v0 =	vor.u32 v50, v6;
	v6 =	vadd.s32 v41, v46;
	[tilespmem:s28+$0x12B00] =	vst v8  }
0x3d7: {  	v6 =	vor.u32 v45, v6;
	v60 =	vadd.s32 v63, v58;
	[tilespmem:s22+$0x50] =	vst v1  }
0x3d8: {  	v3 =	vor.u32 v57, v60;
	v60 =	vld [tilespmem:$0x1FF60]  }
0x3d9: {  	v7 =	vadd.s32 v31, v47;
	v4 =	vld.idx.msk [tilespmem:v4+s16+$0x0], $0xffff  }
0x3da: {  	v5 =	vld.idx.msk [tilespmem:v5+s16+$0x0], $0xffff;
	v2 =	vor.u32 v48, v7;
	v7 =	vadd.s32 v44, v52  }
0x3db: {  	v8 =	vadd.s32 v62, v49;
	v7 =	vor.u32 v51, v7;
	v0 =	vld.idx.msk [tilespmem:v0+s16+$0x0], $0xffff  }
0x3dc: {  	v6 =	vld.idx.msk [tilespmem:v6+s16+$0x0], $0xffff;
	v1 =	vor.u32 v50, v8;
	v8 =	vadd.s32 v53, v46  }
0x3dd: {  	v56 =	vmov v53;
	v8 =	vor.u32 v45, v8;
	v53 =	vadd.s32 v60, v58;
	v3 =	vld.idx.msk [tilespmem:v3+s16+$0x0], $0xffff  }
0x3de: {  	s10 =	simm.s32 $0x5;
	[tilespmem:s1+$0x420] =	vst v4;
	v4 =	vor.u32 v57, v53  }
0x3df: {  	v9 =	vmov s10;
	[tilespmem:s13+$0x70] =	vst v5;
	v5 =	vadd.s32 v35, v47;
	v2 =	vld.idx.msk [tilespmem:v2+s16+$0x0], $0xffff  }
0x3e0: {  	s11 =	sadd.s32 $0x12B00, s28;
	v54 =	vshrl.u32 v9, $0x3;
	v7 =	vld.idx.msk [tilespmem:v7+s16+$0x0], $0xffff;
	[tilespmem:s14+$0x40] =	vst v0;
	v0 =	vor.u32 v48, v5;
	v5 =	vadd.s32 v10, v52  }
0x3e1: {  	v9 =	vshll.u32 v9, $0x7;
	v1 =	vld.idx.msk [tilespmem:v1+s16+$0x0], $0xffff;
	[tilespmem:s11+$0x10] =	vst v6;
	v5 =	vor.u32 v51, v5;
	v6 =	vadd.s32 v17, v49  }
0x3e2: {  	v8 =	vld.idx.msk [tilespmem:v8+s16+$0x0], $0xffff;
	v53 =	vmul.u32 $0x1800, v54;
	[tilespmem:s22+$0x60] =	vst v3;
	v3 =	vor.u32 v50, v6;
	v6 =	vadd.s32 v22, v46  }
0x3e3: {  	v55 =	vmovc v35;
	v35 =	vmov v10;
	v10 =	vadd.s32 v11, v58;
	v4 =	vld.idx.msk [tilespmem:v4+s16+$0x0], $0xffff;
	v6 =	vor.u32 v45, v6  }
0x3e4: {  	[tilespmem:s1+$0x430] =	vst v2;
	v54 =	vand.u32 $0x380, v9;
	v9 =	vor.u32 v57, v10;
	v2 =	vadd.s32 v36, v53  }
0x3e5: {  	[tilespmem:s31+$0x12F00] =	vst v7;
	v7 =	vadd.s32 v20, v47;
	v0 =	vld.idx.msk [tilespmem:v0+s16+$0x0], $0xffff;
	v2 =	vor.u32 v54, v2  }
0x3e6: {  	v5 =	vld.idx.msk [tilespmem:v5+s16+$0x0], $0xffff;
	[tilespmem:s14+$0x50] =	vst v1;
	v1 =	vor.u32 v48, v7;
	v7 =	vadd.s32 v14, v52  }
0x3e7: {  	[tilespmem:s11+$0x20] =	vst v8;
	v7 =	vor.u32 v51, v7;
	v8 =	vadd.s32 v42, v49;
	v3 =	vld.idx.msk [tilespmem:v3+s16+$0x0], $0xffff  }
0x3e8: {  	v6 =	vld.idx.msk [tilespmem:v6+s16+$0x0], $0xffff;
	[tilespmem:s22+$0x70] =	vst v4;
	v4 =	vor.u32 v50, v8;
	v8 =	vadd.s32 v15, v46  }
0x3e9: {  	v10 =	vadd.s32 v37, v58;
	v9 =	vld.idx.msk [tilespmem:v9+s16+$0x0], $0xffff;
	v8 =	vor.u32 v45, v8  }
0x3ea: {  	s13 =	sadd.s32 $0x12F00, s31;
	v10 =	vor.u32 v57, v10;
	[tilespmem:s1+$0x440] =	vst v0;
	v0 =	vadd.s32 v34, v53;
	v2 =	vld.idx.msk [tilespmem:v2+s16+$0x0], $0xffff;
	s22 =	simm.s32 $0x0  }
0x3eb: {  	v1 =	vld.idx.msk [tilespmem:v1+s16+$0x0], $0xffff;
	[tilespmem:s13+$0x10] =	vst v5;
	v0 =	vor.u32 v54, v0;
	v5 =	vadd.s32 v21, v47;
	s0 =	smul.u32 $0x6000, s22  }
0x3ec: {  	s23 =	simm.s32 $0x280;
	v7 =	vld.idx.msk [tilespmem:v7+s16+$0x0], $0xffff;
	[tilespmem:s14+$0x60] =	vst v3;
	v3 =	vor.u32 v48, v5;
	v5 =	vadd.s32 v30, v52  }
0x3ed: {  	s9 =	sand.u32 $0x380, s23;
	s0 =	sshra.s32 s0, $0x2;
	v4 =	vld.idx.msk [tilespmem:v4+s16+$0x0], $0xffff;
	[tilespmem:s11+$0x30] =	vst v6;
	v5 =	vor.u32 v51, v5;
	v6 =	vadd.s32 v28, v49  }
0x3ee: {  	s0 =	sor.u32 s9, s0;
	v8 =	vld.idx.msk [tilespmem:v8+s16+$0x0], $0xffff;
	[tilespmem:s8+$0x13300] =	vst v9;
	v6 =	vor.u32 v50, v6;
	v9 =	vadd.s32 v16, v46  }
0x3ef: {  	[tilespmem:s0+$0x12300] =	vst v2;
	v2 =	vld.idx.msk [tilespmem:v10+s16+$0x0], $0xffff;
	v9 =	vor.u32 v45, v9;
	v10 =	vadd.s32 v25, v58  }
0x3f0: {  	[tilespmem:s1+$0x450] =	vst v1;
	v1 =	vadd.s32 v43, v53;
	v0 =	vld.idx.msk [tilespmem:v0+s16+$0x0], $0xffff;
	v10 =	vor.u32 v57, v10  }
0x3f1: {  	[tilespmem:s13+$0x20] =	vst v7;
	v1 =	vor.u32 v54, v1;
	v7 =	vadd.s32 v26, v47;
	v3 =	vld.idx.msk [tilespmem:v3+s16+$0x0], $0xffff  }
0x3f2: {  	v5 =	vld.idx.msk [tilespmem:v5+s16+$0x0], $0xffff;
	[tilespmem:s14+$0x70] =	vst v4;
	v4 =	vor.u32 v48, v7;
	v7 =	vadd.s32 v32, v52  }
0x3f3: {  	s12 =	sadd.s32 $0x13300, s8;
	v6 =	vld.idx.msk [tilespmem:v6+s16+$0x0], $0xffff;
	[tilespmem:s11+$0x40] =	vst v8;
	v7 =	vor.u32 v51, v7;
	v8 =	vadd.s32 v29, v49  }
0x3f4: {  	s9 =	sadd.s32 $0x12300, s0;
	v9 =	vld.idx.msk [tilespmem:v9+s16+$0x0], $0xffff;
	[tilespmem:s12+$0x10] =	vst v2;
	v2 =	vor.u32 v50, v8;
	v8 =	vadd.s32 v27, v46  }
0x3f5: {  	[tilespmem:s9+$0x10] =	vst v0;
	v0 =	vld.idx.msk [tilespmem:v10+s16+$0x0], $0xffff;
	v8 =	vor.u32 v45, v8;
	v10 =	vadd.s32 v19, v58  }
0x3f6: {  	v1 =	vld.idx.msk [tilespmem:v1+s16+$0x0], $0xffff;
	[tilespmem:s1+$0x460] =	vst v3;
	v3 =	vadd.s32 v40, v53;
	v10 =	vor.u32 v57, v10  }
0x3f7: {  	v4 =	vld.idx.msk [tilespmem:v4+s16+$0x0], $0xffff;
	[tilespmem:s13+$0x30] =	vst v5;
	v3 =	vor.u32 v54, v3;
	v5 =	vadd.s32 v38, v47  }
0x3f8: {  	v7 =	vld.idx.msk [tilespmem:v7+s16+$0x0], $0xffff;
	[tilespmem:s14+$0x400] =	vst v6;
	v5 =	vor.u32 v48, v5;
	v6 =	vadd.s32 v13, v52  }
0x3f9: {  	v2 =	vld.idx.msk [tilespmem:v2+s16+$0x0], $0xffff;
	[tilespmem:s11+$0x50] =	vst v9;
	v6 =	vor.u32 v51, v6;
	v9 =	vadd.s32 v61, v49  }
0x3fa: {  	v8 =	vld.idx.msk [tilespmem:v8+s16+$0x0], $0xffff;
	[tilespmem:s12+$0x20] =	vst v0;
	v0 =	vor.u32 v50, v9;
	v9 =	vadd.s32 v39, v46  }
0x3fb: {  	[tilespmem:s9+$0x20] =	vst v1;
	v1 =	vld.idx.msk [tilespmem:v10+s16+$0x0], $0xffff;
	v9 =	vor.u32 v45, v9;
	v10 =	vadd.s32 v18, v58  }
0x3fc: {  	v3 =	vld.idx.msk [tilespmem:v3+s16+$0x0], $0xffff;
	[tilespmem:s1+$0x470] =	vst v4;
	v4 =	vadd.s32 v59, v53;
	v10 =	vor.u32 v57, v10  }
0x3fd: {  	v5 =	vld.idx.msk [tilespmem:v5+s16+$0x0], $0xffff;
	[tilespmem:s13+$0x40] =	vst v7;
	v4 =	vor.u32 v54, v4;
	v7 =	vadd.s32 v41, v47  }
0x3fe: {  	v6 =	vld.idx.msk [tilespmem:v6+s16+$0x0], $0xffff;
	[tilespmem:s14+$0x410] =	vst v2;
	v2 =	vor.u32 v48, v7;
	v7 =	vadd.s32 v63, v52  }
0x3ff: {  	v0 =	vld.idx.msk [tilespmem:v0+s16+$0x0], $0xffff;
	[tilespmem:s11+$0x60] =	vst v8;
	v7 =	vor.u32 v51, v7;
	v8 =	vadd.s32 v31, v49  }
0x400: {  	v9 =	vld.idx.msk [tilespmem:v9+s16+$0x0], $0xffff;
	[tilespmem:s12+$0x30] =	vst v1;
	v1 =	vor.u32 v50, v8;
	v8 =	vadd.s32 v44, v46  }
0x401: {  	v24 =	vmov v11;
	v11 =	vadd.s32 v23, v58;
	[tilespmem:s9+$0x30] =	vst v3;
	v3 =	vld.idx.msk [tilespmem:v10+s16+$0x0], $0xffff;
	v8 =	vor.u32 v45, v8  }
0x402: {  	v10 =	vor.u32 v57, v11;
	v4 =	vld.idx.msk [tilespmem:v4+s16+$0x0], $0xffff;
	[tilespmem:s29+$0x12B00] =	vst v5;
	v5 =	vadd.s32 v62, v53  }
0x403: {  	v2 =	vld.idx.msk [tilespmem:v2+s16+$0x0], $0xffff;
	[tilespmem:s13+$0x50] =	vst v6;
	v5 =	vor.u32 v54, v5;
	v6 =	vadd.s32 v56, v47  }
0x404: {  	v56 =	vadd.s32 v60, v52;
	v7 =	vld.idx.msk [tilespmem:v7+s16+$0x0], $0xffff;
	[tilespmem:s14+$0x420] =	vst v0;
	v0 =	vor.u32 v48, v6  }
0x405: {  	v6 =	vor.u32 v51, v56;
	v56 =	vadd.s32 v55, v49;
	v1 =	vld.idx.msk [tilespmem:v1+s16+$0x0], $0xffff;
	[tilespmem:s11+$0x70] =	vst v9;
	s11 =	simm.s32 $0x6  }
0x406: {  	v35 =	vadd.s32 v35, v46;
	v8 =	vld.idx.msk [tilespmem:v8+s16+$0x0], $0xffff;
	[tilespmem:s12+$0x40] =	vst v3;
	v3 =	vor.u32 v50, v56;
	v11 =	vmov s11  }
0x407: {  	s10 =	sadd.s32 $0x12B00, s29;
	v9 =	vor.u32 v45, v35;
	[tilespmem:s9+$0x40] =	vst v4;
	v4 =	vld.idx.msk [tilespmem:v10+s16+$0x0], $0xffff;
	v10 =	vadd.s32 v12, v58;
	v55 =	vshrl.u32 v11, $0x3  }
0x408: {  	v11 =	vshll.u32 v11, $0x7;
	v5 =	vld.idx.msk [tilespmem:v5+s16+$0x0], $0xffff;
	[tilespmem:s10+$0x10] =	vst v2;
	v2 =	vadd.s32 v17, v53;
	v10 =	vor.u32 v57, v10  }
0x409: {  	v55 =	vmul.u32 $0x1800, v55;
	v0 =	vld.idx.msk [tilespmem:v0+s16+$0x0], $0xffff;
	[tilespmem:s13+$0x60] =	vst v7;
	v2 =	vor.u32 v54, v2;
	v7 =	vadd.s32 v22, v47  }
0x40a: {  	v56 =	vand.u32 $0x380, v11;
	v6 =	vld.idx.msk [tilespmem:v6+s16+$0x0], $0xffff;
	[tilespmem:s14+$0x430] =	vst v1;
	v1 =	vor.u32 v48, v7;
	v7 =	vadd.s32 v24, v52  }
0x40b: {  	v24 =	vmov v36;
	v36 =	vadd.s32 v36, v55;
	v3 =	vld.idx.msk [tilespmem:v3+s16+$0x0], $0xffff;
	[tilespmem:s28+$0x12F00] =	vst v8;
	v7 =	vor.u32 v51, v7  }
0x40c: {  	v12 =	vmov v23;
	v8 =	vor.u32 v56, v36;
	v36 =	vadd.s32 v20, v49;
	v9 =	vld.idx.msk [tilespmem:v9+s16+$0x0], $0xffff;
	[tilespmem:s12+$0x50] =	vst v4  }
0x40d: {  	v23 =	vmov v22;
	v4 =	vor.u32 v50, v36;
	[tilespmem:s9+$0x50] =	vst v5;
	v5 =	vadd.s32 v14, v46;
	v10 =	vld.idx.msk [tilespmem:v10+s16+$0x0], $0xffff  }
0x40e: {  	v22 =	vmov v20;
	v2 =	vld.idx.msk [tilespmem:v2+s16+$0x0], $0xffff;
	[tilespmem:s10+$0x20] =	vst v0;
	v0 =	vor.u32 v45, v5;
	v5 =	vadd.s32 v33, v58  }
0x40f: {  	v20 =	vmov v42;
	v42 =	vadd.s32 v42, v53;
	v1 =	vld.idx.msk [tilespmem:v1+s16+$0x0], $0xffff;
	[tilespmem:s13+$0x70] =	vst v6;
	v5 =	vor.u32 v57, v5  }
0x410: {  	v6 =	vor.u32 v54, v42;
	v7 =	vld.idx.msk [tilespmem:v7+s16+$0x0], $0xffff  }
0x411: {  	s2 =	sadd.s32 $0x12F00, s28;
	v36 =	vadd.s32 v15, v47;
	[tilespmem:s14+$0x440] =	vst v3;
	v3 =	vld.idx.msk [tilespmem:v8+s16+$0x0], $0xffff  }
0x412: {  	s13 =	simm.s32 $0x0;
	v8 =	vor.u32 v48, v36;
	[tilespmem:s2+$0x10] =	vst v9;
	v4 =	vld.idx.msk [tilespmem:v4+s16+$0x0], $0xffff  }
0x413: {  	s1 =	smul.u32 $0x6000, s13;
	[tilespmem:s12+$0x60] =	vst v10;
	v0 =	vld.idx.msk [tilespmem:v0+s16+$0x0], $0xffff  }
0x414: {  	s23 =	simm.s32 $0x300;
	[tilespmem:s9+$0x60] =	vst v2;
	v5 =	vld.idx.msk [tilespmem:v5+s16+$0x0], $0xffff  }
0x415: {  	s22 =	sand.u32 $0x380, s23;
	v36 =	vadd.s32 v37, v52;
	s1 =	sshra.s32 s1, $0x2;
	[tilespmem:s10+$0x30] =	vst v1;
	v1 =	vld.idx.msk [tilespmem:v6+s16+$0x0], $0xffff  }
0x416: {  	v37 =	vadd.s32 v34, v55;
	v11 =	vor.u32 v51, v36;
	v36 =	vadd.s32 v30, v46;
	s1 =	sor.u32 s22, s1;
	v30 =	vld [tilespmem:$0x1FDE0];
	[tilespmem:s31+$0x13300] =	vst v7  }
0x417: {  	v9 =	vor.u32 v56, v37;
	v8 =	vld.idx.msk [tilespmem:v8+s16+$0x0], $0xffff;
	[tilespmem:s1+$0x12300] =	vst v3  }
0x418: {  	[tilespmem:s14+$0x450] =	vst v4  }
0x419: {  	v35 =	vmovc v19;
	v19 =	vmov v17;
	v17 =	vmov v34;
	v34 =	vadd.s32 v21, v49;
	[tilespmem:s2+$0x20] =	vst v0  }
0x41a: {  	v2 =	vor.u32 v50, v34;
	v34 =	vadd.s32 v25, v52;
	[tilespmem:s12+$0x70] =	vst v5  }
0x41b: {  	[tilespmem:s9+$0x70] =	vst v1  }
0x41c: {  	v6 =	vor.u32 v45, v36;
	v4 =	vld.idx.msk [tilespmem:v9+s16+$0x0], $0xffff;
	v37 =	vadd.s32 v30, v58;
	[tilespmem:s10+$0x40] =	vst v8  }
0x41d: {  	v7 =	vadd.s32 v28, v53;
	v9 =	vor.u32 v51, v34;
	v34 =	vmovc v33;
	v10 =	vor.u32 v57, v37;
	v33 =	vld [tilespmem:$0x1FDF0]  }
0x41e: {  	v3 =	vor.u32 v54, v7;
	v7 =	vadd.s32 v16, v47;
	v11 =	vld.idx.msk [tilespmem:v11+s16+$0x0], $0xffff  }
0x41f: {  	v7 =	vor.u32 v48, v7  }
0x420: {  	v0 =	vadd.s32 v43, v55;
	v2 =	vld.idx.msk [tilespmem:v2+s16+$0x0], $0xffff  }
0x421: {  	v0 =	vor.u32 v56, v0;
	v5 =	vadd.s32 v26, v49;
	v6 =	vld.idx.msk [tilespmem:v6+s16+$0x0], $0xffff  }
0x422: {  	s12 =	sadd.s32 $0x13300, s31;
	v1 =	vor.u32 v50, v5;
	v10 =	vld.idx.msk [tilespmem:v10+s16+$0x0], $0xffff;
	v8 =	vadd.s32 v33, v58  }
0x423: {  	s22 =	sadd.s32 $0x12300, s1;
	v3 =	vld.idx.msk [tilespmem:v3+s16+$0x0], $0xffff;
	[tilespmem:s12+$0x10] =	vst v11;
	v37 =	vadd.s32 v29, v53;
	v8 =	vor.u32 v57, v8  }
0x424: {  	[tilespmem:s22+$0x10] =	vst v4;
	v7 =	vld.idx.msk [tilespmem:v7+s16+$0x0], $0xffff;
	v4 =	vor.u32 v54, v37  }
0x425: {  	v5 =	vadd.s32 v32, v46;
	v9 =	vld.idx.msk [tilespmem:v9+s16+$0x0], $0xffff;
	[tilespmem:s14+$0x460] =	vst v2  }
0x426: {  	v36 =	vmov v43;
	v43 =	vadd.s32 v27, v47;
	v5 =	vor.u32 v45, v5;
	v0 =	vld.idx.msk [tilespmem:v0+s16+$0x0], $0xffff;
	[tilespmem:s2+$0x30] =	vst v6  }
0x427: {  	v37 =	vadd.s32 v38, v49;
	v2 =	vor.u32 v48, v43;
	v1 =	vld.idx.msk [tilespmem:v1+s16+$0x0], $0xffff;
	[tilespmem:s8+$0x13700] =	vst v10  }
0x428: {  	[tilespmem:s9+$0x400] =	vst v3;
	v3 =	vor.u32 v50, v37;
	v8 =	vld.idx.msk [tilespmem:v8+s16+$0x0], $0xffff  }
0x429: {  	v35 =	vadd.s32 v35, v52;
	[tilespmem:s10+$0x50] =	vst v7;
	v4 =	vld.idx.msk [tilespmem:v4+s16+$0x0], $0xffff  }
0x42a: {  	v32 =	vmov v27;
	v11 =	vor.u32 v51, v35;
	v6 =	vadd.s32 v40, v55;
	v37 =	vld [tilespmem:$0x1FE00]  }
0x42b: {  	v27 =	vmov v38;
	v38 =	vadd.s32 v13, v46;
	v6 =	vor.u32 v56, v6;
	v5 =	vld.idx.msk [tilespmem:v5+s16+$0x0], $0xffff;
	[tilespmem:s12+$0x20] =	vst v9  }
0x42c: {  	v7 =	vor.u32 v45, v38;
	v2 =	vld.idx.msk [tilespmem:v2+s16+$0x0], $0xffff;
	s8 =	sadd.s32 $0x13700, s8;
	[tilespmem:s14+$0x470] =	vst v1  }
0x42d: {  	v42 =	vmov v15;
	v3 =	vld.idx.msk [tilespmem:v3+s16+$0x0], $0xffff;
	[tilespmem:s8+$0x10] =	vst v8;
	v8 =	vadd.s32 v41, v49  }
0x42e: {  	v15 =	vmovc v21;
	v21 =	vmov v28;
	v35 =	vadd.s32 v61, v53;
	[tilespmem:s9+$0x410] =	vst v4;
	v4 =	vor.u32 v50, v8  }
0x42f: {  	v28 =	vmov v40;
	[tilespmem:s22+$0x20] =	vst v0;
	v0 =	vor.u32 v54, v35;
	v11 =	vld.idx.msk [tilespmem:v11+s16+$0x0], $0xffff;
	v40 =	vadd.s32 v37, v58  }
0x430: {  	v38 =	vmov v61;
	v61 =	vadd.s32 v18, v52;
	[tilespmem:s2+$0x40] =	vst v5;
	v1 =	vld.idx.msk [tilespmem:v6+s16+$0x0], $0xffff;
	v10 =	vor.u32 v57, v40  }
0x431: {  	v5 =	vadd.s32 v59, v55;
	v9 =	vor.u32 v51, v61;
	v7 =	vld.idx.msk [tilespmem:v7+s16+$0x0], $0xffff;
	[tilespmem:s10+$0x60] =	vst v2  }
0x432: {  	v5 =	vor.u32 v56, v5;
	v18 =	vld [tilespmem:$0x1FE10];
	[tilespmem:s30+$0x12B00] =	vst v3;
	v40 =	vmov v39;
	v39 =	vadd.s32 v39, v47  }
0x433: {  	v6 =	vor.u32 v48, v39;
	v3 =	vld.idx.msk [tilespmem:v4+s16+$0x0], $0xffff  }
0x434: {  	v0 =	vld.idx.msk [tilespmem:v0+s16+$0x0], $0xffff  }
0x435: {  	[tilespmem:s12+$0x30] =	vst v11;
	v10 =	vld.idx.msk [tilespmem:v10+s16+$0x0], $0xffff  }
0x436: {  	[tilespmem:s22+$0x30] =	vst v1;
	v9 =	vld.idx.msk [tilespmem:v9+s16+$0x0], $0xffff  }
0x437: {  	v5 =	vld.idx.msk [tilespmem:v5+s16+$0x0], $0xffff  }
0x438: {  	v8 =	vadd.s32 v63, v46;
	v1 =	vadd.s32 v44, v47;
	v6 =	vld.idx.msk [tilespmem:v6+s16+$0x0], $0xffff;
	[tilespmem:$0x1FD20] =	vst v3  }
0x439: {  	v63 =	vadd.s32 v31, v53;
	v35 =	vor.u32 v48, v1;
	v1 =	vadd.s32 v62, v55;
	[tilespmem:s2+$0x50] =	vst v7  }
0x43a: {  	v11 =	vor.u32 v54, v63;
	v63 =	vor.u32 v56, v1;
	v1 =	vld [tilespmem:$0x1FED0];
	[tilespmem:s8+$0x20] =	vst v10  }
0x43b: {  	[tilespmem:s9+$0x420] =	vst v0  }
0x43c: {  	v0 =	vld [tilespmem:$0x1FFF0];
	_ =	sdelay $0x3  }
0x43d: {  	v2 =	vor.u32 v57, v58;
	v58 =	vadd.s32 v18, v58;
	v10 =	vld [tilespmem:$0x1FF70];
	[tilespmem:s10+$0x70] =	vst v6  }
0x43e: {  	v57 =	vor.u32 v57, v58;
	v58 =	vadd.s32 v12, v52;
	v12 =	vmovc v0;
	v0 =	vor.u32 v0, v2;
	v2 =	vld [tilespmem:$0x1FE90];
	_ =	sdelay $0x2  }
0x43f: {  	v8 =	vor.u32 v45, v8  }
0x440: {  	[tilespmem:s12+$0x40] =	vst v9  }
0x441: {  	v4 =	vadd.s32 v60, v46;
	[tilespmem:s22+$0x40] =	vst v5;
	v25 =	vmov v2;
	v2 =	vadd.s32 v2, v53  }
0x442: {  	v43 =	vmov v30;
	v60 =	vor.u32 v45, v4;
	v4 =	vor.u32 v54, v2;
	v2 =	vld [tilespmem:$0x1FDB0];
	_ =	sdelay $0x1  }
0x443: {  	v14 =	vmovc v16;
	v16 =	vmov v26;
	v26 =	vmov v29;
	v29 =	vmov v59;
	v59 =	vld.idx.msk [tilespmem:v8+s16+$0x0], $0xffff  }
0x444: {  	v39 =	vmovc v41;
	v41 =	vmov v31;
	v31 =	vmov v43;
	v43 =	vmov v62;
	s8 =	simm.s32 $0x7;
	v62 =	vld.idx.msk [tilespmem:v57+s16+$0x0], $0xffff  }
0x445: {  	v7 =	vor.u32 v51, v58;
	v61 =	vld.idx.msk [tilespmem:v35+s16+$0x0], $0xffff;
	v57 =	vadd.s32 $0x1400, v0;
	v0 =	vmov s8  }
0x446: {  	v6 =	vshll.u32 v0, $0x7;
	v35 =	vmovc v2;
	v8 =	vadd.s32 v2, v47;
	v2 =	vshrl.u32 v0, $0x3;
	v0 =	vld [tilespmem:$0x1FD20];
	_ =	sdelay $0x1  }
0x447: {  	v30 =	vmov v44;
	v44 =	vmov v1;
	v1 =	vadd.s32 v1, v49  }
0x448: {  	v3 =	vld.idx.msk [tilespmem:v11+s16+$0x0], $0xffff;
	v1 =	vor.u32 v50, v1  }
0x449: {  	s14 =	sadd.s32 $0x12B00, s30;
	v58 =	vld.idx.msk [tilespmem:v7+s16+$0x0], $0xffff  }
0x44a: {  	s10 =	simm.s32 $0x8;
	v5 =	vld.idx.msk [tilespmem:v63+s16+$0x0], $0xffff;
	v63 =	vor.u32 v48, v8;
	[tilespmem:s14+$0x10] =	vst v0;
	v0 =	vadd.s32 v10, v52  }
.LBB2_9:
0x44b: {  	_ =	sdelay $0x1  }
0x44c: {  	v1 =	vld.idx.msk [tilespmem:v1+s16+$0x0], $0xffff;
	[tilespmem:s2+$0x60] =	vst v59  }
0x44d: {  	v8 =	vadd.s32 v23, v49;
	v9 =	vld.idx.msk [tilespmem:v60+s16+$0x0], $0xffff;
	[tilespmem:v57+s21+$0x0] =	vst.idx.msk $0xffff, v62  }
0x44e: {  	[tilespmem:s9+$0x430] =	vst v3;
	v3 =	vor.u32 v50, v8;
	v8 =	vld [tilespmem:$0x1FFC0];
	_ =	sdelay $0x1  }
0x44f: {  	v2 =	vmul.u32 $0x1800, v2;
	v7 =	vadd.s32 v19, v55;
	v0 =	vor.u32 v51, v0;
	v59 =	vld [tilespmem:$0x1FF20]  }
0x450: {  	v7 =	vor.u32 v56, v7  }
0x451: {  	v60 =	vand.u32 $0x380, v6;
	v6 =	vadd.s32 v24, v2;
	v4 =	vld.idx.msk [tilespmem:v4+s16+$0x0], $0xffff;
	[tilespmem:s29+$0x12F00] =	vst v61  }
0x452: {  	v6 =	vor.u32 v60, v6;
	v11 =	vld.idx.msk [tilespmem:v63+s16+$0x0], $0xffff;
	[tilespmem:s12+$0x50] =	vst v58;
	v8 =	vadd.s32 v8, v46  }
0x453: {  	v10 =	vadd.s32 v22, v53;
	v63 =	vld [tilespmem:$0x1FFD0];
	[tilespmem:s22+$0x50] =	vst v5;
	v8 =	vor.u32 v45, v8  }
0x454: {  	v5 =	vor.u32 v54, v10;
	v10 =	vadd.s32 v59, v47;
	v58 =	vld.idx.msk [tilespmem:v0+s16+$0x0], $0xffff  }
0x455: {  	v7 =	vld.idx.msk [tilespmem:v7+s16+$0x0], $0xffff;
	[tilespmem:s14+$0x20] =	vst v1;
	v1 =	vor.u32 v48, v10  }
0x456: {  	v61 =	vadd.s32 v20, v55;
	v3 =	vld.idx.msk [tilespmem:v3+s16+$0x0], $0xffff;
	[tilespmem:s2+$0x70] =	vst v9  }
0x457: {  	v62 =	vadd.s32 v42, v49;
	v0 =	vadd.s32 v34, v52;
	v10 =	vor.u32 v56, v61;
	v6 =	vld.idx.msk [tilespmem:v6+s16+$0x0], $0xffff  }
0x458: {  	v61 =	vadd.s32 v17, v2;
	s2 =	sadd.s32 $0x12F00, s29;
	v59 =	vadd.s32 v63, v46;
	v8 =	vld.idx.msk [tilespmem:v8+s16+$0x0], $0xffff;
	[tilespmem:s9+$0x440] =	vst v4  }
0x459: {  	v9 =	vor.u32 v51, v0;
	v5 =	vld.idx.msk [tilespmem:v5+s16+$0x0], $0xffff;
	[tilespmem:s2+$0x10] =	vst v11;
	v11 =	vor.u32 v45, v59  }
0x45a: {  	v59 =	vor.u32 v60, v61;
	v61 =	vadd.s32 v15, v53;
	v1 =	vld.idx.msk [tilespmem:v1+s16+$0x0], $0xffff;
	[tilespmem:s12+$0x60] =	vst v58  }
0x45b: {  	v4 =	vor.u32 v50, v62;
	[tilespmem:s22+$0x60] =	vst v7;
	v7 =	vor.u32 v54, v61;
	v61 =	vld [tilespmem:$0x1FF30]  }
0x45c: {  	s11 =	sshrl.u32 s8, $0x3  }
0x45d: {  	s11 =	smul.u32 $0x6000, s11;
	v63 =	vld [tilespmem:$0x1FFB0]  }
0x45e: {  	s23 =	sadd.s32 $0x80, s23;
	v9 =	vld.idx.msk [tilespmem:v9+s16+$0x0], $0xffff  }
0x45f: {  	s13 =	sand.u32 $0x380, s23;
	s11 =	sshra.s32 s11, $0x2;
	v10 =	vld.idx.msk [tilespmem:v10+s16+$0x0], $0xffff;
	[tilespmem:s14+$0x30] =	vst v3  }
0x460: {  	s11 =	sor.u32 s13, s11;
	v4 =	vld.idx.msk [tilespmem:v4+s16+$0x0], $0xffff;
	[tilespmem:s28+$0x13300] =	vst v8;
	v58 =	vadd.s32 v61, v47  }
0x461: {  	[tilespmem:s11+$0x12300] =	vst v6;
	v3 =	vor.u32 v48, v58  }
0x462: {  	v11 =	vld.idx.msk [tilespmem:v11+s16+$0x0], $0xffff  }
0x463: {  	v59 =	vld.idx.msk [tilespmem:v59+s16+$0x0], $0xffff;
	[tilespmem:s9+$0x450] =	vst v5;
	v61 =	vadd.s32 v21, v55  }
0x464: {  	v7 =	vld.idx.msk [tilespmem:v7+s16+$0x0], $0xffff;
	v58 =	vadd.s32 v31, v52;
	v6 =	vor.u32 v56, v61  }
0x465: {  	[tilespmem:s2+$0x20] =	vst v1;
	v61 =	vadd.s32 v36, v2;
	v8 =	vor.u32 v51, v58;
	v58 =	vadd.s32 v63, v46  }
0x466: {  	v1 =	vor.u32 v45, v58;
	v58 =	vor.u32 v60, v61;
	v61 =	vadd.s32 v16, v53;
	v3 =	vld.idx.msk [tilespmem:v3+s16+$0x0], $0xffff  }
0x467: {  	v62 =	vadd.s32 v14, v49;
	[tilespmem:s12+$0x70] =	vst v9;
	v9 =	vor.u32 v54, v61;
	v61 =	vld [tilespmem:$0x1FF40]  }
0x468: {  	v5 =	vor.u32 v50, v62;
	_ =	sdelay $0x1  }
0x469: {  	v63 =	vld [tilespmem:$0x1FFA0];
	[tilespmem:s22+$0x70] =	vst v10  }
0x46a: {  	v8 =	vld.idx.msk [tilespmem:v8+s16+$0x0], $0xffff  }
0x46b: {  	s12 =	sadd.s32 $0x13300, s28;
	v6 =	vld.idx.msk [tilespmem:v6+s16+$0x0], $0xffff;
	[tilespmem:s14+$0x40] =	vst v4;
	v10 =	vadd.s32 v61, v47  }
0x46c: {  	s13 =	sadd.s32 $0x12300, s11;
	v5 =	vld.idx.msk [tilespmem:v5+s16+$0x0], $0xffff;
	[tilespmem:s12+$0x10] =	vst v11;
	v4 =	vor.u32 v48, v10  }
0x46d: {  	[tilespmem:s13+$0x10] =	vst v59;
	v10 =	vadd.s32 v33, v52  }
0x46e: {  	v61 =	vadd.s32 v26, v55;
	v1 =	vld.idx.msk [tilespmem:v1+s16+$0x0], $0xffff;
	v10 =	vor.u32 v51, v10  }
0x46f: {  	v62 =	vadd.s32 v32, v49;
	v58 =	vld.idx.msk [tilespmem:v58+s16+$0x0], $0xffff;
	[tilespmem:s9+$0x460] =	vst v7;
	v11 =	vor.u32 v56, v61  }
0x470: {  	v7 =	vor.u32 v50, v62;
	v9 =	vld.idx.msk [tilespmem:v9+s16+$0x0], $0xffff;
	[tilespmem:s2+$0x30] =	vst v3  }
0x471: {  	v59 =	vadd.s32 v63, v46;
	v4 =	vld.idx.msk [tilespmem:v4+s16+$0x0], $0xffff;
	[tilespmem:s31+$0x13700] =	vst v8  }
0x472: {  	v61 =	vadd.s32 v28, v2;
	v3 =	vor.u32 v45, v59;
	v8 =	vld [tilespmem:$0x1FDC0];
	[tilespmem:s22+$0x400] =	vst v6  }
0x473: {  	v59 =	vor.u32 v60, v61;
	v10 =	vld.idx.msk [tilespmem:v10+s16+$0x0], $0xffff  }
0x474: {  	v61 =	vadd.s32 v27, v53;
	v11 =	vld.idx.msk [tilespmem:v11+s16+$0x0], $0xffff;
	[tilespmem:s14+$0x50] =	vst v5  }
0x475: {  	v6 =	vor.u32 v54, v61;
	v7 =	vld.idx.msk [tilespmem:v7+s16+$0x0], $0xffff;
	[tilespmem:s12+$0x20] =	vst v1  }
0x476: {  	v62 =	vld [tilespmem:$0x1FF90];
	[tilespmem:s13+$0x20] =	vst v58  }
0x477: {  	v57 =	vor.u32 v51, v52;
	v0 =	vadd.s32 v18, v52;
	v3 =	vld.idx.msk [tilespmem:v3+s16+$0x0], $0xffff  }
0x478: {  	v61 =	vadd.s32 v38, v55;
	v8 =	vadd.s32 v8, v47;
	v59 =	vld.idx.msk [tilespmem:v59+s16+$0x0], $0xffff;
	[tilespmem:s9+$0x470] =	vst v9  }
0x479: {  	v5 =	vor.u32 v48, v8;
	v8 =	vadd.s32 v37, v52;
	v52 =	vmovc v46;
	v46 =	vmovc v47;
	v47 =	vmov v49  }
0x47a: {  	v6 =	vld.idx.msk [tilespmem:v6+s16+$0x0], $0xffff;
	v1 =	vor.u32 v51, v8;
	v8 =	vor.u32 v56, v61;
	v61 =	vadd.s32 v40, v49  }
0x47b: {  	v58 =	vadd.s32 v62, v52;
	v49 =	vmovc v53;
	v9 =	vor.u32 v50, v61;
	v61 =	vadd.s32 v29, v2  }
0x47c: {  	v63 =	vld [tilespmem:$0x1FF50];
	[tilespmem:s2+$0x40] =	vst v4;
	v4 =	vor.u32 v45, v58;
	v58 =	vor.u32 v60, v61;
	v61 =	vadd.s32 v39, v49  }
0x47d: {  	s9 =	smov.u32 s22;
	s22 =	smov.u32 s13;
	s13 =	sadd.s32 $0x13700, s31;
	v53 =	vmov v55;
	v55 =	vmov v2;
	v2 =	vor.u32 v54, v61;
	v61 =	vld [tilespmem:$0x1FF80]  }
0x47e: {  	v5 =	vld.idx.msk [tilespmem:v5+s16+$0x0], $0xffff;
	[tilespmem:s13+$0x10] =	vst v10  }
0x47f: {  	[tilespmem:s9+$0x410] =	vst v11  }
0x480: {  	v1 =	vld.idx.msk [tilespmem:v1+s16+$0x0], $0xffff  }
0x481: {  	v10 =	vadd.s32 v63, v46;
	v8 =	vld.idx.msk [tilespmem:v8+s16+$0x0], $0xffff;
	[tilespmem:s14+$0x60] =	vst v7  }
0x482: {  	v7 =	vor.u32 v48, v10;
	v9 =	vld.idx.msk [tilespmem:v9+s16+$0x0], $0xffff;
	[tilespmem:s12+$0x30] =	vst v3  }
0x483: {  	s31 =	smov.u32 s28;
	v10 =	vadd.s32 v61, v52;
	[tilespmem:s22+$0x30] =	vst v59;
	v61 =	vld [tilespmem:$0x1FF60]  }
0x484: {  	v0 =	vor.u32 v51, v0;
	s28 =	smov.u32 s29;
	s29 =	smov.u32 s30;
	s30 =	smov.u32 s0;
	v62 =	vadd.s32 v41, v53;
	v4 =	vld.idx.msk [tilespmem:v4+s16+$0x0], $0xffff  }
0x485: {  	v63 =	vadd.s32 v30, v47;
	v3 =	vor.u32 v56, v62;
	v58 =	vld.idx.msk [tilespmem:v58+s16+$0x0], $0xffff;
	[tilespmem:s30+$0x12B00] =	vst v6  }
0x486: {  	v59 =	vadd.s32 v43, v55;
	v6 =	vor.u32 v50, v63;
	v63 =	vld.idx.msk [tilespmem:v2+s16+$0x0], $0xffff;
	[tilespmem:s2+$0x50] =	vst v5  }
0x487: {  	v51 =	vmov v45;
	v45 =	vmov v48;
	v5 =	vor.u32 v60, v59;
	v59 =	vld.idx.msk [tilespmem:v7+s16+$0x0], $0xffff;
	[tilespmem:s13+$0x20] =	vst v1  }
0x488: {  	v48 =	vmovc v50;
	v62 =	vadd.s32 v44, v49;
	v50 =	vmov v54;
	v2 =	vor.u32 v51, v10;
	[tilespmem:s9+$0x420] =	vst v8  }
0x489: {  	v1 =	vor.u32 v50, v62;
	v62 =	vld.idx.msk [tilespmem:v0+s16+$0x0], $0xffff  }
0x48a: {  	v3 =	vld.idx.msk [tilespmem:v3+s16+$0x0], $0xffff;
	[tilespmem:s14+$0x70] =	vst v9  }
0x48b: {  	v11 =	vadd.s32 v61, v46;
	v61 =	vld.idx.msk [tilespmem:v6+s16+$0x0], $0xffff;
	[tilespmem:s12+$0x40] =	vst v4  }
0x48c: {  	v0 =	vor.u32 v12, v57;
	[tilespmem:s22+$0x40] =	vst v58  }
0x48d: {  	v57 =	vadd.s32 $0x1400, v0;
	v0 =	vmov s10;
	v58 =	vld.idx.msk [tilespmem:v2+s16+$0x0], $0xffff  }
0x48e: {  	p0 =	sne.s32 s10, $0x1F;
	v6 =	vshll.u32 v0, $0x7;
	v2 =	vshrl.u32 v0, $0x3;
	v0 =	vld [tilespmem:$0x1FF70]  }
.Ltmp6:
0x48f: {  	_ = 	snop;
	(pc) =	sbr.rel @p0 .LBB2_9-.Ltmp6, $4  }
0x490: {  	_ = 	snop  }
0x491: {  	v54 =	vmov v56;
	v7 =	vadd.s32 v25, v53  }
0x492: {  	s8 =	smov.u32 s10;
	v56 =	vmovc v60;
	s14 =	sadd.s32 $0x12B00, s30;
	v60 =	vor.u32 v45, v11;
	v4 =	vor.u32 v54, v7;
	v7 =	vadd.s32 v35, v47  }
0x493: {  	s0 =	smov.u32 s1;
	s1 =	smov.u32 s11;
	s10 =	sadd.s32 $0x1, s10;
	v5 =	vld.idx.msk [tilespmem:v5+s16+$0x0], $0xffff;
	[tilespmem:s14+$0x10] =	vst v63;
	v63 =	vor.u32 v48, v7;
	v0 =	vadd.s32 v0, v52  }
0x494: {  	v8 =	vmul.u32 $0x1800, v2;
	_ =	sdelay $0x1  }
0x495: {  	v13 =	vand.u32 $0x380, v6;
	v2 =	vadd.s32 v24, v8  }
0x496: {  	v2 =	vor.u32 v13, v2;
	_ =	sdelay $0x4  }
0x497: {  	s8 =	sshrl.u32 s8, $0x3;
	v9 =	vadd.s32 v17, v8;
	v2 =	vld.idx.msk [tilespmem:v2+s16+$0x0], $0xffff  }
0x498: {  	s8 =	smul.u32 $0x6000, s8;
	v6 =	vor.u32 v13, v9  }
0x499: {  	s10 =	sadd.s32 $0x80, s23  }
0x49a: {  	s10 =	sand.u32 $0x380, s10;
	s8 =	sshra.s32 s8, $0x2  }
0x49b: {  	s8 =	sor.u32 s10, s8  }
0x49c: {  	[tilespmem:s8+$0x12300] =	vst v2  }
0x49d: {  	v10 =	vadd.s32 v36, v8;
	v2 =	vld.idx.msk [tilespmem:v6+s16+$0x0], $0xffff  }
0x49e: {  	v6 =	vor.u32 v13, v10;
	_ =	sdelay $0x2  }
0x49f: {  	s10 =	sadd.s32 $0x12300, s8  }
0x4a0: {  	[tilespmem:s10+$0x10] =	vst v2  }
0x4a1: {  	v11 =	vadd.s32 v28, v8;
	v2 =	vld.idx.msk [tilespmem:v6+s16+$0x0], $0xffff  }
0x4a2: {  	v6 =	vor.u32 v13, v11;
	_ =	sdelay $0x3  }
0x4a3: {  	[tilespmem:s10+$0x20] =	vst v2  }
0x4a4: {  	v36 =	vadd.s32 v29, v8;
	v2 =	vld.idx.msk [tilespmem:v6+s16+$0x0], $0xffff  }
0x4a5: {  	v6 =	vor.u32 v13, v36;
	_ =	sdelay $0x3  }
0x4a6: {  	[tilespmem:s10+$0x30] =	vst v2  }
0x4a7: {  	v9 =	vadd.s32 v43, v8;
	v2 =	vld.idx.msk [tilespmem:v6+s16+$0x0], $0xffff  }
0x4a8: {  	v6 =	vor.u32 v13, v9;
	_ =	sdelay $0x3  }
0x4a9: {  	v7 =	vadd.s32 v19, v55;
	[tilespmem:s10+$0x40] =	vst v2  }
0x4aa: {  	v10 =	vor.u32 v56, v7;
	v11 =	vadd.s32 v19, v8;
	v6 =	vld.idx.msk [tilespmem:v6+s16+$0x0], $0xffff  }
0x4ab: {  	v7 =	vor.u32 v13, v11;
	_ =	sdelay $0x2  }
0x4ac: {  	[tilespmem:s22+$0x50] =	vst v5  }
0x4ad: {  	v36 =	vadd.s32 v20, v55;
	v2 =	vld.idx.msk [tilespmem:v10+s16+$0x0], $0xffff;
	[tilespmem:s10+$0x50] =	vst v6  }
0x4ae: {  	v5 =	vor.u32 v56, v36;
	v9 =	vadd.s32 v20, v8;
	v6 =	vld.idx.msk [tilespmem:v7+s16+$0x0], $0xffff  }
0x4af: {  	v7 =	vor.u32 v13, v9;
	_ =	sdelay $0x2  }
0x4b0: {  	[tilespmem:s22+$0x60] =	vst v2  }
0x4b1: {  	v10 =	vadd.s32 v21, v55;
	v2 =	vld.idx.msk [tilespmem:v5+s16+$0x0], $0xffff;
	[tilespmem:s10+$0x60] =	vst v6  }
0x4b2: {  	v11 =	vadd.s32 v21, v8;
	v5 =	vor.u32 v56, v10;
	v6 =	vld.idx.msk [tilespmem:v7+s16+$0x0], $0xffff  }
0x4b3: {  	v7 =	vor.u32 v13, v11;
	_ =	sdelay $0x2  }
0x4b4: {  	[tilespmem:s22+$0x70] =	vst v2  }
0x4b5: {  	v36 =	vadd.s32 v26, v55;
	v2 =	vld.idx.msk [tilespmem:v5+s16+$0x0], $0xffff;
	[tilespmem:s10+$0x70] =	vst v6  }
0x4b6: {  	v9 =	vadd.s32 v26, v8;
	v5 =	vor.u32 v56, v36;
	v6 =	vld.idx.msk [tilespmem:v7+s16+$0x0], $0xffff  }
0x4b7: {  	v7 =	vor.u32 v13, v9;
	_ =	sdelay $0x2  }
0x4b8: {  	[tilespmem:s22+$0x400] =	vst v2  }
0x4b9: {  	v10 =	vadd.s32 v38, v55;
	v2 =	vld.idx.msk [tilespmem:v5+s16+$0x0], $0xffff;
	[tilespmem:s10+$0x400] =	vst v6  }
0x4ba: {  	v11 =	vadd.s32 v38, v8;
	v5 =	vor.u32 v56, v10;
	v6 =	vld.idx.msk [tilespmem:v7+s16+$0x0], $0xffff  }
0x4bb: {  	v7 =	vor.u32 v13, v11;
	_ =	sdelay $0x2  }
0x4bc: {  	[tilespmem:s22+$0x410] =	vst v2  }
0x4bd: {  	v36 =	vadd.s32 v41, v55;
	v2 =	vld.idx.msk [tilespmem:v5+s16+$0x0], $0xffff;
	[tilespmem:s10+$0x410] =	vst v6  }
0x4be: {  	v28 =	vmov v38;
	v38 =	vadd.s32 v41, v8;
	v5 =	vor.u32 v56, v36;
	v6 =	vld.idx.msk [tilespmem:v7+s16+$0x0], $0xffff  }
0x4bf: {  	v7 =	vor.u32 v13, v38;
	_ =	sdelay $0x2  }
0x4c0: {  	[tilespmem:s22+$0x420] =	vst v2  }
0x4c1: {  	v41 =	vadd.s32 v25, v55;
	v2 =	vld.idx.msk [tilespmem:v5+s16+$0x0], $0xffff;
	[tilespmem:s10+$0x420] =	vst v6  }
0x4c2: {  	v9 =	vadd.s32 v25, v8;
	v5 =	vor.u32 v56, v41;
	v6 =	vld.idx.msk [tilespmem:v7+s16+$0x0], $0xffff  }
0x4c3: {  	v7 =	vor.u32 v13, v9;
	_ =	sdelay $0x1  }
0x4c4: {  	[tilespmem:s9+$0x430] =	vst v3  }
0x4c5: {  	v3 =	vld.idx.msk [tilespmem:v4+s16+$0x0], $0xffff;
	v10 =	vadd.s32 v22, v53;
	[tilespmem:s22+$0x430] =	vst v2  }
0x4c6: {  	v11 =	vor.u32 v54, v10;
	v38 =	vadd.s32 v22, v55;
	v36 =	vld.idx.msk [tilespmem:v5+s16+$0x0], $0xffff;
	[tilespmem:s10+$0x430] =	vst v6  }
0x4c7: {  	v41 =	vadd.s32 v22, v8;
	v5 =	vor.u32 v56, v38;
	v6 =	vld.idx.msk [tilespmem:v7+s16+$0x0], $0xffff  }
0x4c8: {  	v7 =	vor.u32 v13, v41;
	_ =	sdelay $0x1  }
0x4c9: {  	[tilespmem:s9+$0x440] =	vst v3  }
0x4ca: {  	v2 =	vld.idx.msk [tilespmem:v11+s16+$0x0], $0xffff;
	v9 =	vadd.s32 v15, v53;
	[tilespmem:s22+$0x440] =	vst v36  }
0x4cb: {  	v10 =	vadd.s32 v15, v55;
	v3 =	vor.u32 v54, v9;
	v4 =	vld.idx.msk [tilespmem:v5+s16+$0x0], $0xffff;
	[tilespmem:s10+$0x440] =	vst v6  }
0x4cc: {  	v11 =	vadd.s32 v15, v8;
	v5 =	vor.u32 v56, v10;
	v6 =	vld.idx.msk [tilespmem:v7+s16+$0x0], $0xffff  }
0x4cd: {  	v7 =	vor.u32 v13, v11;
	_ =	sdelay $0x1  }
0x4ce: {  	[tilespmem:s9+$0x450] =	vst v2  }
0x4cf: {  	v36 =	vadd.s32 v16, v53;
	v2 =	vld.idx.msk [tilespmem:v3+s16+$0x0], $0xffff;
	[tilespmem:s22+$0x450] =	vst v4  }
0x4d0: {  	v38 =	vadd.s32 v16, v55;
	v3 =	vor.u32 v54, v36;
	v4 =	vld.idx.msk [tilespmem:v5+s16+$0x0], $0xffff;
	[tilespmem:s10+$0x450] =	vst v6  }
0x4d1: {  	v41 =	vadd.s32 v16, v8;
	v5 =	vor.u32 v56, v38;
	v6 =	vld.idx.msk [tilespmem:v7+s16+$0x0], $0xffff  }
0x4d2: {  	v7 =	vor.u32 v13, v41;
	_ =	sdelay $0x1  }
0x4d3: {  	[tilespmem:s9+$0x460] =	vst v2  }
0x4d4: {  	v9 =	vadd.s32 v27, v53;
	v2 =	vld.idx.msk [tilespmem:v3+s16+$0x0], $0xffff;
	[tilespmem:s22+$0x460] =	vst v4  }
0x4d5: {  	v10 =	vadd.s32 v27, v55;
	v3 =	vor.u32 v54, v9;
	v4 =	vld.idx.msk [tilespmem:v5+s16+$0x0], $0xffff;
	[tilespmem:s10+$0x460] =	vst v6  }
0x4d6: {  	v11 =	vadd.s32 v27, v8;
	v5 =	vor.u32 v56, v10;
	v6 =	vld.idx.msk [tilespmem:v7+s16+$0x0], $0xffff  }
0x4d7: {  	v7 =	vor.u32 v13, v11;
	_ =	sdelay $0x1  }
0x4d8: {  	[tilespmem:s9+$0x470] =	vst v2  }
0x4d9: {  	v36 =	vadd.s32 v39, v53;
	v2 =	vld.idx.msk [tilespmem:v3+s16+$0x0], $0xffff;
	[tilespmem:s22+$0x470] =	vst v4  }
0x4da: {  	v38 =	vadd.s32 v39, v55;
	v3 =	vor.u32 v54, v36;
	v4 =	vld.idx.msk [tilespmem:v5+s16+$0x0], $0xffff;
	[tilespmem:s10+$0x470] =	vst v6  }
0x4db: {  	v41 =	vadd.s32 v39, v8;
	v5 =	vor.u32 v56, v38;
	v6 =	vld.idx.msk [tilespmem:v7+s16+$0x0], $0xffff  }
0x4dc: {  	v7 =	vor.u32 v13, v41;
	_ =	sdelay $0x1  }
0x4dd: {  	[tilespmem:s0+$0x12B00] =	vst v2  }
0x4de: {  	v9 =	vadd.s32 v44, v53;
	v2 =	vld.idx.msk [tilespmem:v3+s16+$0x0], $0xffff;
	[tilespmem:s1+$0x12B00] =	vst v4  }
0x4df: {  	v10 =	vadd.s32 v44, v55;
	v3 =	vor.u32 v54, v9;
	v4 =	vld.idx.msk [tilespmem:v5+s16+$0x0], $0xffff;
	[tilespmem:s8+$0x12B00] =	vst v6  }
0x4e0: {  	v11 =	vadd.s32 v44, v8;
	v5 =	vor.u32 v56, v10;
	v6 =	vld.idx.msk [tilespmem:v7+s16+$0x0], $0xffff  }
0x4e1: {  	v7 =	vor.u32 v13, v11  }
0x4e2: {  	s22 =	sadd.s32 $0x12B00, s0  }
0x4e3: {  	v1 =	vld.idx.msk [tilespmem:v1+s16+$0x0], $0xffff;
	s23 =	sadd.s32 $0x12B00, s1;
	v36 =	vadd.s32 v23, v49;
	[tilespmem:s22+$0x10] =	vst v2  }
0x4e4: {  	s11 =	sadd.s32 $0x12B00, s8;
	v38 =	vadd.s32 v23, v53;
	v2 =	vor.u32 v50, v36;
	v3 =	vld.idx.msk [tilespmem:v3+s16+$0x0], $0xffff;
	[tilespmem:s23+$0x10] =	vst v4  }
0x4e5: {  	v43 =	vmov v8;
	v39 =	vor.u32 v54, v38;
	v41 =	vadd.s32 v23, v55;
	v5 =	vld.idx.msk [tilespmem:v5+s16+$0x0], $0xffff;
	[tilespmem:s11+$0x10] =	vst v6  }
0x4e6: {  	v17 =	vmovc v15;
	v15 =	vmov v44;
	v36 =	vadd.s32 v23, v43;
	v44 =	vor.u32 v56, v41;
	v7 =	vld.idx.msk [tilespmem:v7+s16+$0x0], $0xffff  }
0x4e7: {  	v8 =	vor.u32 v13, v36  }
0x4e8: {  	[tilespmem:s14+$0x20] =	vst v1  }
0x4e9: {  	v38 =	vadd.s32 v42, v49;
	v1 =	vld.idx.msk [tilespmem:v2+s16+$0x0], $0xffff;
	[tilespmem:s22+$0x20] =	vst v3  }
0x4ea: {  	v2 =	vor.u32 v50, v38;
	v3 =	vld.idx.msk [tilespmem:v39+s16+$0x0], $0xffff;
	v39 =	vadd.s32 v42, v53;
	[tilespmem:s23+$0x20] =	vst v5  }
0x4eb: {  	v41 =	vadd.s32 v42, v55;
	v4 =	vor.u32 v54, v39;
	v5 =	vld.idx.msk [tilespmem:v44+s16+$0x0], $0xffff;
	[tilespmem:s11+$0x20] =	vst v7  }
0x4ec: {  	v6 =	vor.u32 v56, v41;
	v44 =	vadd.s32 v42, v43;
	v7 =	vld.idx.msk [tilespmem:v8+s16+$0x0], $0xffff  }
0x4ed: {  	v8 =	vor.u32 v13, v44  }
0x4ee: {  	[tilespmem:s14+$0x30] =	vst v1  }
0x4ef: {  	v36 =	vadd.s32 v14, v49;
	v1 =	vld.idx.msk [tilespmem:v2+s16+$0x0], $0xffff;
	[tilespmem:s22+$0x30] =	vst v3  }
0x4f0: {  	v39 =	vadd.s32 v14, v53;
	v2 =	vor.u32 v50, v36;
	v3 =	vld.idx.msk [tilespmem:v4+s16+$0x0], $0xffff;
	[tilespmem:s23+$0x30] =	vst v5  }
0x4f1: {  	v41 =	vadd.s32 v14, v55;
	v4 =	vor.u32 v54, v39;
	v5 =	vld.idx.msk [tilespmem:v6+s16+$0x0], $0xffff;
	[tilespmem:s11+$0x30] =	vst v7  }
0x4f2: {  	v6 =	vor.u32 v56, v41;
	v44 =	vadd.s32 v14, v43;
	v7 =	vld.idx.msk [tilespmem:v8+s16+$0x0], $0xffff  }
0x4f3: {  	v8 =	vor.u32 v13, v44  }
0x4f4: {  	v0 =	vor.u32 v51, v0;
	[tilespmem:s14+$0x40] =	vst v1  }
0x4f5: {  	v9 =	vadd.s32 v32, v49;
	v1 =	vld.idx.msk [tilespmem:v2+s16+$0x0], $0xffff;
	[tilespmem:s22+$0x40] =	vst v3  }
0x4f6: {  	v10 =	vadd.s32 v32, v53;
	v2 =	vor.u32 v50, v9;
	v3 =	vld.idx.msk [tilespmem:v4+s16+$0x0], $0xffff;
	[tilespmem:s23+$0x40] =	vst v5  }
0x4f7: {  	v11 =	vadd.s32 v32, v55;
	v4 =	vor.u32 v54, v10;
	v5 =	vld.idx.msk [tilespmem:v6+s16+$0x0], $0xffff;
	[tilespmem:s11+$0x40] =	vst v7  }
0x4f8: {  	[tilespmem:s12+$0x50] =	vst v58;
	v36 =	vadd.s32 v32, v43;
	v6 =	vor.u32 v56, v11;
	v7 =	vld.idx.msk [tilespmem:v8+s16+$0x0], $0xffff  }
0x4f9: {  	v0 =	vld.idx.msk [tilespmem:v0+s16+$0x0], $0xffff;
	v9 =	vadd.s32 v34, v52;
	v8 =	vor.u32 v13, v36  }
0x4fa: {  	[tilespmem:s14+$0x50] =	vst v1;
	v1 =	vor.u32 v51, v9  }
0x4fb: {  	v39 =	vadd.s32 v40, v49;
	v2 =	vld.idx.msk [tilespmem:v2+s16+$0x0], $0xffff;
	[tilespmem:s22+$0x50] =	vst v3  }
0x4fc: {  	v41 =	vadd.s32 v40, v53;
	v3 =	vor.u32 v50, v39;
	v4 =	vld.idx.msk [tilespmem:v4+s16+$0x0], $0xffff;
	[tilespmem:s23+$0x50] =	vst v5  }
0x4fd: {  	v44 =	vadd.s32 v40, v55;
	v5 =	vor.u32 v54, v41;
	v6 =	vld.idx.msk [tilespmem:v6+s16+$0x0], $0xffff;
	[tilespmem:s11+$0x50] =	vst v7  }
0x4fe: {  	[tilespmem:s12+$0x60] =	vst v0;
	v58 =	vor.u32 v56, v44;
	v36 =	vadd.s32 v40, v43;
	v8 =	vld.idx.msk [tilespmem:v8+s16+$0x0], $0xffff  }
0x4ff: {  	[tilespmem:v57+s21+$0x0] =	vst.idx.msk $0xffff, v62;
	v1 =	vld.idx.msk [tilespmem:v1+s16+$0x0], $0xffff;
	v40 =	vadd.s32 v31, v52;
	v39 =	vor.u32 v13, v36  }
0x500: {  	[tilespmem:s14+$0x60] =	vst v2;
	v2 =	vor.u32 v51, v40  }
0x501: {  	v3 =	vld.idx.msk [tilespmem:v3+s16+$0x0], $0xffff;
	v41 =	vadd.s32 v30, v49;
	[tilespmem:s22+$0x60] =	vst v4  }
0x502: {  	v44 =	vadd.s32 v30, v53;
	v4 =	vor.u32 v50, v41;
	v5 =	vld.idx.msk [tilespmem:v5+s16+$0x0], $0xffff;
	[tilespmem:s23+$0x60] =	vst v6  }
0x503: {  	v6 =	vor.u32 v54, v44;
	v7 =	vld.idx.msk [tilespmem:v58+s16+$0x0], $0xffff;
	v58 =	vadd.s32 v30, v55;
	[tilespmem:s11+$0x60] =	vst v8  }
0x504: {  	v62 =	vadd.s32 v30, v43;
	[tilespmem:s12+$0x70] =	vst v1;
	v8 =	vor.u32 v56, v58;
	v0 =	vld.idx.msk [tilespmem:v39+s16+$0x0], $0xffff  }
0x505: {  	[tilespmem:s29+$0x12F00] =	vst v61;
	v36 =	vor.u32 v13, v62;
	v2 =	vld.idx.msk [tilespmem:v2+s16+$0x0], $0xffff  }
0x506: {  	v10 =	vld.idx.msk [tilespmem:v63+s16+$0x0], $0xffff;
	[tilespmem:s14+$0x70] =	vst v3;
	v39 =	vadd.s32 v33, v52  }
0x507: {  	v40 =	vadd.s32 v35, v49;
	v4 =	vld.idx.msk [tilespmem:v4+s16+$0x0], $0xffff;
	[tilespmem:s22+$0x70] =	vst v5;
	v3 =	vor.u32 v51, v39  }
0x508: {  	v5 =	vor.u32 v50, v40;
	v6 =	vld.idx.msk [tilespmem:v6+s16+$0x0], $0xffff;
	[tilespmem:s23+$0x70] =	vst v7  }
0x509: {  	v8 =	vld.idx.msk [tilespmem:v8+s16+$0x0], $0xffff;
	[tilespmem:s11+$0x70] =	vst v0  }
0x50a: {  	[tilespmem:s31+$0x13700] =	vst v2;
	v1 =	vld.idx.msk [tilespmem:v36+s16+$0x0], $0xffff  }
0x50b: {  	v24 =	vld [tilespmem:$0x1FF20]  }
0x50c: {  	v41 =	vadd.s32 v35, v53;
	v3 =	vld.idx.msk [tilespmem:v3+s16+$0x0], $0xffff;
	[tilespmem:s30+$0x12F00] =	vst v4  }
0x50d: {  	s12 =	sadd.s32 $0x12F00, s29;
	v7 =	vor.u32 v54, v41;
	[tilespmem:s0+$0x12F00] =	vst v6;
	v5 =	vld.idx.msk [tilespmem:v5+s16+$0x0], $0xffff  }
0x50e: {  	v44 =	vadd.s32 v35, v55;
	[tilespmem:s12+$0x10] =	vst v10  }
0x50f: {  	v57 =	vadd.s32 v35, v43;
	v0 =	vor.u32 v56, v44;
	[tilespmem:s1+$0x12F00] =	vst v8  }
0x510: {  	v61 =	vadd.s32 v37, v52;
	s13 =	sadd.s32 $0x13700, s31;
	v9 =	vor.u32 v13, v57;
	[tilespmem:s8+$0x12F00] =	vst v1  }
0x511: {  	s14 =	sadd.s32 $0x12F00, s30;
	v4 =	vor.u32 v51, v61;
	v58 =	vadd.s32 v24, v47;
	[tilespmem:s13+$0x10] =	vst v3  }
0x512: {  	v7 =	vld.idx.msk [tilespmem:v7+s16+$0x0], $0xffff;
	v2 =	vor.u32 v48, v58;
	[tilespmem:s14+$0x10] =	vst v5  }
0x513: {  	v62 =	vadd.s32 v24, v49;
	v40 =	vld [tilespmem:$0x1FF30]  }
0x514: {  	v0 =	vld.idx.msk [tilespmem:v0+s16+$0x0], $0xffff;
	v63 =	vadd.s32 v24, v53;
	v6 =	vor.u32 v50, v62  }
0x515: {  	v11 =	vadd.s32 v24, v55;
	v8 =	vor.u32 v54, v63;
	v9 =	vld.idx.msk [tilespmem:v9+s16+$0x0], $0xffff  }
0x516: {  	v35 =	vadd.s32 v24, v43;
	v1 =	vor.u32 v56, v11;
	v4 =	vld.idx.msk [tilespmem:v4+s16+$0x0], $0xffff  }
0x517: {  	s22 =	sadd.s32 $0x12F00, s0;
	v36 =	vor.u32 v13, v35;
	v2 =	vld.idx.msk [tilespmem:v2+s16+$0x0], $0xffff  }
0x518: {  	s23 =	sadd.s32 $0x12F00, s1;
	[tilespmem:s22+$0x10] =	vst v7;
	v44 =	vadd.s32 v40, v47  }
0x519: {  	s31 =	sadd.s32 $0x12F00, s8;
	[tilespmem:s23+$0x10] =	vst v0;
	v6 =	vld.idx.msk [tilespmem:v6+s16+$0x0], $0xffff;
	v57 =	vadd.s32 v40, v49;
	v5 =	vor.u32 v48, v44  }
0x51a: {  	v8 =	vld.idx.msk [tilespmem:v8+s16+$0x0], $0xffff;
	[tilespmem:s31+$0x10] =	vst v9;
	v7 =	vor.u32 v50, v57  }
0x51b: {  	v1 =	vld.idx.msk [tilespmem:v1+s16+$0x0], $0xffff;
	[tilespmem:s13+$0x20] =	vst v4  }
0x51c: {  	v3 =	vld.idx.msk [tilespmem:v36+s16+$0x0], $0xffff;
	[tilespmem:s12+$0x20] =	vst v2  }
0x51d: {  	v58 =	vadd.s32 v40, v53;
	v36 =	vld [tilespmem:$0x1FF40]  }
0x51e: {  	v61 =	vadd.s32 v40, v55;
	v0 =	vor.u32 v54, v58;
	[tilespmem:s14+$0x20] =	vst v6;
	v5 =	vld.idx.msk [tilespmem:v5+s16+$0x0], $0xffff  }
0x51f: {  	v62 =	vor.u32 v56, v61;
	v7 =	vld.idx.msk [tilespmem:v7+s16+$0x0], $0xffff  }
0x520: {  	v63 =	vadd.s32 v40, v43;
	[tilespmem:s22+$0x20] =	vst v8  }
0x521: {  	v39 =	vadd.s32 v18, v52;
	v9 =	vor.u32 v13, v63;
	[tilespmem:s23+$0x20] =	vst v1  }
0x522: {  	v10 =	vor.u32 v51, v39;
	[tilespmem:s31+$0x20] =	vst v3;
	v11 =	vadd.s32 v36, v47  }
0x523: {  	v0 =	vld.idx.msk [tilespmem:v0+s16+$0x0], $0xffff;
	v44 =	vadd.s32 v36, v49;
	v41 =	vor.u32 v48, v11;
	[tilespmem:s12+$0x30] =	vst v5  }
0x524: {  	v35 =	vor.u32 v51, v52;
	v2 =	vld.idx.msk [tilespmem:v62+s16+$0x0], $0xffff;
	v51 =	vor.u32 v50, v44;
	[tilespmem:s14+$0x30] =	vst v7  }
0x525: {  	v20 =	vld [tilespmem:$0x1FDC0]  }
0x526: {  	v61 =	vor.u32 v12, v35;
	v9 =	vld.idx.msk [tilespmem:v9+s16+$0x0], $0xffff;
	v52 =	vadd.s32 v36, v53  }
0x527: {  	v35 =	vld.idx.msk [tilespmem:v10+s16+$0x0], $0xffff;
	v3 =	vadd.s32 $0x1400, v61;
	v58 =	vadd.s32 v36, v55;
	v57 =	vor.u32 v54, v52  }
0x528: {  	v63 =	vadd.s32 v36, v43;
	v62 =	vor.u32 v56, v58;
	v6 =	vld.idx.msk [tilespmem:v41+s16+$0x0], $0xffff  }
0x529: {  	v39 =	vor.u32 v13, v63;
	[tilespmem:s22+$0x30] =	vst v0;
	v8 =	vld.idx.msk [tilespmem:v51+s16+$0x0], $0xffff  }
0x52a: {  	[tilespmem:s23+$0x30] =	vst v2;
	v41 =	vadd.s32 v20, v47  }
0x52b: {  	[tilespmem:s31+$0x30] =	vst v9;
	v44 =	vadd.s32 v20, v49;
	v7 =	vor.u32 v48, v41  }
0x52c: {  	[tilespmem:v3+s21+$0x0] =	vst.idx.msk $0xffff, v35;
	v1 =	vld.idx.msk [tilespmem:v57+s16+$0x0], $0xffff;
	v0 =	vor.u32 v50, v44  }
0x52d: {  	v4 =	vld.idx.msk [tilespmem:v62+s16+$0x0], $0xffff;
	[tilespmem:s12+$0x40] =	vst v6  }
0x52e: {  	v58 =	vld.idx.msk [tilespmem:v39+s16+$0x0], $0xffff;
	v51 =	vadd.s32 v20, v53;
	[tilespmem:s14+$0x40] =	vst v8  }
0x52f: {  	v29 =	vmov v16;
	v52 =	vadd.s32 v20, v55;
	v2 =	vor.u32 v54, v51;
	v16 =	vld [tilespmem:$0x1FF50]  }
0x530: {  	v57 =	vor.u32 v56, v52;
	v7 =	vld.idx.msk [tilespmem:v7+s16+$0x0], $0xffff  }
0x531: {  	[tilespmem:s22+$0x40] =	vst v1;
	v0 =	vld.idx.msk [tilespmem:v0+s16+$0x0], $0xffff  }
0x532: {  	v61 =	vadd.s32 v20, v43;
	[tilespmem:s23+$0x40] =	vst v4  }
0x533: {  	v62 =	vor.u32 v13, v61;
	[tilespmem:s31+$0x40] =	vst v58  }
0x534: {  	[tilespmem:s2+$0x60] =	vst v59;
	v2 =	vld.idx.msk [tilespmem:v2+s16+$0x0], $0xffff;
	v63 =	vadd.s32 v16, v47  }
0x535: {  	v3 =	vld.idx.msk [tilespmem:v57+s16+$0x0], $0xffff;
	v8 =	vor.u32 v48, v63;
	[tilespmem:s12+$0x50] =	vst v7  }
0x536: {  	v11 =	vadd.s32 v16, v49;
	v51 =	vld [tilespmem:$0x1FFC0];
	[tilespmem:s14+$0x50] =	vst v0  }
0x537: {  	v35 =	vadd.s32 v16, v53;
	v1 =	vor.u32 v50, v11;
	v58 =	vld [tilespmem:$0x1FF60]  }
0x538: {  	v6 =	vld.idx.msk [tilespmem:v62+s16+$0x0], $0xffff;
	v39 =	vadd.s32 v16, v55;
	v4 =	vor.u32 v54, v35  }
0x539: {  	v44 =	vld.idx.msk [tilespmem:v60+s16+$0x0], $0xffff;
	v41 =	vadd.s32 v16, v43;
	v5 =	vor.u32 v56, v39  }
0x53a: {  	v9 =	vor.u32 v13, v41;
	v8 =	vld.idx.msk [tilespmem:v8+s16+$0x0], $0xffff  }
0x53b: {  	[tilespmem:s22+$0x50] =	vst v2;
	v57 =	vadd.s32 v51, v46  }
0x53c: {  	[tilespmem:s23+$0x50] =	vst v3;
	v1 =	vld.idx.msk [tilespmem:v1+s16+$0x0], $0xffff;
	v7 =	vor.u32 v45, v57;
	v59 =	vadd.s32 v58, v47  }
0x53d: {  	[tilespmem:s31+$0x50] =	vst v6;
	v4 =	vld.idx.msk [tilespmem:v4+s16+$0x0], $0xffff;
	v0 =	vor.u32 v48, v59  }
0x53e: {  	[tilespmem:s2+$0x70] =	vst v44;
	v5 =	vld.idx.msk [tilespmem:v5+s16+$0x0], $0xffff  }
0x53f: {  	v9 =	vld.idx.msk [tilespmem:v9+s16+$0x0], $0xffff;
	[tilespmem:s12+$0x60] =	vst v8  }
0x540: {  	v22 =	vmov v31;
	v60 =	vadd.s32 v58, v49;
	v31 =	vld [tilespmem:$0x1FFD0]  }
0x541: {  	v61 =	vadd.s32 v58, v53;
	v2 =	vor.u32 v50, v60;
	v7 =	vld.idx.msk [tilespmem:v7+s16+$0x0], $0xffff  }
0x542: {  	v3 =	vor.u32 v54, v61;
	[tilespmem:s14+$0x60] =	vst v1;
	v0 =	vld.idx.msk [tilespmem:v0+s16+$0x0], $0xffff  }
0x543: {  	v62 =	vadd.s32 v58, v55;
	[tilespmem:s22+$0x60] =	vst v4  }
0x544: {  	v63 =	vadd.s32 v58, v43;
	v6 =	vor.u32 v56, v62;
	[tilespmem:s23+$0x60] =	vst v5  }
0x545: {  	v39 =	vadd.s32 v51, v47;
	v10 =	vor.u32 v13, v63;
	[tilespmem:s31+$0x60] =	vst v9  }
0x546: {  	v1 =	vor.u32 v48, v39;
	v2 =	vld.idx.msk [tilespmem:v2+s16+$0x0], $0xffff;
	v35 =	vadd.s32 v31, v46;
	[tilespmem:s28+$0x13300] =	vst v7  }
0x547: {  	v41 =	vadd.s32 v51, v49;
	v3 =	vld.idx.msk [tilespmem:v3+s16+$0x0], $0xffff;
	v8 =	vor.u32 v45, v35;
	[tilespmem:s12+$0x70] =	vst v0  }
0x548: {  	v44 =	vadd.s32 v51, v53;
	v4 =	vor.u32 v50, v41;
	v61 =	vld [tilespmem:$0x1FFB0]  }
0x549: {  	v52 =	vadd.s32 v51, v55;
	v5 =	vor.u32 v54, v44;
	v6 =	vld.idx.msk [tilespmem:v6+s16+$0x0], $0xffff  }
0x54a: {  	v57 =	vor.u32 v56, v52;
	v59 =	vadd.s32 v51, v43;
	v58 =	vld.idx.msk [tilespmem:v10+s16+$0x0], $0xffff  }
0x54b: {  	v10 =	vor.u32 v13, v59;
	v35 =	vadd.s32 v31, v47;
	v1 =	vld.idx.msk [tilespmem:v1+s16+$0x0], $0xffff  }
0x54c: {  	[tilespmem:s14+$0x70] =	vst v2;
	v2 =	vor.u32 v48, v35;
	v8 =	vld.idx.msk [tilespmem:v8+s16+$0x0], $0xffff  }
0x54d: {  	[tilespmem:s22+$0x70] =	vst v3;
	v4 =	vld.idx.msk [tilespmem:v4+s16+$0x0], $0xffff;
	v63 =	vadd.s32 v61, v46  }
0x54e: {  	[tilespmem:s23+$0x70] =	vst v6;
	v5 =	vld.idx.msk [tilespmem:v5+s16+$0x0], $0xffff;
	v0 =	vor.u32 v45, v63  }
0x54f: {  	[tilespmem:s31+$0x70] =	vst v58;
	v7 =	vld.idx.msk [tilespmem:v57+s16+$0x0], $0xffff  }
0x550: {  	s12 =	sadd.s32 $0x13300, s28;
	v57 =	vld.idx.msk [tilespmem:v10+s16+$0x0], $0xffff;
	[tilespmem:s29+$0x13300] =	vst v1  }
0x551: {  	v39 =	vadd.s32 v31, v49;
	v2 =	vld.idx.msk [tilespmem:v2+s16+$0x0], $0xffff;
	[tilespmem:s12+$0x10] =	vst v8  }
0x552: {  	v41 =	vadd.s32 v31, v53;
	v3 =	vor.u32 v50, v39;
	v62 =	vld [tilespmem:$0x1FFA0]  }
0x553: {  	v6 =	vor.u32 v54, v41;
	[tilespmem:s30+$0x13300] =	vst v4;
	v0 =	vld.idx.msk [tilespmem:v0+s16+$0x0], $0xffff  }
0x554: {  	v44 =	vadd.s32 v31, v55;
	[tilespmem:s0+$0x13300] =	vst v5  }
0x555: {  	v52 =	vor.u32 v56, v44;
	v58 =	vadd.s32 v31, v43;
	[tilespmem:s1+$0x13300] =	vst v7  }
0x556: {  	s22 =	sadd.s32 $0x13300, s29;
	v10 =	vor.u32 v13, v58;
	v60 =	vadd.s32 v61, v47;
	[tilespmem:s8+$0x13300] =	vst v57  }
0x557: {  	v4 =	vor.u32 v48, v60;
	v3 =	vld.idx.msk [tilespmem:v3+s16+$0x0], $0xffff;
	[tilespmem:s22+$0x10] =	vst v2;
	v59 =	vadd.s32 v62, v46  }
0x558: {  	v63 =	vadd.s32 v61, v49;
	v6 =	vld.idx.msk [tilespmem:v6+s16+$0x0], $0xffff;
	v1 =	vor.u32 v45, v59;
	[tilespmem:s12+$0x20] =	vst v0  }
0x559: {  	v11 =	vadd.s32 v61, v53;
	v5 =	vor.u32 v50, v63;
	v63 =	vld [tilespmem:$0x1FF90]  }
0x55a: {  	v35 =	vadd.s32 v61, v55;
	v7 =	vor.u32 v54, v11;
	v8 =	vld.idx.msk [tilespmem:v52+s16+$0x0], $0xffff  }
0x55b: {  	v44 =	vadd.s32 v61, v43;
	v39 =	vor.u32 v56, v35;
	v41 =	vld.idx.msk [tilespmem:v10+s16+$0x0], $0xffff  }
0x55c: {  	s23 =	sadd.s32 $0x13300, s30;
	v10 =	vor.u32 v13, v44;
	v4 =	vld.idx.msk [tilespmem:v4+s16+$0x0], $0xffff;
	v57 =	vadd.s32 v62, v47  }
0x55d: {  	s31 =	sadd.s32 $0x13300, s0;
	[tilespmem:s23+$0x10] =	vst v3;
	v3 =	vor.u32 v48, v57;
	v1 =	vld.idx.msk [tilespmem:v1+s16+$0x0], $0xffff  }
0x55e: {  	s11 =	sadd.s32 $0x13300, s1;
	[tilespmem:s31+$0x10] =	vst v6;
	v5 =	vld.idx.msk [tilespmem:v5+s16+$0x0], $0xffff;
	v52 =	vadd.s32 v63, v46  }
0x55f: {  	s13 =	sadd.s32 $0x13300, s8;
	v58 =	vadd.s32 v62, v49;
	[tilespmem:s11+$0x10] =	vst v8;
	v7 =	vld.idx.msk [tilespmem:v7+s16+$0x0], $0xffff;
	v2 =	vor.u32 v45, v52  }
0x560: {  	v59 =	vadd.s32 v62, v53;
	v6 =	vor.u32 v50, v58;
	[tilespmem:s13+$0x10] =	vst v41;
	v0 =	vld.idx.msk [tilespmem:v39+s16+$0x0], $0xffff  }
0x561: {  	v60 =	vadd.s32 v62, v55;
	v8 =	vor.u32 v54, v59;
	v39 =	vld.idx.msk [tilespmem:v10+s16+$0x0], $0xffff;
	[tilespmem:s22+$0x20] =	vst v4  }
0x562: {  	v35 =	vor.u32 v56, v60;
	v41 =	vadd.s32 v62, v43;
	v3 =	vld.idx.msk [tilespmem:v3+s16+$0x0], $0xffff;
	[tilespmem:s12+$0x30] =	vst v1  }
0x563: {  	v10 =	vor.u32 v13, v41;
	v52 =	vadd.s32 v63, v47;
	v20 =	vld [tilespmem:$0x1FF80]  }
0x564: {  	[tilespmem:s23+$0x20] =	vst v5;
	v5 =	vor.u32 v48, v52;
	v2 =	vld.idx.msk [tilespmem:v2+s16+$0x0], $0xffff  }
0x565: {  	v57 =	vadd.s32 v63, v49;
	[tilespmem:s31+$0x20] =	vst v7;
	v6 =	vld.idx.msk [tilespmem:v6+s16+$0x0], $0xffff  }
0x566: {  	v58 =	vadd.s32 v63, v53;
	v7 =	vor.u32 v50, v57;
	[tilespmem:s11+$0x20] =	vst v0;
	v8 =	vld.idx.msk [tilespmem:v8+s16+$0x0], $0xffff  }
0x567: {  	v59 =	vadd.s32 v63, v55;
	v0 =	vor.u32 v54, v58;
	[tilespmem:s13+$0x20] =	vst v39;
	v1 =	vld.idx.msk [tilespmem:v35+s16+$0x0], $0xffff  }
0x568: {  	v60 =	vor.u32 v56, v59;
	v39 =	vadd.s32 v63, v43;
	v35 =	vld.idx.msk [tilespmem:v10+s16+$0x0], $0xffff;
	[tilespmem:s22+$0x30] =	vst v3  }
0x569: {  	v10 =	vor.u32 v13, v39;
	v5 =	vld.idx.msk [tilespmem:v5+s16+$0x0], $0xffff;
	[tilespmem:s12+$0x40] =	vst v2  }
0x56a: {  	v38 =	vmov v14;
	v14 =	vmov v18;
	v44 =	vadd.s32 v20, v46;
	v18 =	vld [tilespmem:$0x1FF70];
	[tilespmem:s23+$0x30] =	vst v6  }
0x56b: {  	v4 =	vor.u32 v45, v44;
	v44 =	vadd.s32 v20, v47;
	[tilespmem:s31+$0x30] =	vst v8;
	v7 =	vld.idx.msk [tilespmem:v7+s16+$0x0], $0xffff  }
0x56c: {  	v52 =	vadd.s32 v20, v49;
	v6 =	vor.u32 v48, v44;
	[tilespmem:s11+$0x30] =	vst v1;
	v0 =	vld.idx.msk [tilespmem:v0+s16+$0x0], $0xffff  }
0x56d: {  	v57 =	vadd.s32 v20, v53;
	v8 =	vor.u32 v50, v52;
	[tilespmem:s13+$0x30] =	vst v35;
	v2 =	vld.idx.msk [tilespmem:v60+s16+$0x0], $0xffff  }
0x56e: {  	v1 =	vor.u32 v54, v57;
	v60 =	vadd.s32 v20, v43;
	v10 =	vld.idx.msk [tilespmem:v10+s16+$0x0], $0xffff  }
0x56f: {  	v58 =	vadd.s32 v20, v55;
	v9 =	vor.u32 v13, v60  }
0x570: {  	v59 =	vor.u32 v56, v58;
	[tilespmem:s22+$0x40] =	vst v5;
	v4 =	vld.idx.msk [tilespmem:v4+s16+$0x0], $0xffff;
	v41 =	vadd.s32 v18, v46  }
0x571: {  	v6 =	vld.idx.msk [tilespmem:v6+s16+$0x0], $0xffff;
	v39 =	vadd.s32 v18, v47;
	v3 =	vor.u32 v45, v41;
	[tilespmem:s23+$0x40] =	vst v7  }
0x572: {  	v7 =	vor.u32 v48, v39;
	[tilespmem:s31+$0x40] =	vst v0;
	v41 =	vadd.s32 v18, v49;
	v8 =	vld.idx.msk [tilespmem:v8+s16+$0x0], $0xffff  }
0x573: {  	v44 =	vadd.s32 v18, v53;
	[tilespmem:s13+$0x40] =	vst v10;
	v0 =	vor.u32 v50, v41;
	v1 =	vld.idx.msk [tilespmem:v1+s16+$0x0], $0xffff  }
0x574: {  	v58 =	vadd.s32 v18, v43;
	[tilespmem:s11+$0x40] =	vst v2;
	v2 =	vor.u32 v54, v44;
	v9 =	vld.idx.msk [tilespmem:v9+s16+$0x0], $0xffff  }
0x575: {  	v52 =	vadd.s32 v18, v55;
	v10 =	vor.u32 v13, v58;
	[tilespmem:s12+$0x50] =	vst v4;
	v4 =	vld.idx.msk [tilespmem:v59+s16+$0x0], $0xffff  }
0x576: {  	v35 =	vadd.s32 v34, v46;
	v57 =	vor.u32 v56, v52;
	[tilespmem:s22+$0x50] =	vst v6;
	v3 =	vld.idx.msk [tilespmem:v3+s16+$0x0], $0xffff  }
0x577: {  	v5 =	vor.u32 v45, v35;
	v7 =	vld.idx.msk [tilespmem:v7+s16+$0x0], $0xffff;
	[tilespmem:s23+$0x50] =	vst v8  }
0x578: {  	v60 =	vadd.s32 v34, v47;
	[tilespmem:s31+$0x50] =	vst v1;
	v0 =	vld.idx.msk [tilespmem:v0+s16+$0x0], $0xffff  }
0x579: {  	v35 =	vadd.s32 v34, v49;
	v8 =	vor.u32 v48, v60;
	[tilespmem:s13+$0x50] =	vst v9;
	v2 =	vld.idx.msk [tilespmem:v2+s16+$0x0], $0xffff  }
0x57a: {  	v39 =	vadd.s32 v34, v53;
	v1 =	vor.u32 v50, v35;
	[tilespmem:s11+$0x50] =	vst v4;
	v52 =	vld.idx.msk [tilespmem:v10+s16+$0x0], $0xffff  }
0x57b: {  	v41 =	vadd.s32 v34, v55;
	v4 =	vor.u32 v54, v39;
	[tilespmem:s12+$0x60] =	vst v3;
	v3 =	vld.idx.msk [tilespmem:v57+s16+$0x0], $0xffff  }
0x57c: {  	v44 =	vor.u32 v56, v41;
	v57 =	vadd.s32 v34, v43;
	[tilespmem:s22+$0x60] =	vst v7;
	v5 =	vld.idx.msk [tilespmem:v5+s16+$0x0], $0xffff  }
0x57d: {  	v59 =	vadd.s32 v22, v46;
	v10 =	vor.u32 v13, v57;
	[tilespmem:s23+$0x60] =	vst v0  }
0x57e: {  	v6 =	vor.u32 v45, v59;
	v8 =	vld.idx.msk [tilespmem:v8+s16+$0x0], $0xffff;
	[tilespmem:s31+$0x60] =	vst v2  }
0x57f: {  	v59 =	vadd.s32 v22, v47;
	[tilespmem:s13+$0x60] =	vst v52;
	v1 =	vld.idx.msk [tilespmem:v1+s16+$0x0], $0xffff  }
0x580: {  	v60 =	vadd.s32 v22, v49;
	v0 =	vor.u32 v48, v59;
	v4 =	vld.idx.msk [tilespmem:v4+s16+$0x0], $0xffff;
	[tilespmem:s11+$0x60] =	vst v3  }
0x581: {  	v11 =	vadd.s32 v22, v53;
	v2 =	vor.u32 v50, v60;
	[tilespmem:s12+$0x70] =	vst v5;
	v5 =	vld.idx.msk [tilespmem:v44+s16+$0x0], $0xffff  }
0x582: {  	v34 =	vadd.s32 v22, v55;
	v3 =	vor.u32 v54, v11;
	v39 =	vld.idx.msk [tilespmem:v10+s16+$0x0], $0xffff  }
0x583: {  	v41 =	vadd.s32 v22, v43;
	v35 =	vor.u32 v56, v34;
	[tilespmem:s22+$0x70] =	vst v8;
	v6 =	vld.idx.msk [tilespmem:v6+s16+$0x0], $0xffff  }
0x584: {  	v58 =	vadd.s32 v33, v46;
	v10 =	vor.u32 v13, v41;
	[tilespmem:s23+$0x70] =	vst v1  }
0x585: {  	v7 =	vor.u32 v45, v58;
	v0 =	vld.idx.msk [tilespmem:v0+s16+$0x0], $0xffff;
	[tilespmem:s31+$0x70] =	vst v4  }
0x586: {  	v52 =	vadd.s32 v33, v47;
	v2 =	vld.idx.msk [tilespmem:v2+s16+$0x0], $0xffff;
	[tilespmem:s11+$0x70] =	vst v5  }
0x587: {  	v57 =	vadd.s32 v33, v49;
	v1 =	vor.u32 v48, v52;
	v3 =	vld.idx.msk [tilespmem:v3+s16+$0x0], $0xffff;
	[tilespmem:s13+$0x70] =	vst v39  }
0x588: {  	v58 =	vadd.s32 v33, v53;
	v4 =	vor.u32 v50, v57;
	[tilespmem:s28+$0x13700] =	vst v6;
	v6 =	vld.idx.msk [tilespmem:v35+s16+$0x0], $0xffff  }
0x589: {  	v59 =	vadd.s32 v33, v55;
	v5 =	vor.u32 v54, v58;
	v34 =	vld.idx.msk [tilespmem:v10+s16+$0x0], $0xffff  }
0x58a: {  	v60 =	vor.u32 v56, v59;
	v35 =	vadd.s32 v33, v43;
	[tilespmem:s29+$0x13700] =	vst v0;
	v7 =	vld.idx.msk [tilespmem:v7+s16+$0x0], $0xffff  }
0x58b: {  	v44 =	vadd.s32 v37, v46;
	v10 =	vor.u32 v13, v35;
	[tilespmem:s30+$0x13700] =	vst v2  }
0x58c: {  	v41 =	vadd.s32 v14, v46;
	v8 =	vor.u32 v45, v44;
	v1 =	vld.idx.msk [tilespmem:v1+s16+$0x0], $0xffff;
	[tilespmem:s0+$0x13700] =	vst v3  }
0x58d: {  	v44 =	vadd.s32 v37, v47;
	v39 =	vor.u32 v45, v46;
	v4 =	vld.idx.msk [tilespmem:v4+s16+$0x0], $0xffff;
	[tilespmem:s1+$0x13700] =	vst v6  }
0x58e: {  	s23 =	sadd.s32 $0x13700, s28;
	v46 =	vadd.s32 v37, v49;
	v2 =	vor.u32 v48, v44;
	v5 =	vld.idx.msk [tilespmem:v5+s16+$0x0], $0xffff;
	[tilespmem:s8+$0x13700] =	vst v34  }
0x58f: {  	v52 =	vadd.s32 v37, v53;
	v3 =	vor.u32 v50, v46;
	[tilespmem:s23+$0x10] =	vst v7;
	v7 =	vld.idx.msk [tilespmem:v60+s16+$0x0], $0xffff  }
0x590: {  	v57 =	vadd.s32 v37, v55;
	s28 =	sadd.s32 $0x13700, s29;
	v6 =	vor.u32 v54, v52;
	v59 =	vld.idx.msk [tilespmem:v10+s16+$0x0], $0xffff  }
0x591: {  	v58 =	vor.u32 v56, v57;
	s29 =	sadd.s32 $0x13700, s30;
	v60 =	vadd.s32 v37, v43;
	[tilespmem:s28+$0x10] =	vst v1;
	v8 =	vld.idx.msk [tilespmem:v8+s16+$0x0], $0xffff  }
0x592: {  	v11 =	vor.u32 v45, v41;
	v41 =	vor.u32 v50, v49;
	s30 =	sadd.s32 $0x13700, s0;
	v10 =	vor.u32 v13, v60;
	[tilespmem:s29+$0x10] =	vst v4  }
0x593: {  	s31 =	sadd.s32 $0x13700, s1;
	v33 =	vadd.s32 v14, v47;
	v0 =	vor.u32 v12, v39;
	v2 =	vld.idx.msk [tilespmem:v2+s16+$0x0], $0xffff;
	[tilespmem:s30+$0x10] =	vst v5  }
0x594: {  	v35 =	vadd.s32 v14, v49;
	s8 =	sadd.s32 $0x13700, s8;
	v1 =	vor.u32 v48, v33;
	v3 =	vld.idx.msk [tilespmem:v3+s16+$0x0], $0xffff;
	[tilespmem:s31+$0x10] =	vst v7  }
0x595: {  	v37 =	vadd.s32 v14, v53;
	v4 =	vor.u32 v50, v35;
	v6 =	vld.idx.msk [tilespmem:v6+s16+$0x0], $0xffff;
	[tilespmem:s8+$0x10] =	vst v59  }
0x596: {  	v39 =	vadd.s32 v14, v55;
	v5 =	vor.u32 v54, v37;
	[tilespmem:s23+$0x20] =	vst v8;
	v8 =	vld.idx.msk [tilespmem:v58+s16+$0x0], $0xffff  }
0x597: {  	v34 =	vor.u32 v48, v47;
	v48 =	vadd.s32 v14, v43;
	v7 =	vor.u32 v56, v39;
	v10 =	vld.idx.msk [tilespmem:v10+s16+$0x0], $0xffff  }
0x598: {  	v0 =	vadd.s32 $0x1400, v0;
	v52 =	vor.u32 v13, v48;
	v50 =	vor.u32 v12, v34;
	[tilespmem:s28+$0x20] =	vst v2;
	v49 =	vld.idx.msk [tilespmem:v11+s16+$0x0], $0xffff  }
0x599: {  	v9 =	vor.u32 v12, v41;
	v54 =	vor.u32 v54, v53;
	v1 =	vld.idx.msk [tilespmem:v1+s16+$0x0], $0xffff;
	v11 =	vadd.s32 $0x1400, v50;
	[tilespmem:s29+$0x20] =	vst v3  }
0x59a: {  	v9 =	vadd.s32 $0x1400, v9;
	v57 =	vor.u32 v56, v55;
	v3 =	vor.u32 v12, v54;
	[tilespmem:s30+$0x20] =	vst v6;
	v4 =	vld.idx.msk [tilespmem:v4+s16+$0x0], $0xffff  }
0x59b: {  	v58 =	vor.u32 v13, v43;
	v3 =	vadd.s32 $0x1400, v3;
	v6 =	vor.u32 v12, v57;
	v5 =	vld.idx.msk [tilespmem:v5+s16+$0x0], $0xffff;
	[tilespmem:s31+$0x20] =	vst v8  }
0x59c: {  	v6 =	vadd.s32 $0x1400, v6;
	[tilespmem:s8+$0x20] =	vst v10;
	v8 =	vor.u32 v12, v58;
	v7 =	vld.idx.msk [tilespmem:v7+s16+$0x0], $0xffff  }
0x59d: {  	[tilespmem:v0+s21+$0x0] =	vst.idx.msk $0xffff, v49;
	v59 =	vld.idx.msk [tilespmem:v52+s16+$0x0], $0xffff;
	v60 =	vadd.s32 $0x1400, v8  }
0x59e: {  	[tilespmem:v11+s21+$0x0] =	vst.idx.msk $0xffff, v1  }
0x59f: {  	[tilespmem:v9+s21+$0x0] =	vst.idx.msk $0xffff, v4  }
0x5a0: {  	p0 =	seq.s32 s24, $0x7;
	[tilespmem:v3+s21+$0x0] =	vst.idx.msk $0xffff, v5  }
.Ltmp7:
0x5a1: {  	s0 =	rddreg [dreg:$0x8];
	[tilespmem:v6+s21+$0x0] =	vst.idx.msk $0xffff, v7;
	(pc) =	sbr.rel @p0 .LBB2_12-.Ltmp7, $4  }
0x5a2: {  	s0 =	sadd.s32 s0, s26;
	[tilespmem:v60+s21+$0x0] =	vst.idx.msk $0xffff, v59  }
0x5a3: {  	s0 =	sshrl.u32 s0, $0x3;
	v41 =	vld [tilespmem:$0x1FE20]  }
0x5a4: {  	v34 =	vld [tilespmem:$0x1FE30];
	s0 =	sadd.s32 s6, s0  }
0x5a5: {  	v44 =	vld [tilespmem:$0x1FE40];
	[hbm4b:s0+s3] =	stream.linear.scatter [tilespmem:s21], [sflag:$0x4], $0x6000, $0x38  }
0x5a6: {  	s0 =	rddreg [dreg:$0x6]  }
0x5a7: {  	s0 =	sadd.s32 s25, s0  }
0x5a8: {  	s0 =	sshrl.u32 s0, $0x3  }
0x5a9: {  	s0 =	smul.u32 $0x1800, s0  }
.Ltmp8:
0x5aa: {  	_ = 	snop;
	(pc) =	sbr.rel .LBB2_2-.Ltmp8, $4  }
0x5ab: {  	v49 =	vmovc v19;
	v48 =	vmovc v21;
	v46 =	vmov v26;
	v43 =	vmov v28;
	v47 =	vmov v25;
	s0 =	sadd.s32 s4, s0  }
0x5ac: {  	v39 =	vmovc v17;
	v35 =	vmovc v29;
	v19 =	vmov v27;
	v23 =	vmov v15;
	v22 =	vmov v42;
	s0 =	sshrl.u32 s0, $0x3  }
0x5ad: {  	v21 =	vmovc v38;
	v27 =	vmovc v32;
	v28 =	vmov v30;
	v13 =	vmov v24;
	v29 =	vmov v36;
	s24 =	sadd.s32 $0x1, s24;
	s0 =	sadd.s32 s5, s0  }
0x5ae: {  	v11 =	vmovc v16;
	v9 =	vmovc v51;
	v8 =	vmov v31;
	v17 =	vmov v20;
	v24 =	vmov v18;
	v10 =	vld [tilespmem:$0x1FFE0];
	[tilespmem:s16], [sflag:$0x2] =	stream.linear.gather [hbm4b:s0+s3], $0x6000, $0x38  }
.LBB2_13:
0x5af: {  	_ =	sfence.sel $0x180000  }
0x5b0: {  	[bflag:$0x0] =	sbarrier.arrive $0xFFFF  }
0x5b1: {  	_ =	strace $0x90000047  }
0x5b2: {  	s0 =	stileid.u32;
	[bflag:$0x2] =	sbarrier.arrive $0xFFFF  }
0x5b3: {  	p0 =	sne.s32 s0, $0x0;
	s0 =	rddreg [dreg:$0x2]  }
0x5b4: {  	s0 =	sadd.s32 @!p0 $0x100000, s0  }
0x5b5: {  	[sflag:s0] =	ssyncadd.tile.s32 @!p0 $0x1;
	_ =	shalt  }
.Lfunc_end2:
_tile_overlayer_lowered:
.L_overlay_start_2:
0x5b6: {  	(tag) =	ssettag $0x2  }
0x5b7: {  	s0 =	rddreg [dreg:$0x0];
	s2 =	stileid.u32  }
0x5b8: {  	s1 =	rddreg [dreg:$0x1];
	p0 =	sne.s32 s2, $0x0  }
0x5b9: {  	s3 =	rddreg [dreg:$0x2];
	[bflag:$0x3] =	sbarrier.arrive $0xFFFF;
	s2 =	simm.s32 @!p0 $0x1C05  }
0x5ba: {  	[timem:s3], [sflag:s2] =	dma.local @!p0 [hbm:s0], s1  }
0x5bb: {  	s0 =	simm.s32 @!p0 $0x5  }
0x5bc: {  	_ =	swait.ge @!p0 [sflag:s0], s1  }
0x5bd: {  	s1 =	ssub.s32 @!p0 $0x0, s1;
	[sflag:s0] =	ssyncset.done @!p0 $0x0  }
0x5be: {  	[sflag:s0] =	ssyncadd.s32 @!p0 s1  }
0x5bf: {  	[bflag:$0x3] =	sbarrier.arrive $0xFFFF  }
0x5c0: {  	_ =	shalt  }

</sc_bundles>
